<compile_context>
chip_gen: v7x
topology: tpu7x:2x2x1
jax: 0.10.2.dev20260603
libtpu: 0.0.44.dev20260713+nightly
codegen_flags: <defaults>
</compile_context>

<pallas_src>
import jax
import jax.numpy as jnp
from jax import lax
from jax.experimental import pallas as pl
from jax.experimental.pallas import tpu as pltpu
from jax.experimental.pallas import tpu_sc as plsc

N = 10000
E = 320000
D_IN = 128
HID = 256
N_CLS = 128

NPAD = 10112
HN = NPAD // 2
NS = 16
TB = 160
EB = 128
EPAD = NS * TB * EB
RPT = NPAD // NS
ZC = 64
RB = 1264
NB = NPAD // RB
F32 = jnp.float32
I32 = jnp.int32


def _mesh():
    return plsc.VectorSubcoreMesh(core_axis_name="c", subcore_axis_name="s")


def _deg_body(edges_hbm, deg_hbm, dstl_hbm,
              idx_v, dv_v, ones_v, buf_v, acc):
    c = lax.axis_index("c")
    s = lax.axis_index("s")
    pltpu.sync_copy(edges_hbm.at[c, s], idx_v)
    pltpu.sync_copy(edges_hbm.at[1, s], dv_v)
    for k in range(EB // 16):
        ones_v[pl.ds(16 * k, 16)] = jnp.ones((16,), F32)
    for k in range(640 // 16):
        buf_v[pl.ds(16 * k, 16)] = jnp.zeros((16,), F32)
    pltpu.sync_copy(buf_v.at[pl.ds(0, RPT)], acc.at[pl.ds(s * RPT, RPT)])
    plsc.subcore_barrier()

    def hist(j, carry):
        pltpu.sync_copy(ones_v, acc.at[idx_v.at[j]], add=True)
        return carry

    lax.fori_loop(0, TB, hist, 0)

    off = c * HN
    garbage = HN + s

    def remap(r, carry):
        for k in range(EB // 16):
            v = dv_v[r, pl.ds(16 * k, 16)] - off
            ok = (v >= 0) & (v < HN)
            dv_v[r, pl.ds(16 * k, 16)] = jnp.where(ok, v, garbage)
        return carry

    lax.fori_loop(0, TB, remap, 0)
    pltpu.sync_copy(dv_v, dstl_hbm.at[c, s])

    plsc.subcore_barrier()
    pltpu.sync_copy(acc.at[pl.ds(s * RPT, RPT)], buf_v.at[pl.ds(0, RPT)])
    pltpu.sync_copy(buf_v.at[pl.ds(0, RPT)], deg_hbm.at[c, s, 0])


_deg_kernel = pl.kernel(
    _deg_body,
    out_type=[
        jax.ShapeDtypeStruct((2, NS, 1, RPT), F32),
        jax.ShapeDtypeStruct((2, NS, TB, EB), I32),
    ],
    mesh=_mesh(),
    scratch_types=[
        pltpu.VMEM((TB, EB), I32),
        pltpu.VMEM((TB, EB), I32),
        pltpu.VMEM((EB,), F32),
        pltpu.VMEM((640,), F32),
        pltpu.VMEM_SHARED((NPAD,), F32),
    ],
)


def _agg_chunk(hc, out2d, t, src_v, dst_v, g0, g1, zb, ob, acc, s0, s1):
    c = lax.axis_index("c")
    nc = jnp.where(t < 15, 5, 4)
    base = t * 320

    def zchunk(r, carry):
        pltpu.sync_copy(zb, acc.at[pl.ds(base + ZC * r, ZC)])
        return carry

    lax.fori_loop(0, nc, zchunk, 0)
    plsc.subcore_barrier()

    bufs = (g0, g1)
    sems = (s0, s1)
    for b in range(2):
        pltpu.async_copy(hc.at[src_v.at[b]], bufs[b], sems[b])

    def body(jo, carry):
        for b in range(2):
            j = 2 * jo + b
            pltpu.make_async_copy(hc.at[src_v.at[j]], bufs[b], sems[b]).wait()
            pltpu.sync_copy(bufs[b], acc.at[dst_v.at[j]], add=True)
            nx = j + 2

            @pl.when(nx < TB)
            def _():
                pltpu.async_copy(hc.at[src_v.at[nx]], bufs[b], sems[b])

        return carry

    lax.fori_loop(0, TB // 2, body, 0)
    plsc.subcore_barrier()

    def ochunk(r, carry):
        pltpu.sync_copy(acc.at[pl.ds(base + ZC * r, ZC)], ob)
        pltpu.sync_copy(ob, out2d.at[pl.ds(c * HN + base + ZC * r, ZC)])
        return carry

    lax.fori_loop(0, nc, ochunk, 0)
    plsc.subcore_barrier()


def _agg2_body(hlo_hbm, hhi_hbm, edges_hbm, dstl_hbm, out_hbm,
               src_v, dst_v, g0, g1, zb, ob, acc, s0, s1):
    c = lax.axis_index("c")
    t = lax.axis_index("s")
    pltpu.sync_copy(edges_hbm.at[0, t], src_v)
    pltpu.sync_copy(dstl_hbm.at[c, t], dst_v)

    def zrow(r, carry):
        for k in range(8):
            zb[r, pl.ds(16 * k, 16)] = jnp.zeros((16,), F32)
        return carry

    lax.fori_loop(0, ZC, zrow, 0)
    for ch, h_hbm in enumerate((hlo_hbm, hhi_hbm)):
        _agg_chunk(h_hbm, out_hbm.at[ch], t,
                   src_v, dst_v, g0, g1, zb, ob, acc, s0, s1)


def _agg1_body(h_hbm, edges_hbm, dstl_hbm, out_hbm,
               src_v, dst_v, g0, g1, zb, ob, acc, s0, s1):
    c = lax.axis_index("c")
    t = lax.axis_index("s")
    pltpu.sync_copy(edges_hbm.at[0, t], src_v)
    pltpu.sync_copy(dstl_hbm.at[c, t], dst_v)

    def zrow(r, carry):
        for k in range(8):
            zb[r, pl.ds(16 * k, 16)] = jnp.zeros((16,), F32)
        return carry

    lax.fori_loop(0, ZC, zrow, 0)
    _agg_chunk(h_hbm, out_hbm, t, src_v, dst_v, g0, g1, zb, ob, acc, s0, s1)


def _make_agg(body, out_shape):
    return pl.kernel(
        body,
        out_type=jax.ShapeDtypeStruct(out_shape, F32),
        mesh=_mesh(),
        scratch_types=[
            pltpu.VMEM((TB, EB), I32),
            pltpu.VMEM((TB, EB), I32),
            pltpu.VMEM((EB, 128), F32),
            pltpu.VMEM((EB, 128), F32),
            pltpu.VMEM((ZC, 128), F32),
            pltpu.VMEM((ZC, 128), F32),
            pltpu.VMEM_SHARED((HN + 16, 128), F32),
            pltpu.SemaphoreType.DMA,
            pltpu.SemaphoreType.DMA,
        ],
    )


_agg2 = _make_agg(_agg2_body, (2, NPAD, 128))
_agg1 = _make_agg(_agg1_body, (NPAD, 128))


def _norm(deg_blk):
    return lax.rsqrt(jnp.maximum(deg_blk, 1.0))


def _mm1_body(x_ref, w_ref, dgo_ref, olo_ref, ohi_ref):
    ns = _norm(dgo_ref[...])
    h = jnp.dot(x_ref[...], w_ref[...], preferred_element_type=F32) * ns
    olo_ref[...] = h[:, :128]
    ohi_ref[...] = h[:, 128:]


_mm1 = pl.pallas_call(
    _mm1_body,
    grid=(NB,),
    in_specs=[
        pl.BlockSpec((RB, D_IN), lambda i: (i, 0)),
        pl.BlockSpec((D_IN, HID), lambda i: (0, 0)),
        pl.BlockSpec((RB, 1), lambda i: (i, 0)),
    ],
    out_specs=[
        pl.BlockSpec((RB, 128), lambda i: (i, 0)),
        pl.BlockSpec((RB, 128), lambda i: (i, 0)),
    ],
    out_shape=[
        jax.ShapeDtypeStruct((NPAD, 128), F32),
        jax.ShapeDtypeStruct((NPAD, 128), F32),
    ],
)


def _mm2_body(a_ref, w_ref, b_ref, dgi_ref, dgo_ref, olo_ref, ohi_ref):
    nd = _norm(dgi_ref[...])
    ns = _norm(dgo_ref[...])
    x0 = jnp.maximum(a_ref[0] * nd + b_ref[0:1, :], 0.0)
    x1 = jnp.maximum(a_ref[1] * nd + b_ref[1:2, :], 0.0)
    h = (jnp.dot(x0, w_ref[0:128, :], preferred_element_type=F32)
         + jnp.dot(x1, w_ref[128:256, :], preferred_element_type=F32)) * ns
    olo_ref[...] = h[:, :128]
    ohi_ref[...] = h[:, 128:]


_mm2 = pl.pallas_call(
    _mm2_body,
    grid=(NB,),
    in_specs=[
        pl.BlockSpec((2, RB, 128), lambda i: (0, i, 0)),
        pl.BlockSpec((HID, HID), lambda i: (0, 0)),
        pl.BlockSpec((2, 128), lambda i: (0, 0)),
        pl.BlockSpec((RB, 1), lambda i: (i, 0)),
        pl.BlockSpec((RB, 1), lambda i: (i, 0)),
    ],
    out_specs=[
        pl.BlockSpec((RB, 128), lambda i: (i, 0)),
        pl.BlockSpec((RB, 128), lambda i: (i, 0)),
    ],
    out_shape=[
        jax.ShapeDtypeStruct((NPAD, 128), F32),
        jax.ShapeDtypeStruct((NPAD, 128), F32),
    ],
)


def _mm3_body(a_ref, w_ref, b_ref, dgi_ref, dgo_ref, o_ref):
    nd = _norm(dgi_ref[...])
    ns = _norm(dgo_ref[...])
    x0 = jnp.maximum(a_ref[0] * nd + b_ref[0:1, :], 0.0)
    x1 = jnp.maximum(a_ref[1] * nd + b_ref[1:2, :], 0.0)
    h = (jnp.dot(x0, w_ref[0:128, :], preferred_element_type=F32)
         + jnp.dot(x1, w_ref[128:256, :], preferred_element_type=F32))
    o_ref[...] = h * ns


_mm3 = pl.pallas_call(
    _mm3_body,
    grid=(NB,),
    in_specs=[
        pl.BlockSpec((2, RB, 128), lambda i: (0, i, 0)),
        pl.BlockSpec((HID, N_CLS), lambda i: (0, 0)),
        pl.BlockSpec((2, 128), lambda i: (0, 0)),
        pl.BlockSpec((RB, 1), lambda i: (i, 0)),
        pl.BlockSpec((RB, 1), lambda i: (i, 0)),
    ],
    out_specs=pl.BlockSpec((RB, N_CLS), lambda i: (i, 0)),
    out_shape=jax.ShapeDtypeStruct((NPAD, N_CLS), F32),
)


def _fin_body(a_ref, b_ref, dgi_ref, o_ref):
    nd = _norm(dgi_ref[...])
    o_ref[...] = a_ref[...] * nd + b_ref[...]


_fin = pl.pallas_call(
    _fin_body,
    grid=(NB,),
    in_specs=[
        pl.BlockSpec((RB, N_CLS), lambda i: (i, 0)),
        pl.BlockSpec((1, N_CLS), lambda i: (0, 0)),
        pl.BlockSpec((RB, 1), lambda i: (i, 0)),
    ],
    out_specs=pl.BlockSpec((RB, N_CLS), lambda i: (i, 0)),
    out_shape=jax.ShapeDtypeStruct((NPAD, N_CLS), F32),
)


def kernel(in_feat, edge_index, W1, b1, W2, b2, W3, b3):
    xp = jnp.zeros((NPAD, D_IN), F32).at[:N].set(in_feat)
    pad = jnp.full((2, EPAD - E), N, I32)
    edges = jnp.concatenate([edge_index.astype(I32), pad], axis=1)
    edges = edges.reshape(2, NS, TB, EB)

    deg, dstl = _deg_kernel(edges)
    deg_out = deg[0].reshape(NPAD, 1)
    deg_in = deg[1].reshape(NPAD, 1)

    b1r = b1.reshape(2, 128)
    b2r = b2.reshape(2, 128)
    b3r = b3.reshape(1, N_CLS)

    h1lo, h1hi = _mm1(xp, W1, deg_out)
    a1 = _agg2(h1lo, h1hi, edges, dstl)
    h2lo, h2hi = _mm2(a1, W2, b1r, deg_in, deg_out)
    a2 = _agg2(h2lo, h2hi, edges, dstl)
    h3 = _mm3(a2, W3, b2r, deg_in, deg_out)
    a3 = _agg1(h3, edges, dstl)
    out = _fin(a3, b3r, deg_in)
    return out[:N]

# --- scband reference (transcript-rebuilt; emitter-appended) ---
"""Pipeline reference for scband-gcn-13228499272336 (READ-ONLY COPY).

The authoritative reference and input builder live on the scoring server;
editing this copy changes nothing except your own understanding.
"""

import jax, jax.numpy as jnp
import numpy as np

N = 10000
E = 320000
D_IN = 128
HID = 256
N_CLS = 128


def setup_inputs(seed: int = 0) -> dict:
    key = jax.random.key(seed)
    ks = jax.random.split(key, 8)
    in_feat = jax.random.normal(ks[0], (N, D_IN), dtype=jnp.float32)
    edge_index = jax.random.randint(ks[1], (2, E), 0, N, dtype=jnp.int32)
    # GraphConv weights (glorot-ish scale), biases zero-init like DGL
    W1 = jax.random.normal(ks[2], (D_IN, HID), dtype=jnp.float32) * (1.0 / np.sqrt(D_IN))
    b1 = jnp.zeros((HID,), dtype=jnp.float32)
    W2 = jax.random.normal(ks[3], (HID, HID), dtype=jnp.float32) * (1.0 / np.sqrt(HID))
    b2 = jnp.zeros((HID,), dtype=jnp.float32)
    W3 = jax.random.normal(ks[4], (HID, N_CLS), dtype=jnp.float32) * (1.0 / np.sqrt(HID))
    b3 = jnp.zeros((N_CLS,), dtype=jnp.float32)
    return {"in_feat": in_feat, "edge_index": edge_index, "W1": W1, "b1": b1, "W2": W2, "b2": b2, "W3": W3, "b3": b3}


def reference(in_feat, edge_index, W1, b1, W2, b2, W3, b3):
    # Faithful DGL GraphConv (norm='both', no self-loops added):
    # h = D_in^{-1/2} * A @ (D_out^{-1/2} * (X W)) + b
    src = edge_index[0]
    dst = edge_index[1]
    ones = jnp.ones((E,), dtype=jnp.float32)
    deg_out = jax.ops.segment_sum(ones, src, num_segments=N)
    deg_in = jax.ops.segment_sum(ones, dst, num_segments=N)
    norm_src = jax.lax.rsqrt(jnp.maximum(deg_out, 1.0))
    norm_dst = jax.lax.rsqrt(jnp.maximum(deg_in, 1.0))

    def graph_conv(x, W, b):
        h = x @ W
        h = h * norm_src[:, None]
        msgs = jnp.take(h, src, axis=0)
        agg = jax.ops.segment_sum(msgs, dst, num_segments=N)
        return agg * norm_dst[:, None] + b

    h = jax.nn.relu(graph_conv(in_feat, W1, b1))
    h = jax.nn.relu(graph_conv(h, W2, b2))
    out = graph_conv(h, W3, b3)
    return out

if __name__ == "__main__":
    import jax
    _d = setup_inputs()
    print(jax.jit(kernel)(*tuple(_d.values())))

</pallas_src>

<mosaic_0001>
#map = affine_map<(d0, d1) -> (0, 0)>
#map1 = affine_map<(d0, d1) -> (0, 0, 0, 0)>
module attributes {stable_mosaic.version = 14 : i64} {
  func.func @_agg1_body(%arg0: i32, %arg1: i32, %arg2: memref<10112x128xf32, #tpu.memory_space<hbm>>, %arg3: memref<2x16x160x128xi32, #tpu.memory_space<hbm>>, %arg4: memref<2x16x160x128xi32, #tpu.memory_space<hbm>>, %arg5: memref<10112x128xf32, #tpu.memory_space<hbm>>, %arg6: memref<160x128xi32, #tpu.memory_space<vmem>>, %arg7: memref<160x128xi32, #tpu.memory_space<vmem>>, %arg8: memref<128x128xf32, #tpu.memory_space<vmem>>, %arg9: memref<128x128xf32, #tpu.memory_space<vmem>>, %arg10: memref<64x128xf32, #tpu.memory_space<vmem>>, %arg11: memref<64x128xf32, #tpu.memory_space<vmem>>, %arg12: memref<5072x128xf32, #tpu.memory_space<vmem_shared>>, %arg13: memref<!tpu.dma_semaphore, #tpu.memory_space<semaphore_mem>>, %arg14: memref<!tpu.dma_semaphore, #tpu.memory_space<semaphore_mem>>) attributes {dimension_semantics = [#tpu.dimension_semantics<core_parallel>, #tpu.dimension_semantics<subcore_parallel>], iteration_bounds = array<i64: 2, 16>, scalar_prefetch = 0 : i64, scratch_operands = 9 : i64, tpu.core_type = #tpu.core_type<sc_vector_subcore>, window_params = [{transform_indices = #map}, {transform_indices = #map1}, {transform_indices = #map1}, {transform_indices = #map}]} {
    %run_scoped3A = arith.constant 0 : i32
    "tpu.region"() ({
      %run_scoped3A_48 = tpu.sem_alloc : memref<!tpu.dma_semaphore, #tpu.memory_space<semaphore_mem>>
      %dma_start3A_49 = arith.constant 0 : i32
      %dma_start3A_50 = arith.constant 0 : i32
      %dma_start3A_51 = tpu.memref_slice %arg3[%run_scoped3A, %arg1, %dma_start3A_49, %dma_start3A_50] : memref<2x16x160x128xi32, #tpu.memory_space<hbm>> -> memref<1x1x160x128xi32, #tpu.memory_space<hbm>>
      %dma_start3A_52 = tpu.memref_squeeze %dma_start3A_51 : memref<1x1x160x128xi32, #tpu.memory_space<hbm>> -> memref<160x128xi32, #tpu.memory_space<hbm>>
      %dma_start3A_53 = arith.constant 0 : i32
      %dma_start3A_54 = arith.constant 0 : i32
      %dma_start3A_55 = tpu.memref_slice %arg3[%run_scoped3A, %arg1, %dma_start3A_53, %dma_start3A_54] : memref<2x16x160x128xi32, #tpu.memory_space<hbm>> -> memref<1x1x160x128xi32, #tpu.memory_space<hbm>>
      %dma_start3A_56 = tpu.memref_squeeze %dma_start3A_55 : memref<1x1x160x128xi32, #tpu.memory_space<hbm>> -> memref<160x128xi32, #tpu.memory_space<hbm>>
      tpu.enqueue_dma source(%dma_start3A_56 : memref<160x128xi32, #tpu.memory_space<hbm>>) target(%arg6 : memref<160x128xi32, #tpu.memory_space<vmem>>) target_semaphore(%run_scoped3A_48 : memref<!tpu.dma_semaphore, #tpu.memory_space<semaphore_mem>>)
      %dma_wait3A = arith.constant 0 : i32
      %dma_wait3A_57 = arith.constant 0 : i32
      %dma_wait3A_58 = tpu.memref_slice %arg3[%run_scoped3A, %arg1, %dma_wait3A, %dma_wait3A_57] : memref<2x16x160x128xi32, #tpu.memory_space<hbm>> -> memref<1x1x160x128xi32, #tpu.memory_space<hbm>>
      %dma_wait3A_59 = tpu.memref_squeeze %dma_wait3A_58 : memref<1x1x160x128xi32, #tpu.memory_space<hbm>> -> memref<160x128xi32, #tpu.memory_space<hbm>>
      %dma_wait3A_60 = arith.constant 0 : i32
      %dma_wait3A_61 = arith.constant 0 : i32
      %dma_wait3A_62 = tpu.memref_slice %arg3[%run_scoped3A, %arg1, %dma_wait3A_60, %dma_wait3A_61] : memref<2x16x160x128xi32, #tpu.memory_space<hbm>> -> memref<1x1x160x128xi32, #tpu.memory_space<hbm>>
      %dma_wait3A_63 = tpu.memref_squeeze %dma_wait3A_62 : memref<1x1x160x128xi32, #tpu.memory_space<hbm>> -> memref<160x128xi32, #tpu.memory_space<hbm>>
      tpu.wait_dma2 semaphore(%run_scoped3A_48 : memref<!tpu.dma_semaphore, #tpu.memory_space<semaphore_mem>>) src(%dma_wait3A_63 : memref<160x128xi32, #tpu.memory_space<hbm>>) dst(%arg6 : memref<160x128xi32, #tpu.memory_space<vmem>>)
      tpu.yield
    }) : () -> ()
    "tpu.region"() ({
      %run_scoped3A_48 = tpu.sem_alloc : memref<!tpu.dma_semaphore, #tpu.memory_space<semaphore_mem>>
      %dma_start3A_49 = arith.constant 0 : i32
      %dma_start3A_50 = arith.constant 0 : i32
      %dma_start3A_51 = tpu.memref_slice %arg4[%arg0, %arg1, %dma_start3A_49, %dma_start3A_50] : memref<2x16x160x128xi32, #tpu.memory_space<hbm>> -> memref<1x1x160x128xi32, #tpu.memory_space<hbm>>
      %dma_start3A_52 = tpu.memref_squeeze %dma_start3A_51 : memref<1x1x160x128xi32, #tpu.memory_space<hbm>> -> memref<160x128xi32, #tpu.memory_space<hbm>>
      %dma_start3A_53 = arith.constant 0 : i32
      %dma_start3A_54 = arith.constant 0 : i32
      %dma_start3A_55 = tpu.memref_slice %arg4[%arg0, %arg1, %dma_start3A_53, %dma_start3A_54] : memref<2x16x160x128xi32, #tpu.memory_space<hbm>> -> memref<1x1x160x128xi32, #tpu.memory_space<hbm>>
      %dma_start3A_56 = tpu.memref_squeeze %dma_start3A_55 : memref<1x1x160x128xi32, #tpu.memory_space<hbm>> -> memref<160x128xi32, #tpu.memory_space<hbm>>
      tpu.enqueue_dma source(%dma_start3A_56 : memref<160x128xi32, #tpu.memory_space<hbm>>) target(%arg7 : memref<160x128xi32, #tpu.memory_space<vmem>>) target_semaphore(%run_scoped3A_48 : memref<!tpu.dma_semaphore, #tpu.memory_space<semaphore_mem>>)
      %dma_wait3A = arith.constant 0 : i32
      %dma_wait3A_57 = arith.constant 0 : i32
      %dma_wait3A_58 = tpu.memref_slice %arg4[%arg0, %arg1, %dma_wait3A, %dma_wait3A_57] : memref<2x16x160x128xi32, #tpu.memory_space<hbm>> -> memref<1x1x160x128xi32, #tpu.memory_space<hbm>>
      %dma_wait3A_59 = tpu.memref_squeeze %dma_wait3A_58 : memref<1x1x160x128xi32, #tpu.memory_space<hbm>> -> memref<160x128xi32, #tpu.memory_space<hbm>>
      %dma_wait3A_60 = arith.constant 0 : i32
      %dma_wait3A_61 = arith.constant 0 : i32
      %dma_wait3A_62 = tpu.memref_slice %arg4[%arg0, %arg1, %dma_wait3A_60, %dma_wait3A_61] : memref<2x16x160x128xi32, #tpu.memory_space<hbm>> -> memref<1x1x160x128xi32, #tpu.memory_space<hbm>>
      %dma_wait3A_63 = tpu.memref_squeeze %dma_wait3A_62 : memref<1x1x160x128xi32, #tpu.memory_space<hbm>> -> memref<160x128xi32, #tpu.memory_space<hbm>>
      tpu.wait_dma2 semaphore(%run_scoped3A_48 : memref<!tpu.dma_semaphore, #tpu.memory_space<semaphore_mem>>) src(%dma_wait3A_63 : memref<160x128xi32, #tpu.memory_space<hbm>>) dst(%arg7 : memref<160x128xi32, #tpu.memory_space<vmem>>)
      tpu.yield
    }) : () -> ()
    %scan3A = arith.constant 0 : i32
    %scan3A_0 = arith.constant 0 : i32
    %scan3A_1 = arith.constant 64 : i32
    %scan3A_2 = arith.addi %scan3A_0, %scan3A_1 : i32
    %scan3A_3 = arith.constant 1 : i32
    scf.for %scan3A_48 = %scan3A_0 to %scan3A_2 step %scan3A_3  : i32 {
      %broadcast_in_dim3A = arith.constant 0.000000e+00 : f32
      %broadcast_in_dim3A_49 = vector.broadcast %broadcast_in_dim3A : f32 to vector<16xf32>
      %swap3A = arith.index_cast %scan3A_48 : i32 to index
      %swap3A_50 = arith.constant 0 : index
      %swap3A_51 = tpu.vector_load %arg10[%swap3A, %swap3A_50] {strides = array<i32>} : memref<64x128xf32, #tpu.memory_space<vmem>>, vector<1x16xf32>,
      %swap3A_52 = vector.shape_cast %swap3A_51 : vector<1x16xf32> to vector<16xf32>
      %swap3A_53 = vector.shape_cast %broadcast_in_dim3A_49 : vector<16xf32> to vector<1x16xf32>
      tpu.vector_store %arg10[%swap3A, %swap3A_50], %swap3A_53 {strides = array<i32>} : memref<64x128xf32, #tpu.memory_space<vmem>>, vector<1x16xf32>,
      %broadcast_in_dim3A_54 = arith.constant 0.000000e+00 : f32
      %broadcast_in_dim3A_55 = vector.broadcast %broadcast_in_dim3A_54 : f32 to vector<16xf32>
      %swap3A_56 = arith.index_cast %scan3A_48 : i32 to index
      %swap3A_57 = arith.constant 16 : index
      %swap3A_58 = tpu.vector_load %arg10[%swap3A_56, %swap3A_57] {strides = array<i32>} : memref<64x128xf32, #tpu.memory_space<vmem>>, vector<1x16xf32>,
      %swap3A_59 = vector.shape_cast %swap3A_58 : vector<1x16xf32> to vector<16xf32>
      %swap3A_60 = vector.shape_cast %broadcast_in_dim3A_55 : vector<16xf32> to vector<1x16xf32>
      tpu.vector_store %arg10[%swap3A_56, %swap3A_57], %swap3A_60 {strides = array<i32>} : memref<64x128xf32, #tpu.memory_space<vmem>>, vector<1x16xf32>,
      %broadcast_in_dim3A_61 = arith.constant 0.000000e+00 : f32
      %broadcast_in_dim3A_62 = vector.broadcast %broadcast_in_dim3A_61 : f32 to vector<16xf32>
      %swap3A_63 = arith.index_cast %scan3A_48 : i32 to index
      %swap3A_64 = arith.constant 32 : index
      %swap3A_65 = tpu.vector_load %arg10[%swap3A_63, %swap3A_64] {strides = array<i32>} : memref<64x128xf32, #tpu.memory_space<vmem>>, vector<1x16xf32>,
      %swap3A_66 = vector.shape_cast %swap3A_65 : vector<1x16xf32> to vector<16xf32>
      %swap3A_67 = vector.shape_cast %broadcast_in_dim3A_62 : vector<16xf32> to vector<1x16xf32>
      tpu.vector_store %arg10[%swap3A_63, %swap3A_64], %swap3A_67 {strides = array<i32>} : memref<64x128xf32, #tpu.memory_space<vmem>>, vector<1x16xf32>,
      %broadcast_in_dim3A_68 = arith.constant 0.000000e+00 : f32
      %broadcast_in_dim3A_69 = vector.broadcast %broadcast_in_dim3A_68 : f32 to vector<16xf32>
      %swap3A_70 = arith.index_cast %scan3A_48 : i32 to index
      %swap3A_71 = arith.constant 48 : index
      %swap3A_72 = tpu.vector_load %arg10[%swap3A_70, %swap3A_71] {strides = array<i32>} : memref<64x128xf32, #tpu.memory_space<vmem>>, vector<1x16xf32>,
      %swap3A_73 = vector.shape_cast %swap3A_72 : vector<1x16xf32> to vector<16xf32>
      %swap3A_74 = vector.shape_cast %broadcast_in_dim3A_69 : vector<16xf32> to vector<1x16xf32>
      tpu.vector_store %arg10[%swap3A_70, %swap3A_71], %swap3A_74 {strides = array<i32>} : memref<64x128xf32, #tpu.memory_space<vmem>>, vector<1x16xf32>,
      %broadcast_in_dim3A_75 = arith.constant 0.000000e+00 : f32
      %broadcast_in_dim3A_76 = vector.broadcast %broadcast_in_dim3A_75 : f32 to vector<16xf32>
      %swap3A_77 = arith.index_cast %scan3A_48 : i32 to index
      %swap3A_78 = arith.constant 64 : index
      %swap3A_79 = tpu.vector_load %arg10[%swap3A_77, %swap3A_78] {strides = array<i32>} : memref<64x128xf32, #tpu.memory_space<vmem>>, vector<1x16xf32>,
      %swap3A_80 = vector.shape_cast %swap3A_79 : vector<1x16xf32> to vector<16xf32>
      %swap3A_81 = vector.shape_cast %broadcast_in_dim3A_76 : vector<16xf32> to vector<1x16xf32>
      tpu.vector_store %arg10[%swap3A_77, %swap3A_78], %swap3A_81 {strides = array<i32>} : memref<64x128xf32, #tpu.memory_space<vmem>>, vector<1x16xf32>,
      %broadcast_in_dim3A_82 = arith.constant 0.000000e+00 : f32
      %broadcast_in_dim3A_83 = vector.broadcast %broadcast_in_dim3A_82 : f32 to vector<16xf32>
      %swap3A_84 = arith.index_cast %scan3A_48 : i32 to index
      %swap3A_85 = arith.constant 80 : index
      %swap3A_86 = tpu.vector_load %arg10[%swap3A_84, %swap3A_85] {strides = array<i32>} : memref<64x128xf32, #tpu.memory_space<vmem>>, vector<1x16xf32>,
      %swap3A_87 = vector.shape_cast %swap3A_86 : vector<1x16xf32> to vector<16xf32>
      %swap3A_88 = vector.shape_cast %broadcast_in_dim3A_83 : vector<16xf32> to vector<1x16xf32>
      tpu.vector_store %arg10[%swap3A_84, %swap3A_85], %swap3A_88 {strides = array<i32>} : memref<64x128xf32, #tpu.memory_space<vmem>>, vector<1x16xf32>,
      %broadcast_in_dim3A_89 = arith.constant 0.000000e+00 : f32
      %broadcast_in_dim3A_90 = vector.broadcast %broadcast_in_dim3A_89 : f32 to vector<16xf32>
      %swap3A_91 = arith.index_cast %scan3A_48 : i32 to index
      %swap3A_92 = arith.constant 96 : index
      %swap3A_93 = tpu.vector_load %arg10[%swap3A_91, %swap3A_92] {strides = array<i32>} : memref<64x128xf32, #tpu.memory_space<vmem>>, vector<1x16xf32>,
      %swap3A_94 = vector.shape_cast %swap3A_93 : vector<1x16xf32> to vector<16xf32>
      %swap3A_95 = vector.shape_cast %broadcast_in_dim3A_90 : vector<16xf32> to vector<1x16xf32>
      tpu.vector_store %arg10[%swap3A_91, %swap3A_92], %swap3A_95 {strides = array<i32>} : memref<64x128xf32, #tpu.memory_space<vmem>>, vector<1x16xf32>,
      %broadcast_in_dim3A_96 = arith.constant 0.000000e+00 : f32
      %broadcast_in_dim3A_97 = vector.broadcast %broadcast_in_dim3A_96 : f32 to vector<16xf32>
      %swap3A_98 = arith.index_cast %scan3A_48 : i32 to index
      %swap3A_99 = arith.constant 112 : index
      %swap3A_100 = tpu.vector_load %arg10[%swap3A_98, %swap3A_99] {strides = array<i32>} : memref<64x128xf32, #tpu.memory_space<vmem>>, vector<1x16xf32>,
      %swap3A_101 = vector.shape_cast %swap3A_100 : vector<1x16xf32> to vector<16xf32>
      %swap3A_102 = vector.shape_cast %broadcast_in_dim3A_97 : vector<16xf32> to vector<1x16xf32>
      tpu.vector_store %arg10[%swap3A_98, %swap3A_99], %swap3A_102 {strides = array<i32>} : memref<64x128xf32, #tpu.memory_space<vmem>>, vector<1x16xf32>,
    }
    %scan3A_4 = arith.constant 64 : i32
    %lt3A = arith.constant 15 : i32
    %lt3A_5 = arith.cmpi slt, %arg1, %lt3A : i32
    %jit3A = arith.constant 5 : i32
    %jit3A_6 = arith.constant 4 : i32
    %select_n3A = arith.select %lt3A_5, %jit3A, %jit3A_6 : i32
    %mul3A = arith.constant 320 : i32
    %mul3A_7 = arith.muli %arg1, %mul3A : i32
    %while3A = arith.constant 0 : i32
    %while3A_8 = arith.constant 0 : i32
    %while3A_9 = arith.subi %select_n3A, %while3A_8 : i32
    %while3A_10 = arith.addi %while3A_8, %while3A_9 : i32
    %while3A_11 = arith.constant 1 : i32
    %while3A_12 = arith.divsi %while3A_9, %while3A_11 : i32
    %while3A_13 = arith.muli %while3A_12, %while3A_11 : i32
    %while3A_14 = arith.addi %while3A_8, %while3A_13 : i32
    %while3A_15 = arith.constant 1 : i32
    scf.for %while3A_48 = %while3A_8 to %while3A_14 step %while3A_15  : i32 {
      %mul3A_49 = arith.constant 64 : i32
      %mul3A_50 = arith.muli %mul3A_49, %while3A_48 : i32
      %add3A = arith.addi %mul3A_7, %mul3A_50 : i32
      "tpu.region"() ({
        %run_scoped3A_51 = tpu.sem_alloc : memref<!tpu.dma_semaphore, #tpu.memory_space<semaphore_mem>>
        %dma_start3A_52 = arith.constant 0 : i32
        %dma_start3A_53 = tpu.memref_slice %arg12[%add3A, %dma_start3A_52] : memref<5072x128xf32, #tpu.memory_space<vmem_shared>> -> memref<64x128xf32, #tpu.memory_space<vmem_shared>>
        %dma_start3A_54 = arith.constant 0 : i32
        %dma_start3A_55 = tpu.memref_slice %arg12[%add3A, %dma_start3A_54] : memref<5072x128xf32, #tpu.memory_space<vmem_shared>> -> memref<64x128xf32, #tpu.memory_space<vmem_shared>>
        tpu.enqueue_dma source(%arg10 : memref<64x128xf32, #tpu.memory_space<vmem>>) target(%dma_start3A_55 : memref<64x128xf32, #tpu.memory_space<vmem_shared>>) target_semaphore(%run_scoped3A_51 : memref<!tpu.dma_semaphore, #tpu.memory_space<semaphore_mem>>)
        %dma_wait3A = arith.constant 0 : i32
        %dma_wait3A_56 = tpu.memref_slice %arg12[%add3A, %dma_wait3A] : memref<5072x128xf32, #tpu.memory_space<vmem_shared>> -> memref<64x128xf32, #tpu.memory_space<vmem_shared>>
        %dma_wait3A_57 = arith.constant 0 : i32
        %dma_wait3A_58 = tpu.memref_slice %arg12[%add3A, %dma_wait3A_57] : memref<5072x128xf32, #tpu.memory_space<vmem_shared>> -> memref<64x128xf32, #tpu.memory_space<vmem_shared>>
        tpu.wait_dma2 semaphore(%run_scoped3A_51 : memref<!tpu.dma_semaphore, #tpu.memory_space<semaphore_mem>>) src(%arg10 : memref<64x128xf32, #tpu.memory_space<vmem>>) dst(%dma_wait3A_58 : memref<64x128xf32, #tpu.memory_space<vmem_shared>>)
        tpu.yield
      }) : () -> ()
    }
    %while3A_16 = arith.constant 1 : i32
    scf.for %while3A_48 = %while3A_14 to %while3A_10 step %while3A_16  : i32 {
      %mul3A_49 = arith.constant 64 : i32
      %mul3A_50 = arith.muli %mul3A_49, %while3A_48 : i32
      %add3A = arith.addi %mul3A_7, %mul3A_50 : i32
      "tpu.region"() ({
        %run_scoped3A_51 = tpu.sem_alloc : memref<!tpu.dma_semaphore, #tpu.memory_space<semaphore_mem>>
        %dma_start3A_52 = arith.constant 0 : i32
        %dma_start3A_53 = tpu.memref_slice %arg12[%add3A, %dma_start3A_52] : memref<5072x128xf32, #tpu.memory_space<vmem_shared>> -> memref<64x128xf32, #tpu.memory_space<vmem_shared>>
        %dma_start3A_54 = arith.constant 0 : i32
        %dma_start3A_55 = tpu.memref_slice %arg12[%add3A, %dma_start3A_54] : memref<5072x128xf32, #tpu.memory_space<vmem_shared>> -> memref<64x128xf32, #tpu.memory_space<vmem_shared>>
        tpu.enqueue_dma source(%arg10 : memref<64x128xf32, #tpu.memory_space<vmem>>) target(%dma_start3A_55 : memref<64x128xf32, #tpu.memory_space<vmem_shared>>) target_semaphore(%run_scoped3A_51 : memref<!tpu.dma_semaphore, #tpu.memory_space<semaphore_mem>>)
        %dma_wait3A = arith.constant 0 : i32
        %dma_wait3A_56 = tpu.memref_slice %arg12[%add3A, %dma_wait3A] : memref<5072x128xf32, #tpu.memory_space<vmem_shared>> -> memref<64x128xf32, #tpu.memory_space<vmem_shared>>
        %dma_wait3A_57 = arith.constant 0 : i32
        %dma_wait3A_58 = tpu.memref_slice %arg12[%add3A, %dma_wait3A_57] : memref<5072x128xf32, #tpu.memory_space<vmem_shared>> -> memref<64x128xf32, #tpu.memory_space<vmem_shared>>
        tpu.wait_dma2 semaphore(%run_scoped3A_51 : memref<!tpu.dma_semaphore, #tpu.memory_space<semaphore_mem>>) src(%arg10 : memref<64x128xf32, #tpu.memory_space<vmem>>) dst(%dma_wait3A_58 : memref<64x128xf32, #tpu.memory_space<vmem_shared>>)
        tpu.yield
      }) : () -> ()
    }
    %barrier3A = arith.constant 0 : index
    tpu.barrier barrier_id(%barrier3A)
    %dma_start3A = arith.constant 0 : i32
    %dma_start3A_17 = arith.constant 0 : i32
    %dma_start3A_18 = tpu.memref_slice %arg6[%dma_start3A, %dma_start3A_17] : memref<160x128xi32, #tpu.memory_space<vmem>> -> memref<1x128xi32, #tpu.memory_space<vmem>>
    %dma_start3A_19 = tpu.memref_squeeze %dma_start3A_18 : memref<1x128xi32, #tpu.memory_space<vmem>> -> memref<128xi32, #tpu.memory_space<vmem>>
    %dma_start3A_20 = arith.constant 0 : i32
    %dma_start3A_21 = arith.constant 0 : i32
    %dma_start3A_22 = tpu.memref_slice %arg2[%dma_start3A_20, %dma_start3A_21] : memref<10112x128xf32, #tpu.memory_space<hbm>> -> memref<10112x128xf32, #tpu.memory_space<hbm>>
    tpu.enqueue_indirect_dma source(%dma_start3A_22 : memref<10112x128xf32, #tpu.memory_space<hbm>>) target(%arg8 : memref<128x128xf32, #tpu.memory_space<vmem>>) offsets(%dma_start3A_19 : memref<128xi32, #tpu.memory_space<vmem>>) semaphore(%arg13 : memref<!tpu.dma_semaphore, #tpu.memory_space<semaphore_mem>>)
    %dma_start3A_23 = arith.constant 1 : i32
    %dma_start3A_24 = arith.constant 0 : i32
    %dma_start3A_25 = tpu.memref_slice %arg6[%dma_start3A_23, %dma_start3A_24] : memref<160x128xi32, #tpu.memory_space<vmem>> -> memref<1x128xi32, #tpu.memory_space<vmem>>
    %dma_start3A_26 = tpu.memref_squeeze %dma_start3A_25 : memref<1x128xi32, #tpu.memory_space<vmem>> -> memref<128xi32, #tpu.memory_space<vmem>>
    %dma_start3A_27 = arith.constant 0 : i32
    %dma_start3A_28 = arith.constant 0 : i32
    %dma_start3A_29 = tpu.memref_slice %arg2[%dma_start3A_27, %dma_start3A_28] : memref<10112x128xf32, #tpu.memory_space<hbm>> -> memref<10112x128xf32, #tpu.memory_space<hbm>>
    tpu.enqueue_indirect_dma source(%dma_start3A_29 : memref<10112x128xf32, #tpu.memory_space<hbm>>) target(%arg9 : memref<128x128xf32, #tpu.memory_space<vmem>>) offsets(%dma_start3A_26 : memref<128xi32, #tpu.memory_space<vmem>>) semaphore(%arg14 : memref<!tpu.dma_semaphore, #tpu.memory_space<semaphore_mem>>)
    %scan3A_30 = arith.constant 0 : i32
    %scan3A_31 = arith.constant 0 : i32
    %scan3A_32 = arith.constant 80 : i32
    %scan3A_33 = arith.addi %scan3A_31, %scan3A_32 : i32
    %scan3A_34 = arith.constant 1 : i32
    scf.for %scan3A_48 = %scan3A_31 to %scan3A_33 step %scan3A_34  : i32 {
      %mul3A_49 = arith.constant 2 : i32
      %mul3A_50 = arith.muli %mul3A_49, %scan3A_48 : i32
      %add3A = arith.constant 0 : i32
      %add3A_51 = arith.addi %mul3A_50, %add3A : i32
      %dma_wait3A = arith.constant 0 : i32
      %dma_wait3A_52 = tpu.memref_slice %arg6[%add3A_51, %dma_wait3A] : memref<160x128xi32, #tpu.memory_space<vmem>> -> memref<1x128xi32, #tpu.memory_space<vmem>>
      %dma_wait3A_53 = tpu.memref_squeeze %dma_wait3A_52 : memref<1x128xi32, #tpu.memory_space<vmem>> -> memref<128xi32, #tpu.memory_space<vmem>>
      %dma_wait3A_54 = arith.constant 0 : i32
      %dma_wait3A_55 = arith.constant 0 : i32
      %dma_wait3A_56 = tpu.memref_slice %arg2[%dma_wait3A_54, %dma_wait3A_55] : memref<10112x128xf32, #tpu.memory_space<hbm>> -> memref<10112x128xf32, #tpu.memory_space<hbm>>
      tpu.wait_indirect_dma semaphore(%arg13 : memref<!tpu.dma_semaphore, #tpu.memory_space<semaphore_mem>>) src(%dma_wait3A_56 : memref<10112x128xf32, #tpu.memory_space<hbm>>) dst(%arg8 : memref<128x128xf32, #tpu.memory_space<vmem>>)
      "tpu.region"() ({
        %run_scoped3A_79 = tpu.sem_alloc : memref<!tpu.dma_semaphore, #tpu.memory_space<semaphore_mem>>
        %dma_start3A_80 = arith.constant 0 : i32
        %dma_start3A_81 = tpu.memref_slice %arg7[%add3A_51, %dma_start3A_80] : memref<160x128xi32, #tpu.memory_space<vmem>> -> memref<1x128xi32, #tpu.memory_space<vmem>>
        %dma_start3A_82 = tpu.memref_squeeze %dma_start3A_81 : memref<1x128xi32, #tpu.memory_space<vmem>> -> memref<128xi32, #tpu.memory_space<vmem>>
        %dma_start3A_83 = arith.constant 0 : i32
        %dma_start3A_84 = arith.constant 0 : i32
        %dma_start3A_85 = tpu.memref_slice %arg12[%dma_start3A_83, %dma_start3A_84] : memref<5072x128xf32, #tpu.memory_space<vmem_shared>> -> memref<5072x128xf32, #tpu.memory_space<vmem_shared>>
        tpu.enqueue_indirect_dma source(%arg8 : memref<128x128xf32, #tpu.memory_space<vmem>>) target(%dma_start3A_85 : memref<5072x128xf32, #tpu.memory_space<vmem_shared>>) offsets(%dma_start3A_82 : memref<128xi32, #tpu.memory_space<vmem>>) semaphore(%run_scoped3A_79 : memref<!tpu.dma_semaphore, #tpu.memory_space<semaphore_mem>>) {add = true}
        %dma_wait3A_86 = arith.constant 0 : i32
        %dma_wait3A_87 = tpu.memref_slice %arg7[%add3A_51, %dma_wait3A_86] : memref<160x128xi32, #tpu.memory_space<vmem>> -> memref<1x128xi32, #tpu.memory_space<vmem>>
        %dma_wait3A_88 = tpu.memref_squeeze %dma_wait3A_87 : memref<1x128xi32, #tpu.memory_space<vmem>> -> memref<128xi32, #tpu.memory_space<vmem>>
        %dma_wait3A_89 = arith.constant 0 : i32
        %dma_wait3A_90 = arith.constant 0 : i32
        %dma_wait3A_91 = tpu.memref_slice %arg12[%dma_wait3A_89, %dma_wait3A_90] : memref<5072x128xf32, #tpu.memory_space<vmem_shared>> -> memref<5072x128xf32, #tpu.memory_space<vmem_shared>>
        tpu.wait_indirect_dma semaphore(%run_scoped3A_79 : memref<!tpu.dma_semaphore, #tpu.memory_space<semaphore_mem>>) src(%arg8 : memref<128x128xf32, #tpu.memory_space<vmem>>) dst(%dma_wait3A_91 : memref<5072x128xf32, #tpu.memory_space<vmem_shared>>)
        tpu.yield
      }) : () -> ()
      %add3A_57 = arith.constant 2 : i32
      %add3A_58 = arith.addi %add3A_51, %add3A_57 : i32
      %lt3A_59 = arith.constant 160 : i32
      %lt3A_60 = arith.cmpi slt, %add3A_58, %lt3A_59 : i32
      %convert_element_type3A = arith.extui %lt3A_60 : i1 to i32
      %cond3A = arith.constant 0 : i32
      %cond3A_61 = arith.cmpi ne, %convert_element_type3A, %cond3A : i32
      scf.if %cond3A_61 {
        %dma_start3A_79 = arith.constant 0 : i32
        %dma_start3A_80 = tpu.memref_slice %arg6[%add3A_58, %dma_start3A_79] : memref<160x128xi32, #tpu.memory_space<vmem>> -> memref<1x128xi32, #tpu.memory_space<vmem>>
        %dma_start3A_81 = tpu.memref_squeeze %dma_start3A_80 : memref<1x128xi32, #tpu.memory_space<vmem>> -> memref<128xi32, #tpu.memory_space<vmem>>
        %dma_start3A_82 = arith.constant 0 : i32
        %dma_start3A_83 = arith.constant 0 : i32
        %dma_start3A_84 = tpu.memref_slice %arg2[%dma_start3A_82, %dma_start3A_83] : memref<10112x128xf32, #tpu.memory_space<hbm>> -> memref<10112x128xf32, #tpu.memory_space<hbm>>
        tpu.enqueue_indirect_dma source(%dma_start3A_84 : memref<10112x128xf32, #tpu.memory_space<hbm>>) target(%arg8 : memref<128x128xf32, #tpu.memory_space<vmem>>) offsets(%dma_start3A_81 : memref<128xi32, #tpu.memory_space<vmem>>) semaphore(%arg13 : memref<!tpu.dma_semaphore, #tpu.memory_space<semaphore_mem>>)
      } else {
      }
      %mul3A_62 = arith.constant 2 : i32
      %mul3A_63 = arith.muli %mul3A_62, %scan3A_48 : i32
      %add3A_64 = arith.constant 1 : i32
      %add3A_65 = arith.addi %mul3A_63, %add3A_64 : i32
      %dma_wait3A_66 = arith.constant 0 : i32
      %dma_wait3A_67 = tpu.memref_slice %arg6[%add3A_65, %dma_wait3A_66] : memref<160x128xi32, #tpu.memory_space<vmem>> -> memref<1x128xi32, #tpu.memory_space<vmem>>
      %dma_wait3A_68 = tpu.memref_squeeze %dma_wait3A_67 : memref<1x128xi32, #tpu.memory_space<vmem>> -> memref<128xi32, #tpu.memory_space<vmem>>
      %dma_wait3A_69 = arith.constant 0 : i32
      %dma_wait3A_70 = arith.constant 0 : i32
      %dma_wait3A_71 = tpu.memref_slice %arg2[%dma_wait3A_69, %dma_wait3A_70] : memref<10112x128xf32, #tpu.memory_space<hbm>> -> memref<10112x128xf32, #tpu.memory_space<hbm>>
      tpu.wait_indirect_dma semaphore(%arg14 : memref<!tpu.dma_semaphore, #tpu.memory_space<semaphore_mem>>) src(%dma_wait3A_71 : memref<10112x128xf32, #tpu.memory_space<hbm>>) dst(%arg9 : memref<128x128xf32, #tpu.memory_space<vmem>>)
      "tpu.region"() ({
        %run_scoped3A_79 = tpu.sem_alloc : memref<!tpu.dma_semaphore, #tpu.memory_space<semaphore_mem>>
        %dma_start3A_80 = arith.constant 0 : i32
        %dma_start3A_81 = tpu.memref_slice %arg7[%add3A_65, %dma_start3A_80] : memref<160x128xi32, #tpu.memory_space<vmem>> -> memref<1x128xi32, #tpu.memory_space<vmem>>
        %dma_start3A_82 = tpu.memref_squeeze %dma_start3A_81 : memref<1x128xi32, #tpu.memory_space<vmem>> -> memref<128xi32, #tpu.memory_space<vmem>>
        %dma_start3A_83 = arith.constant 0 : i32
        %dma_start3A_84 = arith.constant 0 : i32
        %dma_start3A_85 = tpu.memref_slice %arg12[%dma_start3A_83, %dma_start3A_84] : memref<5072x128xf32, #tpu.memory_space<vmem_shared>> -> memref<5072x128xf32, #tpu.memory_space<vmem_shared>>
        tpu.enqueue_indirect_dma source(%arg9 : memref<128x128xf32, #tpu.memory_space<vmem>>) target(%dma_start3A_85 : memref<5072x128xf32, #tpu.memory_space<vmem_shared>>) offsets(%dma_start3A_82 : memref<128xi32, #tpu.memory_space<vmem>>) semaphore(%run_scoped3A_79 : memref<!tpu.dma_semaphore, #tpu.memory_space<semaphore_mem>>) {add = true}
        %dma_wait3A_86 = arith.constant 0 : i32
        %dma_wait3A_87 = tpu.memref_slice %arg7[%add3A_65, %dma_wait3A_86] : memref<160x128xi32, #tpu.memory_space<vmem>> -> memref<1x128xi32, #tpu.memory_space<vmem>>
        %dma_wait3A_88 = tpu.memref_squeeze %dma_wait3A_87 : memref<1x128xi32, #tpu.memory_space<vmem>> -> memref<128xi32, #tpu.memory_space<vmem>>
        %dma_wait3A_89 = arith.constant 0 : i32
        %dma_wait3A_90 = arith.constant 0 : i32
        %dma_wait3A_91 = tpu.memref_slice %arg12[%dma_wait3A_89, %dma_wait3A_90] : memref<5072x128xf32, #tpu.memory_space<vmem_shared>> -> memref<5072x128xf32, #tpu.memory_space<vmem_shared>>
        tpu.wait_indirect_dma semaphore(%run_scoped3A_79 : memref<!tpu.dma_semaphore, #tpu.memory_space<semaphore_mem>>) src(%arg9 : memref<128x128xf32, #tpu.memory_space<vmem>>) dst(%dma_wait3A_91 : memref<5072x128xf32, #tpu.memory_space<vmem_shared>>)
        tpu.yield
      }) : () -> ()
      %add3A_72 = arith.constant 2 : i32
      %add3A_73 = arith.addi %add3A_65, %add3A_72 : i32
      %lt3A_74 = arith.constant 160 : i32
      %lt3A_75 = arith.cmpi slt, %add3A_73, %lt3A_74 : i32
      %convert_element_type3A_76 = arith.extui %lt3A_75 : i1 to i32
      %cond3A_77 = arith.constant 0 : i32
      %cond3A_78 = arith.cmpi ne, %convert_element_type3A_76, %cond3A_77 : i32
      scf.if %cond3A_78 {
        %dma_start3A_79 = arith.constant 0 : i32
        %dma_start3A_80 = tpu.memref_slice %arg6[%add3A_73, %dma_start3A_79] : memref<160x128xi32, #tpu.memory_space<vmem>> -> memref<1x128xi32, #tpu.memory_space<vmem>>
        %dma_start3A_81 = tpu.memref_squeeze %dma_start3A_80 : memref<1x128xi32, #tpu.memory_space<vmem>> -> memref<128xi32, #tpu.memory_space<vmem>>
        %dma_start3A_82 = arith.constant 0 : i32
        %dma_start3A_83 = arith.constant 0 : i32
        %dma_start3A_84 = tpu.memref_slice %arg2[%dma_start3A_82, %dma_start3A_83] : memref<10112x128xf32, #tpu.memory_space<hbm>> -> memref<10112x128xf32, #tpu.memory_space<hbm>>
        tpu.enqueue_indirect_dma source(%dma_start3A_84 : memref<10112x128xf32, #tpu.memory_space<hbm>>) target(%arg9 : memref<128x128xf32, #tpu.memory_space<vmem>>) offsets(%dma_start3A_81 : memref<128xi32, #tpu.memory_space<vmem>>) semaphore(%arg14 : memref<!tpu.dma_semaphore, #tpu.memory_space<semaphore_mem>>)
      } else {
      }
    }
    %scan3A_35 = arith.constant 80 : i32
    %barrier3A_36 = arith.constant 0 : index
    tpu.barrier barrier_id(%barrier3A_36)
    %while3A_37 = arith.constant 0 : i32
    %while3A_38 = arith.constant 0 : i32
    %while3A_39 = arith.subi %select_n3A, %while3A_38 : i32
    %while3A_40 = arith.addi %while3A_38, %while3A_39 : i32
    %while3A_41 = arith.constant 1 : i32
    %while3A_42 = arith.divsi %while3A_39, %while3A_41 : i32
    %while3A_43 = arith.muli %while3A_42, %while3A_41 : i32
    %while3A_44 = arith.addi %while3A_38, %while3A_43 : i32
    %while3A_45 = arith.constant 1 : i32
    scf.for %while3A_48 = %while3A_38 to %while3A_44 step %while3A_45  : i32 {
      %mul3A_49 = arith.constant 64 : i32
      %mul3A_50 = arith.muli %mul3A_49, %while3A_48 : i32
      %add3A = arith.addi %mul3A_7, %mul3A_50 : i32
      "tpu.region"() ({
        %run_scoped3A_57 = tpu.sem_alloc : memref<!tpu.dma_semaphore, #tpu.memory_space<semaphore_mem>>
        %dma_start3A_58 = arith.constant 0 : i32
        %dma_start3A_59 = tpu.memref_slice %arg12[%add3A, %dma_start3A_58] : memref<5072x128xf32, #tpu.memory_space<vmem_shared>> -> memref<64x128xf32, #tpu.memory_space<vmem_shared>>
        %dma_start3A_60 = arith.constant 0 : i32
        %dma_start3A_61 = tpu.memref_slice %arg12[%add3A, %dma_start3A_60] : memref<5072x128xf32, #tpu.memory_space<vmem_shared>> -> memref<64x128xf32, #tpu.memory_space<vmem_shared>>
        tpu.enqueue_dma source(%dma_start3A_61 : memref<64x128xf32, #tpu.memory_space<vmem_shared>>) target(%arg11 : memref<64x128xf32, #tpu.memory_space<vmem>>) target_semaphore(%run_scoped3A_57 : memref<!tpu.dma_semaphore, #tpu.memory_space<semaphore_mem>>)
        %dma_wait3A = arith.constant 0 : i32
        %dma_wait3A_62 = tpu.memref_slice %arg12[%add3A, %dma_wait3A] : memref<5072x128xf32, #tpu.memory_space<vmem_shared>> -> memref<64x128xf32, #tpu.memory_space<vmem_shared>>
        %dma_wait3A_63 = arith.constant 0 : i32
        %dma_wait3A_64 = tpu.memref_slice %arg12[%add3A, %dma_wait3A_63] : memref<5072x128xf32, #tpu.memory_space<vmem_shared>> -> memref<64x128xf32, #tpu.memory_space<vmem_shared>>
        tpu.wait_dma2 semaphore(%run_scoped3A_57 : memref<!tpu.dma_semaphore, #tpu.memory_space<semaphore_mem>>) src(%dma_wait3A_64 : memref<64x128xf32, #tpu.memory_space<vmem_shared>>) dst(%arg11 : memref<64x128xf32, #tpu.memory_space<vmem>>)
        tpu.yield
      }) : () -> ()
      %mul3A_51 = arith.constant 5056 : i32
      %mul3A_52 = arith.muli %arg0, %mul3A_51 : i32
      %add3A_53 = arith.addi %mul3A_52, %mul3A_7 : i32
      %mul3A_54 = arith.constant 64 : i32
      %mul3A_55 = arith.muli %mul3A_54, %while3A_48 : i32
      %add3A_56 = arith.addi %add3A_53, %mul3A_55 : i32
      "tpu.region"() ({
        %run_scoped3A_57 = tpu.sem_alloc : memref<!tpu.dma_semaphore, #tpu.memory_space<semaphore_mem>>
        %dma_start3A_58 = arith.constant 0 : i32
        %dma_start3A_59 = tpu.memref_slice %arg5[%add3A_56, %dma_start3A_58] : memref<10112x128xf32, #tpu.memory_space<hbm>> -> memref<64x128xf32, #tpu.memory_space<hbm>>
        %dma_start3A_60 = arith.constant 0 : i32
        %dma_start3A_61 = tpu.memref_slice %arg5[%add3A_56, %dma_start3A_60] : memref<10112x128xf32, #tpu.memory_space<hbm>> -> memref<64x128xf32, #tpu.memory_space<hbm>>
        tpu.enqueue_dma source(%arg11 : memref<64x128xf32, #tpu.memory_space<vmem>>) target(%dma_start3A_61 : memref<64x128xf32, #tpu.memory_space<hbm>>) target_semaphore(%run_scoped3A_57 : memref<!tpu.dma_semaphore, #tpu.memory_space<semaphore_mem>>)
        %dma_wait3A = arith.constant 0 : i32
        %dma_wait3A_62 = tpu.memref_slice %arg5[%add3A_56, %dma_wait3A] : memref<10112x128xf32, #tpu.memory_space<hbm>> -> memref<64x128xf32, #tpu.memory_space<hbm>>
        %dma_wait3A_63 = arith.constant 0 : i32
        %dma_wait3A_64 = tpu.memref_slice %arg5[%add3A_56, %dma_wait3A_63] : memref<10112x128xf32, #tpu.memory_space<hbm>> -> memref<64x128xf32, #tpu.memory_space<hbm>>
        tpu.wait_dma2 semaphore(%run_scoped3A_57 : memref<!tpu.dma_semaphore, #tpu.memory_space<semaphore_mem>>) src(%arg11 : memref<64x128xf32, #tpu.memory_space<vmem>>) dst(%dma_wait3A_64 : memref<64x128xf32, #tpu.memory_space<hbm>>)
        tpu.yield
      }) : () -> ()
    }
    %while3A_46 = arith.constant 1 : i32
    scf.for %while3A_48 = %while3A_44 to %while3A_40 step %while3A_46  : i32 {
      %mul3A_49 = arith.constant 64 : i32
      %mul3A_50 = arith.muli %mul3A_49, %while3A_48 : i32
      %add3A = arith.addi %mul3A_7, %mul3A_50 : i32
      "tpu.region"() ({
        %run_scoped3A_57 = tpu.sem_alloc : memref<!tpu.dma_semaphore, #tpu.memory_space<semaphore_mem>>
        %dma_start3A_58 = arith.constant 0 : i32
        %dma_start3A_59 = tpu.memref_slice %arg12[%add3A, %dma_start3A_58] : memref<5072x128xf32, #tpu.memory_space<vmem_shared>> -> memref<64x128xf32, #tpu.memory_space<vmem_shared>>
        %dma_start3A_60 = arith.constant 0 : i32
        %dma_start3A_61 = tpu.memref_slice %arg12[%add3A, %dma_start3A_60] : memref<5072x128xf32, #tpu.memory_space<vmem_shared>> -> memref<64x128xf32, #tpu.memory_space<vmem_shared>>
        tpu.enqueue_dma source(%dma_start3A_61 : memref<64x128xf32, #tpu.memory_space<vmem_shared>>) target(%arg11 : memref<64x128xf32, #tpu.memory_space<vmem>>) target_semaphore(%run_scoped3A_57 : memref<!tpu.dma_semaphore, #tpu.memory_space<semaphore_mem>>)
        %dma_wait3A = arith.constant 0 : i32
        %dma_wait3A_62 = tpu.memref_slice %arg12[%add3A, %dma_wait3A] : memref<5072x128xf32, #tpu.memory_space<vmem_shared>> -> memref<64x128xf32, #tpu.memory_space<vmem_shared>>
        %dma_wait3A_63 = arith.constant 0 : i32
        %dma_wait3A_64 = tpu.memref_slice %arg12[%add3A, %dma_wait3A_63] : memref<5072x128xf32, #tpu.memory_space<vmem_shared>> -> memref<64x128xf32, #tpu.memory_space<vmem_shared>>
        tpu.wait_dma2 semaphore(%run_scoped3A_57 : memref<!tpu.dma_semaphore, #tpu.memory_space<semaphore_mem>>) src(%dma_wait3A_64 : memref<64x128xf32, #tpu.memory_space<vmem_shared>>) dst(%arg11 : memref<64x128xf32, #tpu.memory_space<vmem>>)
        tpu.yield
      }) : () -> ()
      %mul3A_51 = arith.constant 5056 : i32
      %mul3A_52 = arith.muli %arg0, %mul3A_51 : i32
      %add3A_53 = arith.addi %mul3A_52, %mul3A_7 : i32
      %mul3A_54 = arith.constant 64 : i32
      %mul3A_55 = arith.muli %mul3A_54, %while3A_48 : i32
      %add3A_56 = arith.addi %add3A_53, %mul3A_55 : i32
      "tpu.region"() ({
        %run_scoped3A_57 = tpu.sem_alloc : memref<!tpu.dma_semaphore, #tpu.memory_space<semaphore_mem>>
        %dma_start3A_58 = arith.constant 0 : i32
        %dma_start3A_59 = tpu.memref_slice %arg5[%add3A_56, %dma_start3A_58] : memref<10112x128xf32, #tpu.memory_space<hbm>> -> memref<64x128xf32, #tpu.memory_space<hbm>>
        %dma_start3A_60 = arith.constant 0 : i32
        %dma_start3A_61 = tpu.memref_slice %arg5[%add3A_56, %dma_start3A_60] : memref<10112x128xf32, #tpu.memory_space<hbm>> -> memref<64x128xf32, #tpu.memory_space<hbm>>
        tpu.enqueue_dma source(%arg11 : memref<64x128xf32, #tpu.memory_space<vmem>>) target(%dma_start3A_61 : memref<64x128xf32, #tpu.memory_space<hbm>>) target_semaphore(%run_scoped3A_57 : memref<!tpu.dma_semaphore, #tpu.memory_space<semaphore_mem>>)
        %dma_wait3A = arith.constant 0 : i32
        %dma_wait3A_62 = tpu.memref_slice %arg5[%add3A_56, %dma_wait3A] : memref<10112x128xf32, #tpu.memory_space<hbm>> -> memref<64x128xf32, #tpu.memory_space<hbm>>
        %dma_wait3A_63 = arith.constant 0 : i32
        %dma_wait3A_64 = tpu.memref_slice %arg5[%add3A_56, %dma_wait3A_63] : memref<10112x128xf32, #tpu.memory_space<hbm>> -> memref<64x128xf32, #tpu.memory_space<hbm>>
        tpu.wait_dma2 semaphore(%run_scoped3A_57 : memref<!tpu.dma_semaphore, #tpu.memory_space<semaphore_mem>>) src(%arg11 : memref<64x128xf32, #tpu.memory_space<vmem>>) dst(%dma_wait3A_64 : memref<64x128xf32, #tpu.memory_space<hbm>>)
        tpu.yield
      }) : () -> ()
    }
    %barrier3A_47 = arith.constant 0 : index
    tpu.barrier barrier_id(%barrier3A_47)
    return
  }
}

#map = affine_map<(d0, d1) -> (0, 0)>
#map1 = affine_map<(d0, d1) -> (0, 0, 0, 0)>
#map2 = affine_map<(d0, d1) -> (0, 0, 0)>
module attributes {stable_mosaic.version = 14 : i64} {
  func.func @_agg2_body(%arg0: i32, %arg1: i32, %arg2: memref<10112x128xf32, #tpu.memory_space<hbm>>, %arg3: memref<10112x128xf32, #tpu.memory_space<hbm>>, %arg4: memref<2x16x160x128xi32, #tpu.memory_space<hbm>>, %arg5: memref<2x16x160x128xi32, #tpu.memory_space<hbm>>, %arg6: memref<2x10112x128xf32, #tpu.memory_space<hbm>>, %arg7: memref<160x128xi32, #tpu.memory_space<vmem>>, %arg8: memref<160x128xi32, #tpu.memory_space<vmem>>, %arg9: memref<128x128xf32, #tpu.memory_space<vmem>>, %arg10: memref<128x128xf32, #tpu.memory_space<vmem>>, %arg11: memref<64x128xf32, #tpu.memory_space<vmem>>, %arg12: memref<64x128xf32, #tpu.memory_space<vmem>>, %arg13: memref<5072x128xf32, #tpu.memory_space<vmem_shared>>, %arg14: memref<!tpu.dma_semaphore, #tpu.memory_space<semaphore_mem>>, %arg15: memref<!tpu.dma_semaphore, #tpu.memory_space<semaphore_mem>>) attributes {dimension_semantics = [#tpu.dimension_semantics<core_parallel>, #tpu.dimension_semantics<subcore_parallel>], iteration_bounds = array<i64: 2, 16>, scalar_prefetch = 0 : i64, scratch_operands = 9 : i64, tpu.core_type = #tpu.core_type<sc_vector_subcore>, window_params = [{transform_indices = #map}, {transform_indices = #map}, {transform_indices = #map1}, {transform_indices = #map1}, {transform_indices = #map2}]} {
    %run_scoped3A = arith.constant 0 : i32
    "tpu.region"() ({
      %run_scoped3A_100 = tpu.sem_alloc : memref<!tpu.dma_semaphore, #tpu.memory_space<semaphore_mem>>
      %dma_start3A_101 = arith.constant 0 : i32
      %dma_start3A_102 = arith.constant 0 : i32
      %dma_start3A_103 = tpu.memref_slice %arg4[%run_scoped3A, %arg1, %dma_start3A_101, %dma_start3A_102] : memref<2x16x160x128xi32, #tpu.memory_space<hbm>> -> memref<1x1x160x128xi32, #tpu.memory_space<hbm>>
      %dma_start3A_104 = tpu.memref_squeeze %dma_start3A_103 : memref<1x1x160x128xi32, #tpu.memory_space<hbm>> -> memref<160x128xi32, #tpu.memory_space<hbm>>
      %dma_start3A_105 = arith.constant 0 : i32
      %dma_start3A_106 = arith.constant 0 : i32
      %dma_start3A_107 = tpu.memref_slice %arg4[%run_scoped3A, %arg1, %dma_start3A_105, %dma_start3A_106] : memref<2x16x160x128xi32, #tpu.memory_space<hbm>> -> memref<1x1x160x128xi32, #tpu.memory_space<hbm>>
      %dma_start3A_108 = tpu.memref_squeeze %dma_start3A_107 : memref<1x1x160x128xi32, #tpu.memory_space<hbm>> -> memref<160x128xi32, #tpu.memory_space<hbm>>
      tpu.enqueue_dma source(%dma_start3A_108 : memref<160x128xi32, #tpu.memory_space<hbm>>) target(%arg7 : memref<160x128xi32, #tpu.memory_space<vmem>>) target_semaphore(%run_scoped3A_100 : memref<!tpu.dma_semaphore, #tpu.memory_space<semaphore_mem>>)
      %dma_wait3A = arith.constant 0 : i32
      %dma_wait3A_109 = arith.constant 0 : i32
      %dma_wait3A_110 = tpu.memref_slice %arg4[%run_scoped3A, %arg1, %dma_wait3A, %dma_wait3A_109] : memref<2x16x160x128xi32, #tpu.memory_space<hbm>> -> memref<1x1x160x128xi32, #tpu.memory_space<hbm>>
      %dma_wait3A_111 = tpu.memref_squeeze %dma_wait3A_110 : memref<1x1x160x128xi32, #tpu.memory_space<hbm>> -> memref<160x128xi32, #tpu.memory_space<hbm>>
      %dma_wait3A_112 = arith.constant 0 : i32
      %dma_wait3A_113 = arith.constant 0 : i32
      %dma_wait3A_114 = tpu.memref_slice %arg4[%run_scoped3A, %arg1, %dma_wait3A_112, %dma_wait3A_113] : memref<2x16x160x128xi32, #tpu.memory_space<hbm>> -> memref<1x1x160x128xi32, #tpu.memory_space<hbm>>
      %dma_wait3A_115 = tpu.memref_squeeze %dma_wait3A_114 : memref<1x1x160x128xi32, #tpu.memory_space<hbm>> -> memref<160x128xi32, #tpu.memory_space<hbm>>
      tpu.wait_dma2 semaphore(%run_scoped3A_100 : memref<!tpu.dma_semaphore, #tpu.memory_space<semaphore_mem>>) src(%dma_wait3A_115 : memref<160x128xi32, #tpu.memory_space<hbm>>) dst(%arg7 : memref<160x128xi32, #tpu.memory_space<vmem>>)
      tpu.yield
    }) : () -> ()
    "tpu.region"() ({
      %run_scoped3A_100 = tpu.sem_alloc : memref<!tpu.dma_semaphore, #tpu.memory_space<semaphore_mem>>
      %dma_start3A_101 = arith.constant 0 : i32
      %dma_start3A_102 = arith.constant 0 : i32
      %dma_start3A_103 = tpu.memref_slice %arg5[%arg0, %arg1, %dma_start3A_101, %dma_start3A_102] : memref<2x16x160x128xi32, #tpu.memory_space<hbm>> -> memref<1x1x160x128xi32, #tpu.memory_space<hbm>>
      %dma_start3A_104 = tpu.memref_squeeze %dma_start3A_103 : memref<1x1x160x128xi32, #tpu.memory_space<hbm>> -> memref<160x128xi32, #tpu.memory_space<hbm>>
      %dma_start3A_105 = arith.constant 0 : i32
      %dma_start3A_106 = arith.constant 0 : i32
      %dma_start3A_107 = tpu.memref_slice %arg5[%arg0, %arg1, %dma_start3A_105, %dma_start3A_106] : memref<2x16x160x128xi32, #tpu.memory_space<hbm>> -> memref<1x1x160x128xi32, #tpu.memory_space<hbm>>
      %dma_start3A_108 = tpu.memref_squeeze %dma_start3A_107 : memref<1x1x160x128xi32, #tpu.memory_space<hbm>> -> memref<160x128xi32, #tpu.memory_space<hbm>>
      tpu.enqueue_dma source(%dma_start3A_108 : memref<160x128xi32, #tpu.memory_space<hbm>>) target(%arg8 : memref<160x128xi32, #tpu.memory_space<vmem>>) target_semaphore(%run_scoped3A_100 : memref<!tpu.dma_semaphore, #tpu.memory_space<semaphore_mem>>)
      %dma_wait3A = arith.constant 0 : i32
      %dma_wait3A_109 = arith.constant 0 : i32
      %dma_wait3A_110 = tpu.memref_slice %arg5[%arg0, %arg1, %dma_wait3A, %dma_wait3A_109] : memref<2x16x160x128xi32, #tpu.memory_space<hbm>> -> memref<1x1x160x128xi32, #tpu.memory_space<hbm>>
      %dma_wait3A_111 = tpu.memref_squeeze %dma_wait3A_110 : memref<1x1x160x128xi32, #tpu.memory_space<hbm>> -> memref<160x128xi32, #tpu.memory_space<hbm>>
      %dma_wait3A_112 = arith.constant 0 : i32
      %dma_wait3A_113 = arith.constant 0 : i32
      %dma_wait3A_114 = tpu.memref_slice %arg5[%arg0, %arg1, %dma_wait3A_112, %dma_wait3A_113] : memref<2x16x160x128xi32, #tpu.memory_space<hbm>> -> memref<1x1x160x128xi32, #tpu.memory_space<hbm>>
      %dma_wait3A_115 = tpu.memref_squeeze %dma_wait3A_114 : memref<1x1x160x128xi32, #tpu.memory_space<hbm>> -> memref<160x128xi32, #tpu.memory_space<hbm>>
      tpu.wait_dma2 semaphore(%run_scoped3A_100 : memref<!tpu.dma_semaphore, #tpu.memory_space<semaphore_mem>>) src(%dma_wait3A_115 : memref<160x128xi32, #tpu.memory_space<hbm>>) dst(%arg8 : memref<160x128xi32, #tpu.memory_space<vmem>>)
      tpu.yield
    }) : () -> ()
    %scan3A = arith.constant 0 : i32
    %scan3A_0 = arith.constant 0 : i32
    %scan3A_1 = arith.constant 64 : i32
    %scan3A_2 = arith.addi %scan3A_0, %scan3A_1 : i32
    %scan3A_3 = arith.constant 1 : i32
    scf.for %scan3A_100 = %scan3A_0 to %scan3A_2 step %scan3A_3  : i32 {
      %broadcast_in_dim3A = arith.constant 0.000000e+00 : f32
      %broadcast_in_dim3A_101 = vector.broadcast %broadcast_in_dim3A : f32 to vector<16xf32>
      %swap3A = arith.index_cast %scan3A_100 : i32 to index
      %swap3A_102 = arith.constant 0 : index
      %swap3A_103 = tpu.vector_load %arg11[%swap3A, %swap3A_102] {strides = array<i32>} : memref<64x128xf32, #tpu.memory_space<vmem>>, vector<1x16xf32>,
      %swap3A_104 = vector.shape_cast %swap3A_103 : vector<1x16xf32> to vector<16xf32>
      %swap3A_105 = vector.shape_cast %broadcast_in_dim3A_101 : vector<16xf32> to vector<1x16xf32>
      tpu.vector_store %arg11[%swap3A, %swap3A_102], %swap3A_105 {strides = array<i32>} : memref<64x128xf32, #tpu.memory_space<vmem>>, vector<1x16xf32>,
      %broadcast_in_dim3A_106 = arith.constant 0.000000e+00 : f32
      %broadcast_in_dim3A_107 = vector.broadcast %broadcast_in_dim3A_106 : f32 to vector<16xf32>
      %swap3A_108 = arith.index_cast %scan3A_100 : i32 to index
      %swap3A_109 = arith.constant 16 : index
      %swap3A_110 = tpu.vector_load %arg11[%swap3A_108, %swap3A_109] {strides = array<i32>} : memref<64x128xf32, #tpu.memory_space<vmem>>, vector<1x16xf32>,
      %swap3A_111 = vector.shape_cast %swap3A_110 : vector<1x16xf32> to vector<16xf32>
      %swap3A_112 = vector.shape_cast %broadcast_in_dim3A_107 : vector<16xf32> to vector<1x16xf32>
      tpu.vector_store %arg11[%swap3A_108, %swap3A_109], %swap3A_112 {strides = array<i32>} : memref<64x128xf32, #tpu.memory_space<vmem>>, vector<1x16xf32>,
      %broadcast_in_dim3A_113 = arith.constant 0.000000e+00 : f32
      %broadcast_in_dim3A_114 = vector.broadcast %broadcast_in_dim3A_113 : f32 to vector<16xf32>
      %swap3A_115 = arith.index_cast %scan3A_100 : i32 to index
      %swap3A_116 = arith.constant 32 : index
      %swap3A_117 = tpu.vector_load %arg11[%swap3A_115, %swap3A_116] {strides = array<i32>} : memref<64x128xf32, #tpu.memory_space<vmem>>, vector<1x16xf32>,
      %swap3A_118 = vector.shape_cast %swap3A_117 : vector<1x16xf32> to vector<16xf32>
      %swap3A_119 = vector.shape_cast %broadcast_in_dim3A_114 : vector<16xf32> to vector<1x16xf32>
      tpu.vector_store %arg11[%swap3A_115, %swap3A_116], %swap3A_119 {strides = array<i32>} : memref<64x128xf32, #tpu.memory_space<vmem>>, vector<1x16xf32>,
      %broadcast_in_dim3A_120 = arith.constant 0.000000e+00 : f32
      %broadcast_in_dim3A_121 = vector.broadcast %broadcast_in_dim3A_120 : f32 to vector<16xf32>
      %swap3A_122 = arith.index_cast %scan3A_100 : i32 to index
      %swap3A_123 = arith.constant 48 : index
      %swap3A_124 = tpu.vector_load %arg11[%swap3A_122, %swap3A_123] {strides = array<i32>} : memref<64x128xf32, #tpu.memory_space<vmem>>, vector<1x16xf32>,
      %swap3A_125 = vector.shape_cast %swap3A_124 : vector<1x16xf32> to vector<16xf32>
      %swap3A_126 = vector.shape_cast %broadcast_in_dim3A_121 : vector<16xf32> to vector<1x16xf32>
      tpu.vector_store %arg11[%swap3A_122, %swap3A_123], %swap3A_126 {strides = array<i32>} : memref<64x128xf32, #tpu.memory_space<vmem>>, vector<1x16xf32>,
      %broadcast_in_dim3A_127 = arith.constant 0.000000e+00 : f32
      %broadcast_in_dim3A_128 = vector.broadcast %broadcast_in_dim3A_127 : f32 to vector<16xf32>
      %swap3A_129 = arith.index_cast %scan3A_100 : i32 to index
      %swap3A_130 = arith.constant 64 : index
      %swap3A_131 = tpu.vector_load %arg11[%swap3A_129, %swap3A_130] {strides = array<i32>} : memref<64x128xf32, #tpu.memory_space<vmem>>, vector<1x16xf32>,
      %swap3A_132 = vector.shape_cast %swap3A_131 : vector<1x16xf32> to vector<16xf32>
      %swap3A_133 = vector.shape_cast %broadcast_in_dim3A_128 : vector<16xf32> to vector<1x16xf32>
      tpu.vector_store %arg11[%swap3A_129, %swap3A_130], %swap3A_133 {strides = array<i32>} : memref<64x128xf32, #tpu.memory_space<vmem>>, vector<1x16xf32>,
      %broadcast_in_dim3A_134 = arith.constant 0.000000e+00 : f32
      %broadcast_in_dim3A_135 = vector.broadcast %broadcast_in_dim3A_134 : f32 to vector<16xf32>
      %swap3A_136 = arith.index_cast %scan3A_100 : i32 to index
      %swap3A_137 = arith.constant 80 : index
      %swap3A_138 = tpu.vector_load %arg11[%swap3A_136, %swap3A_137] {strides = array<i32>} : memref<64x128xf32, #tpu.memory_space<vmem>>, vector<1x16xf32>,
      %swap3A_139 = vector.shape_cast %swap3A_138 : vector<1x16xf32> to vector<16xf32>
      %swap3A_140 = vector.shape_cast %broadcast_in_dim3A_135 : vector<16xf32> to vector<1x16xf32>
      tpu.vector_store %arg11[%swap3A_136, %swap3A_137], %swap3A_140 {strides = array<i32>} : memref<64x128xf32, #tpu.memory_space<vmem>>, vector<1x16xf32>,
      %broadcast_in_dim3A_141 = arith.constant 0.000000e+00 : f32
      %broadcast_in_dim3A_142 = vector.broadcast %broadcast_in_dim3A_141 : f32 to vector<16xf32>
      %swap3A_143 = arith.index_cast %scan3A_100 : i32 to index
      %swap3A_144 = arith.constant 96 : index
      %swap3A_145 = tpu.vector_load %arg11[%swap3A_143, %swap3A_144] {strides = array<i32>} : memref<64x128xf32, #tpu.memory_space<vmem>>, vector<1x16xf32>,
      %swap3A_146 = vector.shape_cast %swap3A_145 : vector<1x16xf32> to vector<16xf32>
      %swap3A_147 = vector.shape_cast %broadcast_in_dim3A_142 : vector<16xf32> to vector<1x16xf32>
      tpu.vector_store %arg11[%swap3A_143, %swap3A_144], %swap3A_147 {strides = array<i32>} : memref<64x128xf32, #tpu.memory_space<vmem>>, vector<1x16xf32>,
      %broadcast_in_dim3A_148 = arith.constant 0.000000e+00 : f32
      %broadcast_in_dim3A_149 = vector.broadcast %broadcast_in_dim3A_148 : f32 to vector<16xf32>
      %swap3A_150 = arith.index_cast %scan3A_100 : i32 to index
      %swap3A_151 = arith.constant 112 : index
      %swap3A_152 = tpu.vector_load %arg11[%swap3A_150, %swap3A_151] {strides = array<i32>} : memref<64x128xf32, #tpu.memory_space<vmem>>, vector<1x16xf32>,
      %swap3A_153 = vector.shape_cast %swap3A_152 : vector<1x16xf32> to vector<16xf32>
      %swap3A_154 = vector.shape_cast %broadcast_in_dim3A_149 : vector<16xf32> to vector<1x16xf32>
      tpu.vector_store %arg11[%swap3A_150, %swap3A_151], %swap3A_154 {strides = array<i32>} : memref<64x128xf32, #tpu.memory_space<vmem>>, vector<1x16xf32>,
    }
    %scan3A_4 = arith.constant 64 : i32
    %lt3A = arith.constant 15 : i32
    %lt3A_5 = arith.cmpi slt, %arg1, %lt3A : i32
    %jit3A = arith.constant 5 : i32
    %jit3A_6 = arith.constant 4 : i32
    %select_n3A = arith.select %lt3A_5, %jit3A, %jit3A_6 : i32
    %mul3A = arith.constant 320 : i32
    %mul3A_7 = arith.muli %arg1, %mul3A : i32
    %while3A = arith.constant 0 : i32
    %while3A_8 = arith.constant 0 : i32
    %while3A_9 = arith.subi %select_n3A, %while3A_8 : i32
    %while3A_10 = arith.addi %while3A_8, %while3A_9 : i32
    %while3A_11 = arith.constant 1 : i32
    %while3A_12 = arith.divsi %while3A_9, %while3A_11 : i32
    %while3A_13 = arith.muli %while3A_12, %while3A_11 : i32
    %while3A_14 = arith.addi %while3A_8, %while3A_13 : i32
    %while3A_15 = arith.constant 1 : i32
    scf.for %while3A_100 = %while3A_8 to %while3A_14 step %while3A_15  : i32 {
      %mul3A_101 = arith.constant 64 : i32
      %mul3A_102 = arith.muli %mul3A_101, %while3A_100 : i32
      %add3A = arith.addi %mul3A_7, %mul3A_102 : i32
      "tpu.region"() ({
        %run_scoped3A_103 = tpu.sem_alloc : memref<!tpu.dma_semaphore, #tpu.memory_space<semaphore_mem>>
        %dma_start3A_104 = arith.constant 0 : i32
        %dma_start3A_105 = tpu.memref_slice %arg13[%add3A, %dma_start3A_104] : memref<5072x128xf32, #tpu.memory_space<vmem_shared>> -> memref<64x128xf32, #tpu.memory_space<vmem_shared>>
        %dma_start3A_106 = arith.constant 0 : i32
        %dma_start3A_107 = tpu.memref_slice %arg13[%add3A, %dma_start3A_106] : memref<5072x128xf32, #tpu.memory_space<vmem_shared>> -> memref<64x128xf32, #tpu.memory_space<vmem_shared>>
        tpu.enqueue_dma source(%arg11 : memref<64x128xf32, #tpu.memory_space<vmem>>) target(%dma_start3A_107 : memref<64x128xf32, #tpu.memory_space<vmem_shared>>) target_semaphore(%run_scoped3A_103 : memref<!tpu.dma_semaphore, #tpu.memory_space<semaphore_mem>>)
        %dma_wait3A = arith.constant 0 : i32
        %dma_wait3A_108 = tpu.memref_slice %arg13[%add3A, %dma_wait3A] : memref<5072x128xf32, #tpu.memory_space<vmem_shared>> -> memref<64x128xf32, #tpu.memory_space<vmem_shared>>
        %dma_wait3A_109 = arith.constant 0 : i32
        %dma_wait3A_110 = tpu.memref_slice %arg13[%add3A, %dma_wait3A_109] : memref<5072x128xf32, #tpu.memory_space<vmem_shared>> -> memref<64x128xf32, #tpu.memory_space<vmem_shared>>
        tpu.wait_dma2 semaphore(%run_scoped3A_103 : memref<!tpu.dma_semaphore, #tpu.memory_space<semaphore_mem>>) src(%arg11 : memref<64x128xf32, #tpu.memory_space<vmem>>) dst(%dma_wait3A_110 : memref<64x128xf32, #tpu.memory_space<vmem_shared>>)
        tpu.yield
      }) : () -> ()
    }
    %while3A_16 = arith.constant 1 : i32
    scf.for %while3A_100 = %while3A_14 to %while3A_10 step %while3A_16  : i32 {
      %mul3A_101 = arith.constant 64 : i32
      %mul3A_102 = arith.muli %mul3A_101, %while3A_100 : i32
      %add3A = arith.addi %mul3A_7, %mul3A_102 : i32
      "tpu.region"() ({
        %run_scoped3A_103 = tpu.sem_alloc : memref<!tpu.dma_semaphore, #tpu.memory_space<semaphore_mem>>
        %dma_start3A_104 = arith.constant 0 : i32
        %dma_start3A_105 = tpu.memref_slice %arg13[%add3A, %dma_start3A_104] : memref<5072x128xf32, #tpu.memory_space<vmem_shared>> -> memref<64x128xf32, #tpu.memory_space<vmem_shared>>
        %dma_start3A_106 = arith.constant 0 : i32
        %dma_start3A_107 = tpu.memref_slice %arg13[%add3A, %dma_start3A_106] : memref<5072x128xf32, #tpu.memory_space<vmem_shared>> -> memref<64x128xf32, #tpu.memory_space<vmem_shared>>
        tpu.enqueue_dma source(%arg11 : memref<64x128xf32, #tpu.memory_space<vmem>>) target(%dma_start3A_107 : memref<64x128xf32, #tpu.memory_space<vmem_shared>>) target_semaphore(%run_scoped3A_103 : memref<!tpu.dma_semaphore, #tpu.memory_space<semaphore_mem>>)
        %dma_wait3A = arith.constant 0 : i32
        %dma_wait3A_108 = tpu.memref_slice %arg13[%add3A, %dma_wait3A] : memref<5072x128xf32, #tpu.memory_space<vmem_shared>> -> memref<64x128xf32, #tpu.memory_space<vmem_shared>>
        %dma_wait3A_109 = arith.constant 0 : i32
        %dma_wait3A_110 = tpu.memref_slice %arg13[%add3A, %dma_wait3A_109] : memref<5072x128xf32, #tpu.memory_space<vmem_shared>> -> memref<64x128xf32, #tpu.memory_space<vmem_shared>>
        tpu.wait_dma2 semaphore(%run_scoped3A_103 : memref<!tpu.dma_semaphore, #tpu.memory_space<semaphore_mem>>) src(%arg11 : memref<64x128xf32, #tpu.memory_space<vmem>>) dst(%dma_wait3A_110 : memref<64x128xf32, #tpu.memory_space<vmem_shared>>)
        tpu.yield
      }) : () -> ()
    }
    %barrier3A = arith.constant 0 : index
    tpu.barrier barrier_id(%barrier3A)
    %dma_start3A = arith.constant 0 : i32
    %dma_start3A_17 = arith.constant 0 : i32
    %dma_start3A_18 = tpu.memref_slice %arg7[%dma_start3A, %dma_start3A_17] : memref<160x128xi32, #tpu.memory_space<vmem>> -> memref<1x128xi32, #tpu.memory_space<vmem>>
    %dma_start3A_19 = tpu.memref_squeeze %dma_start3A_18 : memref<1x128xi32, #tpu.memory_space<vmem>> -> memref<128xi32, #tpu.memory_space<vmem>>
    %dma_start3A_20 = arith.constant 0 : i32
    %dma_start3A_21 = arith.constant 0 : i32
    %dma_start3A_22 = tpu.memref_slice %arg2[%dma_start3A_20, %dma_start3A_21] : memref<10112x128xf32, #tpu.memory_space<hbm>> -> memref<10112x128xf32, #tpu.memory_space<hbm>>
    tpu.enqueue_indirect_dma source(%dma_start3A_22 : memref<10112x128xf32, #tpu.memory_space<hbm>>) target(%arg9 : memref<128x128xf32, #tpu.memory_space<vmem>>) offsets(%dma_start3A_19 : memref<128xi32, #tpu.memory_space<vmem>>) semaphore(%arg14 : memref<!tpu.dma_semaphore, #tpu.memory_space<semaphore_mem>>)
    %dma_start3A_23 = arith.constant 1 : i32
    %dma_start3A_24 = arith.constant 0 : i32
    %dma_start3A_25 = tpu.memref_slice %arg7[%dma_start3A_23, %dma_start3A_24] : memref<160x128xi32, #tpu.memory_space<vmem>> -> memref<1x128xi32, #tpu.memory_space<vmem>>
    %dma_start3A_26 = tpu.memref_squeeze %dma_start3A_25 : memref<1x128xi32, #tpu.memory_space<vmem>> -> memref<128xi32, #tpu.memory_space<vmem>>
    %dma_start3A_27 = arith.constant 0 : i32
    %dma_start3A_28 = arith.constant 0 : i32
    %dma_start3A_29 = tpu.memref_slice %arg2[%dma_start3A_27, %dma_start3A_28] : memref<10112x128xf32, #tpu.memory_space<hbm>> -> memref<10112x128xf32, #tpu.memory_space<hbm>>
    tpu.enqueue_indirect_dma source(%dma_start3A_29 : memref<10112x128xf32, #tpu.memory_space<hbm>>) target(%arg10 : memref<128x128xf32, #tpu.memory_space<vmem>>) offsets(%dma_start3A_26 : memref<128xi32, #tpu.memory_space<vmem>>) semaphore(%arg15 : memref<!tpu.dma_semaphore, #tpu.memory_space<semaphore_mem>>)
    %scan3A_30 = arith.constant 0 : i32
    %scan3A_31 = arith.constant 0 : i32
    %scan3A_32 = arith.constant 80 : i32
    %scan3A_33 = arith.addi %scan3A_31, %scan3A_32 : i32
    %scan3A_34 = arith.constant 1 : i32
    scf.for %scan3A_100 = %scan3A_31 to %scan3A_33 step %scan3A_34  : i32 {
      %mul3A_101 = arith.constant 2 : i32
      %mul3A_102 = arith.muli %mul3A_101, %scan3A_100 : i32
      %add3A = arith.constant 0 : i32
      %add3A_103 = arith.addi %mul3A_102, %add3A : i32
      %dma_wait3A = arith.constant 0 : i32
      %dma_wait3A_104 = tpu.memref_slice %arg7[%add3A_103, %dma_wait3A] : memref<160x128xi32, #tpu.memory_space<vmem>> -> memref<1x128xi32, #tpu.memory_space<vmem>>
      %dma_wait3A_105 = tpu.memref_squeeze %dma_wait3A_104 : memref<1x128xi32, #tpu.memory_space<vmem>> -> memref<128xi32, #tpu.memory_space<vmem>>
      %dma_wait3A_106 = arith.constant 0 : i32
      %dma_wait3A_107 = arith.constant 0 : i32
      %dma_wait3A_108 = tpu.memref_slice %arg2[%dma_wait3A_106, %dma_wait3A_107] : memref<10112x128xf32, #tpu.memory_space<hbm>> -> memref<10112x128xf32, #tpu.memory_space<hbm>>
      tpu.wait_indirect_dma semaphore(%arg14 : memref<!tpu.dma_semaphore, #tpu.memory_space<semaphore_mem>>) src(%dma_wait3A_108 : memref<10112x128xf32, #tpu.memory_space<hbm>>) dst(%arg9 : memref<128x128xf32, #tpu.memory_space<vmem>>)
      "tpu.region"() ({
        %run_scoped3A_131 = tpu.sem_alloc : memref<!tpu.dma_semaphore, #tpu.memory_space<semaphore_mem>>
        %dma_start3A_132 = arith.constant 0 : i32
        %dma_start3A_133 = tpu.memref_slice %arg8[%add3A_103, %dma_start3A_132] : memref<160x128xi32, #tpu.memory_space<vmem>> -> memref<1x128xi32, #tpu.memory_space<vmem>>
        %dma_start3A_134 = tpu.memref_squeeze %dma_start3A_133 : memref<1x128xi32, #tpu.memory_space<vmem>> -> memref<128xi32, #tpu.memory_space<vmem>>
        %dma_start3A_135 = arith.constant 0 : i32
        %dma_start3A_136 = arith.constant 0 : i32
        %dma_start3A_137 = tpu.memref_slice %arg13[%dma_start3A_135, %dma_start3A_136] : memref<5072x128xf32, #tpu.memory_space<vmem_shared>> -> memref<5072x128xf32, #tpu.memory_space<vmem_shared>>
        tpu.enqueue_indirect_dma source(%arg9 : memref<128x128xf32, #tpu.memory_space<vmem>>) target(%dma_start3A_137 : memref<5072x128xf32, #tpu.memory_space<vmem_shared>>) offsets(%dma_start3A_134 : memref<128xi32, #tpu.memory_space<vmem>>) semaphore(%run_scoped3A_131 : memref<!tpu.dma_semaphore, #tpu.memory_space<semaphore_mem>>) {add = true}
        %dma_wait3A_138 = arith.constant 0 : i32
        %dma_wait3A_139 = tpu.memref_slice %arg8[%add3A_103, %dma_wait3A_138] : memref<160x128xi32, #tpu.memory_space<vmem>> -> memref<1x128xi32, #tpu.memory_space<vmem>>
        %dma_wait3A_140 = tpu.memref_squeeze %dma_wait3A_139 : memref<1x128xi32, #tpu.memory_space<vmem>> -> memref<128xi32, #tpu.memory_space<vmem>>
        %dma_wait3A_141 = arith.constant 0 : i32
        %dma_wait3A_142 = arith.constant 0 : i32
        %dma_wait3A_143 = tpu.memref_slice %arg13[%dma_wait3A_141, %dma_wait3A_142] : memref<5072x128xf32, #tpu.memory_space<vmem_shared>> -> memref<5072x128xf32, #tpu.memory_space<vmem_shared>>
        tpu.wait_indirect_dma semaphore(%run_scoped3A_131 : memref<!tpu.dma_semaphore, #tpu.memory_space<semaphore_mem>>) src(%arg9 : memref<128x128xf32, #tpu.memory_space<vmem>>) dst(%dma_wait3A_143 : memref<5072x128xf32, #tpu.memory_space<vmem_shared>>)
        tpu.yield
      }) : () -> ()
      %add3A_109 = arith.constant 2 : i32
      %add3A_110 = arith.addi %add3A_103, %add3A_109 : i32
      %lt3A_111 = arith.constant 160 : i32
      %lt3A_112 = arith.cmpi slt, %add3A_110, %lt3A_111 : i32
      %convert_element_type3A = arith.extui %lt3A_112 : i1 to i32
      %cond3A = arith.constant 0 : i32
      %cond3A_113 = arith.cmpi ne, %convert_element_type3A, %cond3A : i32
      scf.if %cond3A_113 {
        %dma_start3A_131 = arith.constant 0 : i32
        %dma_start3A_132 = tpu.memref_slice %arg7[%add3A_110, %dma_start3A_131] : memref<160x128xi32, #tpu.memory_space<vmem>> -> memref<1x128xi32, #tpu.memory_space<vmem>>
        %dma_start3A_133 = tpu.memref_squeeze %dma_start3A_132 : memref<1x128xi32, #tpu.memory_space<vmem>> -> memref<128xi32, #tpu.memory_space<vmem>>
        %dma_start3A_134 = arith.constant 0 : i32
        %dma_start3A_135 = arith.constant 0 : i32
        %dma_start3A_136 = tpu.memref_slice %arg2[%dma_start3A_134, %dma_start3A_135] : memref<10112x128xf32, #tpu.memory_space<hbm>> -> memref<10112x128xf32, #tpu.memory_space<hbm>>
        tpu.enqueue_indirect_dma source(%dma_start3A_136 : memref<10112x128xf32, #tpu.memory_space<hbm>>) target(%arg9 : memref<128x128xf32, #tpu.memory_space<vmem>>) offsets(%dma_start3A_133 : memref<128xi32, #tpu.memory_space<vmem>>) semaphore(%arg14 : memref<!tpu.dma_semaphore, #tpu.memory_space<semaphore_mem>>)
      } else {
      }
      %mul3A_114 = arith.constant 2 : i32
      %mul3A_115 = arith.muli %mul3A_114, %scan3A_100 : i32
      %add3A_116 = arith.constant 1 : i32
      %add3A_117 = arith.addi %mul3A_115, %add3A_116 : i32
      %dma_wait3A_118 = arith.constant 0 : i32
      %dma_wait3A_119 = tpu.memref_slice %arg7[%add3A_117, %dma_wait3A_118] : memref<160x128xi32, #tpu.memory_space<vmem>> -> memref<1x128xi32, #tpu.memory_space<vmem>>
      %dma_wait3A_120 = tpu.memref_squeeze %dma_wait3A_119 : memref<1x128xi32, #tpu.memory_space<vmem>> -> memref<128xi32, #tpu.memory_space<vmem>>
      %dma_wait3A_121 = arith.constant 0 : i32
      %dma_wait3A_122 = arith.constant 0 : i32
      %dma_wait3A_123 = tpu.memref_slice %arg2[%dma_wait3A_121, %dma_wait3A_122] : memref<10112x128xf32, #tpu.memory_space<hbm>> -> memref<10112x128xf32, #tpu.memory_space<hbm>>
      tpu.wait_indirect_dma semaphore(%arg15 : memref<!tpu.dma_semaphore, #tpu.memory_space<semaphore_mem>>) src(%dma_wait3A_123 : memref<10112x128xf32, #tpu.memory_space<hbm>>) dst(%arg10 : memref<128x128xf32, #tpu.memory_space<vmem>>)
      "tpu.region"() ({
        %run_scoped3A_131 = tpu.sem_alloc : memref<!tpu.dma_semaphore, #tpu.memory_space<semaphore_mem>>
        %dma_start3A_132 = arith.constant 0 : i32
        %dma_start3A_133 = tpu.memref_slice %arg8[%add3A_117, %dma_start3A_132] : memref<160x128xi32, #tpu.memory_space<vmem>> -> memref<1x128xi32, #tpu.memory_space<vmem>>
        %dma_start3A_134 = tpu.memref_squeeze %dma_start3A_133 : memref<1x128xi32, #tpu.memory_space<vmem>> -> memref<128xi32, #tpu.memory_space<vmem>>
        %dma_start3A_135 = arith.constant 0 : i32
        %dma_start3A_136 = arith.constant 0 : i32
        %dma_start3A_137 = tpu.memref_slice %arg13[%dma_start3A_135, %dma_start3A_136] : memref<5072x128xf32, #tpu.memory_space<vmem_shared>> -> memref<5072x128xf32, #tpu.memory_space<vmem_shared>>
        tpu.enqueue_indirect_dma source(%arg10 : memref<128x128xf32, #tpu.memory_space<vmem>>) target(%dma_start3A_137 : memref<5072x128xf32, #tpu.memory_space<vmem_shared>>) offsets(%dma_start3A_134 : memref<128xi32, #tpu.memory_space<vmem>>) semaphore(%run_scoped3A_131 : memref<!tpu.dma_semaphore, #tpu.memory_space<semaphore_mem>>) {add = true}
        %dma_wait3A_138 = arith.constant 0 : i32
        %dma_wait3A_139 = tpu.memref_slice %arg8[%add3A_117, %dma_wait3A_138] : memref<160x128xi32, #tpu.memory_space<vmem>> -> memref<1x128xi32, #tpu.memory_space<vmem>>
        %dma_wait3A_140 = tpu.memref_squeeze %dma_wait3A_139 : memref<1x128xi32, #tpu.memory_space<vmem>> -> memref<128xi32, #tpu.memory_space<vmem>>
        %dma_wait3A_141 = arith.constant 0 : i32
        %dma_wait3A_142 = arith.constant 0 : i32
        %dma_wait3A_143 = tpu.memref_slice %arg13[%dma_wait3A_141, %dma_wait3A_142] : memref<5072x128xf32, #tpu.memory_space<vmem_shared>> -> memref<5072x128xf32, #tpu.memory_space<vmem_shared>>
        tpu.wait_indirect_dma semaphore(%run_scoped3A_131 : memref<!tpu.dma_semaphore, #tpu.memory_space<semaphore_mem>>) src(%arg10 : memref<128x128xf32, #tpu.memory_space<vmem>>) dst(%dma_wait3A_143 : memref<5072x128xf32, #tpu.memory_space<vmem_shared>>)
        tpu.yield
      }) : () -> ()
      %add3A_124 = arith.constant 2 : i32
      %add3A_125 = arith.addi %add3A_117, %add3A_124 : i32
      %lt3A_126 = arith.constant 160 : i32
      %lt3A_127 = arith.cmpi slt, %add3A_125, %lt3A_126 : i32
      %convert_element_type3A_128 = arith.extui %lt3A_127 : i1 to i32
      %cond3A_129 = arith.constant 0 : i32
      %cond3A_130 = arith.cmpi ne, %convert_element_type3A_128, %cond3A_129 : i32
      scf.if %cond3A_130 {
        %dma_start3A_131 = arith.constant 0 : i32
        %dma_start3A_132 = tpu.memref_slice %arg7[%add3A_125, %dma_start3A_131] : memref<160x128xi32, #tpu.memory_space<vmem>> -> memref<1x128xi32, #tpu.memory_space<vmem>>
        %dma_start3A_133 = tpu.memref_squeeze %dma_start3A_132 : memref<1x128xi32, #tpu.memory_space<vmem>> -> memref<128xi32, #tpu.memory_space<vmem>>
        %dma_start3A_134 = arith.constant 0 : i32
        %dma_start3A_135 = arith.constant 0 : i32
        %dma_start3A_136 = tpu.memref_slice %arg2[%dma_start3A_134, %dma_start3A_135] : memref<10112x128xf32, #tpu.memory_space<hbm>> -> memref<10112x128xf32, #tpu.memory_space<hbm>>
        tpu.enqueue_indirect_dma source(%dma_start3A_136 : memref<10112x128xf32, #tpu.memory_space<hbm>>) target(%arg10 : memref<128x128xf32, #tpu.memory_space<vmem>>) offsets(%dma_start3A_133 : memref<128xi32, #tpu.memory_space<vmem>>) semaphore(%arg15 : memref<!tpu.dma_semaphore, #tpu.memory_space<semaphore_mem>>)
      } else {
      }
    }
    %scan3A_35 = arith.constant 80 : i32
    %barrier3A_36 = arith.constant 0 : index
    tpu.barrier barrier_id(%barrier3A_36)
    %while3A_37 = arith.constant 0 : i32
    %while3A_38 = arith.constant 0 : i32
    %while3A_39 = arith.constant 0 : i32
    %while3A_40 = arith.subi %select_n3A, %while3A_39 : i32
    %while3A_41 = arith.addi %while3A_39, %while3A_40 : i32
    %while3A_42 = arith.constant 1 : i32
    %while3A_43 = arith.divsi %while3A_40, %while3A_42 : i32
    %while3A_44 = arith.muli %while3A_43, %while3A_42 : i32
    %while3A_45 = arith.addi %while3A_39, %while3A_44 : i32
    %while3A_46 = arith.constant 1 : i32
    scf.for %while3A_100 = %while3A_39 to %while3A_45 step %while3A_46  : i32 {
      %mul3A_101 = arith.constant 64 : i32
      %mul3A_102 = arith.muli %mul3A_101, %while3A_100 : i32
      %add3A = arith.addi %mul3A_7, %mul3A_102 : i32
      "tpu.region"() ({
        %run_scoped3A_109 = tpu.sem_alloc : memref<!tpu.dma_semaphore, #tpu.memory_space<semaphore_mem>>
        %dma_start3A_110 = arith.constant 0 : i32
        %dma_start3A_111 = tpu.memref_slice %arg13[%add3A, %dma_start3A_110] : memref<5072x128xf32, #tpu.memory_space<vmem_shared>> -> memref<64x128xf32, #tpu.memory_space<vmem_shared>>
        %dma_start3A_112 = arith.constant 0 : i32
        %dma_start3A_113 = tpu.memref_slice %arg13[%add3A, %dma_start3A_112] : memref<5072x128xf32, #tpu.memory_space<vmem_shared>> -> memref<64x128xf32, #tpu.memory_space<vmem_shared>>
        tpu.enqueue_dma source(%dma_start3A_113 : memref<64x128xf32, #tpu.memory_space<vmem_shared>>) target(%arg12 : memref<64x128xf32, #tpu.memory_space<vmem>>) target_semaphore(%run_scoped3A_109 : memref<!tpu.dma_semaphore, #tpu.memory_space<semaphore_mem>>)
        %dma_wait3A = arith.constant 0 : i32
        %dma_wait3A_114 = tpu.memref_slice %arg13[%add3A, %dma_wait3A] : memref<5072x128xf32, #tpu.memory_space<vmem_shared>> -> memref<64x128xf32, #tpu.memory_space<vmem_shared>>
        %dma_wait3A_115 = arith.constant 0 : i32
        %dma_wait3A_116 = tpu.memref_slice %arg13[%add3A, %dma_wait3A_115] : memref<5072x128xf32, #tpu.memory_space<vmem_shared>> -> memref<64x128xf32, #tpu.memory_space<vmem_shared>>
        tpu.wait_dma2 semaphore(%run_scoped3A_109 : memref<!tpu.dma_semaphore, #tpu.memory_space<semaphore_mem>>) src(%dma_wait3A_116 : memref<64x128xf32, #tpu.memory_space<vmem_shared>>) dst(%arg12 : memref<64x128xf32, #tpu.memory_space<vmem>>)
        tpu.yield
      }) : () -> ()
      %mul3A_103 = arith.constant 5056 : i32
      %mul3A_104 = arith.muli %arg0, %mul3A_103 : i32
      %add3A_105 = arith.addi %mul3A_104, %mul3A_7 : i32
      %mul3A_106 = arith.constant 64 : i32
      %mul3A_107 = arith.muli %mul3A_106, %while3A_100 : i32
      %add3A_108 = arith.addi %add3A_105, %mul3A_107 : i32
      "tpu.region"() ({
        %run_scoped3A_109 = tpu.sem_alloc : memref<!tpu.dma_semaphore, #tpu.memory_space<semaphore_mem>>
        %dma_start3A_110 = arith.constant 0 : i32
        %dma_start3A_111 = arith.constant 0 : i32
        %dma_start3A_112 = tpu.memref_slice %arg6[%while3A_38, %dma_start3A_110, %dma_start3A_111] : memref<2x10112x128xf32, #tpu.memory_space<hbm>> -> memref<1x10112x128xf32, #tpu.memory_space<hbm>>
        %dma_start3A_113 = tpu.memref_squeeze %dma_start3A_112 : memref<1x10112x128xf32, #tpu.memory_space<hbm>> -> memref<10112x128xf32, #tpu.memory_space<hbm>>
        %dma_start3A_114 = arith.constant 0 : i32
        %dma_start3A_115 = tpu.memref_slice %dma_start3A_113[%add3A_108, %dma_start3A_114] : memref<10112x128xf32, #tpu.memory_space<hbm>> -> memref<64x128xf32, #tpu.memory_space<hbm>>
        %dma_start3A_116 = arith.constant 0 : i32
        %dma_start3A_117 = arith.constant 0 : i32
        %dma_start3A_118 = tpu.memref_slice %arg6[%while3A_38, %dma_start3A_116, %dma_start3A_117] : memref<2x10112x128xf32, #tpu.memory_space<hbm>> -> memref<1x10112x128xf32, #tpu.memory_space<hbm>>
        %dma_start3A_119 = tpu.memref_squeeze %dma_start3A_118 : memref<1x10112x128xf32, #tpu.memory_space<hbm>> -> memref<10112x128xf32, #tpu.memory_space<hbm>>
        %dma_start3A_120 = arith.constant 0 : i32
        %dma_start3A_121 = tpu.memref_slice %dma_start3A_119[%add3A_108, %dma_start3A_120] : memref<10112x128xf32, #tpu.memory_space<hbm>> -> memref<64x128xf32, #tpu.memory_space<hbm>>
        tpu.enqueue_dma source(%arg12 : memref<64x128xf32, #tpu.memory_space<vmem>>) target(%dma_start3A_121 : memref<64x128xf32, #tpu.memory_space<hbm>>) target_semaphore(%run_scoped3A_109 : memref<!tpu.dma_semaphore, #tpu.memory_space<semaphore_mem>>)
        %dma_wait3A = arith.constant 0 : i32
        %dma_wait3A_122 = arith.constant 0 : i32
        %dma_wait3A_123 = tpu.memref_slice %arg6[%while3A_38, %dma_wait3A, %dma_wait3A_122] : memref<2x10112x128xf32, #tpu.memory_space<hbm>> -> memref<1x10112x128xf32, #tpu.memory_space<hbm>>
        %dma_wait3A_124 = tpu.memref_squeeze %dma_wait3A_123 : memref<1x10112x128xf32, #tpu.memory_space<hbm>> -> memref<10112x128xf32, #tpu.memory_space<hbm>>
        %dma_wait3A_125 = arith.constant 0 : i32
        %dma_wait3A_126 = tpu.memref_slice %dma_wait3A_124[%add3A_108, %dma_wait3A_125] : memref<10112x128xf32, #tpu.memory_space<hbm>> -> memref<64x128xf32, #tpu.memory_space<hbm>>
        %dma_wait3A_127 = arith.constant 0 : i32
        %dma_wait3A_128 = arith.constant 0 : i32
        %dma_wait3A_129 = tpu.memref_slice %arg6[%while3A_38, %dma_wait3A_127, %dma_wait3A_128] : memref<2x10112x128xf32, #tpu.memory_space<hbm>> -> memref<1x10112x128xf32, #tpu.memory_space<hbm>>
        %dma_wait3A_130 = tpu.memref_squeeze %dma_wait3A_129 : memref<1x10112x128xf32, #tpu.memory_space<hbm>> -> memref<10112x128xf32, #tpu.memory_space<hbm>>
        %dma_wait3A_131 = arith.constant 0 : i32
        %dma_wait3A_132 = tpu.memref_slice %dma_wait3A_130[%add3A_108, %dma_wait3A_131] : memref<10112x128xf32, #tpu.memory_space<hbm>> -> memref<64x128xf32, #tpu.memory_space<hbm>>
        tpu.wait_dma2 semaphore(%run_scoped3A_109 : memref<!tpu.dma_semaphore, #tpu.memory_space<semaphore_mem>>) src(%arg12 : memref<64x128xf32, #tpu.memory_space<vmem>>) dst(%dma_wait3A_132 : memref<64x128xf32, #tpu.memory_space<hbm>>)
        tpu.yield
      }) : () -> ()
    }
    %while3A_47 = arith.constant 1 : i32
    scf.for %while3A_100 = %while3A_45 to %while3A_41 step %while3A_47  : i32 {
      %mul3A_101 = arith.constant 64 : i32
      %mul3A_102 = arith.muli %mul3A_101, %while3A_100 : i32
      %add3A = arith.addi %mul3A_7, %mul3A_102 : i32
      "tpu.region"() ({
        %run_scoped3A_109 = tpu.sem_alloc : memref<!tpu.dma_semaphore, #tpu.memory_space<semaphore_mem>>
        %dma_start3A_110 = arith.constant 0 : i32
        %dma_start3A_111 = tpu.memref_slice %arg13[%add3A, %dma_start3A_110] : memref<5072x128xf32, #tpu.memory_space<vmem_shared>> -> memref<64x128xf32, #tpu.memory_space<vmem_shared>>
        %dma_start3A_112 = arith.constant 0 : i32
        %dma_start3A_113 = tpu.memref_slice %arg13[%add3A, %dma_start3A_112] : memref<5072x128xf32, #tpu.memory_space<vmem_shared>> -> memref<64x128xf32, #tpu.memory_space<vmem_shared>>
        tpu.enqueue_dma source(%dma_start3A_113 : memref<64x128xf32, #tpu.memory_space<vmem_shared>>) target(%arg12 : memref<64x128xf32, #tpu.memory_space<vmem>>) target_semaphore(%run_scoped3A_109 : memref<!tpu.dma_semaphore, #tpu.memory_space<semaphore_mem>>)
        %dma_wait3A = arith.constant 0 : i32
        %dma_wait3A_114 = tpu.memref_slice %arg13[%add3A, %dma_wait3A] : memref<5072x128xf32, #tpu.memory_space<vmem_shared>> -> memref<64x128xf32, #tpu.memory_space<vmem_shared>>
        %dma_wait3A_115 = arith.constant 0 : i32
        %dma_wait3A_116 = tpu.memref_slice %arg13[%add3A, %dma_wait3A_115] : memref<5072x128xf32, #tpu.memory_space<vmem_shared>> -> memref<64x128xf32, #tpu.memory_space<vmem_shared>>
        tpu.wait_dma2 semaphore(%run_scoped3A_109 : memref<!tpu.dma_semaphore, #tpu.memory_space<semaphore_mem>>) src(%dma_wait3A_116 : memref<64x128xf32, #tpu.memory_space<vmem_shared>>) dst(%arg12 : memref<64x128xf32, #tpu.memory_space<vmem>>)
        tpu.yield
      }) : () -> ()
      %mul3A_103 = arith.constant 5056 : i32
      %mul3A_104 = arith.muli %arg0, %mul3A_103 : i32
      %add3A_105 = arith.addi %mul3A_104, %mul3A_7 : i32
      %mul3A_106 = arith.constant 64 : i32
      %mul3A_107 = arith.muli %mul3A_106, %while3A_100 : i32
      %add3A_108 = arith.addi %add3A_105, %mul3A_107 : i32
      "tpu.region"() ({
        %run_scoped3A_109 = tpu.sem_alloc : memref<!tpu.dma_semaphore, #tpu.memory_space<semaphore_mem>>
        %dma_start3A_110 = arith.constant 0 : i32
        %dma_start3A_111 = arith.constant 0 : i32
        %dma_start3A_112 = tpu.memref_slice %arg6[%while3A_38, %dma_start3A_110, %dma_start3A_111] : memref<2x10112x128xf32, #tpu.memory_space<hbm>> -> memref<1x10112x128xf32, #tpu.memory_space<hbm>>
        %dma_start3A_113 = tpu.memref_squeeze %dma_start3A_112 : memref<1x10112x128xf32, #tpu.memory_space<hbm>> -> memref<10112x128xf32, #tpu.memory_space<hbm>>
        %dma_start3A_114 = arith.constant 0 : i32
        %dma_start3A_115 = tpu.memref_slice %dma_start3A_113[%add3A_108, %dma_start3A_114] : memref<10112x128xf32, #tpu.memory_space<hbm>> -> memref<64x128xf32, #tpu.memory_space<hbm>>
        %dma_start3A_116 = arith.constant 0 : i32
        %dma_start3A_117 = arith.constant 0 : i32
        %dma_start3A_118 = tpu.memref_slice %arg6[%while3A_38, %dma_start3A_116, %dma_start3A_117] : memref<2x10112x128xf32, #tpu.memory_space<hbm>> -> memref<1x10112x128xf32, #tpu.memory_space<hbm>>
        %dma_start3A_119 = tpu.memref_squeeze %dma_start3A_118 : memref<1x10112x128xf32, #tpu.memory_space<hbm>> -> memref<10112x128xf32, #tpu.memory_space<hbm>>
        %dma_start3A_120 = arith.constant 0 : i32
        %dma_start3A_121 = tpu.memref_slice %dma_start3A_119[%add3A_108, %dma_start3A_120] : memref<10112x128xf32, #tpu.memory_space<hbm>> -> memref<64x128xf32, #tpu.memory_space<hbm>>
        tpu.enqueue_dma source(%arg12 : memref<64x128xf32, #tpu.memory_space<vmem>>) target(%dma_start3A_121 : memref<64x128xf32, #tpu.memory_space<hbm>>) target_semaphore(%run_scoped3A_109 : memref<!tpu.dma_semaphore, #tpu.memory_space<semaphore_mem>>)
        %dma_wait3A = arith.constant 0 : i32
        %dma_wait3A_122 = arith.constant 0 : i32
        %dma_wait3A_123 = tpu.memref_slice %arg6[%while3A_38, %dma_wait3A, %dma_wait3A_122] : memref<2x10112x128xf32, #tpu.memory_space<hbm>> -> memref<1x10112x128xf32, #tpu.memory_space<hbm>>
        %dma_wait3A_124 = tpu.memref_squeeze %dma_wait3A_123 : memref<1x10112x128xf32, #tpu.memory_space<hbm>> -> memref<10112x128xf32, #tpu.memory_space<hbm>>
        %dma_wait3A_125 = arith.constant 0 : i32
        %dma_wait3A_126 = tpu.memref_slice %dma_wait3A_124[%add3A_108, %dma_wait3A_125] : memref<10112x128xf32, #tpu.memory_space<hbm>> -> memref<64x128xf32, #tpu.memory_space<hbm>>
        %dma_wait3A_127 = arith.constant 0 : i32
        %dma_wait3A_128 = arith.constant 0 : i32
        %dma_wait3A_129 = tpu.memref_slice %arg6[%while3A_38, %dma_wait3A_127, %dma_wait3A_128] : memref<2x10112x128xf32, #tpu.memory_space<hbm>> -> memref<1x10112x128xf32, #tpu.memory_space<hbm>>
        %dma_wait3A_130 = tpu.memref_squeeze %dma_wait3A_129 : memref<1x10112x128xf32, #tpu.memory_space<hbm>> -> memref<10112x128xf32, #tpu.memory_space<hbm>>
        %dma_wait3A_131 = arith.constant 0 : i32
        %dma_wait3A_132 = tpu.memref_slice %dma_wait3A_130[%add3A_108, %dma_wait3A_131] : memref<10112x128xf32, #tpu.memory_space<hbm>> -> memref<64x128xf32, #tpu.memory_space<hbm>>
        tpu.wait_dma2 semaphore(%run_scoped3A_109 : memref<!tpu.dma_semaphore, #tpu.memory_space<semaphore_mem>>) src(%arg12 : memref<64x128xf32, #tpu.memory_space<vmem>>) dst(%dma_wait3A_132 : memref<64x128xf32, #tpu.memory_space<hbm>>)
        tpu.yield
      }) : () -> ()
    }
    %barrier3A_48 = arith.constant 0 : index
    tpu.barrier barrier_id(%barrier3A_48)
    %lt3A_49 = arith.constant 15 : i32
    %lt3A_50 = arith.cmpi slt, %arg1, %lt3A_49 : i32
    %jit3A_51 = arith.constant 5 : i32
    %jit3A_52 = arith.constant 4 : i32
    %select_n3A_53 = arith.select %lt3A_50, %jit3A_51, %jit3A_52 : i32
    %mul3A_54 = arith.constant 320 : i32
    %mul3A_55 = arith.muli %arg1, %mul3A_54 : i32
    %while3A_56 = arith.constant 0 : i32
    %while3A_57 = arith.constant 0 : i32
    %while3A_58 = arith.subi %select_n3A_53, %while3A_57 : i32
    %while3A_59 = arith.addi %while3A_57, %while3A_58 : i32
    %while3A_60 = arith.constant 1 : i32
    %while3A_61 = arith.divsi %while3A_58, %while3A_60 : i32
    %while3A_62 = arith.muli %while3A_61, %while3A_60 : i32
    %while3A_63 = arith.addi %while3A_57, %while3A_62 : i32
    %while3A_64 = arith.constant 1 : i32
    scf.for %while3A_100 = %while3A_57 to %while3A_63 step %while3A_64  : i32 {
      %mul3A_101 = arith.constant 64 : i32
      %mul3A_102 = arith.muli %mul3A_101, %while3A_100 : i32
      %add3A = arith.addi %mul3A_55, %mul3A_102 : i32
      "tpu.region"() ({
        %run_scoped3A_103 = tpu.sem_alloc : memref<!tpu.dma_semaphore, #tpu.memory_space<semaphore_mem>>
        %dma_start3A_104 = arith.constant 0 : i32
        %dma_start3A_105 = tpu.memref_slice %arg13[%add3A, %dma_start3A_104] : memref<5072x128xf32, #tpu.memory_space<vmem_shared>> -> memref<64x128xf32, #tpu.memory_space<vmem_shared>>
        %dma_start3A_106 = arith.constant 0 : i32
        %dma_start3A_107 = tpu.memref_slice %arg13[%add3A, %dma_start3A_106] : memref<5072x128xf32, #tpu.memory_space<vmem_shared>> -> memref<64x128xf32, #tpu.memory_space<vmem_shared>>
        tpu.enqueue_dma source(%arg11 : memref<64x128xf32, #tpu.memory_space<vmem>>) target(%dma_start3A_107 : memref<64x128xf32, #tpu.memory_space<vmem_shared>>) target_semaphore(%run_scoped3A_103 : memref<!tpu.dma_semaphore, #tpu.memory_space<semaphore_mem>>)
        %dma_wait3A = arith.constant 0 : i32
        %dma_wait3A_108 = tpu.memref_slice %arg13[%add3A, %dma_wait3A] : memref<5072x128xf32, #tpu.memory_space<vmem_shared>> -> memref<64x128xf32, #tpu.memory_space<vmem_shared>>
        %dma_wait3A_109 = arith.constant 0 : i32
        %dma_wait3A_110 = tpu.memref_slice %arg13[%add3A, %dma_wait3A_109] : memref<5072x128xf32, #tpu.memory_space<vmem_shared>> -> memref<64x128xf32, #tpu.memory_space<vmem_shared>>
        tpu.wait_dma2 semaphore(%run_scoped3A_103 : memref<!tpu.dma_semaphore, #tpu.memory_space<semaphore_mem>>) src(%arg11 : memref<64x128xf32, #tpu.memory_space<vmem>>) dst(%dma_wait3A_110 : memref<64x128xf32, #tpu.memory_space<vmem_shared>>)
        tpu.yield
      }) : () -> ()
    }
    %while3A_65 = arith.constant 1 : i32
    scf.for %while3A_100 = %while3A_63 to %while3A_59 step %while3A_65  : i32 {
      %mul3A_101 = arith.constant 64 : i32
      %mul3A_102 = arith.muli %mul3A_101, %while3A_100 : i32
      %add3A = arith.addi %mul3A_55, %mul3A_102 : i32
      "tpu.region"() ({
        %run_scoped3A_103 = tpu.sem_alloc : memref<!tpu.dma_semaphore, #tpu.memory_space<semaphore_mem>>
        %dma_start3A_104 = arith.constant 0 : i32
        %dma_start3A_105 = tpu.memref_slice %arg13[%add3A, %dma_start3A_104] : memref<5072x128xf32, #tpu.memory_space<vmem_shared>> -> memref<64x128xf32, #tpu.memory_space<vmem_shared>>
        %dma_start3A_106 = arith.constant 0 : i32
        %dma_start3A_107 = tpu.memref_slice %arg13[%add3A, %dma_start3A_106] : memref<5072x128xf32, #tpu.memory_space<vmem_shared>> -> memref<64x128xf32, #tpu.memory_space<vmem_shared>>
        tpu.enqueue_dma source(%arg11 : memref<64x128xf32, #tpu.memory_space<vmem>>) target(%dma_start3A_107 : memref<64x128xf32, #tpu.memory_space<vmem_shared>>) target_semaphore(%run_scoped3A_103 : memref<!tpu.dma_semaphore, #tpu.memory_space<semaphore_mem>>)
        %dma_wait3A = arith.constant 0 : i32
        %dma_wait3A_108 = tpu.memref_slice %arg13[%add3A, %dma_wait3A] : memref<5072x128xf32, #tpu.memory_space<vmem_shared>> -> memref<64x128xf32, #tpu.memory_space<vmem_shared>>
        %dma_wait3A_109 = arith.constant 0 : i32
        %dma_wait3A_110 = tpu.memref_slice %arg13[%add3A, %dma_wait3A_109] : memref<5072x128xf32, #tpu.memory_space<vmem_shared>> -> memref<64x128xf32, #tpu.memory_space<vmem_shared>>
        tpu.wait_dma2 semaphore(%run_scoped3A_103 : memref<!tpu.dma_semaphore, #tpu.memory_space<semaphore_mem>>) src(%arg11 : memref<64x128xf32, #tpu.memory_space<vmem>>) dst(%dma_wait3A_110 : memref<64x128xf32, #tpu.memory_space<vmem_shared>>)
        tpu.yield
      }) : () -> ()
    }
    %barrier3A_66 = arith.constant 0 : index
    tpu.barrier barrier_id(%barrier3A_66)
    %dma_start3A_67 = arith.constant 0 : i32
    %dma_start3A_68 = arith.constant 0 : i32
    %dma_start3A_69 = tpu.memref_slice %arg7[%dma_start3A_67, %dma_start3A_68] : memref<160x128xi32, #tpu.memory_space<vmem>> -> memref<1x128xi32, #tpu.memory_space<vmem>>
    %dma_start3A_70 = tpu.memref_squeeze %dma_start3A_69 : memref<1x128xi32, #tpu.memory_space<vmem>> -> memref<128xi32, #tpu.memory_space<vmem>>
    %dma_start3A_71 = arith.constant 0 : i32
    %dma_start3A_72 = arith.constant 0 : i32
    %dma_start3A_73 = tpu.memref_slice %arg3[%dma_start3A_71, %dma_start3A_72] : memref<10112x128xf32, #tpu.memory_space<hbm>> -> memref<10112x128xf32, #tpu.memory_space<hbm>>
    tpu.enqueue_indirect_dma source(%dma_start3A_73 : memref<10112x128xf32, #tpu.memory_space<hbm>>) target(%arg9 : memref<128x128xf32, #tpu.memory_space<vmem>>) offsets(%dma_start3A_70 : memref<128xi32, #tpu.memory_space<vmem>>) semaphore(%arg14 : memref<!tpu.dma_semaphore, #tpu.memory_space<semaphore_mem>>)
    %dma_start3A_74 = arith.constant 1 : i32
    %dma_start3A_75 = arith.constant 0 : i32
    %dma_start3A_76 = tpu.memref_slice %arg7[%dma_start3A_74, %dma_start3A_75] : memref<160x128xi32, #tpu.memory_space<vmem>> -> memref<1x128xi32, #tpu.memory_space<vmem>>
    %dma_start3A_77 = tpu.memref_squeeze %dma_start3A_76 : memref<1x128xi32, #tpu.memory_space<vmem>> -> memref<128xi32, #tpu.memory_space<vmem>>
    %dma_start3A_78 = arith.constant 0 : i32
    %dma_start3A_79 = arith.constant 0 : i32
    %dma_start3A_80 = tpu.memref_slice %arg3[%dma_start3A_78, %dma_start3A_79] : memref<10112x128xf32, #tpu.memory_space<hbm>> -> memref<10112x128xf32, #tpu.memory_space<hbm>>
    tpu.enqueue_indirect_dma source(%dma_start3A_80 : memref<10112x128xf32, #tpu.memory_space<hbm>>) target(%arg10 : memref<128x128xf32, #tpu.memory_space<vmem>>) offsets(%dma_start3A_77 : memref<128xi32, #tpu.memory_space<vmem>>) semaphore(%arg15 : memref<!tpu.dma_semaphore, #tpu.memory_space<semaphore_mem>>)
    %scan3A_81 = arith.constant 0 : i32
    %scan3A_82 = arith.constant 0 : i32
    %scan3A_83 = arith.constant 80 : i32
    %scan3A_84 = arith.addi %scan3A_82, %scan3A_83 : i32
    %scan3A_85 = arith.constant 1 : i32
    scf.for %scan3A_100 = %scan3A_82 to %scan3A_84 step %scan3A_85  : i32 {
      %mul3A_101 = arith.constant 2 : i32
      %mul3A_102 = arith.muli %mul3A_101, %scan3A_100 : i32
      %add3A = arith.constant 0 : i32
      %add3A_103 = arith.addi %mul3A_102, %add3A : i32
      %dma_wait3A = arith.constant 0 : i32
      %dma_wait3A_104 = tpu.memref_slice %arg7[%add3A_103, %dma_wait3A] : memref<160x128xi32, #tpu.memory_space<vmem>> -> memref<1x128xi32, #tpu.memory_space<vmem>>
      %dma_wait3A_105 = tpu.memref_squeeze %dma_wait3A_104 : memref<1x128xi32, #tpu.memory_space<vmem>> -> memref<128xi32, #tpu.memory_space<vmem>>
      %dma_wait3A_106 = arith.constant 0 : i32
      %dma_wait3A_107 = arith.constant 0 : i32
      %dma_wait3A_108 = tpu.memref_slice %arg3[%dma_wait3A_106, %dma_wait3A_107] : memref<10112x128xf32, #tpu.memory_space<hbm>> -> memref<10112x128xf32, #tpu.memory_space<hbm>>
      tpu.wait_indirect_dma semaphore(%arg14 : memref<!tpu.dma_semaphore, #tpu.memory_space<semaphore_mem>>) src(%dma_wait3A_108 : memref<10112x128xf32, #tpu.memory_space<hbm>>) dst(%arg9 : memref<128x128xf32, #tpu.memory_space<vmem>>)
      "tpu.region"() ({
        %run_scoped3A_131 = tpu.sem_alloc : memref<!tpu.dma_semaphore, #tpu.memory_space<semaphore_mem>>
        %dma_start3A_132 = arith.constant 0 : i32
        %dma_start3A_133 = tpu.memref_slice %arg8[%add3A_103, %dma_start3A_132] : memref<160x128xi32, #tpu.memory_space<vmem>> -> memref<1x128xi32, #tpu.memory_space<vmem>>
        %dma_start3A_134 = tpu.memref_squeeze %dma_start3A_133 : memref<1x128xi32, #tpu.memory_space<vmem>> -> memref<128xi32, #tpu.memory_space<vmem>>
        %dma_start3A_135 = arith.constant 0 : i32
        %dma_start3A_136 = arith.constant 0 : i32
        %dma_start3A_137 = tpu.memref_slice %arg13[%dma_start3A_135, %dma_start3A_136] : memref<5072x128xf32, #tpu.memory_space<vmem_shared>> -> memref<5072x128xf32, #tpu.memory_space<vmem_shared>>
        tpu.enqueue_indirect_dma source(%arg9 : memref<128x128xf32, #tpu.memory_space<vmem>>) target(%dma_start3A_137 : memref<5072x128xf32, #tpu.memory_space<vmem_shared>>) offsets(%dma_start3A_134 : memref<128xi32, #tpu.memory_space<vmem>>) semaphore(%run_scoped3A_131 : memref<!tpu.dma_semaphore, #tpu.memory_space<semaphore_mem>>) {add = true}
        %dma_wait3A_138 = arith.constant 0 : i32
        %dma_wait3A_139 = tpu.memref_slice %arg8[%add3A_103, %dma_wait3A_138] : memref<160x128xi32, #tpu.memory_space<vmem>> -> memref<1x128xi32, #tpu.memory_space<vmem>>
        %dma_wait3A_140 = tpu.memref_squeeze %dma_wait3A_139 : memref<1x128xi32, #tpu.memory_space<vmem>> -> memref<128xi32, #tpu.memory_space<vmem>>
        %dma_wait3A_141 = arith.constant 0 : i32
        %dma_wait3A_142 = arith.constant 0 : i32
        %dma_wait3A_143 = tpu.memref_slice %arg13[%dma_wait3A_141, %dma_wait3A_142] : memref<5072x128xf32, #tpu.memory_space<vmem_shared>> -> memref<5072x128xf32, #tpu.memory_space<vmem_shared>>
        tpu.wait_indirect_dma semaphore(%run_scoped3A_131 : memref<!tpu.dma_semaphore, #tpu.memory_space<semaphore_mem>>) src(%arg9 : memref<128x128xf32, #tpu.memory_space<vmem>>) dst(%dma_wait3A_143 : memref<5072x128xf32, #tpu.memory_space<vmem_shared>>)
        tpu.yield
      }) : () -> ()
      %add3A_109 = arith.constant 2 : i32
      %add3A_110 = arith.addi %add3A_103, %add3A_109 : i32
      %lt3A_111 = arith.constant 160 : i32
      %lt3A_112 = arith.cmpi slt, %add3A_110, %lt3A_111 : i32
      %convert_element_type3A = arith.extui %lt3A_112 : i1 to i32
      %cond3A = arith.constant 0 : i32
      %cond3A_113 = arith.cmpi ne, %convert_element_type3A, %cond3A : i32
      scf.if %cond3A_113 {
        %dma_start3A_131 = arith.constant 0 : i32
        %dma_start3A_132 = tpu.memref_slice %arg7[%add3A_110, %dma_start3A_131] : memref<160x128xi32, #tpu.memory_space<vmem>> -> memref<1x128xi32, #tpu.memory_space<vmem>>
        %dma_start3A_133 = tpu.memref_squeeze %dma_start3A_132 : memref<1x128xi32, #tpu.memory_space<vmem>> -> memref<128xi32, #tpu.memory_space<vmem>>
        %dma_start3A_134 = arith.constant 0 : i32
        %dma_start3A_135 = arith.constant 0 : i32
        %dma_start3A_136 = tpu.memref_slice %arg3[%dma_start3A_134, %dma_start3A_135] : memref<10112x128xf32, #tpu.memory_space<hbm>> -> memref<10112x128xf32, #tpu.memory_space<hbm>>
        tpu.enqueue_indirect_dma source(%dma_start3A_136 : memref<10112x128xf32, #tpu.memory_space<hbm>>) target(%arg9 : memref<128x128xf32, #tpu.memory_space<vmem>>) offsets(%dma_start3A_133 : memref<128xi32, #tpu.memory_space<vmem>>) semaphore(%arg14 : memref<!tpu.dma_semaphore, #tpu.memory_space<semaphore_mem>>)
      } else {
      }
      %mul3A_114 = arith.constant 2 : i32
      %mul3A_115 = arith.muli %mul3A_114, %scan3A_100 : i32
      %add3A_116 = arith.constant 1 : i32
      %add3A_117 = arith.addi %mul3A_115, %add3A_116 : i32
      %dma_wait3A_118 = arith.constant 0 : i32
      %dma_wait3A_119 = tpu.memref_slice %arg7[%add3A_117, %dma_wait3A_118] : memref<160x128xi32, #tpu.memory_space<vmem>> -> memref<1x128xi32, #tpu.memory_space<vmem>>
      %dma_wait3A_120 = tpu.memref_squeeze %dma_wait3A_119 : memref<1x128xi32, #tpu.memory_space<vmem>> -> memref<128xi32, #tpu.memory_space<vmem>>
      %dma_wait3A_121 = arith.constant 0 : i32
      %dma_wait3A_122 = arith.constant 0 : i32
      %dma_wait3A_123 = tpu.memref_slice %arg3[%dma_wait3A_121, %dma_wait3A_122] : memref<10112x128xf32, #tpu.memory_space<hbm>> -> memref<10112x128xf32, #tpu.memory_space<hbm>>
      tpu.wait_indirect_dma semaphore(%arg15 : memref<!tpu.dma_semaphore, #tpu.memory_space<semaphore_mem>>) src(%dma_wait3A_123 : memref<10112x128xf32, #tpu.memory_space<hbm>>) dst(%arg10 : memref<128x128xf32, #tpu.memory_space<vmem>>)
      "tpu.region"() ({
        %run_scoped3A_131 = tpu.sem_alloc : memref<!tpu.dma_semaphore, #tpu.memory_space<semaphore_mem>>
        %dma_start3A_132 = arith.constant 0 : i32
        %dma_start3A_133 = tpu.memref_slice %arg8[%add3A_117, %dma_start3A_132] : memref<160x128xi32, #tpu.memory_space<vmem>> -> memref<1x128xi32, #tpu.memory_space<vmem>>
        %dma_start3A_134 = tpu.memref_squeeze %dma_start3A_133 : memref<1x128xi32, #tpu.memory_space<vmem>> -> memref<128xi32, #tpu.memory_space<vmem>>
        %dma_start3A_135 = arith.constant 0 : i32
        %dma_start3A_136 = arith.constant 0 : i32
        %dma_start3A_137 = tpu.memref_slice %arg13[%dma_start3A_135, %dma_start3A_136] : memref<5072x128xf32, #tpu.memory_space<vmem_shared>> -> memref<5072x128xf32, #tpu.memory_space<vmem_shared>>
        tpu.enqueue_indirect_dma source(%arg10 : memref<128x128xf32, #tpu.memory_space<vmem>>) target(%dma_start3A_137 : memref<5072x128xf32, #tpu.memory_space<vmem_shared>>) offsets(%dma_start3A_134 : memref<128xi32, #tpu.memory_space<vmem>>) semaphore(%run_scoped3A_131 : memref<!tpu.dma_semaphore, #tpu.memory_space<semaphore_mem>>) {add = true}
        %dma_wait3A_138 = arith.constant 0 : i32
        %dma_wait3A_139 = tpu.memref_slice %arg8[%add3A_117, %dma_wait3A_138] : memref<160x128xi32, #tpu.memory_space<vmem>> -> memref<1x128xi32, #tpu.memory_space<vmem>>
        %dma_wait3A_140 = tpu.memref_squeeze %dma_wait3A_139 : memref<1x128xi32, #tpu.memory_space<vmem>> -> memref<128xi32, #tpu.memory_space<vmem>>
        %dma_wait3A_141 = arith.constant 0 : i32
        %dma_wait3A_142 = arith.constant 0 : i32
        %dma_wait3A_143 = tpu.memref_slice %arg13[%dma_wait3A_141, %dma_wait3A_142] : memref<5072x128xf32, #tpu.memory_space<vmem_shared>> -> memref<5072x128xf32, #tpu.memory_space<vmem_shared>>
        tpu.wait_indirect_dma semaphore(%run_scoped3A_131 : memref<!tpu.dma_semaphore, #tpu.memory_space<semaphore_mem>>) src(%arg10 : memref<128x128xf32, #tpu.memory_space<vmem>>) dst(%dma_wait3A_143 : memref<5072x128xf32, #tpu.memory_space<vmem_shared>>)
        tpu.yield
      }) : () -> ()
      %add3A_124 = arith.constant 2 : i32
      %add3A_125 = arith.addi %add3A_117, %add3A_124 : i32
      %lt3A_126 = arith.constant 160 : i32
      %lt3A_127 = arith.cmpi slt, %add3A_125, %lt3A_126 : i32
      %convert_element_type3A_128 = arith.extui %lt3A_127 : i1 to i32
      %cond3A_129 = arith.constant 0 : i32
      %cond3A_130 = arith.cmpi ne, %convert_element_type3A_128, %cond3A_129 : i32
      scf.if %cond3A_130 {
        %dma_start3A_131 = arith.constant 0 : i32
        %dma_start3A_132 = tpu.memref_slice %arg7[%add3A_125, %dma_start3A_131] : memref<160x128xi32, #tpu.memory_space<vmem>> -> memref<1x128xi32, #tpu.memory_space<vmem>>
        %dma_start3A_133 = tpu.memref_squeeze %dma_start3A_132 : memref<1x128xi32, #tpu.memory_space<vmem>> -> memref<128xi32, #tpu.memory_space<vmem>>
        %dma_start3A_134 = arith.constant 0 : i32
        %dma_start3A_135 = arith.constant 0 : i32
        %dma_start3A_136 = tpu.memref_slice %arg3[%dma_start3A_134, %dma_start3A_135] : memref<10112x128xf32, #tpu.memory_space<hbm>> -> memref<10112x128xf32, #tpu.memory_space<hbm>>
        tpu.enqueue_indirect_dma source(%dma_start3A_136 : memref<10112x128xf32, #tpu.memory_space<hbm>>) target(%arg10 : memref<128x128xf32, #tpu.memory_space<vmem>>) offsets(%dma_start3A_133 : memref<128xi32, #tpu.memory_space<vmem>>) semaphore(%arg15 : memref<!tpu.dma_semaphore, #tpu.memory_space<semaphore_mem>>)
      } else {
      }
    }
    %scan3A_86 = arith.constant 80 : i32
    %barrier3A_87 = arith.constant 0 : index
    tpu.barrier barrier_id(%barrier3A_87)
    %while3A_88 = arith.constant 0 : i32
    %while3A_89 = arith.constant 1 : i32
    %while3A_90 = arith.constant 0 : i32
    %while3A_91 = arith.subi %select_n3A_53, %while3A_90 : i32
    %while3A_92 = arith.addi %while3A_90, %while3A_91 : i32
    %while3A_93 = arith.constant 1 : i32
    %while3A_94 = arith.divsi %while3A_91, %while3A_93 : i32
    %while3A_95 = arith.muli %while3A_94, %while3A_93 : i32
    %while3A_96 = arith.addi %while3A_90, %while3A_95 : i32
    %while3A_97 = arith.constant 1 : i32
    scf.for %while3A_100 = %while3A_90 to %while3A_96 step %while3A_97  : i32 {
      %mul3A_101 = arith.constant 64 : i32
      %mul3A_102 = arith.muli %mul3A_101, %while3A_100 : i32
      %add3A = arith.addi %mul3A_55, %mul3A_102 : i32
      "tpu.region"() ({
        %run_scoped3A_109 = tpu.sem_alloc : memref<!tpu.dma_semaphore, #tpu.memory_space<semaphore_mem>>
        %dma_start3A_110 = arith.constant 0 : i32
        %dma_start3A_111 = tpu.memref_slice %arg13[%add3A, %dma_start3A_110] : memref<5072x128xf32, #tpu.memory_space<vmem_shared>> -> memref<64x128xf32, #tpu.memory_space<vmem_shared>>
        %dma_start3A_112 = arith.constant 0 : i32
        %dma_start3A_113 = tpu.memref_slice %arg13[%add3A, %dma_start3A_112] : memref<5072x128xf32, #tpu.memory_space<vmem_shared>> -> memref<64x128xf32, #tpu.memory_space<vmem_shared>>
        tpu.enqueue_dma source(%dma_start3A_113 : memref<64x128xf32, #tpu.memory_space<vmem_shared>>) target(%arg12 : memref<64x128xf32, #tpu.memory_space<vmem>>) target_semaphore(%run_scoped3A_109 : memref<!tpu.dma_semaphore, #tpu.memory_space<semaphore_mem>>)
        %dma_wait3A = arith.constant 0 : i32
        %dma_wait3A_114 = tpu.memref_slice %arg13[%add3A, %dma_wait3A] : memref<5072x128xf32, #tpu.memory_space<vmem_shared>> -> memref<64x128xf32, #tpu.memory_space<vmem_shared>>
        %dma_wait3A_115 = arith.constant 0 : i32
        %dma_wait3A_116 = tpu.memref_slice %arg13[%add3A, %dma_wait3A_115] : memref<5072x128xf32, #tpu.memory_space<vmem_shared>> -> memref<64x128xf32, #tpu.memory_space<vmem_shared>>
        tpu.wait_dma2 semaphore(%run_scoped3A_109 : memref<!tpu.dma_semaphore, #tpu.memory_space<semaphore_mem>>) src(%dma_wait3A_116 : memref<64x128xf32, #tpu.memory_space<vmem_shared>>) dst(%arg12 : memref<64x128xf32, #tpu.memory_space<vmem>>)
        tpu.yield
      }) : () -> ()
      %mul3A_103 = arith.constant 5056 : i32
      %mul3A_104 = arith.muli %arg0, %mul3A_103 : i32
      %add3A_105 = arith.addi %mul3A_104, %mul3A_55 : i32
      %mul3A_106 = arith.constant 64 : i32
      %mul3A_107 = arith.muli %mul3A_106, %while3A_100 : i32
      %add3A_108 = arith.addi %add3A_105, %mul3A_107 : i32
      "tpu.region"() ({
        %run_scoped3A_109 = tpu.sem_alloc : memref<!tpu.dma_semaphore, #tpu.memory_space<semaphore_mem>>
        %dma_start3A_110 = arith.constant 0 : i32
        %dma_start3A_111 = arith.constant 0 : i32
        %dma_start3A_112 = tpu.memref_slice %arg6[%while3A_89, %dma_start3A_110, %dma_start3A_111] : memref<2x10112x128xf32, #tpu.memory_space<hbm>> -> memref<1x10112x128xf32, #tpu.memory_space<hbm>>
        %dma_start3A_113 = tpu.memref_squeeze %dma_start3A_112 : memref<1x10112x128xf32, #tpu.memory_space<hbm>> -> memref<10112x128xf32, #tpu.memory_space<hbm>>
        %dma_start3A_114 = arith.constant 0 : i32
        %dma_start3A_115 = tpu.memref_slice %dma_start3A_113[%add3A_108, %dma_start3A_114] : memref<10112x128xf32, #tpu.memory_space<hbm>> -> memref<64x128xf32, #tpu.memory_space<hbm>>
        %dma_start3A_116 = arith.constant 0 : i32
        %dma_start3A_117 = arith.constant 0 : i32
        %dma_start3A_118 = tpu.memref_slice %arg6[%while3A_89, %dma_start3A_116, %dma_start3A_117] : memref<2x10112x128xf32, #tpu.memory_space<hbm>> -> memref<1x10112x128xf32, #tpu.memory_space<hbm>>
        %dma_start3A_119 = tpu.memref_squeeze %dma_start3A_118 : memref<1x10112x128xf32, #tpu.memory_space<hbm>> -> memref<10112x128xf32, #tpu.memory_space<hbm>>
        %dma_start3A_120 = arith.constant 0 : i32
        %dma_start3A_121 = tpu.memref_slice %dma_start3A_119[%add3A_108, %dma_start3A_120] : memref<10112x128xf32, #tpu.memory_space<hbm>> -> memref<64x128xf32, #tpu.memory_space<hbm>>
        tpu.enqueue_dma source(%arg12 : memref<64x128xf32, #tpu.memory_space<vmem>>) target(%dma_start3A_121 : memref<64x128xf32, #tpu.memory_space<hbm>>) target_semaphore(%run_scoped3A_109 : memref<!tpu.dma_semaphore, #tpu.memory_space<semaphore_mem>>)
        %dma_wait3A = arith.constant 0 : i32
        %dma_wait3A_122 = arith.constant 0 : i32
        %dma_wait3A_123 = tpu.memref_slice %arg6[%while3A_89, %dma_wait3A, %dma_wait3A_122] : memref<2x10112x128xf32, #tpu.memory_space<hbm>> -> memref<1x10112x128xf32, #tpu.memory_space<hbm>>
        %dma_wait3A_124 = tpu.memref_squeeze %dma_wait3A_123 : memref<1x10112x128xf32, #tpu.memory_space<hbm>> -> memref<10112x128xf32, #tpu.memory_space<hbm>>
        %dma_wait3A_125 = arith.constant 0 : i32
        %dma_wait3A_126 = tpu.memref_slice %dma_wait3A_124[%add3A_108, %dma_wait3A_125] : memref<10112x128xf32, #tpu.memory_space<hbm>> -> memref<64x128xf32, #tpu.memory_space<hbm>>
        %dma_wait3A_127 = arith.constant 0 : i32
        %dma_wait3A_128 = arith.constant 0 : i32
        %dma_wait3A_129 = tpu.memref_slice %arg6[%while3A_89, %dma_wait3A_127, %dma_wait3A_128] : memref<2x10112x128xf32, #tpu.memory_space<hbm>> -> memref<1x10112x128xf32, #tpu.memory_space<hbm>>
        %dma_wait3A_130 = tpu.memref_squeeze %dma_wait3A_129 : memref<1x10112x128xf32, #tpu.memory_space<hbm>> -> memref<10112x128xf32, #tpu.memory_space<hbm>>
        %dma_wait3A_131 = arith.constant 0 : i32
        %dma_wait3A_132 = tpu.memref_slice %dma_wait3A_130[%add3A_108, %dma_wait3A_131] : memref<10112x128xf32, #tpu.memory_space<hbm>> -> memref<64x128xf32, #tpu.memory_space<hbm>>
        tpu.wait_dma2 semaphore(%run_scoped3A_109 : memref<!tpu.dma_semaphore, #tpu.memory_space<semaphore_mem>>) src(%arg12 : memref<64x128xf32, #tpu.memory_space<vmem>>) dst(%dma_wait3A_132 : memref<64x128xf32, #tpu.memory_space<hbm>>)
        tpu.yield
      }) : () -> ()
    }
    %while3A_98 = arith.constant 1 : i32
    scf.for %while3A_100 = %while3A_96 to %while3A_92 step %while3A_98  : i32 {
      %mul3A_101 = arith.constant 64 : i32
      %mul3A_102 = arith.muli %mul3A_101, %while3A_100 : i32
      %add3A = arith.addi %mul3A_55, %mul3A_102 : i32
      "tpu.region"() ({
        %run_scoped3A_109 = tpu.sem_alloc : memref<!tpu.dma_semaphore, #tpu.memory_space<semaphore_mem>>
        %dma_start3A_110 = arith.constant 0 : i32
        %dma_start3A_111 = tpu.memref_slice %arg13[%add3A, %dma_start3A_110] : memref<5072x128xf32, #tpu.memory_space<vmem_shared>> -> memref<64x128xf32, #tpu.memory_space<vmem_shared>>
        %dma_start3A_112 = arith.constant 0 : i32
        %dma_start3A_113 = tpu.memref_slice %arg13[%add3A, %dma_start3A_112] : memref<5072x128xf32, #tpu.memory_space<vmem_shared>> -> memref<64x128xf32, #tpu.memory_space<vmem_shared>>
        tpu.enqueue_dma source(%dma_start3A_113 : memref<64x128xf32, #tpu.memory_space<vmem_shared>>) target(%arg12 : memref<64x128xf32, #tpu.memory_space<vmem>>) target_semaphore(%run_scoped3A_109 : memref<!tpu.dma_semaphore, #tpu.memory_space<semaphore_mem>>)
        %dma_wait3A = arith.constant 0 : i32
        %dma_wait3A_114 = tpu.memref_slice %arg13[%add3A, %dma_wait3A] : memref<5072x128xf32, #tpu.memory_space<vmem_shared>> -> memref<64x128xf32, #tpu.memory_space<vmem_shared>>
        %dma_wait3A_115 = arith.constant 0 : i32
        %dma_wait3A_116 = tpu.memref_slice %arg13[%add3A, %dma_wait3A_115] : memref<5072x128xf32, #tpu.memory_space<vmem_shared>> -> memref<64x128xf32, #tpu.memory_space<vmem_shared>>
        tpu.wait_dma2 semaphore(%run_scoped3A_109 : memref<!tpu.dma_semaphore, #tpu.memory_space<semaphore_mem>>) src(%dma_wait3A_116 : memref<64x128xf32, #tpu.memory_space<vmem_shared>>) dst(%arg12 : memref<64x128xf32, #tpu.memory_space<vmem>>)
        tpu.yield
      }) : () -> ()
      %mul3A_103 = arith.constant 5056 : i32
      %mul3A_104 = arith.muli %arg0, %mul3A_103 : i32
      %add3A_105 = arith.addi %mul3A_104, %mul3A_55 : i32
      %mul3A_106 = arith.constant 64 : i32
      %mul3A_107 = arith.muli %mul3A_106, %while3A_100 : i32
      %add3A_108 = arith.addi %add3A_105, %mul3A_107 : i32
      "tpu.region"() ({
        %run_scoped3A_109 = tpu.sem_alloc : memref<!tpu.dma_semaphore, #tpu.memory_space<semaphore_mem>>
        %dma_start3A_110 = arith.constant 0 : i32
        %dma_start3A_111 = arith.constant 0 : i32
        %dma_start3A_112 = tpu.memref_slice %arg6[%while3A_89, %dma_start3A_110, %dma_start3A_111] : memref<2x10112x128xf32, #tpu.memory_space<hbm>> -> memref<1x10112x128xf32, #tpu.memory_space<hbm>>
        %dma_start3A_113 = tpu.memref_squeeze %dma_start3A_112 : memref<1x10112x128xf32, #tpu.memory_space<hbm>> -> memref<10112x128xf32, #tpu.memory_space<hbm>>
        %dma_start3A_114 = arith.constant 0 : i32
        %dma_start3A_115 = tpu.memref_slice %dma_start3A_113[%add3A_108, %dma_start3A_114] : memref<10112x128xf32, #tpu.memory_space<hbm>> -> memref<64x128xf32, #tpu.memory_space<hbm>>
        %dma_start3A_116 = arith.constant 0 : i32
        %dma_start3A_117 = arith.constant 0 : i32
        %dma_start3A_118 = tpu.memref_slice %arg6[%while3A_89, %dma_start3A_116, %dma_start3A_117] : memref<2x10112x128xf32, #tpu.memory_space<hbm>> -> memref<1x10112x128xf32, #tpu.memory_space<hbm>>
        %dma_start3A_119 = tpu.memref_squeeze %dma_start3A_118 : memref<1x10112x128xf32, #tpu.memory_space<hbm>> -> memref<10112x128xf32, #tpu.memory_space<hbm>>
        %dma_start3A_120 = arith.constant 0 : i32
        %dma_start3A_121 = tpu.memref_slice %dma_start3A_119[%add3A_108, %dma_start3A_120] : memref<10112x128xf32, #tpu.memory_space<hbm>> -> memref<64x128xf32, #tpu.memory_space<hbm>>
        tpu.enqueue_dma source(%arg12 : memref<64x128xf32, #tpu.memory_space<vmem>>) target(%dma_start3A_121 : memref<64x128xf32, #tpu.memory_space<hbm>>) target_semaphore(%run_scoped3A_109 : memref<!tpu.dma_semaphore, #tpu.memory_space<semaphore_mem>>)
        %dma_wait3A = arith.constant 0 : i32
        %dma_wait3A_122 = arith.constant 0 : i32
        %dma_wait3A_123 = tpu.memref_slice %arg6[%while3A_89, %dma_wait3A, %dma_wait3A_122] : memref<2x10112x128xf32, #tpu.memory_space<hbm>> -> memref<1x10112x128xf32, #tpu.memory_space<hbm>>
        %dma_wait3A_124 = tpu.memref_squeeze %dma_wait3A_123 : memref<1x10112x128xf32, #tpu.memory_space<hbm>> -> memref<10112x128xf32, #tpu.memory_space<hbm>>
        %dma_wait3A_125 = arith.constant 0 : i32
        %dma_wait3A_126 = tpu.memref_slice %dma_wait3A_124[%add3A_108, %dma_wait3A_125] : memref<10112x128xf32, #tpu.memory_space<hbm>> -> memref<64x128xf32, #tpu.memory_space<hbm>>
        %dma_wait3A_127 = arith.constant 0 : i32
        %dma_wait3A_128 = arith.constant 0 : i32
        %dma_wait3A_129 = tpu.memref_slice %arg6[%while3A_89, %dma_wait3A_127, %dma_wait3A_128] : memref<2x10112x128xf32, #tpu.memory_space<hbm>> -> memref<1x10112x128xf32, #tpu.memory_space<hbm>>
        %dma_wait3A_130 = tpu.memref_squeeze %dma_wait3A_129 : memref<1x10112x128xf32, #tpu.memory_space<hbm>> -> memref<10112x128xf32, #tpu.memory_space<hbm>>
        %dma_wait3A_131 = arith.constant 0 : i32
        %dma_wait3A_132 = tpu.memref_slice %dma_wait3A_130[%add3A_108, %dma_wait3A_131] : memref<10112x128xf32, #tpu.memory_space<hbm>> -> memref<64x128xf32, #tpu.memory_space<hbm>>
        tpu.wait_dma2 semaphore(%run_scoped3A_109 : memref<!tpu.dma_semaphore, #tpu.memory_space<semaphore_mem>>) src(%arg12 : memref<64x128xf32, #tpu.memory_space<vmem>>) dst(%dma_wait3A_132 : memref<64x128xf32, #tpu.memory_space<hbm>>)
        tpu.yield
      }) : () -> ()
    }
    %barrier3A_99 = arith.constant 0 : index
    tpu.barrier barrier_id(%barrier3A_99)
    return
  }
}

#map = affine_map<(d0, d1) -> (0, 0, 0, 0)>
module attributes {stable_mosaic.version = 14 : i64} {
  func.func @_deg_body(%arg0: i32, %arg1: i32, %arg2: memref<2x16x160x128xi32, #tpu.memory_space<hbm>>, %arg3: memref<2x16x1x632xf32, #tpu.memory_space<hbm>>, %arg4: memref<2x16x160x128xi32, #tpu.memory_space<hbm>>, %arg5: memref<160x128xi32, #tpu.memory_space<vmem>>, %arg6: memref<160x128xi32, #tpu.memory_space<vmem>>, %arg7: memref<128xf32, #tpu.memory_space<vmem>>, %arg8: memref<640xf32, #tpu.memory_space<vmem>>, %arg9: memref<10112xf32, #tpu.memory_space<vmem_shared>>) attributes {dimension_semantics = [#tpu.dimension_semantics<core_parallel>, #tpu.dimension_semantics<subcore_parallel>], iteration_bounds = array<i64: 2, 16>, scalar_prefetch = 0 : i64, scratch_operands = 5 : i64, tpu.core_type = #tpu.core_type<sc_vector_subcore>, window_params = [{transform_indices = #map}, {transform_indices = #map}, {transform_indices = #map}]} {
    "tpu.region"() ({
      %run_scoped3A_305 = tpu.sem_alloc : memref<!tpu.dma_semaphore, #tpu.memory_space<semaphore_mem>>
      %dma_start3A = arith.constant 0 : i32
      %dma_start3A_306 = arith.constant 0 : i32
      %dma_start3A_307 = tpu.memref_slice %arg2[%arg0, %arg1, %dma_start3A, %dma_start3A_306] : memref<2x16x160x128xi32, #tpu.memory_space<hbm>> -> memref<1x1x160x128xi32, #tpu.memory_space<hbm>>
      %dma_start3A_308 = tpu.memref_squeeze %dma_start3A_307 : memref<1x1x160x128xi32, #tpu.memory_space<hbm>> -> memref<160x128xi32, #tpu.memory_space<hbm>>
      %dma_start3A_309 = arith.constant 0 : i32
      %dma_start3A_310 = arith.constant 0 : i32
      %dma_start3A_311 = tpu.memref_slice %arg2[%arg0, %arg1, %dma_start3A_309, %dma_start3A_310] : memref<2x16x160x128xi32, #tpu.memory_space<hbm>> -> memref<1x1x160x128xi32, #tpu.memory_space<hbm>>
      %dma_start3A_312 = tpu.memref_squeeze %dma_start3A_311 : memref<1x1x160x128xi32, #tpu.memory_space<hbm>> -> memref<160x128xi32, #tpu.memory_space<hbm>>
      tpu.enqueue_dma source(%dma_start3A_312 : memref<160x128xi32, #tpu.memory_space<hbm>>) target(%arg5 : memref<160x128xi32, #tpu.memory_space<vmem>>) target_semaphore(%run_scoped3A_305 : memref<!tpu.dma_semaphore, #tpu.memory_space<semaphore_mem>>)
      %dma_wait3A = arith.constant 0 : i32
      %dma_wait3A_313 = arith.constant 0 : i32
      %dma_wait3A_314 = tpu.memref_slice %arg2[%arg0, %arg1, %dma_wait3A, %dma_wait3A_313] : memref<2x16x160x128xi32, #tpu.memory_space<hbm>> -> memref<1x1x160x128xi32, #tpu.memory_space<hbm>>
      %dma_wait3A_315 = tpu.memref_squeeze %dma_wait3A_314 : memref<1x1x160x128xi32, #tpu.memory_space<hbm>> -> memref<160x128xi32, #tpu.memory_space<hbm>>
      %dma_wait3A_316 = arith.constant 0 : i32
      %dma_wait3A_317 = arith.constant 0 : i32
      %dma_wait3A_318 = tpu.memref_slice %arg2[%arg0, %arg1, %dma_wait3A_316, %dma_wait3A_317] : memref<2x16x160x128xi32, #tpu.memory_space<hbm>> -> memref<1x1x160x128xi32, #tpu.memory_space<hbm>>
      %dma_wait3A_319 = tpu.memref_squeeze %dma_wait3A_318 : memref<1x1x160x128xi32, #tpu.memory_space<hbm>> -> memref<160x128xi32, #tpu.memory_space<hbm>>
      tpu.wait_dma2 semaphore(%run_scoped3A_305 : memref<!tpu.dma_semaphore, #tpu.memory_space<semaphore_mem>>) src(%dma_wait3A_319 : memref<160x128xi32, #tpu.memory_space<hbm>>) dst(%arg5 : memref<160x128xi32, #tpu.memory_space<vmem>>)
      tpu.yield
    }) : () -> ()
    %run_scoped3A = arith.constant 1 : i32
    "tpu.region"() ({
      %run_scoped3A_305 = tpu.sem_alloc : memref<!tpu.dma_semaphore, #tpu.memory_space<semaphore_mem>>
      %dma_start3A = arith.constant 0 : i32
      %dma_start3A_306 = arith.constant 0 : i32
      %dma_start3A_307 = tpu.memref_slice %arg2[%run_scoped3A, %arg1, %dma_start3A, %dma_start3A_306] : memref<2x16x160x128xi32, #tpu.memory_space<hbm>> -> memref<1x1x160x128xi32, #tpu.memory_space<hbm>>
      %dma_start3A_308 = tpu.memref_squeeze %dma_start3A_307 : memref<1x1x160x128xi32, #tpu.memory_space<hbm>> -> memref<160x128xi32, #tpu.memory_space<hbm>>
      %dma_start3A_309 = arith.constant 0 : i32
      %dma_start3A_310 = arith.constant 0 : i32
      %dma_start3A_311 = tpu.memref_slice %arg2[%run_scoped3A, %arg1, %dma_start3A_309, %dma_start3A_310] : memref<2x16x160x128xi32, #tpu.memory_space<hbm>> -> memref<1x1x160x128xi32, #tpu.memory_space<hbm>>
      %dma_start3A_312 = tpu.memref_squeeze %dma_start3A_311 : memref<1x1x160x128xi32, #tpu.memory_space<hbm>> -> memref<160x128xi32, #tpu.memory_space<hbm>>
      tpu.enqueue_dma source(%dma_start3A_312 : memref<160x128xi32, #tpu.memory_space<hbm>>) target(%arg6 : memref<160x128xi32, #tpu.memory_space<vmem>>) target_semaphore(%run_scoped3A_305 : memref<!tpu.dma_semaphore, #tpu.memory_space<semaphore_mem>>)
      %dma_wait3A = arith.constant 0 : i32
      %dma_wait3A_313 = arith.constant 0 : i32
      %dma_wait3A_314 = tpu.memref_slice %arg2[%run_scoped3A, %arg1, %dma_wait3A, %dma_wait3A_313] : memref<2x16x160x128xi32, #tpu.memory_space<hbm>> -> memref<1x1x160x128xi32, #tpu.memory_space<hbm>>
      %dma_wait3A_315 = tpu.memref_squeeze %dma_wait3A_314 : memref<1x1x160x128xi32, #tpu.memory_space<hbm>> -> memref<160x128xi32, #tpu.memory_space<hbm>>
      %dma_wait3A_316 = arith.constant 0 : i32
      %dma_wait3A_317 = arith.constant 0 : i32
      %dma_wait3A_318 = tpu.memref_slice %arg2[%run_scoped3A, %arg1, %dma_wait3A_316, %dma_wait3A_317] : memref<2x16x160x128xi32, #tpu.memory_space<hbm>> -> memref<1x1x160x128xi32, #tpu.memory_space<hbm>>
      %dma_wait3A_319 = tpu.memref_squeeze %dma_wait3A_318 : memref<1x1x160x128xi32, #tpu.memory_space<hbm>> -> memref<160x128xi32, #tpu.memory_space<hbm>>
      tpu.wait_dma2 semaphore(%run_scoped3A_305 : memref<!tpu.dma_semaphore, #tpu.memory_space<semaphore_mem>>) src(%dma_wait3A_319 : memref<160x128xi32, #tpu.memory_space<hbm>>) dst(%arg6 : memref<160x128xi32, #tpu.memory_space<vmem>>)
      tpu.yield
    }) : () -> ()
    %broadcast_in_dim3A = arith.constant 1.000000e+00 : f32
    %broadcast_in_dim3A_0 = vector.broadcast %broadcast_in_dim3A : f32 to vector<16xf32>
    %swap3A = arith.constant 0 : index
    %swap3A_1 = tpu.vector_load %arg7[%swap3A] {strides = array<i32>} : memref<128xf32, #tpu.memory_space<vmem>>, vector<16xf32>,
    %swap3A_2 = vector.shape_cast %swap3A_1 : vector<16xf32> to vector<16xf32>
    %swap3A_3 = vector.shape_cast %broadcast_in_dim3A_0 : vector<16xf32> to vector<16xf32>
    tpu.vector_store %arg7[%swap3A], %swap3A_3 {strides = array<i32>} : memref<128xf32, #tpu.memory_space<vmem>>, vector<16xf32>,
    %broadcast_in_dim3A_4 = arith.constant 1.000000e+00 : f32
    %broadcast_in_dim3A_5 = vector.broadcast %broadcast_in_dim3A_4 : f32 to vector<16xf32>
    %swap3A_6 = arith.constant 16 : index
    %swap3A_7 = tpu.vector_load %arg7[%swap3A_6] {strides = array<i32>} : memref<128xf32, #tpu.memory_space<vmem>>, vector<16xf32>,
    %swap3A_8 = vector.shape_cast %swap3A_7 : vector<16xf32> to vector<16xf32>
    %swap3A_9 = vector.shape_cast %broadcast_in_dim3A_5 : vector<16xf32> to vector<16xf32>
    tpu.vector_store %arg7[%swap3A_6], %swap3A_9 {strides = array<i32>} : memref<128xf32, #tpu.memory_space<vmem>>, vector<16xf32>,
    %broadcast_in_dim3A_10 = arith.constant 1.000000e+00 : f32
    %broadcast_in_dim3A_11 = vector.broadcast %broadcast_in_dim3A_10 : f32 to vector<16xf32>
    %swap3A_12 = arith.constant 32 : index
    %swap3A_13 = tpu.vector_load %arg7[%swap3A_12] {strides = array<i32>} : memref<128xf32, #tpu.memory_space<vmem>>, vector<16xf32>,
    %swap3A_14 = vector.shape_cast %swap3A_13 : vector<16xf32> to vector<16xf32>
    %swap3A_15 = vector.shape_cast %broadcast_in_dim3A_11 : vector<16xf32> to vector<16xf32>
    tpu.vector_store %arg7[%swap3A_12], %swap3A_15 {strides = array<i32>} : memref<128xf32, #tpu.memory_space<vmem>>, vector<16xf32>,
    %broadcast_in_dim3A_16 = arith.constant 1.000000e+00 : f32
    %broadcast_in_dim3A_17 = vector.broadcast %broadcast_in_dim3A_16 : f32 to vector<16xf32>
    %swap3A_18 = arith.constant 48 : index
    %swap3A_19 = tpu.vector_load %arg7[%swap3A_18] {strides = array<i32>} : memref<128xf32, #tpu.memory_space<vmem>>, vector<16xf32>,
    %swap3A_20 = vector.shape_cast %swap3A_19 : vector<16xf32> to vector<16xf32>
    %swap3A_21 = vector.shape_cast %broadcast_in_dim3A_17 : vector<16xf32> to vector<16xf32>
    tpu.vector_store %arg7[%swap3A_18], %swap3A_21 {strides = array<i32>} : memref<128xf32, #tpu.memory_space<vmem>>, vector<16xf32>,
    %broadcast_in_dim3A_22 = arith.constant 1.000000e+00 : f32
    %broadcast_in_dim3A_23 = vector.broadcast %broadcast_in_dim3A_22 : f32 to vector<16xf32>
    %swap3A_24 = arith.constant 64 : index
    %swap3A_25 = tpu.vector_load %arg7[%swap3A_24] {strides = array<i32>} : memref<128xf32, #tpu.memory_space<vmem>>, vector<16xf32>,
    %swap3A_26 = vector.shape_cast %swap3A_25 : vector<16xf32> to vector<16xf32>
    %swap3A_27 = vector.shape_cast %broadcast_in_dim3A_23 : vector<16xf32> to vector<16xf32>
    tpu.vector_store %arg7[%swap3A_24], %swap3A_27 {strides = array<i32>} : memref<128xf32, #tpu.memory_space<vmem>>, vector<16xf32>,
    %broadcast_in_dim3A_28 = arith.constant 1.000000e+00 : f32
    %broadcast_in_dim3A_29 = vector.broadcast %broadcast_in_dim3A_28 : f32 to vector<16xf32>
    %swap3A_30 = arith.constant 80 : index
    %swap3A_31 = tpu.vector_load %arg7[%swap3A_30] {strides = array<i32>} : memref<128xf32, #tpu.memory_space<vmem>>, vector<16xf32>,
    %swap3A_32 = vector.shape_cast %swap3A_31 : vector<16xf32> to vector<16xf32>
    %swap3A_33 = vector.shape_cast %broadcast_in_dim3A_29 : vector<16xf32> to vector<16xf32>
    tpu.vector_store %arg7[%swap3A_30], %swap3A_33 {strides = array<i32>} : memref<128xf32, #tpu.memory_space<vmem>>, vector<16xf32>,
    %broadcast_in_dim3A_34 = arith.constant 1.000000e+00 : f32
    %broadcast_in_dim3A_35 = vector.broadcast %broadcast_in_dim3A_34 : f32 to vector<16xf32>
    %swap3A_36 = arith.constant 96 : index
    %swap3A_37 = tpu.vector_load %arg7[%swap3A_36] {strides = array<i32>} : memref<128xf32, #tpu.memory_space<vmem>>, vector<16xf32>,
    %swap3A_38 = vector.shape_cast %swap3A_37 : vector<16xf32> to vector<16xf32>
    %swap3A_39 = vector.shape_cast %broadcast_in_dim3A_35 : vector<16xf32> to vector<16xf32>
    tpu.vector_store %arg7[%swap3A_36], %swap3A_39 {strides = array<i32>} : memref<128xf32, #tpu.memory_space<vmem>>, vector<16xf32>,
    %broadcast_in_dim3A_40 = arith.constant 1.000000e+00 : f32
    %broadcast_in_dim3A_41 = vector.broadcast %broadcast_in_dim3A_40 : f32 to vector<16xf32>
    %swap3A_42 = arith.constant 112 : index
    %swap3A_43 = tpu.vector_load %arg7[%swap3A_42] {strides = array<i32>} : memref<128xf32, #tpu.memory_space<vmem>>, vector<16xf32>,
    %swap3A_44 = vector.shape_cast %swap3A_43 : vector<16xf32> to vector<16xf32>
    %swap3A_45 = vector.shape_cast %broadcast_in_dim3A_41 : vector<16xf32> to vector<16xf32>
    tpu.vector_store %arg7[%swap3A_42], %swap3A_45 {strides = array<i32>} : memref<128xf32, #tpu.memory_space<vmem>>, vector<16xf32>,
    %broadcast_in_dim3A_46 = arith.constant 0.000000e+00 : f32
    %broadcast_in_dim3A_47 = vector.broadcast %broadcast_in_dim3A_46 : f32 to vector<16xf32>
    %swap3A_48 = arith.constant 0 : index
    %swap3A_49 = tpu.vector_load %arg8[%swap3A_48] {strides = array<i32>} : memref<640xf32, #tpu.memory_space<vmem>>, vector<16xf32>,
    %swap3A_50 = vector.shape_cast %swap3A_49 : vector<16xf32> to vector<16xf32>
    %swap3A_51 = vector.shape_cast %broadcast_in_dim3A_47 : vector<16xf32> to vector<16xf32>
    tpu.vector_store %arg8[%swap3A_48], %swap3A_51 {strides = array<i32>} : memref<640xf32, #tpu.memory_space<vmem>>, vector<16xf32>,
    %broadcast_in_dim3A_52 = arith.constant 0.000000e+00 : f32
    %broadcast_in_dim3A_53 = vector.broadcast %broadcast_in_dim3A_52 : f32 to vector<16xf32>
    %swap3A_54 = arith.constant 16 : index
    %swap3A_55 = tpu.vector_load %arg8[%swap3A_54] {strides = array<i32>} : memref<640xf32, #tpu.memory_space<vmem>>, vector<16xf32>,
    %swap3A_56 = vector.shape_cast %swap3A_55 : vector<16xf32> to vector<16xf32>
    %swap3A_57 = vector.shape_cast %broadcast_in_dim3A_53 : vector<16xf32> to vector<16xf32>
    tpu.vector_store %arg8[%swap3A_54], %swap3A_57 {strides = array<i32>} : memref<640xf32, #tpu.memory_space<vmem>>, vector<16xf32>,
    %broadcast_in_dim3A_58 = arith.constant 0.000000e+00 : f32
    %broadcast_in_dim3A_59 = vector.broadcast %broadcast_in_dim3A_58 : f32 to vector<16xf32>
    %swap3A_60 = arith.constant 32 : index
    %swap3A_61 = tpu.vector_load %arg8[%swap3A_60] {strides = array<i32>} : memref<640xf32, #tpu.memory_space<vmem>>, vector<16xf32>,
    %swap3A_62 = vector.shape_cast %swap3A_61 : vector<16xf32> to vector<16xf32>
    %swap3A_63 = vector.shape_cast %broadcast_in_dim3A_59 : vector<16xf32> to vector<16xf32>
    tpu.vector_store %arg8[%swap3A_60], %swap3A_63 {strides = array<i32>} : memref<640xf32, #tpu.memory_space<vmem>>, vector<16xf32>,
    %broadcast_in_dim3A_64 = arith.constant 0.000000e+00 : f32
    %broadcast_in_dim3A_65 = vector.broadcast %broadcast_in_dim3A_64 : f32 to vector<16xf32>
    %swap3A_66 = arith.constant 48 : index
    %swap3A_67 = tpu.vector_load %arg8[%swap3A_66] {strides = array<i32>} : memref<640xf32, #tpu.memory_space<vmem>>, vector<16xf32>,
    %swap3A_68 = vector.shape_cast %swap3A_67 : vector<16xf32> to vector<16xf32>
    %swap3A_69 = vector.shape_cast %broadcast_in_dim3A_65 : vector<16xf32> to vector<16xf32>
    tpu.vector_store %arg8[%swap3A_66], %swap3A_69 {strides = array<i32>} : memref<640xf32, #tpu.memory_space<vmem>>, vector<16xf32>,
    %broadcast_in_dim3A_70 = arith.constant 0.000000e+00 : f32
    %broadcast_in_dim3A_71 = vector.broadcast %broadcast_in_dim3A_70 : f32 to vector<16xf32>
    %swap3A_72 = arith.constant 64 : index
    %swap3A_73 = tpu.vector_load %arg8[%swap3A_72] {strides = array<i32>} : memref<640xf32, #tpu.memory_space<vmem>>, vector<16xf32>,
    %swap3A_74 = vector.shape_cast %swap3A_73 : vector<16xf32> to vector<16xf32>
    %swap3A_75 = vector.shape_cast %broadcast_in_dim3A_71 : vector<16xf32> to vector<16xf32>
    tpu.vector_store %arg8[%swap3A_72], %swap3A_75 {strides = array<i32>} : memref<640xf32, #tpu.memory_space<vmem>>, vector<16xf32>,
    %broadcast_in_dim3A_76 = arith.constant 0.000000e+00 : f32
    %broadcast_in_dim3A_77 = vector.broadcast %broadcast_in_dim3A_76 : f32 to vector<16xf32>
    %swap3A_78 = arith.constant 80 : index
    %swap3A_79 = tpu.vector_load %arg8[%swap3A_78] {strides = array<i32>} : memref<640xf32, #tpu.memory_space<vmem>>, vector<16xf32>,
    %swap3A_80 = vector.shape_cast %swap3A_79 : vector<16xf32> to vector<16xf32>
    %swap3A_81 = vector.shape_cast %broadcast_in_dim3A_77 : vector<16xf32> to vector<16xf32>
    tpu.vector_store %arg8[%swap3A_78], %swap3A_81 {strides = array<i32>} : memref<640xf32, #tpu.memory_space<vmem>>, vector<16xf32>,
    %broadcast_in_dim3A_82 = arith.constant 0.000000e+00 : f32
    %broadcast_in_dim3A_83 = vector.broadcast %broadcast_in_dim3A_82 : f32 to vector<16xf32>
    %swap3A_84 = arith.constant 96 : index
    %swap3A_85 = tpu.vector_load %arg8[%swap3A_84] {strides = array<i32>} : memref<640xf32, #tpu.memory_space<vmem>>, vector<16xf32>,
    %swap3A_86 = vector.shape_cast %swap3A_85 : vector<16xf32> to vector<16xf32>
    %swap3A_87 = vector.shape_cast %broadcast_in_dim3A_83 : vector<16xf32> to vector<16xf32>
    tpu.vector_store %arg8[%swap3A_84], %swap3A_87 {strides = array<i32>} : memref<640xf32, #tpu.memory_space<vmem>>, vector<16xf32>,
    %broadcast_in_dim3A_88 = arith.constant 0.000000e+00 : f32
    %broadcast_in_dim3A_89 = vector.broadcast %broadcast_in_dim3A_88 : f32 to vector<16xf32>
    %swap3A_90 = arith.constant 112 : index
    %swap3A_91 = tpu.vector_load %arg8[%swap3A_90] {strides = array<i32>} : memref<640xf32, #tpu.memory_space<vmem>>, vector<16xf32>,
    %swap3A_92 = vector.shape_cast %swap3A_91 : vector<16xf32> to vector<16xf32>
    %swap3A_93 = vector.shape_cast %broadcast_in_dim3A_89 : vector<16xf32> to vector<16xf32>
    tpu.vector_store %arg8[%swap3A_90], %swap3A_93 {strides = array<i32>} : memref<640xf32, #tpu.memory_space<vmem>>, vector<16xf32>,
    %broadcast_in_dim3A_94 = arith.constant 0.000000e+00 : f32
    %broadcast_in_dim3A_95 = vector.broadcast %broadcast_in_dim3A_94 : f32 to vector<16xf32>
    %swap3A_96 = arith.constant 128 : index
    %swap3A_97 = tpu.vector_load %arg8[%swap3A_96] {strides = array<i32>} : memref<640xf32, #tpu.memory_space<vmem>>, vector<16xf32>,
    %swap3A_98 = vector.shape_cast %swap3A_97 : vector<16xf32> to vector<16xf32>
    %swap3A_99 = vector.shape_cast %broadcast_in_dim3A_95 : vector<16xf32> to vector<16xf32>
    tpu.vector_store %arg8[%swap3A_96], %swap3A_99 {strides = array<i32>} : memref<640xf32, #tpu.memory_space<vmem>>, vector<16xf32>,
    %broadcast_in_dim3A_100 = arith.constant 0.000000e+00 : f32
    %broadcast_in_dim3A_101 = vector.broadcast %broadcast_in_dim3A_100 : f32 to vector<16xf32>
    %swap3A_102 = arith.constant 144 : index
    %swap3A_103 = tpu.vector_load %arg8[%swap3A_102] {strides = array<i32>} : memref<640xf32, #tpu.memory_space<vmem>>, vector<16xf32>,
    %swap3A_104 = vector.shape_cast %swap3A_103 : vector<16xf32> to vector<16xf32>
    %swap3A_105 = vector.shape_cast %broadcast_in_dim3A_101 : vector<16xf32> to vector<16xf32>
    tpu.vector_store %arg8[%swap3A_102], %swap3A_105 {strides = array<i32>} : memref<640xf32, #tpu.memory_space<vmem>>, vector<16xf32>,
    %broadcast_in_dim3A_106 = arith.constant 0.000000e+00 : f32
    %broadcast_in_dim3A_107 = vector.broadcast %broadcast_in_dim3A_106 : f32 to vector<16xf32>
    %swap3A_108 = arith.constant 160 : index
    %swap3A_109 = tpu.vector_load %arg8[%swap3A_108] {strides = array<i32>} : memref<640xf32, #tpu.memory_space<vmem>>, vector<16xf32>,
    %swap3A_110 = vector.shape_cast %swap3A_109 : vector<16xf32> to vector<16xf32>
    %swap3A_111 = vector.shape_cast %broadcast_in_dim3A_107 : vector<16xf32> to vector<16xf32>
    tpu.vector_store %arg8[%swap3A_108], %swap3A_111 {strides = array<i32>} : memref<640xf32, #tpu.memory_space<vmem>>, vector<16xf32>,
    %broadcast_in_dim3A_112 = arith.constant 0.000000e+00 : f32
    %broadcast_in_dim3A_113 = vector.broadcast %broadcast_in_dim3A_112 : f32 to vector<16xf32>
    %swap3A_114 = arith.constant 176 : index
    %swap3A_115 = tpu.vector_load %arg8[%swap3A_114] {strides = array<i32>} : memref<640xf32, #tpu.memory_space<vmem>>, vector<16xf32>,
    %swap3A_116 = vector.shape_cast %swap3A_115 : vector<16xf32> to vector<16xf32>
    %swap3A_117 = vector.shape_cast %broadcast_in_dim3A_113 : vector<16xf32> to vector<16xf32>
    tpu.vector_store %arg8[%swap3A_114], %swap3A_117 {strides = array<i32>} : memref<640xf32, #tpu.memory_space<vmem>>, vector<16xf32>,
    %broadcast_in_dim3A_118 = arith.constant 0.000000e+00 : f32
    %broadcast_in_dim3A_119 = vector.broadcast %broadcast_in_dim3A_118 : f32 to vector<16xf32>
    %swap3A_120 = arith.constant 192 : index
    %swap3A_121 = tpu.vector_load %arg8[%swap3A_120] {strides = array<i32>} : memref<640xf32, #tpu.memory_space<vmem>>, vector<16xf32>,
    %swap3A_122 = vector.shape_cast %swap3A_121 : vector<16xf32> to vector<16xf32>
    %swap3A_123 = vector.shape_cast %broadcast_in_dim3A_119 : vector<16xf32> to vector<16xf32>
    tpu.vector_store %arg8[%swap3A_120], %swap3A_123 {strides = array<i32>} : memref<640xf32, #tpu.memory_space<vmem>>, vector<16xf32>,
    %broadcast_in_dim3A_124 = arith.constant 0.000000e+00 : f32
    %broadcast_in_dim3A_125 = vector.broadcast %broadcast_in_dim3A_124 : f32 to vector<16xf32>
    %swap3A_126 = arith.constant 208 : index
    %swap3A_127 = tpu.vector_load %arg8[%swap3A_126] {strides = array<i32>} : memref<640xf32, #tpu.memory_space<vmem>>, vector<16xf32>,
    %swap3A_128 = vector.shape_cast %swap3A_127 : vector<16xf32> to vector<16xf32>
    %swap3A_129 = vector.shape_cast %broadcast_in_dim3A_125 : vector<16xf32> to vector<16xf32>
    tpu.vector_store %arg8[%swap3A_126], %swap3A_129 {strides = array<i32>} : memref<640xf32, #tpu.memory_space<vmem>>, vector<16xf32>,
    %broadcast_in_dim3A_130 = arith.constant 0.000000e+00 : f32
    %broadcast_in_dim3A_131 = vector.broadcast %broadcast_in_dim3A_130 : f32 to vector<16xf32>
    %swap3A_132 = arith.constant 224 : index
    %swap3A_133 = tpu.vector_load %arg8[%swap3A_132] {strides = array<i32>} : memref<640xf32, #tpu.memory_space<vmem>>, vector<16xf32>,
    %swap3A_134 = vector.shape_cast %swap3A_133 : vector<16xf32> to vector<16xf32>
    %swap3A_135 = vector.shape_cast %broadcast_in_dim3A_131 : vector<16xf32> to vector<16xf32>
    tpu.vector_store %arg8[%swap3A_132], %swap3A_135 {strides = array<i32>} : memref<640xf32, #tpu.memory_space<vmem>>, vector<16xf32>,
    %broadcast_in_dim3A_136 = arith.constant 0.000000e+00 : f32
    %broadcast_in_dim3A_137 = vector.broadcast %broadcast_in_dim3A_136 : f32 to vector<16xf32>
    %swap3A_138 = arith.constant 240 : index
    %swap3A_139 = tpu.vector_load %arg8[%swap3A_138] {strides = array<i32>} : memref<640xf32, #tpu.memory_space<vmem>>, vector<16xf32>,
    %swap3A_140 = vector.shape_cast %swap3A_139 : vector<16xf32> to vector<16xf32>
    %swap3A_141 = vector.shape_cast %broadcast_in_dim3A_137 : vector<16xf32> to vector<16xf32>
    tpu.vector_store %arg8[%swap3A_138], %swap3A_141 {strides = array<i32>} : memref<640xf32, #tpu.memory_space<vmem>>, vector<16xf32>,
    %broadcast_in_dim3A_142 = arith.constant 0.000000e+00 : f32
    %broadcast_in_dim3A_143 = vector.broadcast %broadcast_in_dim3A_142 : f32 to vector<16xf32>
    %swap3A_144 = arith.constant 256 : index
    %swap3A_145 = tpu.vector_load %arg8[%swap3A_144] {strides = array<i32>} : memref<640xf32, #tpu.memory_space<vmem>>, vector<16xf32>,
    %swap3A_146 = vector.shape_cast %swap3A_145 : vector<16xf32> to vector<16xf32>
    %swap3A_147 = vector.shape_cast %broadcast_in_dim3A_143 : vector<16xf32> to vector<16xf32>
    tpu.vector_store %arg8[%swap3A_144], %swap3A_147 {strides = array<i32>} : memref<640xf32, #tpu.memory_space<vmem>>, vector<16xf32>,
    %broadcast_in_dim3A_148 = arith.constant 0.000000e+00 : f32
    %broadcast_in_dim3A_149 = vector.broadcast %broadcast_in_dim3A_148 : f32 to vector<16xf32>
    %swap3A_150 = arith.constant 272 : index
    %swap3A_151 = tpu.vector_load %arg8[%swap3A_150] {strides = array<i32>} : memref<640xf32, #tpu.memory_space<vmem>>, vector<16xf32>,
    %swap3A_152 = vector.shape_cast %swap3A_151 : vector<16xf32> to vector<16xf32>
    %swap3A_153 = vector.shape_cast %broadcast_in_dim3A_149 : vector<16xf32> to vector<16xf32>
    tpu.vector_store %arg8[%swap3A_150], %swap3A_153 {strides = array<i32>} : memref<640xf32, #tpu.memory_space<vmem>>, vector<16xf32>,
    %broadcast_in_dim3A_154 = arith.constant 0.000000e+00 : f32
    %broadcast_in_dim3A_155 = vector.broadcast %broadcast_in_dim3A_154 : f32 to vector<16xf32>
    %swap3A_156 = arith.constant 288 : index
    %swap3A_157 = tpu.vector_load %arg8[%swap3A_156] {strides = array<i32>} : memref<640xf32, #tpu.memory_space<vmem>>, vector<16xf32>,
    %swap3A_158 = vector.shape_cast %swap3A_157 : vector<16xf32> to vector<16xf32>
    %swap3A_159 = vector.shape_cast %broadcast_in_dim3A_155 : vector<16xf32> to vector<16xf32>
    tpu.vector_store %arg8[%swap3A_156], %swap3A_159 {strides = array<i32>} : memref<640xf32, #tpu.memory_space<vmem>>, vector<16xf32>,
    %broadcast_in_dim3A_160 = arith.constant 0.000000e+00 : f32
    %broadcast_in_dim3A_161 = vector.broadcast %broadcast_in_dim3A_160 : f32 to vector<16xf32>
    %swap3A_162 = arith.constant 304 : index
    %swap3A_163 = tpu.vector_load %arg8[%swap3A_162] {strides = array<i32>} : memref<640xf32, #tpu.memory_space<vmem>>, vector<16xf32>,
    %swap3A_164 = vector.shape_cast %swap3A_163 : vector<16xf32> to vector<16xf32>
    %swap3A_165 = vector.shape_cast %broadcast_in_dim3A_161 : vector<16xf32> to vector<16xf32>
    tpu.vector_store %arg8[%swap3A_162], %swap3A_165 {strides = array<i32>} : memref<640xf32, #tpu.memory_space<vmem>>, vector<16xf32>,
    %broadcast_in_dim3A_166 = arith.constant 0.000000e+00 : f32
    %broadcast_in_dim3A_167 = vector.broadcast %broadcast_in_dim3A_166 : f32 to vector<16xf32>
    %swap3A_168 = arith.constant 320 : index
    %swap3A_169 = tpu.vector_load %arg8[%swap3A_168] {strides = array<i32>} : memref<640xf32, #tpu.memory_space<vmem>>, vector<16xf32>,
    %swap3A_170 = vector.shape_cast %swap3A_169 : vector<16xf32> to vector<16xf32>
    %swap3A_171 = vector.shape_cast %broadcast_in_dim3A_167 : vector<16xf32> to vector<16xf32>
    tpu.vector_store %arg8[%swap3A_168], %swap3A_171 {strides = array<i32>} : memref<640xf32, #tpu.memory_space<vmem>>, vector<16xf32>,
    %broadcast_in_dim3A_172 = arith.constant 0.000000e+00 : f32
    %broadcast_in_dim3A_173 = vector.broadcast %broadcast_in_dim3A_172 : f32 to vector<16xf32>
    %swap3A_174 = arith.constant 336 : index
    %swap3A_175 = tpu.vector_load %arg8[%swap3A_174] {strides = array<i32>} : memref<640xf32, #tpu.memory_space<vmem>>, vector<16xf32>,
    %swap3A_176 = vector.shape_cast %swap3A_175 : vector<16xf32> to vector<16xf32>
    %swap3A_177 = vector.shape_cast %broadcast_in_dim3A_173 : vector<16xf32> to vector<16xf32>
    tpu.vector_store %arg8[%swap3A_174], %swap3A_177 {strides = array<i32>} : memref<640xf32, #tpu.memory_space<vmem>>, vector<16xf32>,
    %broadcast_in_dim3A_178 = arith.constant 0.000000e+00 : f32
    %broadcast_in_dim3A_179 = vector.broadcast %broadcast_in_dim3A_178 : f32 to vector<16xf32>
    %swap3A_180 = arith.constant 352 : index
    %swap3A_181 = tpu.vector_load %arg8[%swap3A_180] {strides = array<i32>} : memref<640xf32, #tpu.memory_space<vmem>>, vector<16xf32>,
    %swap3A_182 = vector.shape_cast %swap3A_181 : vector<16xf32> to vector<16xf32>
    %swap3A_183 = vector.shape_cast %broadcast_in_dim3A_179 : vector<16xf32> to vector<16xf32>
    tpu.vector_store %arg8[%swap3A_180], %swap3A_183 {strides = array<i32>} : memref<640xf32, #tpu.memory_space<vmem>>, vector<16xf32>,
    %broadcast_in_dim3A_184 = arith.constant 0.000000e+00 : f32
    %broadcast_in_dim3A_185 = vector.broadcast %broadcast_in_dim3A_184 : f32 to vector<16xf32>
    %swap3A_186 = arith.constant 368 : index
    %swap3A_187 = tpu.vector_load %arg8[%swap3A_186] {strides = array<i32>} : memref<640xf32, #tpu.memory_space<vmem>>, vector<16xf32>,
    %swap3A_188 = vector.shape_cast %swap3A_187 : vector<16xf32> to vector<16xf32>
    %swap3A_189 = vector.shape_cast %broadcast_in_dim3A_185 : vector<16xf32> to vector<16xf32>
    tpu.vector_store %arg8[%swap3A_186], %swap3A_189 {strides = array<i32>} : memref<640xf32, #tpu.memory_space<vmem>>, vector<16xf32>,
    %broadcast_in_dim3A_190 = arith.constant 0.000000e+00 : f32
    %broadcast_in_dim3A_191 = vector.broadcast %broadcast_in_dim3A_190 : f32 to vector<16xf32>
    %swap3A_192 = arith.constant 384 : index
    %swap3A_193 = tpu.vector_load %arg8[%swap3A_192] {strides = array<i32>} : memref<640xf32, #tpu.memory_space<vmem>>, vector<16xf32>,
    %swap3A_194 = vector.shape_cast %swap3A_193 : vector<16xf32> to vector<16xf32>
    %swap3A_195 = vector.shape_cast %broadcast_in_dim3A_191 : vector<16xf32> to vector<16xf32>
    tpu.vector_store %arg8[%swap3A_192], %swap3A_195 {strides = array<i32>} : memref<640xf32, #tpu.memory_space<vmem>>, vector<16xf32>,
    %broadcast_in_dim3A_196 = arith.constant 0.000000e+00 : f32
    %broadcast_in_dim3A_197 = vector.broadcast %broadcast_in_dim3A_196 : f32 to vector<16xf32>
    %swap3A_198 = arith.constant 400 : index
    %swap3A_199 = tpu.vector_load %arg8[%swap3A_198] {strides = array<i32>} : memref<640xf32, #tpu.memory_space<vmem>>, vector<16xf32>,
    %swap3A_200 = vector.shape_cast %swap3A_199 : vector<16xf32> to vector<16xf32>
    %swap3A_201 = vector.shape_cast %broadcast_in_dim3A_197 : vector<16xf32> to vector<16xf32>
    tpu.vector_store %arg8[%swap3A_198], %swap3A_201 {strides = array<i32>} : memref<640xf32, #tpu.memory_space<vmem>>, vector<16xf32>,
    %broadcast_in_dim3A_202 = arith.constant 0.000000e+00 : f32
    %broadcast_in_dim3A_203 = vector.broadcast %broadcast_in_dim3A_202 : f32 to vector<16xf32>
    %swap3A_204 = arith.constant 416 : index
    %swap3A_205 = tpu.vector_load %arg8[%swap3A_204] {strides = array<i32>} : memref<640xf32, #tpu.memory_space<vmem>>, vector<16xf32>,
    %swap3A_206 = vector.shape_cast %swap3A_205 : vector<16xf32> to vector<16xf32>
    %swap3A_207 = vector.shape_cast %broadcast_in_dim3A_203 : vector<16xf32> to vector<16xf32>
    tpu.vector_store %arg8[%swap3A_204], %swap3A_207 {strides = array<i32>} : memref<640xf32, #tpu.memory_space<vmem>>, vector<16xf32>,
    %broadcast_in_dim3A_208 = arith.constant 0.000000e+00 : f32
    %broadcast_in_dim3A_209 = vector.broadcast %broadcast_in_dim3A_208 : f32 to vector<16xf32>
    %swap3A_210 = arith.constant 432 : index
    %swap3A_211 = tpu.vector_load %arg8[%swap3A_210] {strides = array<i32>} : memref<640xf32, #tpu.memory_space<vmem>>, vector<16xf32>,
    %swap3A_212 = vector.shape_cast %swap3A_211 : vector<16xf32> to vector<16xf32>
    %swap3A_213 = vector.shape_cast %broadcast_in_dim3A_209 : vector<16xf32> to vector<16xf32>
    tpu.vector_store %arg8[%swap3A_210], %swap3A_213 {strides = array<i32>} : memref<640xf32, #tpu.memory_space<vmem>>, vector<16xf32>,
    %broadcast_in_dim3A_214 = arith.constant 0.000000e+00 : f32
    %broadcast_in_dim3A_215 = vector.broadcast %broadcast_in_dim3A_214 : f32 to vector<16xf32>
    %swap3A_216 = arith.constant 448 : index
    %swap3A_217 = tpu.vector_load %arg8[%swap3A_216] {strides = array<i32>} : memref<640xf32, #tpu.memory_space<vmem>>, vector<16xf32>,
    %swap3A_218 = vector.shape_cast %swap3A_217 : vector<16xf32> to vector<16xf32>
    %swap3A_219 = vector.shape_cast %broadcast_in_dim3A_215 : vector<16xf32> to vector<16xf32>
    tpu.vector_store %arg8[%swap3A_216], %swap3A_219 {strides = array<i32>} : memref<640xf32, #tpu.memory_space<vmem>>, vector<16xf32>,
    %broadcast_in_dim3A_220 = arith.constant 0.000000e+00 : f32
    %broadcast_in_dim3A_221 = vector.broadcast %broadcast_in_dim3A_220 : f32 to vector<16xf32>
    %swap3A_222 = arith.constant 464 : index
    %swap3A_223 = tpu.vector_load %arg8[%swap3A_222] {strides = array<i32>} : memref<640xf32, #tpu.memory_space<vmem>>, vector<16xf32>,
    %swap3A_224 = vector.shape_cast %swap3A_223 : vector<16xf32> to vector<16xf32>
    %swap3A_225 = vector.shape_cast %broadcast_in_dim3A_221 : vector<16xf32> to vector<16xf32>
    tpu.vector_store %arg8[%swap3A_222], %swap3A_225 {strides = array<i32>} : memref<640xf32, #tpu.memory_space<vmem>>, vector<16xf32>,
    %broadcast_in_dim3A_226 = arith.constant 0.000000e+00 : f32
    %broadcast_in_dim3A_227 = vector.broadcast %broadcast_in_dim3A_226 : f32 to vector<16xf32>
    %swap3A_228 = arith.constant 480 : index
    %swap3A_229 = tpu.vector_load %arg8[%swap3A_228] {strides = array<i32>} : memref<640xf32, #tpu.memory_space<vmem>>, vector<16xf32>,
    %swap3A_230 = vector.shape_cast %swap3A_229 : vector<16xf32> to vector<16xf32>
    %swap3A_231 = vector.shape_cast %broadcast_in_dim3A_227 : vector<16xf32> to vector<16xf32>
    tpu.vector_store %arg8[%swap3A_228], %swap3A_231 {strides = array<i32>} : memref<640xf32, #tpu.memory_space<vmem>>, vector<16xf32>,
    %broadcast_in_dim3A_232 = arith.constant 0.000000e+00 : f32
    %broadcast_in_dim3A_233 = vector.broadcast %broadcast_in_dim3A_232 : f32 to vector<16xf32>
    %swap3A_234 = arith.constant 496 : index
    %swap3A_235 = tpu.vector_load %arg8[%swap3A_234] {strides = array<i32>} : memref<640xf32, #tpu.memory_space<vmem>>, vector<16xf32>,
    %swap3A_236 = vector.shape_cast %swap3A_235 : vector<16xf32> to vector<16xf32>
    %swap3A_237 = vector.shape_cast %broadcast_in_dim3A_233 : vector<16xf32> to vector<16xf32>
    tpu.vector_store %arg8[%swap3A_234], %swap3A_237 {strides = array<i32>} : memref<640xf32, #tpu.memory_space<vmem>>, vector<16xf32>,
    %broadcast_in_dim3A_238 = arith.constant 0.000000e+00 : f32
    %broadcast_in_dim3A_239 = vector.broadcast %broadcast_in_dim3A_238 : f32 to vector<16xf32>
    %swap3A_240 = arith.constant 512 : index
    %swap3A_241 = tpu.vector_load %arg8[%swap3A_240] {strides = array<i32>} : memref<640xf32, #tpu.memory_space<vmem>>, vector<16xf32>,
    %swap3A_242 = vector.shape_cast %swap3A_241 : vector<16xf32> to vector<16xf32>
    %swap3A_243 = vector.shape_cast %broadcast_in_dim3A_239 : vector<16xf32> to vector<16xf32>
    tpu.vector_store %arg8[%swap3A_240], %swap3A_243 {strides = array<i32>} : memref<640xf32, #tpu.memory_space<vmem>>, vector<16xf32>,
    %broadcast_in_dim3A_244 = arith.constant 0.000000e+00 : f32
    %broadcast_in_dim3A_245 = vector.broadcast %broadcast_in_dim3A_244 : f32 to vector<16xf32>
    %swap3A_246 = arith.constant 528 : index
    %swap3A_247 = tpu.vector_load %arg8[%swap3A_246] {strides = array<i32>} : memref<640xf32, #tpu.memory_space<vmem>>, vector<16xf32>,
    %swap3A_248 = vector.shape_cast %swap3A_247 : vector<16xf32> to vector<16xf32>
    %swap3A_249 = vector.shape_cast %broadcast_in_dim3A_245 : vector<16xf32> to vector<16xf32>
    tpu.vector_store %arg8[%swap3A_246], %swap3A_249 {strides = array<i32>} : memref<640xf32, #tpu.memory_space<vmem>>, vector<16xf32>,
    %broadcast_in_dim3A_250 = arith.constant 0.000000e+00 : f32
    %broadcast_in_dim3A_251 = vector.broadcast %broadcast_in_dim3A_250 : f32 to vector<16xf32>
    %swap3A_252 = arith.constant 544 : index
    %swap3A_253 = tpu.vector_load %arg8[%swap3A_252] {strides = array<i32>} : memref<640xf32, #tpu.memory_space<vmem>>, vector<16xf32>,
    %swap3A_254 = vector.shape_cast %swap3A_253 : vector<16xf32> to vector<16xf32>
    %swap3A_255 = vector.shape_cast %broadcast_in_dim3A_251 : vector<16xf32> to vector<16xf32>
    tpu.vector_store %arg8[%swap3A_252], %swap3A_255 {strides = array<i32>} : memref<640xf32, #tpu.memory_space<vmem>>, vector<16xf32>,
    %broadcast_in_dim3A_256 = arith.constant 0.000000e+00 : f32
    %broadcast_in_dim3A_257 = vector.broadcast %broadcast_in_dim3A_256 : f32 to vector<16xf32>
    %swap3A_258 = arith.constant 560 : index
    %swap3A_259 = tpu.vector_load %arg8[%swap3A_258] {strides = array<i32>} : memref<640xf32, #tpu.memory_space<vmem>>, vector<16xf32>,
    %swap3A_260 = vector.shape_cast %swap3A_259 : vector<16xf32> to vector<16xf32>
    %swap3A_261 = vector.shape_cast %broadcast_in_dim3A_257 : vector<16xf32> to vector<16xf32>
    tpu.vector_store %arg8[%swap3A_258], %swap3A_261 {strides = array<i32>} : memref<640xf32, #tpu.memory_space<vmem>>, vector<16xf32>,
    %broadcast_in_dim3A_262 = arith.constant 0.000000e+00 : f32
    %broadcast_in_dim3A_263 = vector.broadcast %broadcast_in_dim3A_262 : f32 to vector<16xf32>
    %swap3A_264 = arith.constant 576 : index
    %swap3A_265 = tpu.vector_load %arg8[%swap3A_264] {strides = array<i32>} : memref<640xf32, #tpu.memory_space<vmem>>, vector<16xf32>,
    %swap3A_266 = vector.shape_cast %swap3A_265 : vector<16xf32> to vector<16xf32>
    %swap3A_267 = vector.shape_cast %broadcast_in_dim3A_263 : vector<16xf32> to vector<16xf32>
    tpu.vector_store %arg8[%swap3A_264], %swap3A_267 {strides = array<i32>} : memref<640xf32, #tpu.memory_space<vmem>>, vector<16xf32>,
    %broadcast_in_dim3A_268 = arith.constant 0.000000e+00 : f32
    %broadcast_in_dim3A_269 = vector.broadcast %broadcast_in_dim3A_268 : f32 to vector<16xf32>
    %swap3A_270 = arith.constant 592 : index
    %swap3A_271 = tpu.vector_load %arg8[%swap3A_270] {strides = array<i32>} : memref<640xf32, #tpu.memory_space<vmem>>, vector<16xf32>,
    %swap3A_272 = vector.shape_cast %swap3A_271 : vector<16xf32> to vector<16xf32>
    %swap3A_273 = vector.shape_cast %broadcast_in_dim3A_269 : vector<16xf32> to vector<16xf32>
    tpu.vector_store %arg8[%swap3A_270], %swap3A_273 {strides = array<i32>} : memref<640xf32, #tpu.memory_space<vmem>>, vector<16xf32>,
    %broadcast_in_dim3A_274 = arith.constant 0.000000e+00 : f32
    %broadcast_in_dim3A_275 = vector.broadcast %broadcast_in_dim3A_274 : f32 to vector<16xf32>
    %swap3A_276 = arith.constant 608 : index
    %swap3A_277 = tpu.vector_load %arg8[%swap3A_276] {strides = array<i32>} : memref<640xf32, #tpu.memory_space<vmem>>, vector<16xf32>,
    %swap3A_278 = vector.shape_cast %swap3A_277 : vector<16xf32> to vector<16xf32>
    %swap3A_279 = vector.shape_cast %broadcast_in_dim3A_275 : vector<16xf32> to vector<16xf32>
    tpu.vector_store %arg8[%swap3A_276], %swap3A_279 {strides = array<i32>} : memref<640xf32, #tpu.memory_space<vmem>>, vector<16xf32>,
    %broadcast_in_dim3A_280 = arith.constant 0.000000e+00 : f32
    %broadcast_in_dim3A_281 = vector.broadcast %broadcast_in_dim3A_280 : f32 to vector<16xf32>
    %swap3A_282 = arith.constant 624 : index
    %swap3A_283 = tpu.vector_load %arg8[%swap3A_282] {strides = array<i32>} : memref<640xf32, #tpu.memory_space<vmem>>, vector<16xf32>,
    %swap3A_284 = vector.shape_cast %swap3A_283 : vector<16xf32> to vector<16xf32>
    %swap3A_285 = vector.shape_cast %broadcast_in_dim3A_281 : vector<16xf32> to vector<16xf32>
    tpu.vector_store %arg8[%swap3A_282], %swap3A_285 {strides = array<i32>} : memref<640xf32, #tpu.memory_space<vmem>>, vector<16xf32>,
    %mul3A = arith.constant 632 : i32
    %mul3A_286 = arith.muli %arg1, %mul3A : i32
    "tpu.region"() ({
      %run_scoped3A_305 = tpu.sem_alloc : memref<!tpu.dma_semaphore, #tpu.memory_space<semaphore_mem>>
      %dma_start3A = arith.constant 0 : i32
      %dma_start3A_306 = tpu.memref_slice %arg8[%dma_start3A] : memref<640xf32, #tpu.memory_space<vmem>> -> memref<632xf32, #tpu.memory_space<vmem>>
      %dma_start3A_307 = tpu.memref_slice %arg9[%mul3A_286] : memref<10112xf32, #tpu.memory_space<vmem_shared>> -> memref<632xf32, #tpu.memory_space<vmem_shared>>
      %dma_start3A_308 = tpu.memref_slice %arg9[%mul3A_286] : memref<10112xf32, #tpu.memory_space<vmem_shared>> -> memref<632xf32, #tpu.memory_space<vmem_shared>>
      %dma_start3A_309 = arith.constant 0 : i32
      %dma_start3A_310 = tpu.memref_slice %arg8[%dma_start3A_309] : memref<640xf32, #tpu.memory_space<vmem>> -> memref<632xf32, #tpu.memory_space<vmem>>
      tpu.enqueue_dma source(%dma_start3A_310 : memref<632xf32, #tpu.memory_space<vmem>>) target(%dma_start3A_308 : memref<632xf32, #tpu.memory_space<vmem_shared>>) target_semaphore(%run_scoped3A_305 : memref<!tpu.dma_semaphore, #tpu.memory_space<semaphore_mem>>)
      %dma_wait3A = arith.constant 0 : i32
      %dma_wait3A_311 = tpu.memref_slice %arg8[%dma_wait3A] : memref<640xf32, #tpu.memory_space<vmem>> -> memref<632xf32, #tpu.memory_space<vmem>>
      %dma_wait3A_312 = tpu.memref_slice %arg9[%mul3A_286] : memref<10112xf32, #tpu.memory_space<vmem_shared>> -> memref<632xf32, #tpu.memory_space<vmem_shared>>
      %dma_wait3A_313 = tpu.memref_slice %arg9[%mul3A_286] : memref<10112xf32, #tpu.memory_space<vmem_shared>> -> memref<632xf32, #tpu.memory_space<vmem_shared>>
      %dma_wait3A_314 = arith.constant 0 : i32
      %dma_wait3A_315 = tpu.memref_slice %arg8[%dma_wait3A_314] : memref<640xf32, #tpu.memory_space<vmem>> -> memref<632xf32, #tpu.memory_space<vmem>>
      tpu.wait_dma2 semaphore(%run_scoped3A_305 : memref<!tpu.dma_semaphore, #tpu.memory_space<semaphore_mem>>) src(%dma_wait3A_315 : memref<632xf32, #tpu.memory_space<vmem>>) dst(%dma_wait3A_313 : memref<632xf32, #tpu.memory_space<vmem_shared>>)
      tpu.yield
    }) : () -> ()
    %barrier3A = arith.constant 0 : index
    tpu.barrier barrier_id(%barrier3A)
    %scan3A = arith.constant 0 : i32
    %scan3A_287 = arith.constant 0 : i32
    %scan3A_288 = arith.constant 160 : i32
    %scan3A_289 = arith.addi %scan3A_287, %scan3A_288 : i32
    %scan3A_290 = arith.constant 1 : i32
    scf.for %scan3A_305 = %scan3A_287 to %scan3A_289 step %scan3A_290  : i32 {
      "tpu.region"() ({
        %run_scoped3A_306 = tpu.sem_alloc : memref<!tpu.dma_semaphore, #tpu.memory_space<semaphore_mem>>
        %dma_start3A = arith.constant 0 : i32
        %dma_start3A_307 = tpu.memref_slice %arg5[%scan3A_305, %dma_start3A] : memref<160x128xi32, #tpu.memory_space<vmem>> -> memref<1x128xi32, #tpu.memory_space<vmem>>
        %dma_start3A_308 = tpu.memref_squeeze %dma_start3A_307 : memref<1x128xi32, #tpu.memory_space<vmem>> -> memref<128xi32, #tpu.memory_space<vmem>>
        %dma_start3A_309 = arith.constant 0 : i32
        %dma_start3A_310 = tpu.memref_slice %arg9[%dma_start3A_309] : memref<10112xf32, #tpu.memory_space<vmem_shared>> -> memref<10112xf32, #tpu.memory_space<vmem_shared>>
        tpu.enqueue_indirect_dma source(%arg7 : memref<128xf32, #tpu.memory_space<vmem>>) target(%dma_start3A_310 : memref<10112xf32, #tpu.memory_space<vmem_shared>>) offsets(%dma_start3A_308 : memref<128xi32, #tpu.memory_space<vmem>>) semaphore(%run_scoped3A_306 : memref<!tpu.dma_semaphore, #tpu.memory_space<semaphore_mem>>) {add = true}
        %dma_wait3A = arith.constant 0 : i32
        %dma_wait3A_311 = tpu.memref_slice %arg5[%scan3A_305, %dma_wait3A] : memref<160x128xi32, #tpu.memory_space<vmem>> -> memref<1x128xi32, #tpu.memory_space<vmem>>
        %dma_wait3A_312 = tpu.memref_squeeze %dma_wait3A_311 : memref<1x128xi32, #tpu.memory_space<vmem>> -> memref<128xi32, #tpu.memory_space<vmem>>
        %dma_wait3A_313 = arith.constant 0 : i32
        %dma_wait3A_314 = tpu.memref_slice %arg9[%dma_wait3A_313] : memref<10112xf32, #tpu.memory_space<vmem_shared>> -> memref<10112xf32, #tpu.memory_space<vmem_shared>>
        tpu.wait_indirect_dma semaphore(%run_scoped3A_306 : memref<!tpu.dma_semaphore, #tpu.memory_space<semaphore_mem>>) src(%arg7 : memref<128xf32, #tpu.memory_space<vmem>>) dst(%dma_wait3A_314 : memref<10112xf32, #tpu.memory_space<vmem_shared>>)
        tpu.yield
      }) : () -> ()
    }
    %scan3A_291 = arith.constant 160 : i32
    %mul3A_292 = arith.constant 5056 : i32
    %mul3A_293 = arith.muli %arg0, %mul3A_292 : i32
    %add3A = arith.constant 5056 : i32
    %add3A_294 = arith.addi %add3A, %arg1 : i32
    %scan3A_295 = arith.constant 0 : i32
    %scan3A_296 = arith.constant 0 : i32
    %scan3A_297 = arith.constant 160 : i32
    %scan3A_298 = arith.addi %scan3A_296, %scan3A_297 : i32
    %scan3A_299 = arith.constant 1 : i32
    scf.for %scan3A_305 = %scan3A_296 to %scan3A_298 step %scan3A_299  : i32 {
      %get3A = arith.index_cast %scan3A_305 : i32 to index
      %get3A_306 = arith.constant 0 : index
      %get3A_307 = tpu.vector_load %arg6[%get3A, %get3A_306] {strides = array<i32>} : memref<160x128xi32, #tpu.memory_space<vmem>>, vector<1x16xi32>,
      %get3A_308 = vector.shape_cast %get3A_307 : vector<1x16xi32> to vector<16xi32>
      %sub3A = vector.broadcast %mul3A_293 : i32 to vector<16xi32>
      %sub3A_309 = arith.subi %get3A_308, %sub3A : vector<16xi32>
      %ge3A = arith.constant 0 : i32
      %ge3A_310 = vector.broadcast %ge3A : i32 to vector<16xi32>
      %ge3A_311 = arith.cmpi sge, %sub3A_309, %ge3A_310 : vector<16xi32>
      %lt3A = arith.constant 5056 : i32
      %lt3A_312 = vector.broadcast %lt3A : i32 to vector<16xi32>
      %lt3A_313 = arith.cmpi slt, %sub3A_309, %lt3A_312 : vector<16xi32>
      %and3A = arith.andi %ge3A_311, %lt3A_313 : vector<16xi1>
      %broadcast_in_dim3A_314 = vector.broadcast %add3A_294 : i32 to vector<16xi32>
      %select_n3A = arith.select %and3A, %sub3A_309, %broadcast_in_dim3A_314 : vector<16xi1>, vector<16xi32>
      %swap3A_315 = arith.index_cast %scan3A_305 : i32 to index
      %swap3A_316 = arith.constant 0 : index
      %swap3A_317 = tpu.vector_load %arg6[%swap3A_315, %swap3A_316] {strides = array<i32>} : memref<160x128xi32, #tpu.memory_space<vmem>>, vector<1x16xi32>,
      %swap3A_318 = vector.shape_cast %swap3A_317 : vector<1x16xi32> to vector<16xi32>
      %swap3A_319 = vector.shape_cast %select_n3A : vector<16xi32> to vector<1x16xi32>
      tpu.vector_store %arg6[%swap3A_315, %swap3A_316], %swap3A_319 {strides = array<i32>} : memref<160x128xi32, #tpu.memory_space<vmem>>, vector<1x16xi32>,
      %get3A_320 = arith.index_cast %scan3A_305 : i32 to index
      %get3A_321 = arith.constant 16 : index
      %get3A_322 = tpu.vector_load %arg6[%get3A_320, %get3A_321] {strides = array<i32>} : memref<160x128xi32, #tpu.memory_space<vmem>>, vector<1x16xi32>,
      %get3A_323 = vector.shape_cast %get3A_322 : vector<1x16xi32> to vector<16xi32>
      %sub3A_324 = vector.broadcast %mul3A_293 : i32 to vector<16xi32>
      %sub3A_325 = arith.subi %get3A_323, %sub3A_324 : vector<16xi32>
      %ge3A_326 = arith.constant 0 : i32
      %ge3A_327 = vector.broadcast %ge3A_326 : i32 to vector<16xi32>
      %ge3A_328 = arith.cmpi sge, %sub3A_325, %ge3A_327 : vector<16xi32>
      %lt3A_329 = arith.constant 5056 : i32
      %lt3A_330 = vector.broadcast %lt3A_329 : i32 to vector<16xi32>
      %lt3A_331 = arith.cmpi slt, %sub3A_325, %lt3A_330 : vector<16xi32>
      %and3A_332 = arith.andi %ge3A_328, %lt3A_331 : vector<16xi1>
      %broadcast_in_dim3A_333 = vector.broadcast %add3A_294 : i32 to vector<16xi32>
      %select_n3A_334 = arith.select %and3A_332, %sub3A_325, %broadcast_in_dim3A_333 : vector<16xi1>, vector<16xi32>
      %swap3A_335 = arith.index_cast %scan3A_305 : i32 to index
      %swap3A_336 = arith.constant 16 : index
      %swap3A_337 = tpu.vector_load %arg6[%swap3A_335, %swap3A_336] {strides = array<i32>} : memref<160x128xi32, #tpu.memory_space<vmem>>, vector<1x16xi32>,
      %swap3A_338 = vector.shape_cast %swap3A_337 : vector<1x16xi32> to vector<16xi32>
      %swap3A_339 = vector.shape_cast %select_n3A_334 : vector<16xi32> to vector<1x16xi32>
      tpu.vector_store %arg6[%swap3A_335, %swap3A_336], %swap3A_339 {strides = array<i32>} : memref<160x128xi32, #tpu.memory_space<vmem>>, vector<1x16xi32>,
      %get3A_340 = arith.index_cast %scan3A_305 : i32 to index
      %get3A_341 = arith.constant 32 : index
      %get3A_342 = tpu.vector_load %arg6[%get3A_340, %get3A_341] {strides = array<i32>} : memref<160x128xi32, #tpu.memory_space<vmem>>, vector<1x16xi32>,
      %get3A_343 = vector.shape_cast %get3A_342 : vector<1x16xi32> to vector<16xi32>
      %sub3A_344 = vector.broadcast %mul3A_293 : i32 to vector<16xi32>
      %sub3A_345 = arith.subi %get3A_343, %sub3A_344 : vector<16xi32>
      %ge3A_346 = arith.constant 0 : i32
      %ge3A_347 = vector.broadcast %ge3A_346 : i32 to vector<16xi32>
      %ge3A_348 = arith.cmpi sge, %sub3A_345, %ge3A_347 : vector<16xi32>
      %lt3A_349 = arith.constant 5056 : i32
      %lt3A_350 = vector.broadcast %lt3A_349 : i32 to vector<16xi32>
      %lt3A_351 = arith.cmpi slt, %sub3A_345, %lt3A_350 : vector<16xi32>
      %and3A_352 = arith.andi %ge3A_348, %lt3A_351 : vector<16xi1>
      %broadcast_in_dim3A_353 = vector.broadcast %add3A_294 : i32 to vector<16xi32>
      %select_n3A_354 = arith.select %and3A_352, %sub3A_345, %broadcast_in_dim3A_353 : vector<16xi1>, vector<16xi32>
      %swap3A_355 = arith.index_cast %scan3A_305 : i32 to index
      %swap3A_356 = arith.constant 32 : index
      %swap3A_357 = tpu.vector_load %arg6[%swap3A_355, %swap3A_356] {strides = array<i32>} : memref<160x128xi32, #tpu.memory_space<vmem>>, vector<1x16xi32>,
      %swap3A_358 = vector.shape_cast %swap3A_357 : vector<1x16xi32> to vector<16xi32>
      %swap3A_359 = vector.shape_cast %select_n3A_354 : vector<16xi32> to vector<1x16xi32>
      tpu.vector_store %arg6[%swap3A_355, %swap3A_356], %swap3A_359 {strides = array<i32>} : memref<160x128xi32, #tpu.memory_space<vmem>>, vector<1x16xi32>,
      %get3A_360 = arith.index_cast %scan3A_305 : i32 to index
      %get3A_361 = arith.constant 48 : index
      %get3A_362 = tpu.vector_load %arg6[%get3A_360, %get3A_361] {strides = array<i32>} : memref<160x128xi32, #tpu.memory_space<vmem>>, vector<1x16xi32>,
      %get3A_363 = vector.shape_cast %get3A_362 : vector<1x16xi32> to vector<16xi32>
      %sub3A_364 = vector.broadcast %mul3A_293 : i32 to vector<16xi32>
      %sub3A_365 = arith.subi %get3A_363, %sub3A_364 : vector<16xi32>
      %ge3A_366 = arith.constant 0 : i32
      %ge3A_367 = vector.broadcast %ge3A_366 : i32 to vector<16xi32>
      %ge3A_368 = arith.cmpi sge, %sub3A_365, %ge3A_367 : vector<16xi32>
      %lt3A_369 = arith.constant 5056 : i32
      %lt3A_370 = vector.broadcast %lt3A_369 : i32 to vector<16xi32>
      %lt3A_371 = arith.cmpi slt, %sub3A_365, %lt3A_370 : vector<16xi32>
      %and3A_372 = arith.andi %ge3A_368, %lt3A_371 : vector<16xi1>
      %broadcast_in_dim3A_373 = vector.broadcast %add3A_294 : i32 to vector<16xi32>
      %select_n3A_374 = arith.select %and3A_372, %sub3A_365, %broadcast_in_dim3A_373 : vector<16xi1>, vector<16xi32>
      %swap3A_375 = arith.index_cast %scan3A_305 : i32 to index
      %swap3A_376 = arith.constant 48 : index
      %swap3A_377 = tpu.vector_load %arg6[%swap3A_375, %swap3A_376] {strides = array<i32>} : memref<160x128xi32, #tpu.memory_space<vmem>>, vector<1x16xi32>,
      %swap3A_378 = vector.shape_cast %swap3A_377 : vector<1x16xi32> to vector<16xi32>
      %swap3A_379 = vector.shape_cast %select_n3A_374 : vector<16xi32> to vector<1x16xi32>
      tpu.vector_store %arg6[%swap3A_375, %swap3A_376], %swap3A_379 {strides = array<i32>} : memref<160x128xi32, #tpu.memory_space<vmem>>, vector<1x16xi32>,
      %get3A_380 = arith.index_cast %scan3A_305 : i32 to index
      %get3A_381 = arith.constant 64 : index
      %get3A_382 = tpu.vector_load %arg6[%get3A_380, %get3A_381] {strides = array<i32>} : memref<160x128xi32, #tpu.memory_space<vmem>>, vector<1x16xi32>,
      %get3A_383 = vector.shape_cast %get3A_382 : vector<1x16xi32> to vector<16xi32>
      %sub3A_384 = vector.broadcast %mul3A_293 : i32 to vector<16xi32>
      %sub3A_385 = arith.subi %get3A_383, %sub3A_384 : vector<16xi32>
      %ge3A_386 = arith.constant 0 : i32
      %ge3A_387 = vector.broadcast %ge3A_386 : i32 to vector<16xi32>
      %ge3A_388 = arith.cmpi sge, %sub3A_385, %ge3A_387 : vector<16xi32>
      %lt3A_389 = arith.constant 5056 : i32
      %lt3A_390 = vector.broadcast %lt3A_389 : i32 to vector<16xi32>
      %lt3A_391 = arith.cmpi slt, %sub3A_385, %lt3A_390 : vector<16xi32>
      %and3A_392 = arith.andi %ge3A_388, %lt3A_391 : vector<16xi1>
      %broadcast_in_dim3A_393 = vector.broadcast %add3A_294 : i32 to vector<16xi32>
      %select_n3A_394 = arith.select %and3A_392, %sub3A_385, %broadcast_in_dim3A_393 : vector<16xi1>, vector<16xi32>
      %swap3A_395 = arith.index_cast %scan3A_305 : i32 to index
      %swap3A_396 = arith.constant 64 : index
      %swap3A_397 = tpu.vector_load %arg6[%swap3A_395, %swap3A_396] {strides = array<i32>} : memref<160x128xi32, #tpu.memory_space<vmem>>, vector<1x16xi32>,
      %swap3A_398 = vector.shape_cast %swap3A_397 : vector<1x16xi32> to vector<16xi32>
      %swap3A_399 = vector.shape_cast %select_n3A_394 : vector<16xi32> to vector<1x16xi32>
      tpu.vector_store %arg6[%swap3A_395, %swap3A_396], %swap3A_399 {strides = array<i32>} : memref<160x128xi32, #tpu.memory_space<vmem>>, vector<1x16xi32>,
      %get3A_400 = arith.index_cast %scan3A_305 : i32 to index
      %get3A_401 = arith.constant 80 : index
      %get3A_402 = tpu.vector_load %arg6[%get3A_400, %get3A_401] {strides = array<i32>} : memref<160x128xi32, #tpu.memory_space<vmem>>, vector<1x16xi32>,
      %get3A_403 = vector.shape_cast %get3A_402 : vector<1x16xi32> to vector<16xi32>
      %sub3A_404 = vector.broadcast %mul3A_293 : i32 to vector<16xi32>
      %sub3A_405 = arith.subi %get3A_403, %sub3A_404 : vector<16xi32>
      %ge3A_406 = arith.constant 0 : i32
      %ge3A_407 = vector.broadcast %ge3A_406 : i32 to vector<16xi32>
      %ge3A_408 = arith.cmpi sge, %sub3A_405, %ge3A_407 : vector<16xi32>
      %lt3A_409 = arith.constant 5056 : i32
      %lt3A_410 = vector.broadcast %lt3A_409 : i32 to vector<16xi32>
      %lt3A_411 = arith.cmpi slt, %sub3A_405, %lt3A_410 : vector<16xi32>
      %and3A_412 = arith.andi %ge3A_408, %lt3A_411 : vector<16xi1>
      %broadcast_in_dim3A_413 = vector.broadcast %add3A_294 : i32 to vector<16xi32>
      %select_n3A_414 = arith.select %and3A_412, %sub3A_405, %broadcast_in_dim3A_413 : vector<16xi1>, vector<16xi32>
      %swap3A_415 = arith.index_cast %scan3A_305 : i32 to index
      %swap3A_416 = arith.constant 80 : index
      %swap3A_417 = tpu.vector_load %arg6[%swap3A_415, %swap3A_416] {strides = array<i32>} : memref<160x128xi32, #tpu.memory_space<vmem>>, vector<1x16xi32>,
      %swap3A_418 = vector.shape_cast %swap3A_417 : vector<1x16xi32> to vector<16xi32>
      %swap3A_419 = vector.shape_cast %select_n3A_414 : vector<16xi32> to vector<1x16xi32>
      tpu.vector_store %arg6[%swap3A_415, %swap3A_416], %swap3A_419 {strides = array<i32>} : memref<160x128xi32, #tpu.memory_space<vmem>>, vector<1x16xi32>,
      %get3A_420 = arith.index_cast %scan3A_305 : i32 to index
      %get3A_421 = arith.constant 96 : index
      %get3A_422 = tpu.vector_load %arg6[%get3A_420, %get3A_421] {strides = array<i32>} : memref<160x128xi32, #tpu.memory_space<vmem>>, vector<1x16xi32>,
      %get3A_423 = vector.shape_cast %get3A_422 : vector<1x16xi32> to vector<16xi32>
      %sub3A_424 = vector.broadcast %mul3A_293 : i32 to vector<16xi32>
      %sub3A_425 = arith.subi %get3A_423, %sub3A_424 : vector<16xi32>
      %ge3A_426 = arith.constant 0 : i32
      %ge3A_427 = vector.broadcast %ge3A_426 : i32 to vector<16xi32>
      %ge3A_428 = arith.cmpi sge, %sub3A_425, %ge3A_427 : vector<16xi32>
      %lt3A_429 = arith.constant 5056 : i32
      %lt3A_430 = vector.broadcast %lt3A_429 : i32 to vector<16xi32>
      %lt3A_431 = arith.cmpi slt, %sub3A_425, %lt3A_430 : vector<16xi32>
      %and3A_432 = arith.andi %ge3A_428, %lt3A_431 : vector<16xi1>
      %broadcast_in_dim3A_433 = vector.broadcast %add3A_294 : i32 to vector<16xi32>
      %select_n3A_434 = arith.select %and3A_432, %sub3A_425, %broadcast_in_dim3A_433 : vector<16xi1>, vector<16xi32>
      %swap3A_435 = arith.index_cast %scan3A_305 : i32 to index
      %swap3A_436 = arith.constant 96 : index
      %swap3A_437 = tpu.vector_load %arg6[%swap3A_435, %swap3A_436] {strides = array<i32>} : memref<160x128xi32, #tpu.memory_space<vmem>>, vector<1x16xi32>,
      %swap3A_438 = vector.shape_cast %swap3A_437 : vector<1x16xi32> to vector<16xi32>
      %swap3A_439 = vector.shape_cast %select_n3A_434 : vector<16xi32> to vector<1x16xi32>
      tpu.vector_store %arg6[%swap3A_435, %swap3A_436], %swap3A_439 {strides = array<i32>} : memref<160x128xi32, #tpu.memory_space<vmem>>, vector<1x16xi32>,
      %get3A_440 = arith.index_cast %scan3A_305 : i32 to index
      %get3A_441 = arith.constant 112 : index
      %get3A_442 = tpu.vector_load %arg6[%get3A_440, %get3A_441] {strides = array<i32>} : memref<160x128xi32, #tpu.memory_space<vmem>>, vector<1x16xi32>,
      %get3A_443 = vector.shape_cast %get3A_442 : vector<1x16xi32> to vector<16xi32>
      %sub3A_444 = vector.broadcast %mul3A_293 : i32 to vector<16xi32>
      %sub3A_445 = arith.subi %get3A_443, %sub3A_444 : vector<16xi32>
      %ge3A_446 = arith.constant 0 : i32
      %ge3A_447 = vector.broadcast %ge3A_446 : i32 to vector<16xi32>
      %ge3A_448 = arith.cmpi sge, %sub3A_445, %ge3A_447 : vector<16xi32>
      %lt3A_449 = arith.constant 5056 : i32
      %lt3A_450 = vector.broadcast %lt3A_449 : i32 to vector<16xi32>
      %lt3A_451 = arith.cmpi slt, %sub3A_445, %lt3A_450 : vector<16xi32>
      %and3A_452 = arith.andi %ge3A_448, %lt3A_451 : vector<16xi1>
      %broadcast_in_dim3A_453 = vector.broadcast %add3A_294 : i32 to vector<16xi32>
      %select_n3A_454 = arith.select %and3A_452, %sub3A_445, %broadcast_in_dim3A_453 : vector<16xi1>, vector<16xi32>
      %swap3A_455 = arith.index_cast %scan3A_305 : i32 to index
      %swap3A_456 = arith.constant 112 : index
      %swap3A_457 = tpu.vector_load %arg6[%swap3A_455, %swap3A_456] {strides = array<i32>} : memref<160x128xi32, #tpu.memory_space<vmem>>, vector<1x16xi32>,
      %swap3A_458 = vector.shape_cast %swap3A_457 : vector<1x16xi32> to vector<16xi32>
      %swap3A_459 = vector.shape_cast %select_n3A_454 : vector<16xi32> to vector<1x16xi32>
      tpu.vector_store %arg6[%swap3A_455, %swap3A_456], %swap3A_459 {strides = array<i32>} : memref<160x128xi32, #tpu.memory_space<vmem>>, vector<1x16xi32>,
    }
    %scan3A_300 = arith.constant 160 : i32
    "tpu.region"() ({
      %run_scoped3A_305 = tpu.sem_alloc : memref<!tpu.dma_semaphore, #tpu.memory_space<semaphore_mem>>
      %dma_start3A = arith.constant 0 : i32
      %dma_start3A_306 = arith.constant 0 : i32
      %dma_start3A_307 = tpu.memref_slice %arg4[%arg0, %arg1, %dma_start3A, %dma_start3A_306] : memref<2x16x160x128xi32, #tpu.memory_space<hbm>> -> memref<1x1x160x128xi32, #tpu.memory_space<hbm>>
      %dma_start3A_308 = tpu.memref_squeeze %dma_start3A_307 : memref<1x1x160x128xi32, #tpu.memory_space<hbm>> -> memref<160x128xi32, #tpu.memory_space<hbm>>
      %dma_start3A_309 = arith.constant 0 : i32
      %dma_start3A_310 = arith.constant 0 : i32
      %dma_start3A_311 = tpu.memref_slice %arg4[%arg0, %arg1, %dma_start3A_309, %dma_start3A_310] : memref<2x16x160x128xi32, #tpu.memory_space<hbm>> -> memref<1x1x160x128xi32, #tpu.memory_space<hbm>>
      %dma_start3A_312 = tpu.memref_squeeze %dma_start3A_311 : memref<1x1x160x128xi32, #tpu.memory_space<hbm>> -> memref<160x128xi32, #tpu.memory_space<hbm>>
      tpu.enqueue_dma source(%arg6 : memref<160x128xi32, #tpu.memory_space<vmem>>) target(%dma_start3A_312 : memref<160x128xi32, #tpu.memory_space<hbm>>) target_semaphore(%run_scoped3A_305 : memref<!tpu.dma_semaphore, #tpu.memory_space<semaphore_mem>>)
      %dma_wait3A = arith.constant 0 : i32
      %dma_wait3A_313 = arith.constant 0 : i32
      %dma_wait3A_314 = tpu.memref_slice %arg4[%arg0, %arg1, %dma_wait3A, %dma_wait3A_313] : memref<2x16x160x128xi32, #tpu.memory_space<hbm>> -> memref<1x1x160x128xi32, #tpu.memory_space<hbm>>
      %dma_wait3A_315 = tpu.memref_squeeze %dma_wait3A_314 : memref<1x1x160x128xi32, #tpu.memory_space<hbm>> -> memref<160x128xi32, #tpu.memory_space<hbm>>
      %dma_wait3A_316 = arith.constant 0 : i32
      %dma_wait3A_317 = arith.constant 0 : i32
      %dma_wait3A_318 = tpu.memref_slice %arg4[%arg0, %arg1, %dma_wait3A_316, %dma_wait3A_317] : memref<2x16x160x128xi32, #tpu.memory_space<hbm>> -> memref<1x1x160x128xi32, #tpu.memory_space<hbm>>
      %dma_wait3A_319 = tpu.memref_squeeze %dma_wait3A_318 : memref<1x1x160x128xi32, #tpu.memory_space<hbm>> -> memref<160x128xi32, #tpu.memory_space<hbm>>
      tpu.wait_dma2 semaphore(%run_scoped3A_305 : memref<!tpu.dma_semaphore, #tpu.memory_space<semaphore_mem>>) src(%arg6 : memref<160x128xi32, #tpu.memory_space<vmem>>) dst(%dma_wait3A_319 : memref<160x128xi32, #tpu.memory_space<hbm>>)
      tpu.yield
    }) : () -> ()
    %barrier3A_301 = arith.constant 0 : index
    tpu.barrier barrier_id(%barrier3A_301)
    %mul3A_302 = arith.constant 632 : i32
    %mul3A_303 = arith.muli %arg1, %mul3A_302 : i32
    "tpu.region"() ({
      %run_scoped3A_305 = tpu.sem_alloc : memref<!tpu.dma_semaphore, #tpu.memory_space<semaphore_mem>>
      %dma_start3A = arith.constant 0 : i32
      %dma_start3A_306 = tpu.memref_slice %arg8[%dma_start3A] : memref<640xf32, #tpu.memory_space<vmem>> -> memref<632xf32, #tpu.memory_space<vmem>>
      %dma_start3A_307 = tpu.memref_slice %arg9[%mul3A_303] : memref<10112xf32, #tpu.memory_space<vmem_shared>> -> memref<632xf32, #tpu.memory_space<vmem_shared>>
      %dma_start3A_308 = arith.constant 0 : i32
      %dma_start3A_309 = tpu.memref_slice %arg8[%dma_start3A_308] : memref<640xf32, #tpu.memory_space<vmem>> -> memref<632xf32, #tpu.memory_space<vmem>>
      %dma_start3A_310 = tpu.memref_slice %arg9[%mul3A_303] : memref<10112xf32, #tpu.memory_space<vmem_shared>> -> memref<632xf32, #tpu.memory_space<vmem_shared>>
      tpu.enqueue_dma source(%dma_start3A_310 : memref<632xf32, #tpu.memory_space<vmem_shared>>) target(%dma_start3A_309 : memref<632xf32, #tpu.memory_space<vmem>>) target_semaphore(%run_scoped3A_305 : memref<!tpu.dma_semaphore, #tpu.memory_space<semaphore_mem>>)
      %dma_wait3A = arith.constant 0 : i32
      %dma_wait3A_311 = tpu.memref_slice %arg8[%dma_wait3A] : memref<640xf32, #tpu.memory_space<vmem>> -> memref<632xf32, #tpu.memory_space<vmem>>
      %dma_wait3A_312 = tpu.memref_slice %arg9[%mul3A_303] : memref<10112xf32, #tpu.memory_space<vmem_shared>> -> memref<632xf32, #tpu.memory_space<vmem_shared>>
      %dma_wait3A_313 = arith.constant 0 : i32
      %dma_wait3A_314 = tpu.memref_slice %arg8[%dma_wait3A_313] : memref<640xf32, #tpu.memory_space<vmem>> -> memref<632xf32, #tpu.memory_space<vmem>>
      %dma_wait3A_315 = tpu.memref_slice %arg9[%mul3A_303] : memref<10112xf32, #tpu.memory_space<vmem_shared>> -> memref<632xf32, #tpu.memory_space<vmem_shared>>
      tpu.wait_dma2 semaphore(%run_scoped3A_305 : memref<!tpu.dma_semaphore, #tpu.memory_space<semaphore_mem>>) src(%dma_wait3A_315 : memref<632xf32, #tpu.memory_space<vmem_shared>>) dst(%dma_wait3A_314 : memref<632xf32, #tpu.memory_space<vmem>>)
      tpu.yield
    }) : () -> ()
    %run_scoped3A_304 = arith.constant 0 : i32
    "tpu.region"() ({
      %run_scoped3A_305 = tpu.sem_alloc : memref<!tpu.dma_semaphore, #tpu.memory_space<semaphore_mem>>
      %dma_start3A = arith.constant 0 : i32
      %dma_start3A_306 = tpu.memref_slice %arg8[%dma_start3A] : memref<640xf32, #tpu.memory_space<vmem>> -> memref<632xf32, #tpu.memory_space<vmem>>
      %dma_start3A_307 = arith.constant 0 : i32
      %dma_start3A_308 = tpu.memref_slice %arg3[%arg0, %arg1, %run_scoped3A_304, %dma_start3A_307] : memref<2x16x1x632xf32, #tpu.memory_space<hbm>> -> memref<1x1x1x632xf32, #tpu.memory_space<hbm>>
      %dma_start3A_309 = tpu.memref_squeeze %dma_start3A_308 : memref<1x1x1x632xf32, #tpu.memory_space<hbm>> -> memref<632xf32, #tpu.memory_space<hbm>>
      %dma_start3A_310 = arith.constant 0 : i32
      %dma_start3A_311 = tpu.memref_slice %arg3[%arg0, %arg1, %run_scoped3A_304, %dma_start3A_310] : memref<2x16x1x632xf32, #tpu.memory_space<hbm>> -> memref<1x1x1x632xf32, #tpu.memory_space<hbm>>
      %dma_start3A_312 = tpu.memref_squeeze %dma_start3A_311 : memref<1x1x1x632xf32, #tpu.memory_space<hbm>> -> memref<632xf32, #tpu.memory_space<hbm>>
      %dma_start3A_313 = arith.constant 0 : i32
      %dma_start3A_314 = tpu.memref_slice %arg8[%dma_start3A_313] : memref<640xf32, #tpu.memory_space<vmem>> -> memref<632xf32, #tpu.memory_space<vmem>>
      tpu.enqueue_dma source(%dma_start3A_314 : memref<632xf32, #tpu.memory_space<vmem>>) target(%dma_start3A_312 : memref<632xf32, #tpu.memory_space<hbm>>) target_semaphore(%run_scoped3A_305 : memref<!tpu.dma_semaphore, #tpu.memory_space<semaphore_mem>>)
      %dma_wait3A = arith.constant 0 : i32
      %dma_wait3A_315 = tpu.memref_slice %arg8[%dma_wait3A] : memref<640xf32, #tpu.memory_space<vmem>> -> memref<632xf32, #tpu.memory_space<vmem>>
      %dma_wait3A_316 = arith.constant 0 : i32
      %dma_wait3A_317 = tpu.memref_slice %arg3[%arg0, %arg1, %run_scoped3A_304, %dma_wait3A_316] : memref<2x16x1x632xf32, #tpu.memory_space<hbm>> -> memref<1x1x1x632xf32, #tpu.memory_space<hbm>>
      %dma_wait3A_318 = tpu.memref_squeeze %dma_wait3A_317 : memref<1x1x1x632xf32, #tpu.memory_space<hbm>> -> memref<632xf32, #tpu.memory_space<hbm>>
      %dma_wait3A_319 = arith.constant 0 : i32
      %dma_wait3A_320 = tpu.memref_slice %arg3[%arg0, %arg1, %run_scoped3A_304, %dma_wait3A_319] : memref<2x16x1x632xf32, #tpu.memory_space<hbm>> -> memref<1x1x1x632xf32, #tpu.memory_space<hbm>>
      %dma_wait3A_321 = tpu.memref_squeeze %dma_wait3A_320 : memref<1x1x1x632xf32, #tpu.memory_space<hbm>> -> memref<632xf32, #tpu.memory_space<hbm>>
      %dma_wait3A_322 = arith.constant 0 : i32
      %dma_wait3A_323 = tpu.memref_slice %arg8[%dma_wait3A_322] : memref<640xf32, #tpu.memory_space<vmem>> -> memref<632xf32, #tpu.memory_space<vmem>>
      tpu.wait_dma2 semaphore(%run_scoped3A_305 : memref<!tpu.dma_semaphore, #tpu.memory_space<semaphore_mem>>) src(%dma_wait3A_323 : memref<632xf32, #tpu.memory_space<vmem>>) dst(%dma_wait3A_321 : memref<632xf32, #tpu.memory_space<hbm>>)
      tpu.yield
    }) : () -> ()
    return
  }
}

#map = affine_map<(d0, d1) -> (0, 0)>
#map1 = affine_map<(d0, d1) -> (0, 0, 0, 0)>
#map2 = affine_map<(d0, d1) -> (0, 0, 0)>
module attributes {stable_mosaic.version = 14 : i64} {
  func.func @_agg2_body(%arg0: i32, %arg1: i32, %arg2: memref<10112x128xf32, #tpu.memory_space<hbm>>, %arg3: memref<10112x128xf32, #tpu.memory_space<hbm>>, %arg4: memref<2x16x160x128xi32, #tpu.memory_space<hbm>>, %arg5: memref<2x16x160x128xi32, #tpu.memory_space<hbm>>, %arg6: memref<2x10112x128xf32, #tpu.memory_space<hbm>>, %arg7: memref<160x128xi32, #tpu.memory_space<vmem>>, %arg8: memref<160x128xi32, #tpu.memory_space<vmem>>, %arg9: memref<128x128xf32, #tpu.memory_space<vmem>>, %arg10: memref<128x128xf32, #tpu.memory_space<vmem>>, %arg11: memref<64x128xf32, #tpu.memory_space<vmem>>, %arg12: memref<64x128xf32, #tpu.memory_space<vmem>>, %arg13: memref<5072x128xf32, #tpu.memory_space<vmem_shared>>, %arg14: memref<!tpu.dma_semaphore, #tpu.memory_space<semaphore_mem>>, %arg15: memref<!tpu.dma_semaphore, #tpu.memory_space<semaphore_mem>>) attributes {dimension_semantics = [#tpu.dimension_semantics<core_parallel>, #tpu.dimension_semantics<subcore_parallel>], iteration_bounds = array<i64: 2, 16>, scalar_prefetch = 0 : i64, scratch_operands = 9 : i64, tpu.core_type = #tpu.core_type<sc_vector_subcore>, window_params = [{transform_indices = #map}, {transform_indices = #map}, {transform_indices = #map1}, {transform_indices = #map1}, {transform_indices = #map2}]} {
    %run_scoped3A = arith.constant 0 : i32
    "tpu.region"() ({
      %run_scoped3A_100 = tpu.sem_alloc : memref<!tpu.dma_semaphore, #tpu.memory_space<semaphore_mem>>
      %dma_start3A_101 = arith.constant 0 : i32
      %dma_start3A_102 = arith.constant 0 : i32
      %dma_start3A_103 = tpu.memref_slice %arg4[%run_scoped3A, %arg1, %dma_start3A_101, %dma_start3A_102] : memref<2x16x160x128xi32, #tpu.memory_space<hbm>> -> memref<1x1x160x128xi32, #tpu.memory_space<hbm>>
      %dma_start3A_104 = tpu.memref_squeeze %dma_start3A_103 : memref<1x1x160x128xi32, #tpu.memory_space<hbm>> -> memref<160x128xi32, #tpu.memory_space<hbm>>
      %dma_start3A_105 = arith.constant 0 : i32
      %dma_start3A_106 = arith.constant 0 : i32
      %dma_start3A_107 = tpu.memref_slice %arg4[%run_scoped3A, %arg1, %dma_start3A_105, %dma_start3A_106] : memref<2x16x160x128xi32, #tpu.memory_space<hbm>> -> memref<1x1x160x128xi32, #tpu.memory_space<hbm>>
      %dma_start3A_108 = tpu.memref_squeeze %dma_start3A_107 : memref<1x1x160x128xi32, #tpu.memory_space<hbm>> -> memref<160x128xi32, #tpu.memory_space<hbm>>
      tpu.enqueue_dma source(%dma_start3A_108 : memref<160x128xi32, #tpu.memory_space<hbm>>) target(%arg7 : memref<160x128xi32, #tpu.memory_space<vmem>>) target_semaphore(%run_scoped3A_100 : memref<!tpu.dma_semaphore, #tpu.memory_space<semaphore_mem>>)
      %dma_wait3A = arith.constant 0 : i32
      %dma_wait3A_109 = arith.constant 0 : i32
      %dma_wait3A_110 = tpu.memref_slice %arg4[%run_scoped3A, %arg1, %dma_wait3A, %dma_wait3A_109] : memref<2x16x160x128xi32, #tpu.memory_space<hbm>> -> memref<1x1x160x128xi32, #tpu.memory_space<hbm>>
      %dma_wait3A_111 = tpu.memref_squeeze %dma_wait3A_110 : memref<1x1x160x128xi32, #tpu.memory_space<hbm>> -> memref<160x128xi32, #tpu.memory_space<hbm>>
      %dma_wait3A_112 = arith.constant 0 : i32
      %dma_wait3A_113 = arith.constant 0 : i32
      %dma_wait3A_114 = tpu.memref_slice %arg4[%run_scoped3A, %arg1, %dma_wait3A_112, %dma_wait3A_113] : memref<2x16x160x128xi32, #tpu.memory_space<hbm>> -> memref<1x1x160x128xi32, #tpu.memory_space<hbm>>
      %dma_wait3A_115 = tpu.memref_squeeze %dma_wait3A_114 : memref<1x1x160x128xi32, #tpu.memory_space<hbm>> -> memref<160x128xi32, #tpu.memory_space<hbm>>
      tpu.wait_dma2 semaphore(%run_scoped3A_100 : memref<!tpu.dma_semaphore, #tpu.memory_space<semaphore_mem>>) src(%dma_wait3A_115 : memref<160x128xi32, #tpu.memory_space<hbm>>) dst(%arg7 : memref<160x128xi32, #tpu.memory_space<vmem>>)
      tpu.yield
    }) : () -> ()
    "tpu.region"() ({
      %run_scoped3A_100 = tpu.sem_alloc : memref<!tpu.dma_semaphore, #tpu.memory_space<semaphore_mem>>
      %dma_start3A_101 = arith.constant 0 : i32
      %dma_start3A_102 = arith.constant 0 : i32
      %dma_start3A_103 = tpu.memref_slice %arg5[%arg0, %arg1, %dma_start3A_101, %dma_start3A_102] : memref<2x16x160x128xi32, #tpu.memory_space<hbm>> -> memref<1x1x160x128xi32, #tpu.memory_space<hbm>>
      %dma_start3A_104 = tpu.memref_squeeze %dma_start3A_103 : memref<1x1x160x128xi32, #tpu.memory_space<hbm>> -> memref<160x128xi32, #tpu.memory_space<hbm>>
      %dma_start3A_105 = arith.constant 0 : i32
      %dma_start3A_106 = arith.constant 0 : i32
      %dma_start3A_107 = tpu.memref_slice %arg5[%arg0, %arg1, %dma_start3A_105, %dma_start3A_106] : memref<2x16x160x128xi32, #tpu.memory_space<hbm>> -> memref<1x1x160x128xi32, #tpu.memory_space<hbm>>
      %dma_start3A_108 = tpu.memref_squeeze %dma_start3A_107 : memref<1x1x160x128xi32, #tpu.memory_space<hbm>> -> memref<160x128xi32, #tpu.memory_space<hbm>>
      tpu.enqueue_dma source(%dma_start3A_108 : memref<160x128xi32, #tpu.memory_space<hbm>>) target(%arg8 : memref<160x128xi32, #tpu.memory_space<vmem>>) target_semaphore(%run_scoped3A_100 : memref<!tpu.dma_semaphore, #tpu.memory_space<semaphore_mem>>)
      %dma_wait3A = arith.constant 0 : i32
      %dma_wait3A_109 = arith.constant 0 : i32
      %dma_wait3A_110 = tpu.memref_slice %arg5[%arg0, %arg1, %dma_wait3A, %dma_wait3A_109] : memref<2x16x160x128xi32, #tpu.memory_space<hbm>> -> memref<1x1x160x128xi32, #tpu.memory_space<hbm>>
      %dma_wait3A_111 = tpu.memref_squeeze %dma_wait3A_110 : memref<1x1x160x128xi32, #tpu.memory_space<hbm>> -> memref<160x128xi32, #tpu.memory_space<hbm>>
      %dma_wait3A_112 = arith.constant 0 : i32
      %dma_wait3A_113 = arith.constant 0 : i32
      %dma_wait3A_114 = tpu.memref_slice %arg5[%arg0, %arg1, %dma_wait3A_112, %dma_wait3A_113] : memref<2x16x160x128xi32, #tpu.memory_space<hbm>> -> memref<1x1x160x128xi32, #tpu.memory_space<hbm>>
      %dma_wait3A_115 = tpu.memref_squeeze %dma_wait3A_114 : memref<1x1x160x128xi32, #tpu.memory_space<hbm>> -> memref<160x128xi32, #tpu.memory_space<hbm>>
      tpu.wait_dma2 semaphore(%run_scoped3A_100 : memref<!tpu.dma_semaphore, #tpu.memory_space<semaphore_mem>>) src(%dma_wait3A_115 : memref<160x128xi32, #tpu.memory_space<hbm>>) dst(%arg8 : memref<160x128xi32, #tpu.memory_space<vmem>>)
      tpu.yield
    }) : () -> ()
    %scan3A = arith.constant 0 : i32
    %scan3A_0 = arith.constant 0 : i32
    %scan3A_1 = arith.constant 64 : i32
    %scan3A_2 = arith.addi %scan3A_0, %scan3A_1 : i32
    %scan3A_3 = arith.constant 1 : i32
    scf.for %scan3A_100 = %scan3A_0 to %scan3A_2 step %scan3A_3  : i32 {
      %broadcast_in_dim3A = arith.constant 0.000000e+00 : f32
      %broadcast_in_dim3A_101 = vector.broadcast %broadcast_in_dim3A : f32 to vector<16xf32>
      %swap3A = arith.index_cast %scan3A_100 : i32 to index
      %swap3A_102 = arith.constant 0 : index
      %swap3A_103 = tpu.vector_load %arg11[%swap3A, %swap3A_102] {strides = array<i32>} : memref<64x128xf32, #tpu.memory_space<vmem>>, vector<1x16xf32>,
      %swap3A_104 = vector.shape_cast %swap3A_103 : vector<1x16xf32> to vector<16xf32>
      %swap3A_105 = vector.shape_cast %broadcast_in_dim3A_101 : vector<16xf32> to vector<1x16xf32>
      tpu.vector_store %arg11[%swap3A, %swap3A_102], %swap3A_105 {strides = array<i32>} : memref<64x128xf32, #tpu.memory_space<vmem>>, vector<1x16xf32>,
      %broadcast_in_dim3A_106 = arith.constant 0.000000e+00 : f32
      %broadcast_in_dim3A_107 = vector.broadcast %broadcast_in_dim3A_106 : f32 to vector<16xf32>
      %swap3A_108 = arith.index_cast %scan3A_100 : i32 to index
      %swap3A_109 = arith.constant 16 : index
      %swap3A_110 = tpu.vector_load %arg11[%swap3A_108, %swap3A_109] {strides = array<i32>} : memref<64x128xf32, #tpu.memory_space<vmem>>, vector<1x16xf32>,
      %swap3A_111 = vector.shape_cast %swap3A_110 : vector<1x16xf32> to vector<16xf32>
      %swap3A_112 = vector.shape_cast %broadcast_in_dim3A_107 : vector<16xf32> to vector<1x16xf32>
      tpu.vector_store %arg11[%swap3A_108, %swap3A_109], %swap3A_112 {strides = array<i32>} : memref<64x128xf32, #tpu.memory_space<vmem>>, vector<1x16xf32>,
      %broadcast_in_dim3A_113 = arith.constant 0.000000e+00 : f32
      %broadcast_in_dim3A_114 = vector.broadcast %broadcast_in_dim3A_113 : f32 to vector<16xf32>
      %swap3A_115 = arith.index_cast %scan3A_100 : i32 to index
      %swap3A_116 = arith.constant 32 : index
      %swap3A_117 = tpu.vector_load %arg11[%swap3A_115, %swap3A_116] {strides = array<i32>} : memref<64x128xf32, #tpu.memory_space<vmem>>, vector<1x16xf32>,
      %swap3A_118 = vector.shape_cast %swap3A_117 : vector<1x16xf32> to vector<16xf32>
      %swap3A_119 = vector.shape_cast %broadcast_in_dim3A_114 : vector<16xf32> to vector<1x16xf32>
      tpu.vector_store %arg11[%swap3A_115, %swap3A_116], %swap3A_119 {strides = array<i32>} : memref<64x128xf32, #tpu.memory_space<vmem>>, vector<1x16xf32>,
      %broadcast_in_dim3A_120 = arith.constant 0.000000e+00 : f32
      %broadcast_in_dim3A_121 = vector.broadcast %broadcast_in_dim3A_120 : f32 to vector<16xf32>
      %swap3A_122 = arith.index_cast %scan3A_100 : i32 to index
      %swap3A_123 = arith.constant 48 : index
      %swap3A_124 = tpu.vector_load %arg11[%swap3A_122, %swap3A_123] {strides = array<i32>} : memref<64x128xf32, #tpu.memory_space<vmem>>, vector<1x16xf32>,
      %swap3A_125 = vector.shape_cast %swap3A_124 : vector<1x16xf32> to vector<16xf32>
      %swap3A_126 = vector.shape_cast %broadcast_in_dim3A_121 : vector<16xf32> to vector<1x16xf32>
      tpu.vector_store %arg11[%swap3A_122, %swap3A_123], %swap3A_126 {strides = array<i32>} : memref<64x128xf32, #tpu.memory_space<vmem>>, vector<1x16xf32>,
      %broadcast_in_dim3A_127 = arith.constant 0.000000e+00 : f32
      %broadcast_in_dim3A_128 = vector.broadcast %broadcast_in_dim3A_127 : f32 to vector<16xf32>
      %swap3A_129 = arith.index_cast %scan3A_100 : i32 to index
      %swap3A_130 = arith.constant 64 : index
      %swap3A_131 = tpu.vector_load %arg11[%swap3A_129, %swap3A_130] {strides = array<i32>} : memref<64x128xf32, #tpu.memory_space<vmem>>, vector<1x16xf32>,
      %swap3A_132 = vector.shape_cast %swap3A_131 : vector<1x16xf32> to vector<16xf32>
      %swap3A_133 = vector.shape_cast %broadcast_in_dim3A_128 : vector<16xf32> to vector<1x16xf32>
      tpu.vector_store %arg11[%swap3A_129, %swap3A_130], %swap3A_133 {strides = array<i32>} : memref<64x128xf32, #tpu.memory_space<vmem>>, vector<1x16xf32>,
      %broadcast_in_dim3A_134 = arith.constant 0.000000e+00 : f32
      %broadcast_in_dim3A_135 = vector.broadcast %broadcast_in_dim3A_134 : f32 to vector<16xf32>
      %swap3A_136 = arith.index_cast %scan3A_100 : i32 to index
      %swap3A_137 = arith.constant 80 : index
      %swap3A_138 = tpu.vector_load %arg11[%swap3A_136, %swap3A_137] {strides = array<i32>} : memref<64x128xf32, #tpu.memory_space<vmem>>, vector<1x16xf32>,
      %swap3A_139 = vector.shape_cast %swap3A_138 : vector<1x16xf32> to vector<16xf32>
      %swap3A_140 = vector.shape_cast %broadcast_in_dim3A_135 : vector<16xf32> to vector<1x16xf32>
      tpu.vector_store %arg11[%swap3A_136, %swap3A_137], %swap3A_140 {strides = array<i32>} : memref<64x128xf32, #tpu.memory_space<vmem>>, vector<1x16xf32>,
      %broadcast_in_dim3A_141 = arith.constant 0.000000e+00 : f32
      %broadcast_in_dim3A_142 = vector.broadcast %broadcast_in_dim3A_141 : f32 to vector<16xf32>
      %swap3A_143 = arith.index_cast %scan3A_100 : i32 to index
      %swap3A_144 = arith.constant 96 : index
      %swap3A_145 = tpu.vector_load %arg11[%swap3A_143, %swap3A_144] {strides = array<i32>} : memref<64x128xf32, #tpu.memory_space<vmem>>, vector<1x16xf32>,
      %swap3A_146 = vector.shape_cast %swap3A_145 : vector<1x16xf32> to vector<16xf32>
      %swap3A_147 = vector.shape_cast %broadcast_in_dim3A_142 : vector<16xf32> to vector<1x16xf32>
      tpu.vector_store %arg11[%swap3A_143, %swap3A_144], %swap3A_147 {strides = array<i32>} : memref<64x128xf32, #tpu.memory_space<vmem>>, vector<1x16xf32>,
      %broadcast_in_dim3A_148 = arith.constant 0.000000e+00 : f32
      %broadcast_in_dim3A_149 = vector.broadcast %broadcast_in_dim3A_148 : f32 to vector<16xf32>
      %swap3A_150 = arith.index_cast %scan3A_100 : i32 to index
      %swap3A_151 = arith.constant 112 : index
      %swap3A_152 = tpu.vector_load %arg11[%swap3A_150, %swap3A_151] {strides = array<i32>} : memref<64x128xf32, #tpu.memory_space<vmem>>, vector<1x16xf32>,
      %swap3A_153 = vector.shape_cast %swap3A_152 : vector<1x16xf32> to vector<16xf32>
      %swap3A_154 = vector.shape_cast %broadcast_in_dim3A_149 : vector<16xf32> to vector<1x16xf32>
      tpu.vector_store %arg11[%swap3A_150, %swap3A_151], %swap3A_154 {strides = array<i32>} : memref<64x128xf32, #tpu.memory_space<vmem>>, vector<1x16xf32>,
    }
    %scan3A_4 = arith.constant 64 : i32
    %lt3A = arith.constant 15 : i32
    %lt3A_5 = arith.cmpi slt, %arg1, %lt3A : i32
    %jit3A = arith.constant 5 : i32
    %jit3A_6 = arith.constant 4 : i32
    %select_n3A = arith.select %lt3A_5, %jit3A, %jit3A_6 : i32
    %mul3A = arith.constant 320 : i32
    %mul3A_7 = arith.muli %arg1, %mul3A : i32
    %while3A = arith.constant 0 : i32
    %while3A_8 = arith.constant 0 : i32
    %while3A_9 = arith.subi %select_n3A, %while3A_8 : i32
    %while3A_10 = arith.addi %while3A_8, %while3A_9 : i32
    %while3A_11 = arith.constant 1 : i32
    %while3A_12 = arith.divsi %while3A_9, %while3A_11 : i32
    %while3A_13 = arith.muli %while3A_12, %while3A_11 : i32
    %while3A_14 = arith.addi %while3A_8, %while3A_13 : i32
    %while3A_15 = arith.constant 1 : i32
    scf.for %while3A_100 = %while3A_8 to %while3A_14 step %while3A_15  : i32 {
      %mul3A_101 = arith.constant 64 : i32
      %mul3A_102 = arith.muli %mul3A_101, %while3A_100 : i32
      %add3A = arith.addi %mul3A_7, %mul3A_102 : i32
      "tpu.region"() ({
        %run_scoped3A_103 = tpu.sem_alloc : memref<!tpu.dma_semaphore, #tpu.memory_space<semaphore_mem>>
        %dma_start3A_104 = arith.constant 0 : i32
        %dma_start3A_105 = tpu.memref_slice %arg13[%add3A, %dma_start3A_104] : memref<5072x128xf32, #tpu.memory_space<vmem_shared>> -> memref<64x128xf32, #tpu.memory_space<vmem_shared>>
        %dma_start3A_106 = arith.constant 0 : i32
        %dma_start3A_107 = tpu.memref_slice %arg13[%add3A, %dma_start3A_106] : memref<5072x128xf32, #tpu.memory_space<vmem_shared>> -> memref<64x128xf32, #tpu.memory_space<vmem_shared>>
        tpu.enqueue_dma source(%arg11 : memref<64x128xf32, #tpu.memory_space<vmem>>) target(%dma_start3A_107 : memref<64x128xf32, #tpu.memory_space<vmem_shared>>) target_semaphore(%run_scoped3A_103 : memref<!tpu.dma_semaphore, #tpu.memory_space<semaphore_mem>>)
        %dma_wait3A = arith.constant 0 : i32
        %dma_wait3A_108 = tpu.memref_slice %arg13[%add3A, %dma_wait3A] : memref<5072x128xf32, #tpu.memory_space<vmem_shared>> -> memref<64x128xf32, #tpu.memory_space<vmem_shared>>
        %dma_wait3A_109 = arith.constant 0 : i32
        %dma_wait3A_110 = tpu.memref_slice %arg13[%add3A, %dma_wait3A_109] : memref<5072x128xf32, #tpu.memory_space<vmem_shared>> -> memref<64x128xf32, #tpu.memory_space<vmem_shared>>
        tpu.wait_dma2 semaphore(%run_scoped3A_103 : memref<!tpu.dma_semaphore, #tpu.memory_space<semaphore_mem>>) src(%arg11 : memref<64x128xf32, #tpu.memory_space<vmem>>) dst(%dma_wait3A_110 : memref<64x128xf32, #tpu.memory_space<vmem_shared>>)
        tpu.yield
      }) : () -> ()
    }
    %while3A_16 = arith.constant 1 : i32
    scf.for %while3A_100 = %while3A_14 to %while3A_10 step %while3A_16  : i32 {
      %mul3A_101 = arith.constant 64 : i32
      %mul3A_102 = arith.muli %mul3A_101, %while3A_100 : i32
      %add3A = arith.addi %mul3A_7, %mul3A_102 : i32
      "tpu.region"() ({
        %run_scoped3A_103 = tpu.sem_alloc : memref<!tpu.dma_semaphore, #tpu.memory_space<semaphore_mem>>
        %dma_start3A_104 = arith.constant 0 : i32
        %dma_start3A_105 = tpu.memref_slice %arg13[%add3A, %dma_start3A_104] : memref<5072x128xf32, #tpu.memory_space<vmem_shared>> -> memref<64x128xf32, #tpu.memory_space<vmem_shared>>
        %dma_start3A_106 = arith.constant 0 : i32
        %dma_start3A_107 = tpu.memref_slice %arg13[%add3A, %dma_start3A_106] : memref<5072x128xf32, #tpu.memory_space<vmem_shared>> -> memref<64x128xf32, #tpu.memory_space<vmem_shared>>
        tpu.enqueue_dma source(%arg11 : memref<64x128xf32, #tpu.memory_space<vmem>>) target(%dma_start3A_107 : memref<64x128xf32, #tpu.memory_space<vmem_shared>>) target_semaphore(%run_scoped3A_103 : memref<!tpu.dma_semaphore, #tpu.memory_space<semaphore_mem>>)
        %dma_wait3A = arith.constant 0 : i32
        %dma_wait3A_108 = tpu.memref_slice %arg13[%add3A, %dma_wait3A] : memref<5072x128xf32, #tpu.memory_space<vmem_shared>> -> memref<64x128xf32, #tpu.memory_space<vmem_shared>>
        %dma_wait3A_109 = arith.constant 0 : i32
        %dma_wait3A_110 = tpu.memref_slice %arg13[%add3A, %dma_wait3A_109] : memref<5072x128xf32, #tpu.memory_space<vmem_shared>> -> memref<64x128xf32, #tpu.memory_space<vmem_shared>>
        tpu.wait_dma2 semaphore(%run_scoped3A_103 : memref<!tpu.dma_semaphore, #tpu.memory_space<semaphore_mem>>) src(%arg11 : memref<64x128xf32, #tpu.memory_space<vmem>>) dst(%dma_wait3A_110 : memref<64x128xf32, #tpu.memory_space<vmem_shared>>)
        tpu.yield
      }) : () -> ()
    }
    %barrier3A = arith.constant 0 : index
    tpu.barrier barrier_id(%barrier3A)
    %dma_start3A = arith.constant 0 : i32
    %dma_start3A_17 = arith.constant 0 : i32
    %dma_start3A_18 = tpu.memref_slice %arg7[%dma_start3A, %dma_start3A_17] : memref<160x128xi32, #tpu.memory_space<vmem>> -> memref<1x128xi32, #tpu.memory_space<vmem>>
    %dma_start3A_19 = tpu.memref_squeeze %dma_start3A_18 : memref<1x128xi32, #tpu.memory_space<vmem>> -> memref<128xi32, #tpu.memory_space<vmem>>
    %dma_start3A_20 = arith.constant 0 : i32
    %dma_start3A_21 = arith.constant 0 : i32
    %dma_start3A_22 = tpu.memref_slice %arg2[%dma_start3A_20, %dma_start3A_21] : memref<10112x128xf32, #tpu.memory_space<hbm>> -> memref<10112x128xf32, #tpu.memory_space<hbm>>
    tpu.enqueue_indirect_dma source(%dma_start3A_22 : memref<10112x128xf32, #tpu.memory_space<hbm>>) target(%arg9 : memref<128x128xf32, #tpu.memory_space<vmem>>) offsets(%dma_start3A_19 : memref<128xi32, #tpu.memory_space<vmem>>) semaphore(%arg14 : memref<!tpu.dma_semaphore, #tpu.memory_space<semaphore_mem>>)
    %dma_start3A_23 = arith.constant 1 : i32
    %dma_start3A_24 = arith.constant 0 : i32
    %dma_start3A_25 = tpu.memref_slice %arg7[%dma_start3A_23, %dma_start3A_24] : memref<160x128xi32, #tpu.memory_space<vmem>> -> memref<1x128xi32, #tpu.memory_space<vmem>>
    %dma_start3A_26 = tpu.memref_squeeze %dma_start3A_25 : memref<1x128xi32, #tpu.memory_space<vmem>> -> memref<128xi32, #tpu.memory_space<vmem>>
    %dma_start3A_27 = arith.constant 0 : i32
    %dma_start3A_28 = arith.constant 0 : i32
    %dma_start3A_29 = tpu.memref_slice %arg2[%dma_start3A_27, %dma_start3A_28] : memref<10112x128xf32, #tpu.memory_space<hbm>> -> memref<10112x128xf32, #tpu.memory_space<hbm>>
    tpu.enqueue_indirect_dma source(%dma_start3A_29 : memref<10112x128xf32, #tpu.memory_space<hbm>>) target(%arg10 : memref<128x128xf32, #tpu.memory_space<vmem>>) offsets(%dma_start3A_26 : memref<128xi32, #tpu.memory_space<vmem>>) semaphore(%arg15 : memref<!tpu.dma_semaphore, #tpu.memory_space<semaphore_mem>>)
    %scan3A_30 = arith.constant 0 : i32
    %scan3A_31 = arith.constant 0 : i32
    %scan3A_32 = arith.constant 80 : i32
    %scan3A_33 = arith.addi %scan3A_31, %scan3A_32 : i32
    %scan3A_34 = arith.constant 1 : i32
    scf.for %scan3A_100 = %scan3A_31 to %scan3A_33 step %scan3A_34  : i32 {
      %mul3A_101 = arith.constant 2 : i32
      %mul3A_102 = arith.muli %mul3A_101, %scan3A_100 : i32
      %add3A = arith.constant 0 : i32
      %add3A_103 = arith.addi %mul3A_102, %add3A : i32
      %dma_wait3A = arith.constant 0 : i32
      %dma_wait3A_104 = tpu.memref_slice %arg7[%add3A_103, %dma_wait3A] : memref<160x128xi32, #tpu.memory_space<vmem>> -> memref<1x128xi32, #tpu.memory_space<vmem>>
      %dma_wait3A_105 = tpu.memref_squeeze %dma_wait3A_104 : memref<1x128xi32, #tpu.memory_space<vmem>> -> memref<128xi32, #tpu.memory_space<vmem>>
      %dma_wait3A_106 = arith.constant 0 : i32
      %dma_wait3A_107 = arith.constant 0 : i32
      %dma_wait3A_108 = tpu.memref_slice %arg2[%dma_wait3A_106, %dma_wait3A_107] : memref<10112x128xf32, #tpu.memory_space<hbm>> -> memref<10112x128xf32, #tpu.memory_space<hbm>>
      tpu.wait_indirect_dma semaphore(%arg14 : memref<!tpu.dma_semaphore, #tpu.memory_space<semaphore_mem>>) src(%dma_wait3A_108 : memref<10112x128xf32, #tpu.memory_space<hbm>>) dst(%arg9 : memref<128x128xf32, #tpu.memory_space<vmem>>)
      "tpu.region"() ({
        %run_scoped3A_131 = tpu.sem_alloc : memref<!tpu.dma_semaphore, #tpu.memory_space<semaphore_mem>>
        %dma_start3A_132 = arith.constant 0 : i32
        %dma_start3A_133 = tpu.memref_slice %arg8[%add3A_103, %dma_start3A_132] : memref<160x128xi32, #tpu.memory_space<vmem>> -> memref<1x128xi32, #tpu.memory_space<vmem>>
        %dma_start3A_134 = tpu.memref_squeeze %dma_start3A_133 : memref<1x128xi32, #tpu.memory_space<vmem>> -> memref<128xi32, #tpu.memory_space<vmem>>
        %dma_start3A_135 = arith.constant 0 : i32
        %dma_start3A_136 = arith.constant 0 : i32
        %dma_start3A_137 = tpu.memref_slice %arg13[%dma_start3A_135, %dma_start3A_136] : memref<5072x128xf32, #tpu.memory_space<vmem_shared>> -> memref<5072x128xf32, #tpu.memory_space<vmem_shared>>
        tpu.enqueue_indirect_dma source(%arg9 : memref<128x128xf32, #tpu.memory_space<vmem>>) target(%dma_start3A_137 : memref<5072x128xf32, #tpu.memory_space<vmem_shared>>) offsets(%dma_start3A_134 : memref<128xi32, #tpu.memory_space<vmem>>) semaphore(%run_scoped3A_131 : memref<!tpu.dma_semaphore, #tpu.memory_space<semaphore_mem>>) {add = true}
        %dma_wait3A_138 = arith.constant 0 : i32
        %dma_wait3A_139 = tpu.memref_slice %arg8[%add3A_103, %dma_wait3A_138] : memref<160x128xi32, #tpu.memory_space<vmem>> -> memref<1x128xi32, #tpu.memory_space<vmem>>
        %dma_wait3A_140 = tpu.memref_squeeze %dma_wait3A_139 : memref<1x128xi32, #tpu.memory_space<vmem>> -> memref<128xi32, #tpu.memory_space<vmem>>
        %dma_wait3A_141 = arith.constant 0 : i32
        %dma_wait3A_142 = arith.constant 0 : i32
        %dma_wait3A_143 = tpu.memref_slice %arg13[%dma_wait3A_141, %dma_wait3A_142] : memref<5072x128xf32, #tpu.memory_space<vmem_shared>> -> memref<5072x128xf32, #tpu.memory_space<vmem_shared>>
        tpu.wait_indirect_dma semaphore(%run_scoped3A_131 : memref<!tpu.dma_semaphore, #tpu.memory_space<semaphore_mem>>) src(%arg9 : memref<128x128xf32, #tpu.memory_space<vmem>>) dst(%dma_wait3A_143 : memref<5072x128xf32, #tpu.memory_space<vmem_shared>>)
        tpu.yield
      }) : () -> ()
      %add3A_109 = arith.constant 2 : i32
      %add3A_110 = arith.addi %add3A_103, %add3A_109 : i32
      %lt3A_111 = arith.constant 160 : i32
      %lt3A_112 = arith.cmpi slt, %add3A_110, %lt3A_111 : i32
      %convert_element_type3A = arith.extui %lt3A_112 : i1 to i32
      %cond3A = arith.constant 0 : i32
      %cond3A_113 = arith.cmpi ne, %convert_element_type3A, %cond3A : i32
      scf.if %cond3A_113 {
        %dma_start3A_131 = arith.constant 0 : i32
        %dma_start3A_132 = tpu.memref_slice %arg7[%add3A_110, %dma_start3A_131] : memref<160x128xi32, #tpu.memory_space<vmem>> -> memref<1x128xi32, #tpu.memory_space<vmem>>
        %dma_start3A_133 = tpu.memref_squeeze %dma_start3A_132 : memref<1x128xi32, #tpu.memory_space<vmem>> -> memref<128xi32, #tpu.memory_space<vmem>>
        %dma_start3A_134 = arith.constant 0 : i32
        %dma_start3A_135 = arith.constant 0 : i32
        %dma_start3A_136 = tpu.memref_slice %arg2[%dma_start3A_134, %dma_start3A_135] : memref<10112x128xf32, #tpu.memory_space<hbm>> -> memref<10112x128xf32, #tpu.memory_space<hbm>>
        tpu.enqueue_indirect_dma source(%dma_start3A_136 : memref<10112x128xf32, #tpu.memory_space<hbm>>) target(%arg9 : memref<128x128xf32, #tpu.memory_space<vmem>>) offsets(%dma_start3A_133 : memref<128xi32, #tpu.memory_space<vmem>>) semaphore(%arg14 : memref<!tpu.dma_semaphore, #tpu.memory_space<semaphore_mem>>)
      } else {
      }
      %mul3A_114 = arith.constant 2 : i32
      %mul3A_115 = arith.muli %mul3A_114, %scan3A_100 : i32
      %add3A_116 = arith.constant 1 : i32
      %add3A_117 = arith.addi %mul3A_115, %add3A_116 : i32
      %dma_wait3A_118 = arith.constant 0 : i32
      %dma_wait3A_119 = tpu.memref_slice %arg7[%add3A_117, %dma_wait3A_118] : memref<160x128xi32, #tpu.memory_space<vmem>> -> memref<1x128xi32, #tpu.memory_space<vmem>>
      %dma_wait3A_120 = tpu.memref_squeeze %dma_wait3A_119 : memref<1x128xi32, #tpu.memory_space<vmem>> -> memref<128xi32, #tpu.memory_space<vmem>>
      %dma_wait3A_121 = arith.constant 0 : i32
      %dma_wait3A_122 = arith.constant 0 : i32
      %dma_wait3A_123 = tpu.memref_slice %arg2[%dma_wait3A_121, %dma_wait3A_122] : memref<10112x128xf32, #tpu.memory_space<hbm>> -> memref<10112x128xf32, #tpu.memory_space<hbm>>
      tpu.wait_indirect_dma semaphore(%arg15 : memref<!tpu.dma_semaphore, #tpu.memory_space<semaphore_mem>>) src(%dma_wait3A_123 : memref<10112x128xf32, #tpu.memory_space<hbm>>) dst(%arg10 : memref<128x128xf32, #tpu.memory_space<vmem>>)
      "tpu.region"() ({
        %run_scoped3A_131 = tpu.sem_alloc : memref<!tpu.dma_semaphore, #tpu.memory_space<semaphore_mem>>
        %dma_start3A_132 = arith.constant 0 : i32
        %dma_start3A_133 = tpu.memref_slice %arg8[%add3A_117, %dma_start3A_132] : memref<160x128xi32, #tpu.memory_space<vmem>> -> memref<1x128xi32, #tpu.memory_space<vmem>>
        %dma_start3A_134 = tpu.memref_squeeze %dma_start3A_133 : memref<1x128xi32, #tpu.memory_space<vmem>> -> memref<128xi32, #tpu.memory_space<vmem>>
        %dma_start3A_135 = arith.constant 0 : i32
        %dma_start3A_136 = arith.constant 0 : i32
        %dma_start3A_137 = tpu.memref_slice %arg13[%dma_start3A_135, %dma_start3A_136] : memref<5072x128xf32, #tpu.memory_space<vmem_shared>> -> memref<5072x128xf32, #tpu.memory_space<vmem_shared>>
        tpu.enqueue_indirect_dma source(%arg10 : memref<128x128xf32, #tpu.memory_space<vmem>>) target(%dma_start3A_137 : memref<5072x128xf32, #tpu.memory_space<vmem_shared>>) offsets(%dma_start3A_134 : memref<128xi32, #tpu.memory_space<vmem>>) semaphore(%run_scoped3A_131 : memref<!tpu.dma_semaphore, #tpu.memory_space<semaphore_mem>>) {add = true}
        %dma_wait3A_138 = arith.constant 0 : i32
        %dma_wait3A_139 = tpu.memref_slice %arg8[%add3A_117, %dma_wait3A_138] : memref<160x128xi32, #tpu.memory_space<vmem>> -> memref<1x128xi32, #tpu.memory_space<vmem>>
        %dma_wait3A_140 = tpu.memref_squeeze %dma_wait3A_139 : memref<1x128xi32, #tpu.memory_space<vmem>> -> memref<128xi32, #tpu.memory_space<vmem>>
        %dma_wait3A_141 = arith.constant 0 : i32
        %dma_wait3A_142 = arith.constant 0 : i32
        %dma_wait3A_143 = tpu.memref_slice %arg13[%dma_wait3A_141, %dma_wait3A_142] : memref<5072x128xf32, #tpu.memory_space<vmem_shared>> -> memref<5072x128xf32, #tpu.memory_space<vmem_shared>>
        tpu.wait_indirect_dma semaphore(%run_scoped3A_131 : memref<!tpu.dma_semaphore, #tpu.memory_space<semaphore_mem>>) src(%arg10 : memref<128x128xf32, #tpu.memory_space<vmem>>) dst(%dma_wait3A_143 : memref<5072x128xf32, #tpu.memory_space<vmem_shared>>)
        tpu.yield
      }) : () -> ()
      %add3A_124 = arith.constant 2 : i32
      %add3A_125 = arith.addi %add3A_117, %add3A_124 : i32
      %lt3A_126 = arith.constant 160 : i32
      %lt3A_127 = arith.cmpi slt, %add3A_125, %lt3A_126 : i32
      %convert_element_type3A_128 = arith.extui %lt3A_127 : i1 to i32
      %cond3A_129 = arith.constant 0 : i32
      %cond3A_130 = arith.cmpi ne, %convert_element_type3A_128, %cond3A_129 : i32
      scf.if %cond3A_130 {
        %dma_start3A_131 = arith.constant 0 : i32
        %dma_start3A_132 = tpu.memref_slice %arg7[%add3A_125, %dma_start3A_131] : memref<160x128xi32, #tpu.memory_space<vmem>> -> memref<1x128xi32, #tpu.memory_space<vmem>>
        %dma_start3A_133 = tpu.memref_squeeze %dma_start3A_132 : memref<1x128xi32, #tpu.memory_space<vmem>> -> memref<128xi32, #tpu.memory_space<vmem>>
        %dma_start3A_134 = arith.constant 0 : i32
        %dma_start3A_135 = arith.constant 0 : i32
        %dma_start3A_136 = tpu.memref_slice %arg2[%dma_start3A_134, %dma_start3A_135] : memref<10112x128xf32, #tpu.memory_space<hbm>> -> memref<10112x128xf32, #tpu.memory_space<hbm>>
        tpu.enqueue_indirect_dma source(%dma_start3A_136 : memref<10112x128xf32, #tpu.memory_space<hbm>>) target(%arg10 : memref<128x128xf32, #tpu.memory_space<vmem>>) offsets(%dma_start3A_133 : memref<128xi32, #tpu.memory_space<vmem>>) semaphore(%arg15 : memref<!tpu.dma_semaphore, #tpu.memory_space<semaphore_mem>>)
      } else {
      }
    }
    %scan3A_35 = arith.constant 80 : i32
    %barrier3A_36 = arith.constant 0 : index
    tpu.barrier barrier_id(%barrier3A_36)
    %while3A_37 = arith.constant 0 : i32
    %while3A_38 = arith.constant 0 : i32
    %while3A_39 = arith.constant 0 : i32
    %while3A_40 = arith.subi %select_n3A, %while3A_39 : i32
    %while3A_41 = arith.addi %while3A_39, %while3A_40 : i32
    %while3A_42 = arith.constant 1 : i32
    %while3A_43 = arith.divsi %while3A_40, %while3A_42 : i32
    %while3A_44 = arith.muli %while3A_43, %while3A_42 : i32
    %while3A_45 = arith.addi %while3A_39, %while3A_44 : i32
    %while3A_46 = arith.constant 1 : i32
    scf.for %while3A_100 = %while3A_39 to %while3A_45 step %while3A_46  : i32 {
      %mul3A_101 = arith.constant 64 : i32
      %mul3A_102 = arith.muli %mul3A_101, %while3A_100 : i32
      %add3A = arith.addi %mul3A_7, %mul3A_102 : i32
      "tpu.region"() ({
        %run_scoped3A_109 = tpu.sem_alloc : memref<!tpu.dma_semaphore, #tpu.memory_space<semaphore_mem>>
        %dma_start3A_110 = arith.constant 0 : i32
        %dma_start3A_111 = tpu.memref_slice %arg13[%add3A, %dma_start3A_110] : memref<5072x128xf32, #tpu.memory_space<vmem_shared>> -> memref<64x128xf32, #tpu.memory_space<vmem_shared>>
        %dma_start3A_112 = arith.constant 0 : i32
        %dma_start3A_113 = tpu.memref_slice %arg13[%add3A, %dma_start3A_112] : memref<5072x128xf32, #tpu.memory_space<vmem_shared>> -> memref<64x128xf32, #tpu.memory_space<vmem_shared>>
        tpu.enqueue_dma source(%dma_start3A_113 : memref<64x128xf32, #tpu.memory_space<vmem_shared>>) target(%arg12 : memref<64x128xf32, #tpu.memory_space<vmem>>) target_semaphore(%run_scoped3A_109 : memref<!tpu.dma_semaphore, #tpu.memory_space<semaphore_mem>>)
        %dma_wait3A = arith.constant 0 : i32
        %dma_wait3A_114 = tpu.memref_slice %arg13[%add3A, %dma_wait3A] : memref<5072x128xf32, #tpu.memory_space<vmem_shared>> -> memref<64x128xf32, #tpu.memory_space<vmem_shared>>
        %dma_wait3A_115 = arith.constant 0 : i32
        %dma_wait3A_116 = tpu.memref_slice %arg13[%add3A, %dma_wait3A_115] : memref<5072x128xf32, #tpu.memory_space<vmem_shared>> -> memref<64x128xf32, #tpu.memory_space<vmem_shared>>
        tpu.wait_dma2 semaphore(%run_scoped3A_109 : memref<!tpu.dma_semaphore, #tpu.memory_space<semaphore_mem>>) src(%dma_wait3A_116 : memref<64x128xf32, #tpu.memory_space<vmem_shared>>) dst(%arg12 : memref<64x128xf32, #tpu.memory_space<vmem>>)
        tpu.yield
      }) : () -> ()
      %mul3A_103 = arith.constant 5056 : i32
      %mul3A_104 = arith.muli %arg0, %mul3A_103 : i32
      %add3A_105 = arith.addi %mul3A_104, %mul3A_7 : i32
      %mul3A_106 = arith.constant 64 : i32
      %mul3A_107 = arith.muli %mul3A_106, %while3A_100 : i32
      %add3A_108 = arith.addi %add3A_105, %mul3A_107 : i32
      "tpu.region"() ({
        %run_scoped3A_109 = tpu.sem_alloc : memref<!tpu.dma_semaphore, #tpu.memory_space<semaphore_mem>>
        %dma_start3A_110 = arith.constant 0 : i32
        %dma_start3A_111 = arith.constant 0 : i32
        %dma_start3A_112 = tpu.memref_slice %arg6[%while3A_38, %dma_start3A_110, %dma_start3A_111] : memref<2x10112x128xf32, #tpu.memory_space<hbm>> -> memref<1x10112x128xf32, #tpu.memory_space<hbm>>
        %dma_start3A_113 = tpu.memref_squeeze %dma_start3A_112 : memref<1x10112x128xf32, #tpu.memory_space<hbm>> -> memref<10112x128xf32, #tpu.memory_space<hbm>>
        %dma_start3A_114 = arith.constant 0 : i32
        %dma_start3A_115 = tpu.memref_slice %dma_start3A_113[%add3A_108, %dma_start3A_114] : memref<10112x128xf32, #tpu.memory_space<hbm>> -> memref<64x128xf32, #tpu.memory_space<hbm>>
        %dma_start3A_116 = arith.constant 0 : i32
        %dma_start3A_117 = arith.constant 0 : i32
        %dma_start3A_118 = tpu.memref_slice %arg6[%while3A_38, %dma_start3A_116, %dma_start3A_117] : memref<2x10112x128xf32, #tpu.memory_space<hbm>> -> memref<1x10112x128xf32, #tpu.memory_space<hbm>>
        %dma_start3A_119 = tpu.memref_squeeze %dma_start3A_118 : memref<1x10112x128xf32, #tpu.memory_space<hbm>> -> memref<10112x128xf32, #tpu.memory_space<hbm>>
        %dma_start3A_120 = arith.constant 0 : i32
        %dma_start3A_121 = tpu.memref_slice %dma_start3A_119[%add3A_108, %dma_start3A_120] : memref<10112x128xf32, #tpu.memory_space<hbm>> -> memref<64x128xf32, #tpu.memory_space<hbm>>
        tpu.enqueue_dma source(%arg12 : memref<64x128xf32, #tpu.memory_space<vmem>>) target(%dma_start3A_121 : memref<64x128xf32, #tpu.memory_space<hbm>>) target_semaphore(%run_scoped3A_109 : memref<!tpu.dma_semaphore, #tpu.memory_space<semaphore_mem>>)
        %dma_wait3A = arith.constant 0 : i32
        %dma_wait3A_122 = arith.constant 0 : i32
        %dma_wait3A_123 = tpu.memref_slice %arg6[%while3A_38, %dma_wait3A, %dma_wait3A_122] : memref<2x10112x128xf32, #tpu.memory_space<hbm>> -> memref<1x10112x128xf32, #tpu.memory_space<hbm>>
        %dma_wait3A_124 = tpu.memref_squeeze %dma_wait3A_123 : memref<1x10112x128xf32, #tpu.memory_space<hbm>> -> memref<10112x128xf32, #tpu.memory_space<hbm>>
        %dma_wait3A_125 = arith.constant 0 : i32
        %dma_wait3A_126 = tpu.memref_slice %dma_wait3A_124[%add3A_108, %dma_wait3A_125] : memref<10112x128xf32, #tpu.memory_space<hbm>> -> memref<64x128xf32, #tpu.memory_space<hbm>>
        %dma_wait3A_127 = arith.constant 0 : i32
        %dma_wait3A_128 = arith.constant 0 : i32
        %dma_wait3A_129 = tpu.memref_slice %arg6[%while3A_38, %dma_wait3A_127, %dma_wait3A_128] : memref<2x10112x128xf32, #tpu.memory_space<hbm>> -> memref<1x10112x128xf32, #tpu.memory_space<hbm>>
        %dma_wait3A_130 = tpu.memref_squeeze %dma_wait3A_129 : memref<1x10112x128xf32, #tpu.memory_space<hbm>> -> memref<10112x128xf32, #tpu.memory_space<hbm>>
        %dma_wait3A_131 = arith.constant 0 : i32
        %dma_wait3A_132 = tpu.memref_slice %dma_wait3A_130[%add3A_108, %dma_wait3A_131] : memref<10112x128xf32, #tpu.memory_space<hbm>> -> memref<64x128xf32, #tpu.memory_space<hbm>>
        tpu.wait_dma2 semaphore(%run_scoped3A_109 : memref<!tpu.dma_semaphore, #tpu.memory_space<semaphore_mem>>) src(%arg12 : memref<64x128xf32, #tpu.memory_space<vmem>>) dst(%dma_wait3A_132 : memref<64x128xf32, #tpu.memory_space<hbm>>)
        tpu.yield
      }) : () -> ()
    }
    %while3A_47 = arith.constant 1 : i32
    scf.for %while3A_100 = %while3A_45 to %while3A_41 step %while3A_47  : i32 {
      %mul3A_101 = arith.constant 64 : i32
      %mul3A_102 = arith.muli %mul3A_101, %while3A_100 : i32
      %add3A = arith.addi %mul3A_7, %mul3A_102 : i32
      "tpu.region"() ({
        %run_scoped3A_109 = tpu.sem_alloc : memref<!tpu.dma_semaphore, #tpu.memory_space<semaphore_mem>>
        %dma_start3A_110 = arith.constant 0 : i32
        %dma_start3A_111 = tpu.memref_slice %arg13[%add3A, %dma_start3A_110] : memref<5072x128xf32, #tpu.memory_space<vmem_shared>> -> memref<64x128xf32, #tpu.memory_space<vmem_shared>>
        %dma_start3A_112 = arith.constant 0 : i32
        %dma_start3A_113 = tpu.memref_slice %arg13[%add3A, %dma_start3A_112] : memref<5072x128xf32, #tpu.memory_space<vmem_shared>> -> memref<64x128xf32, #tpu.memory_space<vmem_shared>>
        tpu.enqueue_dma source(%dma_start3A_113 : memref<64x128xf32, #tpu.memory_space<vmem_shared>>) target(%arg12 : memref<64x128xf32, #tpu.memory_space<vmem>>) target_semaphore(%run_scoped3A_109 : memref<!tpu.dma_semaphore, #tpu.memory_space<semaphore_mem>>)
        %dma_wait3A = arith.constant 0 : i32
        %dma_wait3A_114 = tpu.memref_slice %arg13[%add3A, %dma_wait3A] : memref<5072x128xf32, #tpu.memory_space<vmem_shared>> -> memref<64x128xf32, #tpu.memory_space<vmem_shared>>
        %dma_wait3A_115 = arith.constant 0 : i32
        %dma_wait3A_116 = tpu.memref_slice %arg13[%add3A, %dma_wait3A_115] : memref<5072x128xf32, #tpu.memory_space<vmem_shared>> -> memref<64x128xf32, #tpu.memory_space<vmem_shared>>
        tpu.wait_dma2 semaphore(%run_scoped3A_109 : memref<!tpu.dma_semaphore, #tpu.memory_space<semaphore_mem>>) src(%dma_wait3A_116 : memref<64x128xf32, #tpu.memory_space<vmem_shared>>) dst(%arg12 : memref<64x128xf32, #tpu.memory_space<vmem>>)
        tpu.yield
      }) : () -> ()
      %mul3A_103 = arith.constant 5056 : i32
      %mul3A_104 = arith.muli %arg0, %mul3A_103 : i32
      %add3A_105 = arith.addi %mul3A_104, %mul3A_7 : i32
      %mul3A_106 = arith.constant 64 : i32
      %mul3A_107 = arith.muli %mul3A_106, %while3A_100 : i32
      %add3A_108 = arith.addi %add3A_105, %mul3A_107 : i32
      "tpu.region"() ({
        %run_scoped3A_109 = tpu.sem_alloc : memref<!tpu.dma_semaphore, #tpu.memory_space<semaphore_mem>>
        %dma_start3A_110 = arith.constant 0 : i32
        %dma_start3A_111 = arith.constant 0 : i32
        %dma_start3A_112 = tpu.memref_slice %arg6[%while3A_38, %dma_start3A_110, %dma_start3A_111] : memref<2x10112x128xf32, #tpu.memory_space<hbm>> -> memref<1x10112x128xf32, #tpu.memory_space<hbm>>
        %dma_start3A_113 = tpu.memref_squeeze %dma_start3A_112 : memref<1x10112x128xf32, #tpu.memory_space<hbm>> -> memref<10112x128xf32, #tpu.memory_space<hbm>>
        %dma_start3A_114 = arith.constant 0 : i32
        %dma_start3A_115 = tpu.memref_slice %dma_start3A_113[%add3A_108, %dma_start3A_114] : memref<10112x128xf32, #tpu.memory_space<hbm>> -> memref<64x128xf32, #tpu.memory_space<hbm>>
        %dma_start3A_116 = arith.constant 0 : i32
        %dma_start3A_117 = arith.constant 0 : i32
        %dma_start3A_118 = tpu.memref_slice %arg6[%while3A_38, %dma_start3A_116, %dma_start3A_117] : memref<2x10112x128xf32, #tpu.memory_space<hbm>> -> memref<1x10112x128xf32, #tpu.memory_space<hbm>>
        %dma_start3A_119 = tpu.memref_squeeze %dma_start3A_118 : memref<1x10112x128xf32, #tpu.memory_space<hbm>> -> memref<10112x128xf32, #tpu.memory_space<hbm>>
        %dma_start3A_120 = arith.constant 0 : i32
        %dma_start3A_121 = tpu.memref_slice %dma_start3A_119[%add3A_108, %dma_start3A_120] : memref<10112x128xf32, #tpu.memory_space<hbm>> -> memref<64x128xf32, #tpu.memory_space<hbm>>
        tpu.enqueue_dma source(%arg12 : memref<64x128xf32, #tpu.memory_space<vmem>>) target(%dma_start3A_121 : memref<64x128xf32, #tpu.memory_space<hbm>>) target_semaphore(%run_scoped3A_109 : memref<!tpu.dma_semaphore, #tpu.memory_space<semaphore_mem>>)
        %dma_wait3A = arith.constant 0 : i32
        %dma_wait3A_122 = arith.constant 0 : i32
        %dma_wait3A_123 = tpu.memref_slice %arg6[%while3A_38, %dma_wait3A, %dma_wait3A_122] : memref<2x10112x128xf32, #tpu.memory_space<hbm>> -> memref<1x10112x128xf32, #tpu.memory_space<hbm>>
        %dma_wait3A_124 = tpu.memref_squeeze %dma_wait3A_123 : memref<1x10112x128xf32, #tpu.memory_space<hbm>> -> memref<10112x128xf32, #tpu.memory_space<hbm>>
        %dma_wait3A_125 = arith.constant 0 : i32
        %dma_wait3A_126 = tpu.memref_slice %dma_wait3A_124[%add3A_108, %dma_wait3A_125] : memref<10112x128xf32, #tpu.memory_space<hbm>> -> memref<64x128xf32, #tpu.memory_space<hbm>>
        %dma_wait3A_127 = arith.constant 0 : i32
        %dma_wait3A_128 = arith.constant 0 : i32
        %dma_wait3A_129 = tpu.memref_slice %arg6[%while3A_38, %dma_wait3A_127, %dma_wait3A_128] : memref<2x10112x128xf32, #tpu.memory_space<hbm>> -> memref<1x10112x128xf32, #tpu.memory_space<hbm>>
        %dma_wait3A_130 = tpu.memref_squeeze %dma_wait3A_129 : memref<1x10112x128xf32, #tpu.memory_space<hbm>> -> memref<10112x128xf32, #tpu.memory_space<hbm>>
        %dma_wait3A_131 = arith.constant 0 : i32
        %dma_wait3A_132 = tpu.memref_slice %dma_wait3A_130[%add3A_108, %dma_wait3A_131] : memref<10112x128xf32, #tpu.memory_space<hbm>> -> memref<64x128xf32, #tpu.memory_space<hbm>>
        tpu.wait_dma2 semaphore(%run_scoped3A_109 : memref<!tpu.dma_semaphore, #tpu.memory_space<semaphore_mem>>) src(%arg12 : memref<64x128xf32, #tpu.memory_space<vmem>>) dst(%dma_wait3A_132 : memref<64x128xf32, #tpu.memory_space<hbm>>)
        tpu.yield
      }) : () -> ()
    }
    %barrier3A_48 = arith.constant 0 : index
    tpu.barrier barrier_id(%barrier3A_48)
    %lt3A_49 = arith.constant 15 : i32
    %lt3A_50 = arith.cmpi slt, %arg1, %lt3A_49 : i32
    %jit3A_51 = arith.constant 5 : i32
    %jit3A_52 = arith.constant 4 : i32
    %select_n3A_53 = arith.select %lt3A_50, %jit3A_51, %jit3A_52 : i32
    %mul3A_54 = arith.constant 320 : i32
    %mul3A_55 = arith.muli %arg1, %mul3A_54 : i32
    %while3A_56 = arith.constant 0 : i32
    %while3A_57 = arith.constant 0 : i32
    %while3A_58 = arith.subi %select_n3A_53, %while3A_57 : i32
    %while3A_59 = arith.addi %while3A_57, %while3A_58 : i32
    %while3A_60 = arith.constant 1 : i32
    %while3A_61 = arith.divsi %while3A_58, %while3A_60 : i32
    %while3A_62 = arith.muli %while3A_61, %while3A_60 : i32
    %while3A_63 = arith.addi %while3A_57, %while3A_62 : i32
    %while3A_64 = arith.constant 1 : i32
    scf.for %while3A_100 = %while3A_57 to %while3A_63 step %while3A_64  : i32 {
      %mul3A_101 = arith.constant 64 : i32
      %mul3A_102 = arith.muli %mul3A_101, %while3A_100 : i32
      %add3A = arith.addi %mul3A_55, %mul3A_102 : i32
      "tpu.region"() ({
        %run_scoped3A_103 = tpu.sem_alloc : memref<!tpu.dma_semaphore, #tpu.memory_space<semaphore_mem>>
        %dma_start3A_104 = arith.constant 0 : i32
        %dma_start3A_105 = tpu.memref_slice %arg13[%add3A, %dma_start3A_104] : memref<5072x128xf32, #tpu.memory_space<vmem_shared>> -> memref<64x128xf32, #tpu.memory_space<vmem_shared>>
        %dma_start3A_106 = arith.constant 0 : i32
        %dma_start3A_107 = tpu.memref_slice %arg13[%add3A, %dma_start3A_106] : memref<5072x128xf32, #tpu.memory_space<vmem_shared>> -> memref<64x128xf32, #tpu.memory_space<vmem_shared>>
        tpu.enqueue_dma source(%arg11 : memref<64x128xf32, #tpu.memory_space<vmem>>) target(%dma_start3A_107 : memref<64x128xf32, #tpu.memory_space<vmem_shared>>) target_semaphore(%run_scoped3A_103 : memref<!tpu.dma_semaphore, #tpu.memory_space<semaphore_mem>>)
        %dma_wait3A = arith.constant 0 : i32
        %dma_wait3A_108 = tpu.memref_slice %arg13[%add3A, %dma_wait3A] : memref<5072x128xf32, #tpu.memory_space<vmem_shared>> -> memref<64x128xf32, #tpu.memory_space<vmem_shared>>
        %dma_wait3A_109 = arith.constant 0 : i32
        %dma_wait3A_110 = tpu.memref_slice %arg13[%add3A, %dma_wait3A_109] : memref<5072x128xf32, #tpu.memory_space<vmem_shared>> -> memref<64x128xf32, #tpu.memory_space<vmem_shared>>
        tpu.wait_dma2 semaphore(%run_scoped3A_103 : memref<!tpu.dma_semaphore, #tpu.memory_space<semaphore_mem>>) src(%arg11 : memref<64x128xf32, #tpu.memory_space<vmem>>) dst(%dma_wait3A_110 : memref<64x128xf32, #tpu.memory_space<vmem_shared>>)
        tpu.yield
      }) : () -> ()
    }
    %while3A_65 = arith.constant 1 : i32
    scf.for %while3A_100 = %while3A_63 to %while3A_59 step %while3A_65  : i32 {
      %mul3A_101 = arith.constant 64 : i32
      %mul3A_102 = arith.muli %mul3A_101, %while3A_100 : i32
      %add3A = arith.addi %mul3A_55, %mul3A_102 : i32
      "tpu.region"() ({
        %run_scoped3A_103 = tpu.sem_alloc : memref<!tpu.dma_semaphore, #tpu.memory_space<semaphore_mem>>
        %dma_start3A_104 = arith.constant 0 : i32
        %dma_start3A_105 = tpu.memref_slice %arg13[%add3A, %dma_start3A_104] : memref<5072x128xf32, #tpu.memory_space<vmem_shared>> -> memref<64x128xf32, #tpu.memory_space<vmem_shared>>
        %dma_start3A_106 = arith.constant 0 : i32
        %dma_start3A_107 = tpu.memref_slice %arg13[%add3A, %dma_start3A_106] : memref<5072x128xf32, #tpu.memory_space<vmem_shared>> -> memref<64x128xf32, #tpu.memory_space<vmem_shared>>
        tpu.enqueue_dma source(%arg11 : memref<64x128xf32, #tpu.memory_space<vmem>>) target(%dma_start3A_107 : memref<64x128xf32, #tpu.memory_space<vmem_shared>>) target_semaphore(%run_scoped3A_103 : memref<!tpu.dma_semaphore, #tpu.memory_space<semaphore_mem>>)
        %dma_wait3A = arith.constant 0 : i32
        %dma_wait3A_108 = tpu.memref_slice %arg13[%add3A, %dma_wait3A] : memref<5072x128xf32, #tpu.memory_space<vmem_shared>> -> memref<64x128xf32, #tpu.memory_space<vmem_shared>>
        %dma_wait3A_109 = arith.constant 0 : i32
        %dma_wait3A_110 = tpu.memref_slice %arg13[%add3A, %dma_wait3A_109] : memref<5072x128xf32, #tpu.memory_space<vmem_shared>> -> memref<64x128xf32, #tpu.memory_space<vmem_shared>>
        tpu.wait_dma2 semaphore(%run_scoped3A_103 : memref<!tpu.dma_semaphore, #tpu.memory_space<semaphore_mem>>) src(%arg11 : memref<64x128xf32, #tpu.memory_space<vmem>>) dst(%dma_wait3A_110 : memref<64x128xf32, #tpu.memory_space<vmem_shared>>)
        tpu.yield
      }) : () -> ()
    }
    %barrier3A_66 = arith.constant 0 : index
    tpu.barrier barrier_id(%barrier3A_66)
    %dma_start3A_67 = arith.constant 0 : i32
    %dma_start3A_68 = arith.constant 0 : i32
    %dma_start3A_69 = tpu.memref_slice %arg7[%dma_start3A_67, %dma_start3A_68] : memref<160x128xi32, #tpu.memory_space<vmem>> -> memref<1x128xi32, #tpu.memory_space<vmem>>
    %dma_start3A_70 = tpu.memref_squeeze %dma_start3A_69 : memref<1x128xi32, #tpu.memory_space<vmem>> -> memref<128xi32, #tpu.memory_space<vmem>>
    %dma_start3A_71 = arith.constant 0 : i32
    %dma_start3A_72 = arith.constant 0 : i32
    %dma_start3A_73 = tpu.memref_slice %arg3[%dma_start3A_71, %dma_start3A_72] : memref<10112x128xf32, #tpu.memory_space<hbm>> -> memref<10112x128xf32, #tpu.memory_space<hbm>>
    tpu.enqueue_indirect_dma source(%dma_start3A_73 : memref<10112x128xf32, #tpu.memory_space<hbm>>) target(%arg9 : memref<128x128xf32, #tpu.memory_space<vmem>>) offsets(%dma_start3A_70 : memref<128xi32, #tpu.memory_space<vmem>>) semaphore(%arg14 : memref<!tpu.dma_semaphore, #tpu.memory_space<semaphore_mem>>)
    %dma_start3A_74 = arith.constant 1 : i32
    %dma_start3A_75 = arith.constant 0 : i32
    %dma_start3A_76 = tpu.memref_slice %arg7[%dma_start3A_74, %dma_start3A_75] : memref<160x128xi32, #tpu.memory_space<vmem>> -> memref<1x128xi32, #tpu.memory_space<vmem>>
    %dma_start3A_77 = tpu.memref_squeeze %dma_start3A_76 : memref<1x128xi32, #tpu.memory_space<vmem>> -> memref<128xi32, #tpu.memory_space<vmem>>
    %dma_start3A_78 = arith.constant 0 : i32
    %dma_start3A_79 = arith.constant 0 : i32
    %dma_start3A_80 = tpu.memref_slice %arg3[%dma_start3A_78, %dma_start3A_79] : memref<10112x128xf32, #tpu.memory_space<hbm>> -> memref<10112x128xf32, #tpu.memory_space<hbm>>
    tpu.enqueue_indirect_dma source(%dma_start3A_80 : memref<10112x128xf32, #tpu.memory_space<hbm>>) target(%arg10 : memref<128x128xf32, #tpu.memory_space<vmem>>) offsets(%dma_start3A_77 : memref<128xi32, #tpu.memory_space<vmem>>) semaphore(%arg15 : memref<!tpu.dma_semaphore, #tpu.memory_space<semaphore_mem>>)
    %scan3A_81 = arith.constant 0 : i32
    %scan3A_82 = arith.constant 0 : i32
    %scan3A_83 = arith.constant 80 : i32
    %scan3A_84 = arith.addi %scan3A_82, %scan3A_83 : i32
    %scan3A_85 = arith.constant 1 : i32
    scf.for %scan3A_100 = %scan3A_82 to %scan3A_84 step %scan3A_85  : i32 {
      %mul3A_101 = arith.constant 2 : i32
      %mul3A_102 = arith.muli %mul3A_101, %scan3A_100 : i32
      %add3A = arith.constant 0 : i32
      %add3A_103 = arith.addi %mul3A_102, %add3A : i32
      %dma_wait3A = arith.constant 0 : i32
      %dma_wait3A_104 = tpu.memref_slice %arg7[%add3A_103, %dma_wait3A] : memref<160x128xi32, #tpu.memory_space<vmem>> -> memref<1x128xi32, #tpu.memory_space<vmem>>
      %dma_wait3A_105 = tpu.memref_squeeze %dma_wait3A_104 : memref<1x128xi32, #tpu.memory_space<vmem>> -> memref<128xi32, #tpu.memory_space<vmem>>
      %dma_wait3A_106 = arith.constant 0 : i32
      %dma_wait3A_107 = arith.constant 0 : i32
      %dma_wait3A_108 = tpu.memref_slice %arg3[%dma_wait3A_106, %dma_wait3A_107] : memref<10112x128xf32, #tpu.memory_space<hbm>> -> memref<10112x128xf32, #tpu.memory_space<hbm>>
      tpu.wait_indirect_dma semaphore(%arg14 : memref<!tpu.dma_semaphore, #tpu.memory_space<semaphore_mem>>) src(%dma_wait3A_108 : memref<10112x128xf32, #tpu.memory_space<hbm>>) dst(%arg9 : memref<128x128xf32, #tpu.memory_space<vmem>>)
      "tpu.region"() ({
        %run_scoped3A_131 = tpu.sem_alloc : memref<!tpu.dma_semaphore, #tpu.memory_space<semaphore_mem>>
        %dma_start3A_132 = arith.constant 0 : i32
        %dma_start3A_133 = tpu.memref_slice %arg8[%add3A_103, %dma_start3A_132] : memref<160x128xi32, #tpu.memory_space<vmem>> -> memref<1x128xi32, #tpu.memory_space<vmem>>
        %dma_start3A_134 = tpu.memref_squeeze %dma_start3A_133 : memref<1x128xi32, #tpu.memory_space<vmem>> -> memref<128xi32, #tpu.memory_space<vmem>>
        %dma_start3A_135 = arith.constant 0 : i32
        %dma_start3A_136 = arith.constant 0 : i32
        %dma_start3A_137 = tpu.memref_slice %arg13[%dma_start3A_135, %dma_start3A_136] : memref<5072x128xf32, #tpu.memory_space<vmem_shared>> -> memref<5072x128xf32, #tpu.memory_space<vmem_shared>>
        tpu.enqueue_indirect_dma source(%arg9 : memref<128x128xf32, #tpu.memory_space<vmem>>) target(%dma_start3A_137 : memref<5072x128xf32, #tpu.memory_space<vmem_shared>>) offsets(%dma_start3A_134 : memref<128xi32, #tpu.memory_space<vmem>>) semaphore(%run_scoped3A_131 : memref<!tpu.dma_semaphore, #tpu.memory_space<semaphore_mem>>) {add = true}
        %dma_wait3A_138 = arith.constant 0 : i32
        %dma_wait3A_139 = tpu.memref_slice %arg8[%add3A_103, %dma_wait3A_138] : memref<160x128xi32, #tpu.memory_space<vmem>> -> memref<1x128xi32, #tpu.memory_space<vmem>>
        %dma_wait3A_140 = tpu.memref_squeeze %dma_wait3A_139 : memref<1x128xi32, #tpu.memory_space<vmem>> -> memref<128xi32, #tpu.memory_space<vmem>>
        %dma_wait3A_141 = arith.constant 0 : i32
        %dma_wait3A_142 = arith.constant 0 : i32
        %dma_wait3A_143 = tpu.memref_slice %arg13[%dma_wait3A_141, %dma_wait3A_142] : memref<5072x128xf32, #tpu.memory_space<vmem_shared>> -> memref<5072x128xf32, #tpu.memory_space<vmem_shared>>
        tpu.wait_indirect_dma semaphore(%run_scoped3A_131 : memref<!tpu.dma_semaphore, #tpu.memory_space<semaphore_mem>>) src(%arg9 : memref<128x128xf32, #tpu.memory_space<vmem>>) dst(%dma_wait3A_143 : memref<5072x128xf32, #tpu.memory_space<vmem_shared>>)
        tpu.yield
      }) : () -> ()
      %add3A_109 = arith.constant 2 : i32
      %add3A_110 = arith.addi %add3A_103, %add3A_109 : i32
      %lt3A_111 = arith.constant 160 : i32
      %lt3A_112 = arith.cmpi slt, %add3A_110, %lt3A_111 : i32
      %convert_element_type3A = arith.extui %lt3A_112 : i1 to i32
      %cond3A = arith.constant 0 : i32
      %cond3A_113 = arith.cmpi ne, %convert_element_type3A, %cond3A : i32
      scf.if %cond3A_113 {
        %dma_start3A_131 = arith.constant 0 : i32
        %dma_start3A_132 = tpu.memref_slice %arg7[%add3A_110, %dma_start3A_131] : memref<160x128xi32, #tpu.memory_space<vmem>> -> memref<1x128xi32, #tpu.memory_space<vmem>>
        %dma_start3A_133 = tpu.memref_squeeze %dma_start3A_132 : memref<1x128xi32, #tpu.memory_space<vmem>> -> memref<128xi32, #tpu.memory_space<vmem>>
        %dma_start3A_134 = arith.constant 0 : i32
        %dma_start3A_135 = arith.constant 0 : i32
        %dma_start3A_136 = tpu.memref_slice %arg3[%dma_start3A_134, %dma_start3A_135] : memref<10112x128xf32, #tpu.memory_space<hbm>> -> memref<10112x128xf32, #tpu.memory_space<hbm>>
        tpu.enqueue_indirect_dma source(%dma_start3A_136 : memref<10112x128xf32, #tpu.memory_space<hbm>>) target(%arg9 : memref<128x128xf32, #tpu.memory_space<vmem>>) offsets(%dma_start3A_133 : memref<128xi32, #tpu.memory_space<vmem>>) semaphore(%arg14 : memref<!tpu.dma_semaphore, #tpu.memory_space<semaphore_mem>>)
      } else {
      }
      %mul3A_114 = arith.constant 2 : i32
      %mul3A_115 = arith.muli %mul3A_114, %scan3A_100 : i32
      %add3A_116 = arith.constant 1 : i32
      %add3A_117 = arith.addi %mul3A_115, %add3A_116 : i32
      %dma_wait3A_118 = arith.constant 0 : i32
      %dma_wait3A_119 = tpu.memref_slice %arg7[%add3A_117, %dma_wait3A_118] : memref<160x128xi32, #tpu.memory_space<vmem>> -> memref<1x128xi32, #tpu.memory_space<vmem>>
      %dma_wait3A_120 = tpu.memref_squeeze %dma_wait3A_119 : memref<1x128xi32, #tpu.memory_space<vmem>> -> memref<128xi32, #tpu.memory_space<vmem>>
      %dma_wait3A_121 = arith.constant 0 : i32
      %dma_wait3A_122 = arith.constant 0 : i32
      %dma_wait3A_123 = tpu.memref_slice %arg3[%dma_wait3A_121, %dma_wait3A_122] : memref<10112x128xf32, #tpu.memory_space<hbm>> -> memref<10112x128xf32, #tpu.memory_space<hbm>>
      tpu.wait_indirect_dma semaphore(%arg15 : memref<!tpu.dma_semaphore, #tpu.memory_space<semaphore_mem>>) src(%dma_wait3A_123 : memref<10112x128xf32, #tpu.memory_space<hbm>>) dst(%arg10 : memref<128x128xf32, #tpu.memory_space<vmem>>)
      "tpu.region"() ({
        %run_scoped3A_131 = tpu.sem_alloc : memref<!tpu.dma_semaphore, #tpu.memory_space<semaphore_mem>>
        %dma_start3A_132 = arith.constant 0 : i32
        %dma_start3A_133 = tpu.memref_slice %arg8[%add3A_117, %dma_start3A_132] : memref<160x128xi32, #tpu.memory_space<vmem>> -> memref<1x128xi32, #tpu.memory_space<vmem>>
        %dma_start3A_134 = tpu.memref_squeeze %dma_start3A_133 : memref<1x128xi32, #tpu.memory_space<vmem>> -> memref<128xi32, #tpu.memory_space<vmem>>
        %dma_start3A_135 = arith.constant 0 : i32
        %dma_start3A_136 = arith.constant 0 : i32
        %dma_start3A_137 = tpu.memref_slice %arg13[%dma_start3A_135, %dma_start3A_136] : memref<5072x128xf32, #tpu.memory_space<vmem_shared>> -> memref<5072x128xf32, #tpu.memory_space<vmem_shared>>
        tpu.enqueue_indirect_dma source(%arg10 : memref<128x128xf32, #tpu.memory_space<vmem>>) target(%dma_start3A_137 : memref<5072x128xf32, #tpu.memory_space<vmem_shared>>) offsets(%dma_start3A_134 : memref<128xi32, #tpu.memory_space<vmem>>) semaphore(%run_scoped3A_131 : memref<!tpu.dma_semaphore, #tpu.memory_space<semaphore_mem>>) {add = true}
        %dma_wait3A_138 = arith.constant 0 : i32
        %dma_wait3A_139 = tpu.memref_slice %arg8[%add3A_117, %dma_wait3A_138] : memref<160x128xi32, #tpu.memory_space<vmem>> -> memref<1x128xi32, #tpu.memory_space<vmem>>
        %dma_wait3A_140 = tpu.memref_squeeze %dma_wait3A_139 : memref<1x128xi32, #tpu.memory_space<vmem>> -> memref<128xi32, #tpu.memory_space<vmem>>
        %dma_wait3A_141 = arith.constant 0 : i32
        %dma_wait3A_142 = arith.constant 0 : i32
        %dma_wait3A_143 = tpu.memref_slice %arg13[%dma_wait3A_141, %dma_wait3A_142] : memref<5072x128xf32, #tpu.memory_space<vmem_shared>> -> memref<5072x128xf32, #tpu.memory_space<vmem_shared>>
        tpu.wait_indirect_dma semaphore(%run_scoped3A_131 : memref<!tpu.dma_semaphore, #tpu.memory_space<semaphore_mem>>) src(%arg10 : memref<128x128xf32, #tpu.memory_space<vmem>>) dst(%dma_wait3A_143 : memref<5072x128xf32, #tpu.memory_space<vmem_shared>>)
        tpu.yield
      }) : () -> ()
      %add3A_124 = arith.constant 2 : i32
      %add3A_125 = arith.addi %add3A_117, %add3A_124 : i32
      %lt3A_126 = arith.constant 160 : i32
      %lt3A_127 = arith.cmpi slt, %add3A_125, %lt3A_126 : i32
      %convert_element_type3A_128 = arith.extui %lt3A_127 : i1 to i32
      %cond3A_129 = arith.constant 0 : i32
      %cond3A_130 = arith.cmpi ne, %convert_element_type3A_128, %cond3A_129 : i32
      scf.if %cond3A_130 {
        %dma_start3A_131 = arith.constant 0 : i32
        %dma_start3A_132 = tpu.memref_slice %arg7[%add3A_125, %dma_start3A_131] : memref<160x128xi32, #tpu.memory_space<vmem>> -> memref<1x128xi32, #tpu.memory_space<vmem>>
        %dma_start3A_133 = tpu.memref_squeeze %dma_start3A_132 : memref<1x128xi32, #tpu.memory_space<vmem>> -> memref<128xi32, #tpu.memory_space<vmem>>
        %dma_start3A_134 = arith.constant 0 : i32
        %dma_start3A_135 = arith.constant 0 : i32
        %dma_start3A_136 = tpu.memref_slice %arg3[%dma_start3A_134, %dma_start3A_135] : memref<10112x128xf32, #tpu.memory_space<hbm>> -> memref<10112x128xf32, #tpu.memory_space<hbm>>
        tpu.enqueue_indirect_dma source(%dma_start3A_136 : memref<10112x128xf32, #tpu.memory_space<hbm>>) target(%arg10 : memref<128x128xf32, #tpu.memory_space<vmem>>) offsets(%dma_start3A_133 : memref<128xi32, #tpu.memory_space<vmem>>) semaphore(%arg15 : memref<!tpu.dma_semaphore, #tpu.memory_space<semaphore_mem>>)
      } else {
      }
    }
    %scan3A_86 = arith.constant 80 : i32
    %barrier3A_87 = arith.constant 0 : index
    tpu.barrier barrier_id(%barrier3A_87)
    %while3A_88 = arith.constant 0 : i32
    %while3A_89 = arith.constant 1 : i32
    %while3A_90 = arith.constant 0 : i32
    %while3A_91 = arith.subi %select_n3A_53, %while3A_90 : i32
    %while3A_92 = arith.addi %while3A_90, %while3A_91 : i32
    %while3A_93 = arith.constant 1 : i32
    %while3A_94 = arith.divsi %while3A_91, %while3A_93 : i32
    %while3A_95 = arith.muli %while3A_94, %while3A_93 : i32
    %while3A_96 = arith.addi %while3A_90, %while3A_95 : i32
    %while3A_97 = arith.constant 1 : i32
    scf.for %while3A_100 = %while3A_90 to %while3A_96 step %while3A_97  : i32 {
      %mul3A_101 = arith.constant 64 : i32
      %mul3A_102 = arith.muli %mul3A_101, %while3A_100 : i32
      %add3A = arith.addi %mul3A_55, %mul3A_102 : i32
      "tpu.region"() ({
        %run_scoped3A_109 = tpu.sem_alloc : memref<!tpu.dma_semaphore, #tpu.memory_space<semaphore_mem>>
        %dma_start3A_110 = arith.constant 0 : i32
        %dma_start3A_111 = tpu.memref_slice %arg13[%add3A, %dma_start3A_110] : memref<5072x128xf32, #tpu.memory_space<vmem_shared>> -> memref<64x128xf32, #tpu.memory_space<vmem_shared>>
        %dma_start3A_112 = arith.constant 0 : i32
        %dma_start3A_113 = tpu.memref_slice %arg13[%add3A, %dma_start3A_112] : memref<5072x128xf32, #tpu.memory_space<vmem_shared>> -> memref<64x128xf32, #tpu.memory_space<vmem_shared>>
        tpu.enqueue_dma source(%dma_start3A_113 : memref<64x128xf32, #tpu.memory_space<vmem_shared>>) target(%arg12 : memref<64x128xf32, #tpu.memory_space<vmem>>) target_semaphore(%run_scoped3A_109 : memref<!tpu.dma_semaphore, #tpu.memory_space<semaphore_mem>>)
        %dma_wait3A = arith.constant 0 : i32
        %dma_wait3A_114 = tpu.memref_slice %arg13[%add3A, %dma_wait3A] : memref<5072x128xf32, #tpu.memory_space<vmem_shared>> -> memref<64x128xf32, #tpu.memory_space<vmem_shared>>
        %dma_wait3A_115 = arith.constant 0 : i32
        %dma_wait3A_116 = tpu.memref_slice %arg13[%add3A, %dma_wait3A_115] : memref<5072x128xf32, #tpu.memory_space<vmem_shared>> -> memref<64x128xf32, #tpu.memory_space<vmem_shared>>
        tpu.wait_dma2 semaphore(%run_scoped3A_109 : memref<!tpu.dma_semaphore, #tpu.memory_space<semaphore_mem>>) src(%dma_wait3A_116 : memref<64x128xf32, #tpu.memory_space<vmem_shared>>) dst(%arg12 : memref<64x128xf32, #tpu.memory_space<vmem>>)
        tpu.yield
      }) : () -> ()
      %mul3A_103 = arith.constant 5056 : i32
      %mul3A_104 = arith.muli %arg0, %mul3A_103 : i32
      %add3A_105 = arith.addi %mul3A_104, %mul3A_55 : i32
      %mul3A_106 = arith.constant 64 : i32
      %mul3A_107 = arith.muli %mul3A_106, %while3A_100 : i32
      %add3A_108 = arith.addi %add3A_105, %mul3A_107 : i32
      "tpu.region"() ({
        %run_scoped3A_109 = tpu.sem_alloc : memref<!tpu.dma_semaphore, #tpu.memory_space<semaphore_mem>>
        %dma_start3A_110 = arith.constant 0 : i32
        %dma_start3A_111 = arith.constant 0 : i32
        %dma_start3A_112 = tpu.memref_slice %arg6[%while3A_89, %dma_start3A_110, %dma_start3A_111] : memref<2x10112x128xf32, #tpu.memory_space<hbm>> -> memref<1x10112x128xf32, #tpu.memory_space<hbm>>
        %dma_start3A_113 = tpu.memref_squeeze %dma_start3A_112 : memref<1x10112x128xf32, #tpu.memory_space<hbm>> -> memref<10112x128xf32, #tpu.memory_space<hbm>>
        %dma_start3A_114 = arith.constant 0 : i32
        %dma_start3A_115 = tpu.memref_slice %dma_start3A_113[%add3A_108, %dma_start3A_114] : memref<10112x128xf32, #tpu.memory_space<hbm>> -> memref<64x128xf32, #tpu.memory_space<hbm>>
        %dma_start3A_116 = arith.constant 0 : i32
        %dma_start3A_117 = arith.constant 0 : i32
        %dma_start3A_118 = tpu.memref_slice %arg6[%while3A_89, %dma_start3A_116, %dma_start3A_117] : memref<2x10112x128xf32, #tpu.memory_space<hbm>> -> memref<1x10112x128xf32, #tpu.memory_space<hbm>>
        %dma_start3A_119 = tpu.memref_squeeze %dma_start3A_118 : memref<1x10112x128xf32, #tpu.memory_space<hbm>> -> memref<10112x128xf32, #tpu.memory_space<hbm>>
        %dma_start3A_120 = arith.constant 0 : i32
        %dma_start3A_121 = tpu.memref_slice %dma_start3A_119[%add3A_108, %dma_start3A_120] : memref<10112x128xf32, #tpu.memory_space<hbm>> -> memref<64x128xf32, #tpu.memory_space<hbm>>
        tpu.enqueue_dma source(%arg12 : memref<64x128xf32, #tpu.memory_space<vmem>>) target(%dma_start3A_121 : memref<64x128xf32, #tpu.memory_space<hbm>>) target_semaphore(%run_scoped3A_109 : memref<!tpu.dma_semaphore, #tpu.memory_space<semaphore_mem>>)
        %dma_wait3A = arith.constant 0 : i32
        %dma_wait3A_122 = arith.constant 0 : i32
        %dma_wait3A_123 = tpu.memref_slice %arg6[%while3A_89, %dma_wait3A, %dma_wait3A_122] : memref<2x10112x128xf32, #tpu.memory_space<hbm>> -> memref<1x10112x128xf32, #tpu.memory_space<hbm>>
        %dma_wait3A_124 = tpu.memref_squeeze %dma_wait3A_123 : memref<1x10112x128xf32, #tpu.memory_space<hbm>> -> memref<10112x128xf32, #tpu.memory_space<hbm>>
        %dma_wait3A_125 = arith.constant 0 : i32
        %dma_wait3A_126 = tpu.memref_slice %dma_wait3A_124[%add3A_108, %dma_wait3A_125] : memref<10112x128xf32, #tpu.memory_space<hbm>> -> memref<64x128xf32, #tpu.memory_space<hbm>>
        %dma_wait3A_127 = arith.constant 0 : i32
        %dma_wait3A_128 = arith.constant 0 : i32
        %dma_wait3A_129 = tpu.memref_slice %arg6[%while3A_89, %dma_wait3A_127, %dma_wait3A_128] : memref<2x10112x128xf32, #tpu.memory_space<hbm>> -> memref<1x10112x128xf32, #tpu.memory_space<hbm>>
        %dma_wait3A_130 = tpu.memref_squeeze %dma_wait3A_129 : memref<1x10112x128xf32, #tpu.memory_space<hbm>> -> memref<10112x128xf32, #tpu.memory_space<hbm>>
        %dma_wait3A_131 = arith.constant 0 : i32
        %dma_wait3A_132 = tpu.memref_slice %dma_wait3A_130[%add3A_108, %dma_wait3A_131] : memref<10112x128xf32, #tpu.memory_space<hbm>> -> memref<64x128xf32, #tpu.memory_space<hbm>>
        tpu.wait_dma2 semaphore(%run_scoped3A_109 : memref<!tpu.dma_semaphore, #tpu.memory_space<semaphore_mem>>) src(%arg12 : memref<64x128xf32, #tpu.memory_space<vmem>>) dst(%dma_wait3A_132 : memref<64x128xf32, #tpu.memory_space<hbm>>)
        tpu.yield
      }) : () -> ()
    }
    %while3A_98 = arith.constant 1 : i32
    scf.for %while3A_100 = %while3A_96 to %while3A_92 step %while3A_98  : i32 {
      %mul3A_101 = arith.constant 64 : i32
      %mul3A_102 = arith.muli %mul3A_101, %while3A_100 : i32
      %add3A = arith.addi %mul3A_55, %mul3A_102 : i32
      "tpu.region"() ({
        %run_scoped3A_109 = tpu.sem_alloc : memref<!tpu.dma_semaphore, #tpu.memory_space<semaphore_mem>>
        %dma_start3A_110 = arith.constant 0 : i32
        %dma_start3A_111 = tpu.memref_slice %arg13[%add3A, %dma_start3A_110] : memref<5072x128xf32, #tpu.memory_space<vmem_shared>> -> memref<64x128xf32, #tpu.memory_space<vmem_shared>>
        %dma_start3A_112 = arith.constant 0 : i32
        %dma_start3A_113 = tpu.memref_slice %arg13[%add3A, %dma_start3A_112] : memref<5072x128xf32, #tpu.memory_space<vmem_shared>> -> memref<64x128xf32, #tpu.memory_space<vmem_shared>>
        tpu.enqueue_dma source(%dma_start3A_113 : memref<64x128xf32, #tpu.memory_space<vmem_shared>>) target(%arg12 : memref<64x128xf32, #tpu.memory_space<vmem>>) target_semaphore(%run_scoped3A_109 : memref<!tpu.dma_semaphore, #tpu.memory_space<semaphore_mem>>)
        %dma_wait3A = arith.constant 0 : i32
        %dma_wait3A_114 = tpu.memref_slice %arg13[%add3A, %dma_wait3A] : memref<5072x128xf32, #tpu.memory_space<vmem_shared>> -> memref<64x128xf32, #tpu.memory_space<vmem_shared>>
        %dma_wait3A_115 = arith.constant 0 : i32
        %dma_wait3A_116 = tpu.memref_slice %arg13[%add3A, %dma_wait3A_115] : memref<5072x128xf32, #tpu.memory_space<vmem_shared>> -> memref<64x128xf32, #tpu.memory_space<vmem_shared>>
        tpu.wait_dma2 semaphore(%run_scoped3A_109 : memref<!tpu.dma_semaphore, #tpu.memory_space<semaphore_mem>>) src(%dma_wait3A_116 : memref<64x128xf32, #tpu.memory_space<vmem_shared>>) dst(%arg12 : memref<64x128xf32, #tpu.memory_space<vmem>>)
        tpu.yield
      }) : () -> ()
      %mul3A_103 = arith.constant 5056 : i32
      %mul3A_104 = arith.muli %arg0, %mul3A_103 : i32
      %add3A_105 = arith.addi %mul3A_104, %mul3A_55 : i32
      %mul3A_106 = arith.constant 64 : i32
      %mul3A_107 = arith.muli %mul3A_106, %while3A_100 : i32
      %add3A_108 = arith.addi %add3A_105, %mul3A_107 : i32
      "tpu.region"() ({
        %run_scoped3A_109 = tpu.sem_alloc : memref<!tpu.dma_semaphore, #tpu.memory_space<semaphore_mem>>
        %dma_start3A_110 = arith.constant 0 : i32
        %dma_start3A_111 = arith.constant 0 : i32
        %dma_start3A_112 = tpu.memref_slice %arg6[%while3A_89, %dma_start3A_110, %dma_start3A_111] : memref<2x10112x128xf32, #tpu.memory_space<hbm>> -> memref<1x10112x128xf32, #tpu.memory_space<hbm>>
        %dma_start3A_113 = tpu.memref_squeeze %dma_start3A_112 : memref<1x10112x128xf32, #tpu.memory_space<hbm>> -> memref<10112x128xf32, #tpu.memory_space<hbm>>
        %dma_start3A_114 = arith.constant 0 : i32
        %dma_start3A_115 = tpu.memref_slice %dma_start3A_113[%add3A_108, %dma_start3A_114] : memref<10112x128xf32, #tpu.memory_space<hbm>> -> memref<64x128xf32, #tpu.memory_space<hbm>>
        %dma_start3A_116 = arith.constant 0 : i32
        %dma_start3A_117 = arith.constant 0 : i32
        %dma_start3A_118 = tpu.memref_slice %arg6[%while3A_89, %dma_start3A_116, %dma_start3A_117] : memref<2x10112x128xf32, #tpu.memory_space<hbm>> -> memref<1x10112x128xf32, #tpu.memory_space<hbm>>
        %dma_start3A_119 = tpu.memref_squeeze %dma_start3A_118 : memref<1x10112x128xf32, #tpu.memory_space<hbm>> -> memref<10112x128xf32, #tpu.memory_space<hbm>>
        %dma_start3A_120 = arith.constant 0 : i32
        %dma_start3A_121 = tpu.memref_slice %dma_start3A_119[%add3A_108, %dma_start3A_120] : memref<10112x128xf32, #tpu.memory_space<hbm>> -> memref<64x128xf32, #tpu.memory_space<hbm>>
        tpu.enqueue_dma source(%arg12 : memref<64x128xf32, #tpu.memory_space<vmem>>) target(%dma_start3A_121 : memref<64x128xf32, #tpu.memory_space<hbm>>) target_semaphore(%run_scoped3A_109 : memref<!tpu.dma_semaphore, #tpu.memory_space<semaphore_mem>>)
        %dma_wait3A = arith.constant 0 : i32
        %dma_wait3A_122 = arith.constant 0 : i32
        %dma_wait3A_123 = tpu.memref_slice %arg6[%while3A_89, %dma_wait3A, %dma_wait3A_122] : memref<2x10112x128xf32, #tpu.memory_space<hbm>> -> memref<1x10112x128xf32, #tpu.memory_space<hbm>>
        %dma_wait3A_124 = tpu.memref_squeeze %dma_wait3A_123 : memref<1x10112x128xf32, #tpu.memory_space<hbm>> -> memref<10112x128xf32, #tpu.memory_space<hbm>>
        %dma_wait3A_125 = arith.constant 0 : i32
        %dma_wait3A_126 = tpu.memref_slice %dma_wait3A_124[%add3A_108, %dma_wait3A_125] : memref<10112x128xf32, #tpu.memory_space<hbm>> -> memref<64x128xf32, #tpu.memory_space<hbm>>
        %dma_wait3A_127 = arith.constant 0 : i32
        %dma_wait3A_128 = arith.constant 0 : i32
        %dma_wait3A_129 = tpu.memref_slice %arg6[%while3A_89, %dma_wait3A_127, %dma_wait3A_128] : memref<2x10112x128xf32, #tpu.memory_space<hbm>> -> memref<1x10112x128xf32, #tpu.memory_space<hbm>>
        %dma_wait3A_130 = tpu.memref_squeeze %dma_wait3A_129 : memref<1x10112x128xf32, #tpu.memory_space<hbm>> -> memref<10112x128xf32, #tpu.memory_space<hbm>>
        %dma_wait3A_131 = arith.constant 0 : i32
        %dma_wait3A_132 = tpu.memref_slice %dma_wait3A_130[%add3A_108, %dma_wait3A_131] : memref<10112x128xf32, #tpu.memory_space<hbm>> -> memref<64x128xf32, #tpu.memory_space<hbm>>
        tpu.wait_dma2 semaphore(%run_scoped3A_109 : memref<!tpu.dma_semaphore, #tpu.memory_space<semaphore_mem>>) src(%arg12 : memref<64x128xf32, #tpu.memory_space<vmem>>) dst(%dma_wait3A_132 : memref<64x128xf32, #tpu.memory_space<hbm>>)
        tpu.yield
      }) : () -> ()
    }
    %barrier3A_99 = arith.constant 0 : index
    tpu.barrier barrier_id(%barrier3A_99)
    return
  }
}

module attributes {stable_mosaic.version = 14 : i64} {
  func.func @_mm1_body(%arg0: i32, %arg1: memref<1264x128xf32, #tpu.memory_space<vmem>>, %arg2: memref<128x256xf32, #tpu.memory_space<vmem>>, %arg3: memref<1264x1xf32, #tpu.memory_space<vmem>>, %arg4: memref<1264x128xf32, #tpu.memory_space<vmem>>, %arg5: memref<1264x128xf32, #tpu.memory_space<vmem>>) attributes {dimension_semantics = [#tpu.dimension_semantics<arbitrary>], iteration_bounds = array<i64: 8>, scalar_prefetch = 0 : i64, scratch_operands = 0 : i64, tpu.core_type = #tpu.core_type<tc>, window_params = [{transform_indices = @transform_0, window_bounds = array<i64: 1264, 128>}, {pipeline_mode = #tpu.pipeline_mode<synchronous>, transform_indices = @transform_1, window_bounds = array<i64: 128, 256>}, {transform_indices = @transform_2, window_bounds = array<i64: 1264, 1>}, {transform_indices = @transform_3, window_bounds = array<i64: 1264, 128>}, {transform_indices = @transform_4, window_bounds = array<i64: 1264, 128>}]} {
    %get3A = arith.constant 0 : index
    %get3A_0 = arith.constant 0 : index
    %get3A_1 = vector.load %arg3[%get3A, %get3A_0] : memref<1264x1xf32, #tpu.memory_space<vmem>>, vector<1264x1xf32>
    %max3A = arith.constant 1.000000e+00 : f32
    %max3A_2 = vector.broadcast %max3A : f32 to vector<1264x1xf32>
    %max3A_3 = arith.maximumf %get3A_1, %max3A_2 : vector<1264x1xf32>
    %rsqrt3A = math.rsqrt %max3A_3 : vector<1264x1xf32>
    %get3A_4 = arith.constant 0 : index
    %get3A_5 = arith.constant 0 : index
    %get3A_6 = vector.load %arg1[%get3A_4, %get3A_5] : memref<1264x128xf32, #tpu.memory_space<vmem>>, vector<1264x128xf32>
    %get3A_7 = arith.constant 0 : index
    %get3A_8 = arith.constant 0 : index
    %get3A_9 = vector.load %arg2[%get3A_7, %get3A_8] : memref<128x256xf32, #tpu.memory_space<vmem>>, vector<128x256xf32>
    %dot_general3A = arith.constant dense<0.000000e+00> : vector<1264x256xf32>
    %dot_general3A_10 = tpu.matmul %get3A_6, %get3A_9, %dot_general3A {dimension_numbers = #tpu.dot_dimension_numbers<[1], [0], [0], [1], [0, 0, 1, 1], [], []>, transpose_lhs_hint = false} : vector<1264x128xf32>, vector<128x256xf32>, vector<1264x256xf32> -> vector<1264x256xf32>
    %mul3A = vector.broadcast %rsqrt3A : vector<1264x1xf32> to vector<1264x256xf32>
    %mul3A_11 = arith.mulf %dot_general3A_10, %mul3A : vector<1264x256xf32>
    %slice3A = vector.extract_strided_slice %mul3A_11 {offsets = [0, 0], sizes = [1264, 128], strides = [1, 1]} : vector<1264x256xf32> to vector<1264x128xf32>
    %swap3A = arith.constant 0 : index
    %swap3A_12 = arith.constant 0 : index
    %swap3A_13 = vector.load %arg4[%swap3A, %swap3A_12] : memref<1264x128xf32, #tpu.memory_space<vmem>>, vector<1264x128xf32>
    tpu.vector_store %arg4[%swap3A, %swap3A_12], %slice3A {strides = array<i32>} : memref<1264x128xf32, #tpu.memory_space<vmem>>, vector<1264x128xf32>,
    %slice3A_14 = vector.extract_strided_slice %mul3A_11 {offsets = [0, 128], sizes = [1264, 128], strides = [1, 1]} : vector<1264x256xf32> to vector<1264x128xf32>
    %swap3A_15 = arith.constant 0 : index
    %swap3A_16 = arith.constant 0 : index
    %swap3A_17 = vector.load %arg5[%swap3A_15, %swap3A_16] : memref<1264x128xf32, #tpu.memory_space<vmem>>, vector<1264x128xf32>
    tpu.vector_store %arg5[%swap3A_15, %swap3A_16], %slice3A_14 {strides = array<i32>} : memref<1264x128xf32, #tpu.memory_space<vmem>>, vector<1264x128xf32>,
    return
  }
  func.func @transform_0(%arg0: i32) -> (i32, i32) {
    %c0_i32 = arith.constant 0 : i32
    %c0_i32_0 = arith.constant 0 : i32
    return %arg0, %c0_i32 : i32, i32
  }
  func.func @transform_1(%arg0: i32) -> (i32, i32) {
    %c0_i32 = arith.constant 0 : i32
    %c0_i32_0 = arith.constant 0 : i32
    %c0_i32_1 = arith.constant 0 : i32
    return %c0_i32, %c0_i32_0 : i32, i32
  }
  func.func @transform_2(%arg0: i32) -> (i32, i32) {
    %c0_i32 = arith.constant 0 : i32
    %c0_i32_0 = arith.constant 0 : i32
    return %arg0, %c0_i32 : i32, i32
  }
  func.func @transform_3(%arg0: i32) -> (i32, i32) {
    %c0_i32 = arith.constant 0 : i32
    %c0_i32_0 = arith.constant 0 : i32
    return %arg0, %c0_i32 : i32, i32
  }
  func.func @transform_4(%arg0: i32) -> (i32, i32) {
    %c0_i32 = arith.constant 0 : i32
    %c0_i32_0 = arith.constant 0 : i32
    return %arg0, %c0_i32 : i32, i32
  }
}

module attributes {stable_mosaic.version = 14 : i64} {
  func.func @_mm2_body(%arg0: i32, %arg1: memref<2x1264x128xf32, #tpu.memory_space<vmem>>, %arg2: memref<256x256xf32, #tpu.memory_space<vmem>>, %arg3: memref<2x128xf32, #tpu.memory_space<vmem>>, %arg4: memref<1264x1xf32, #tpu.memory_space<vmem>>, %arg5: memref<1264x1xf32, #tpu.memory_space<vmem>>, %arg6: memref<1264x128xf32, #tpu.memory_space<vmem>>, %arg7: memref<1264x128xf32, #tpu.memory_space<vmem>>) attributes {dimension_semantics = [#tpu.dimension_semantics<arbitrary>], iteration_bounds = array<i64: 8>, scalar_prefetch = 0 : i64, scratch_operands = 0 : i64, tpu.core_type = #tpu.core_type<tc>, window_params = [{transform_indices = @transform_0, window_bounds = array<i64: 2, 1264, 128>}, {pipeline_mode = #tpu.pipeline_mode<synchronous>, transform_indices = @transform_1, window_bounds = array<i64: 256, 256>}, {pipeline_mode = #tpu.pipeline_mode<synchronous>, transform_indices = @transform_2, window_bounds = array<i64: 2, 128>}, {transform_indices = @transform_3, window_bounds = array<i64: 1264, 1>}, {transform_indices = @transform_4, window_bounds = array<i64: 1264, 1>}, {transform_indices = @transform_5, window_bounds = array<i64: 1264, 128>}, {transform_indices = @transform_6, window_bounds = array<i64: 1264, 128>}]} {
    %get3A = arith.constant 0 : index
    %get3A_0 = arith.constant 0 : index
    %get3A_1 = vector.load %arg4[%get3A, %get3A_0] : memref<1264x1xf32, #tpu.memory_space<vmem>>, vector<1264x1xf32>
    %max3A = arith.constant 1.000000e+00 : f32
    %max3A_2 = vector.broadcast %max3A : f32 to vector<1264x1xf32>
    %max3A_3 = arith.maximumf %get3A_1, %max3A_2 : vector<1264x1xf32>
    %rsqrt3A = math.rsqrt %max3A_3 : vector<1264x1xf32>
    %get3A_4 = arith.constant 0 : index
    %get3A_5 = arith.constant 0 : index
    %get3A_6 = vector.load %arg5[%get3A_4, %get3A_5] : memref<1264x1xf32, #tpu.memory_space<vmem>>, vector<1264x1xf32>
    %max3A_7 = arith.constant 1.000000e+00 : f32
    %max3A_8 = vector.broadcast %max3A_7 : f32 to vector<1264x1xf32>
    %max3A_9 = arith.maximumf %get3A_6, %max3A_8 : vector<1264x1xf32>
    %rsqrt3A_10 = math.rsqrt %max3A_9 : vector<1264x1xf32>
    %get3A_11 = arith.constant 0 : index
    %get3A_12 = arith.constant 0 : index
    %get3A_13 = arith.constant 0 : index
    %get3A_14 = vector.load %arg1[%get3A_11, %get3A_12, %get3A_13] : memref<2x1264x128xf32, #tpu.memory_space<vmem>>, vector<1x1264x128xf32>
    %get3A_15 = vector.shape_cast %get3A_14 : vector<1x1264x128xf32> to vector<1264x128xf32>
    %mul3A = vector.broadcast %rsqrt3A : vector<1264x1xf32> to vector<1264x128xf32>
    %mul3A_16 = arith.mulf %get3A_15, %mul3A : vector<1264x128xf32>
    %get3A_17 = arith.constant 0 : index
    %get3A_18 = arith.constant 0 : index
    %get3A_19 = vector.load %arg3[%get3A_17, %get3A_18] : memref<2x128xf32, #tpu.memory_space<vmem>>, vector<1x128xf32>
    %add3A = vector.broadcast %get3A_19 : vector<1x128xf32> to vector<1264x128xf32>
    %add3A_20 = arith.addf %mul3A_16, %add3A : vector<1264x128xf32>
    %max3A_21 = arith.constant 0.000000e+00 : f32
    %max3A_22 = vector.broadcast %max3A_21 : f32 to vector<1264x128xf32>
    %max3A_23 = arith.maximumf %add3A_20, %max3A_22 : vector<1264x128xf32>
    %get3A_24 = arith.constant 1 : index
    %get3A_25 = arith.constant 0 : index
    %get3A_26 = arith.constant 0 : index
    %get3A_27 = vector.load %arg1[%get3A_24, %get3A_25, %get3A_26] : memref<2x1264x128xf32, #tpu.memory_space<vmem>>, vector<1x1264x128xf32>
    %get3A_28 = vector.shape_cast %get3A_27 : vector<1x1264x128xf32> to vector<1264x128xf32>
    %mul3A_29 = vector.broadcast %rsqrt3A : vector<1264x1xf32> to vector<1264x128xf32>
    %mul3A_30 = arith.mulf %get3A_28, %mul3A_29 : vector<1264x128xf32>
    %get3A_31 = arith.constant 1 : index
    %get3A_32 = arith.constant 0 : index
    %get3A_33 = vector.load %arg3[%get3A_31, %get3A_32] : memref<2x128xf32, #tpu.memory_space<vmem>>, vector<1x128xf32>
    %add3A_34 = vector.broadcast %get3A_33 : vector<1x128xf32> to vector<1264x128xf32>
    %add3A_35 = arith.addf %mul3A_30, %add3A_34 : vector<1264x128xf32>
    %max3A_36 = arith.constant 0.000000e+00 : f32
    %max3A_37 = vector.broadcast %max3A_36 : f32 to vector<1264x128xf32>
    %max3A_38 = arith.maximumf %add3A_35, %max3A_37 : vector<1264x128xf32>
    %get3A_39 = arith.constant 0 : index
    %get3A_40 = arith.constant 0 : index
    %get3A_41 = vector.load %arg2[%get3A_39, %get3A_40] : memref<256x256xf32, #tpu.memory_space<vmem>>, vector<128x256xf32>
    %dot_general3A = arith.constant dense<0.000000e+00> : vector<1264x256xf32>
    %dot_general3A_42 = tpu.matmul %max3A_23, %get3A_41, %dot_general3A {dimension_numbers = #tpu.dot_dimension_numbers<[1], [0], [0], [1], [0, 0, 1, 1], [], []>, transpose_lhs_hint = false} : vector<1264x128xf32>, vector<128x256xf32>, vector<1264x256xf32> -> vector<1264x256xf32>
    %get3A_43 = arith.constant 128 : index
    %get3A_44 = arith.constant 0 : index
    %get3A_45 = vector.load %arg2[%get3A_43, %get3A_44] : memref<256x256xf32, #tpu.memory_space<vmem>>, vector<128x256xf32>
    %dot_general3A_46 = arith.constant dense<0.000000e+00> : vector<1264x256xf32>
    %dot_general3A_47 = tpu.matmul %max3A_38, %get3A_45, %dot_general3A_46 {dimension_numbers = #tpu.dot_dimension_numbers<[1], [0], [0], [1], [0, 0, 1, 1], [], []>, transpose_lhs_hint = false} : vector<1264x128xf32>, vector<128x256xf32>, vector<1264x256xf32> -> vector<1264x256xf32>
    %add3A_48 = arith.addf %dot_general3A_42, %dot_general3A_47 : vector<1264x256xf32>
    %mul3A_49 = vector.broadcast %rsqrt3A_10 : vector<1264x1xf32> to vector<1264x256xf32>
    %mul3A_50 = arith.mulf %add3A_48, %mul3A_49 : vector<1264x256xf32>
    %slice3A = vector.extract_strided_slice %mul3A_50 {offsets = [0, 0], sizes = [1264, 128], strides = [1, 1]} : vector<1264x256xf32> to vector<1264x128xf32>
    %swap3A = arith.constant 0 : index
    %swap3A_51 = arith.constant 0 : index
    %swap3A_52 = vector.load %arg6[%swap3A, %swap3A_51] : memref<1264x128xf32, #tpu.memory_space<vmem>>, vector<1264x128xf32>
    tpu.vector_store %arg6[%swap3A, %swap3A_51], %slice3A {strides = array<i32>} : memref<1264x128xf32, #tpu.memory_space<vmem>>, vector<1264x128xf32>,
    %slice3A_53 = vector.extract_strided_slice %mul3A_50 {offsets = [0, 128], sizes = [1264, 128], strides = [1, 1]} : vector<1264x256xf32> to vector<1264x128xf32>
    %swap3A_54 = arith.constant 0 : index
    %swap3A_55 = arith.constant 0 : index
    %swap3A_56 = vector.load %arg7[%swap3A_54, %swap3A_55] : memref<1264x128xf32, #tpu.memory_space<vmem>>, vector<1264x128xf32>
    tpu.vector_store %arg7[%swap3A_54, %swap3A_55], %slice3A_53 {strides = array<i32>} : memref<1264x128xf32, #tpu.memory_space<vmem>>, vector<1264x128xf32>,
    return
  }
  func.func @transform_0(%arg0: i32) -> (i32, i32, i32) {
    %c0_i32 = arith.constant 0 : i32
    %c0_i32_0 = arith.constant 0 : i32
    %c0_i32_1 = arith.constant 0 : i32
    return %c0_i32, %arg0, %c0_i32_0 : i32, i32, i32
  }
  func.func @transform_1(%arg0: i32) -> (i32, i32) {
    %c0_i32 = arith.constant 0 : i32
    %c0_i32_0 = arith.constant 0 : i32
    %c0_i32_1 = arith.constant 0 : i32
    return %c0_i32, %c0_i32_0 : i32, i32
  }
  func.func @transform_2(%arg0: i32) -> (i32, i32) {
    %c0_i32 = arith.constant 0 : i32
    %c0_i32_0 = arith.constant 0 : i32
    %c0_i32_1 = arith.constant 0 : i32
    return %c0_i32, %c0_i32_0 : i32, i32
  }
  func.func @transform_3(%arg0: i32) -> (i32, i32) {
    %c0_i32 = arith.constant 0 : i32
    %c0_i32_0 = arith.constant 0 : i32
    return %arg0, %c0_i32 : i32, i32
  }
  func.func @transform_4(%arg0: i32) -> (i32, i32) {
    %c0_i32 = arith.constant 0 : i32
    %c0_i32_0 = arith.constant 0 : i32
    return %arg0, %c0_i32 : i32, i32
  }
  func.func @transform_5(%arg0: i32) -> (i32, i32) {
    %c0_i32 = arith.constant 0 : i32
    %c0_i32_0 = arith.constant 0 : i32
    return %arg0, %c0_i32 : i32, i32
  }
  func.func @transform_6(%arg0: i32) -> (i32, i32) {
    %c0_i32 = arith.constant 0 : i32
    %c0_i32_0 = arith.constant 0 : i32
    return %arg0, %c0_i32 : i32, i32
  }
}

module attributes {stable_mosaic.version = 14 : i64} {
  func.func @_mm3_body(%arg0: i32, %arg1: memref<2x1264x128xf32, #tpu.memory_space<vmem>>, %arg2: memref<256x128xf32, #tpu.memory_space<vmem>>, %arg3: memref<2x128xf32, #tpu.memory_space<vmem>>, %arg4: memref<1264x1xf32, #tpu.memory_space<vmem>>, %arg5: memref<1264x1xf32, #tpu.memory_space<vmem>>, %arg6: memref<1264x128xf32, #tpu.memory_space<vmem>>) attributes {dimension_semantics = [#tpu.dimension_semantics<arbitrary>], iteration_bounds = array<i64: 8>, scalar_prefetch = 0 : i64, scratch_operands = 0 : i64, tpu.core_type = #tpu.core_type<tc>, window_params = [{transform_indices = @transform_0, window_bounds = array<i64: 2, 1264, 128>}, {pipeline_mode = #tpu.pipeline_mode<synchronous>, transform_indices = @transform_1, window_bounds = array<i64: 256, 128>}, {pipeline_mode = #tpu.pipeline_mode<synchronous>, transform_indices = @transform_2, window_bounds = array<i64: 2, 128>}, {transform_indices = @transform_3, window_bounds = array<i64: 1264, 1>}, {transform_indices = @transform_4, window_bounds = array<i64: 1264, 1>}, {transform_indices = @transform_5, window_bounds = array<i64: 1264, 128>}]} {
    %get3A = arith.constant 0 : index
    %get3A_0 = arith.constant 0 : index
    %get3A_1 = vector.load %arg4[%get3A, %get3A_0] : memref<1264x1xf32, #tpu.memory_space<vmem>>, vector<1264x1xf32>
    %max3A = arith.constant 1.000000e+00 : f32
    %max3A_2 = vector.broadcast %max3A : f32 to vector<1264x1xf32>
    %max3A_3 = arith.maximumf %get3A_1, %max3A_2 : vector<1264x1xf32>
    %rsqrt3A = math.rsqrt %max3A_3 : vector<1264x1xf32>
    %get3A_4 = arith.constant 0 : index
    %get3A_5 = arith.constant 0 : index
    %get3A_6 = vector.load %arg5[%get3A_4, %get3A_5] : memref<1264x1xf32, #tpu.memory_space<vmem>>, vector<1264x1xf32>
    %max3A_7 = arith.constant 1.000000e+00 : f32
    %max3A_8 = vector.broadcast %max3A_7 : f32 to vector<1264x1xf32>
    %max3A_9 = arith.maximumf %get3A_6, %max3A_8 : vector<1264x1xf32>
    %rsqrt3A_10 = math.rsqrt %max3A_9 : vector<1264x1xf32>
    %get3A_11 = arith.constant 0 : index
    %get3A_12 = arith.constant 0 : index
    %get3A_13 = arith.constant 0 : index
    %get3A_14 = vector.load %arg1[%get3A_11, %get3A_12, %get3A_13] : memref<2x1264x128xf32, #tpu.memory_space<vmem>>, vector<1x1264x128xf32>
    %get3A_15 = vector.shape_cast %get3A_14 : vector<1x1264x128xf32> to vector<1264x128xf32>
    %mul3A = vector.broadcast %rsqrt3A : vector<1264x1xf32> to vector<1264x128xf32>
    %mul3A_16 = arith.mulf %get3A_15, %mul3A : vector<1264x128xf32>
    %get3A_17 = arith.constant 0 : index
    %get3A_18 = arith.constant 0 : index
    %get3A_19 = vector.load %arg3[%get3A_17, %get3A_18] : memref<2x128xf32, #tpu.memory_space<vmem>>, vector<1x128xf32>
    %add3A = vector.broadcast %get3A_19 : vector<1x128xf32> to vector<1264x128xf32>
    %add3A_20 = arith.addf %mul3A_16, %add3A : vector<1264x128xf32>
    %max3A_21 = arith.constant 0.000000e+00 : f32
    %max3A_22 = vector.broadcast %max3A_21 : f32 to vector<1264x128xf32>
    %max3A_23 = arith.maximumf %add3A_20, %max3A_22 : vector<1264x128xf32>
    %get3A_24 = arith.constant 1 : index
    %get3A_25 = arith.constant 0 : index
    %get3A_26 = arith.constant 0 : index
    %get3A_27 = vector.load %arg1[%get3A_24, %get3A_25, %get3A_26] : memref<2x1264x128xf32, #tpu.memory_space<vmem>>, vector<1x1264x128xf32>
    %get3A_28 = vector.shape_cast %get3A_27 : vector<1x1264x128xf32> to vector<1264x128xf32>
    %mul3A_29 = vector.broadcast %rsqrt3A : vector<1264x1xf32> to vector<1264x128xf32>
    %mul3A_30 = arith.mulf %get3A_28, %mul3A_29 : vector<1264x128xf32>
    %get3A_31 = arith.constant 1 : index
    %get3A_32 = arith.constant 0 : index
    %get3A_33 = vector.load %arg3[%get3A_31, %get3A_32] : memref<2x128xf32, #tpu.memory_space<vmem>>, vector<1x128xf32>
    %add3A_34 = vector.broadcast %get3A_33 : vector<1x128xf32> to vector<1264x128xf32>
    %add3A_35 = arith.addf %mul3A_30, %add3A_34 : vector<1264x128xf32>
    %max3A_36 = arith.constant 0.000000e+00 : f32
    %max3A_37 = vector.broadcast %max3A_36 : f32 to vector<1264x128xf32>
    %max3A_38 = arith.maximumf %add3A_35, %max3A_37 : vector<1264x128xf32>
    %get3A_39 = arith.constant 0 : index
    %get3A_40 = arith.constant 0 : index
    %get3A_41 = vector.load %arg2[%get3A_39, %get3A_40] : memref<256x128xf32, #tpu.memory_space<vmem>>, vector<128x128xf32>
    %dot_general3A = arith.constant dense<0.000000e+00> : vector<1264x128xf32>
    %dot_general3A_42 = tpu.matmul %max3A_23, %get3A_41, %dot_general3A {dimension_numbers = #tpu.dot_dimension_numbers<[1], [0], [0], [1], [0, 0, 1, 1], [], []>, transpose_lhs_hint = false} : vector<1264x128xf32>, vector<128x128xf32>, vector<1264x128xf32> -> vector<1264x128xf32>
    %get3A_43 = arith.constant 128 : index
    %get3A_44 = arith.constant 0 : index
    %get3A_45 = vector.load %arg2[%get3A_43, %get3A_44] : memref<256x128xf32, #tpu.memory_space<vmem>>, vector<128x128xf32>
    %dot_general3A_46 = arith.constant dense<0.000000e+00> : vector<1264x128xf32>
    %dot_general3A_47 = tpu.matmul %max3A_38, %get3A_45, %dot_general3A_46 {dimension_numbers = #tpu.dot_dimension_numbers<[1], [0], [0], [1], [0, 0, 1, 1], [], []>, transpose_lhs_hint = false} : vector<1264x128xf32>, vector<128x128xf32>, vector<1264x128xf32> -> vector<1264x128xf32>
    %add3A_48 = arith.addf %dot_general3A_42, %dot_general3A_47 : vector<1264x128xf32>
    %mul3A_49 = vector.broadcast %rsqrt3A_10 : vector<1264x1xf32> to vector<1264x128xf32>
    %mul3A_50 = arith.mulf %add3A_48, %mul3A_49 : vector<1264x128xf32>
    %swap3A = arith.constant 0 : index
    %swap3A_51 = arith.constant 0 : index
    %swap3A_52 = vector.load %arg6[%swap3A, %swap3A_51] : memref<1264x128xf32, #tpu.memory_space<vmem>>, vector<1264x128xf32>
    tpu.vector_store %arg6[%swap3A, %swap3A_51], %mul3A_50 {strides = array<i32>} : memref<1264x128xf32, #tpu.memory_space<vmem>>, vector<1264x128xf32>,
    return
  }
  func.func @transform_0(%arg0: i32) -> (i32, i32, i32) {
    %c0_i32 = arith.constant 0 : i32
    %c0_i32_0 = arith.constant 0 : i32
    %c0_i32_1 = arith.constant 0 : i32
    return %c0_i32, %arg0, %c0_i32_0 : i32, i32, i32
  }
  func.func @transform_1(%arg0: i32) -> (i32, i32) {
    %c0_i32 = arith.constant 0 : i32
    %c0_i32_0 = arith.constant 0 : i32
    %c0_i32_1 = arith.constant 0 : i32
    return %c0_i32, %c0_i32_0 : i32, i32
  }
  func.func @transform_2(%arg0: i32) -> (i32, i32) {
    %c0_i32 = arith.constant 0 : i32
    %c0_i32_0 = arith.constant 0 : i32
    %c0_i32_1 = arith.constant 0 : i32
    return %c0_i32, %c0_i32_0 : i32, i32
  }
  func.func @transform_3(%arg0: i32) -> (i32, i32) {
    %c0_i32 = arith.constant 0 : i32
    %c0_i32_0 = arith.constant 0 : i32
    return %arg0, %c0_i32 : i32, i32
  }
  func.func @transform_4(%arg0: i32) -> (i32, i32) {
    %c0_i32 = arith.constant 0 : i32
    %c0_i32_0 = arith.constant 0 : i32
    return %arg0, %c0_i32 : i32, i32
  }
  func.func @transform_5(%arg0: i32) -> (i32, i32) {
    %c0_i32 = arith.constant 0 : i32
    %c0_i32_0 = arith.constant 0 : i32
    return %arg0, %c0_i32 : i32, i32
  }
}

module attributes {stable_mosaic.version = 14 : i64} {
  func.func @_fin_body(%arg0: i32, %arg1: memref<1264x128xf32, #tpu.memory_space<vmem>>, %arg2: memref<1x128xf32, #tpu.memory_space<vmem>>, %arg3: memref<1264x1xf32, #tpu.memory_space<vmem>>, %arg4: memref<1264x128xf32, #tpu.memory_space<vmem>>) attributes {dimension_semantics = [#tpu.dimension_semantics<arbitrary>], iteration_bounds = array<i64: 8>, scalar_prefetch = 0 : i64, scratch_operands = 0 : i64, tpu.core_type = #tpu.core_type<tc>, window_params = [{transform_indices = @transform_0, window_bounds = array<i64: 1264, 128>}, {pipeline_mode = #tpu.pipeline_mode<synchronous>, transform_indices = @transform_1, window_bounds = array<i64: 1, 128>}, {transform_indices = @transform_2, window_bounds = array<i64: 1264, 1>}, {transform_indices = @transform_3, window_bounds = array<i64: 1264, 128>}]} {
    %get3A = arith.constant 0 : index
    %get3A_0 = arith.constant 0 : index
    %get3A_1 = vector.load %arg3[%get3A, %get3A_0] : memref<1264x1xf32, #tpu.memory_space<vmem>>, vector<1264x1xf32>
    %max3A = arith.constant 1.000000e+00 : f32
    %max3A_2 = vector.broadcast %max3A : f32 to vector<1264x1xf32>
    %max3A_3 = arith.maximumf %get3A_1, %max3A_2 : vector<1264x1xf32>
    %rsqrt3A = math.rsqrt %max3A_3 : vector<1264x1xf32>
    %get3A_4 = arith.constant 0 : index
    %get3A_5 = arith.constant 0 : index
    %get3A_6 = vector.load %arg1[%get3A_4, %get3A_5] : memref<1264x128xf32, #tpu.memory_space<vmem>>, vector<1264x128xf32>
    %mul3A = vector.broadcast %rsqrt3A : vector<1264x1xf32> to vector<1264x128xf32>
    %mul3A_7 = arith.mulf %get3A_6, %mul3A : vector<1264x128xf32>
    %get3A_8 = arith.constant 0 : index
    %get3A_9 = arith.constant 0 : index
    %get3A_10 = vector.load %arg2[%get3A_8, %get3A_9] : memref<1x128xf32, #tpu.memory_space<vmem>>, vector<1x128xf32>
    %add3A = vector.broadcast %get3A_10 : vector<1x128xf32> to vector<1264x128xf32>
    %add3A_11 = arith.addf %mul3A_7, %add3A : vector<1264x128xf32>
    %swap3A = arith.constant 0 : index
    %swap3A_12 = arith.constant 0 : index
    %swap3A_13 = vector.load %arg4[%swap3A, %swap3A_12] : memref<1264x128xf32, #tpu.memory_space<vmem>>, vector<1264x128xf32>
    tpu.vector_store %arg4[%swap3A, %swap3A_12], %add3A_11 {strides = array<i32>} : memref<1264x128xf32, #tpu.memory_space<vmem>>, vector<1264x128xf32>,
    return
  }
  func.func @transform_0(%arg0: i32) -> (i32, i32) {
    %c0_i32 = arith.constant 0 : i32
    %c0_i32_0 = arith.constant 0 : i32
    return %arg0, %c0_i32 : i32, i32
  }
  func.func @transform_1(%arg0: i32) -> (i32, i32) {
    %c0_i32 = arith.constant 0 : i32
    %c0_i32_0 = arith.constant 0 : i32
    %c0_i32_1 = arith.constant 0 : i32
    return %c0_i32, %c0_i32_0 : i32, i32
  }
  func.func @transform_2(%arg0: i32) -> (i32, i32) {
    %c0_i32 = arith.constant 0 : i32
    %c0_i32_0 = arith.constant 0 : i32
    return %arg0, %c0_i32 : i32, i32
  }
  func.func @transform_3(%arg0: i32) -> (i32, i32) {
    %c0_i32 = arith.constant 0 : i32
    %c0_i32_0 = arith.constant 0 : i32
    return %arg0, %c0_i32 : i32, i32
  }
}

</mosaic_0001>

<sc_bundles>
// kernel: kernel.10.cloned.1.call-start
scs
__scs_entry_jumppad:
0x0: {  	(pc) =	sbr.rel $0x88, $3  }
0x1: {  	(tag) =	ssettag $0x0;
	lr =	simm.s32 $0x1  }
0x2: {  	[smem:$0x3F99] =	sst lr;
	_ =	strace $0xD0000000  }
0x3: {  	_ = 	snop  }
0x4: {  	_ = 	snop  }
0x5: {  	_ = 	snop  }
0x6: {  	_ = 	snop  }
0x7: {  	_ = 	snop  }
__scs_overlays_trampoline_lowered:
0x8: {  	[smem:$0x3FA8] =	sst s0  }
0x9: {  	[smem:$0x3FA9] =	sst s1  }
0xa: {  	[smem:$0x3FAA] =	sst s2  }
0xb: {  	[smem:$0x3FAB] =	sst s3  }
0xc: {  	[smem:$0x3FAC] =	sst s4  }
0xd: {  	[smem:$0x3FAD] =	sst s5  }
0xe: {  	[smem:$0x3FAE] =	sst s6  }
0xf: {  	[smem:$0x3FAF] =	sst s7  }
0x10: {  	[smem:$0x3FB0] =	sst s8  }
0x11: {  	[smem:$0x3FB1] =	sst s9;
	s0 =	simm.s32 @!p0 $0x0  }
0x12: {  	s1 =	sld [smem:$0x3F97];
	s0 =	simm.s32 @p0 $0x1  }
0x13: {  	[smem:$0x3FB2] =	sst s0;
	s0 =	simm.s32 @!p1 $0x0  }
0x14: {  	s2 =	sld [smem:$0x3F96];
	s0 =	simm.s32 @p1 $0x1  }
0x15: {  	[smem:$0x3FB3] =	sst s0;
	s0 =	simm.s32 @!p2 $0x0  }
0x16: {  	s3 =	sld [smem:$0x3FDB];
	s0 =	simm.s32 @p2 $0x1  }
0x17: {  	s4 =	simm.s32 $0x1BF5;
	[smem:$0x3FB5] =	sst s0  }
0x18: {  	s0 =	sld [smem:$0x3F98];
	_ =	swait.ge [sflag:s4], $0x0  }
0x19: {  	s7 =	sld [smem:$0x3F99]  }
0x1a: {  	s8 =	sadd.s32 $0xFFFFE003, lr  }
0x1b: {  	s9 =	sadd.s32 $0xFFFFFEF7, lr;
	s5 =	simm.s32 $0xFFFFFFFF;
	p2 =	slt.u32 s8, $0xFFFFF086  }
0x1c: {  	p1 =	slt.u32 s9, $0xF7A;
	s5 =	simm.s32 @!p2 $0x0  }
0x1d: {  	s5 =	simm.s32 @p1 $0x1;
	p0 =	seq.s32 s7, s2  }
0x1e: {  	s7 =	smul.u32 @!p0 $0xF7A, s2;
	p2 =	seq.s32 @!p0 s5, $0x0  }
0x1f: {  	s9 =	smul.u32 $0xF7A, s1;
	s8 =	simm.s32 @!p0 $0x1BF5;
	p2 =	por !p2, p0  }
0x20: {  	[sflag:s8] =	ssyncset.s32 @!p0 $0xFFFFF086;
	s6 =	sadd.s32 @!p0 s3, s7;
	s7 =	simm.s32 @!p0 $0x108  }
0x21: {  	s3 =	sadd.s32 s3, s9;
	s6 =	sadd.s32 @!p0 $0x88, s6;
	s7 =	simm.s32 @p2 $0x1082  }
0x22: {  	[simem:s7], [sflag:s8] =	dma.local @!p0 [hbm:s6], $0xF7A  }
0x23: {  	s9 =	sor.u32 $0xD0000000, s2;
	s6 =	simm.s32 $0x108;
	_ =	swait.ge @!p0 [sflag:s8], $0x0  }
0x24: {  	s3 =	sadd.s32 $0x88, s3;
	s6 =	simm.s32 @!p1 $0x1082;
	[sflag:s4] =	ssyncset.s32 $0xFFFFF086  }
0x25: {  	[simem:s6], [sflag:s4] =	dma.local [hbm:s3], $0xF7A  }
0x26: {  	[smem:$0x3F99] =	sst s1;
	(tag) =	ssettag s2;
	_ =	strace s9  }
0x27: {  	s1 =	sld [smem:$0x3FA9]  }
0x28: {  	s2 =	sld [smem:$0x3FAA]  }
0x29: {  	s4 =	sld [smem:$0x3FAC]  }
0x2a: {  	p0 =	seq.s32 s5, $0x0;
	s5 =	sld [smem:$0x3FAD]  }
0x2b: {  	s6 =	sld [smem:$0x3FAE]  }
0x2c: {  	s7 =	sld [smem:$0x3FAF]  }
0x2d: {  	s3 =	simm.s32 $0x108;
	s8 =	sld [smem:$0x3FB0]  }
0x2e: {  	s3 =	simm.s32 @!p0 $0x1082;
	s9 =	sld [smem:$0x3FB1]  }
0x2f: {  	lr =	sadd.s32 s0, s3;
	s0 =	sld [smem:$0x3FA8]  }
0x30: {  	s3 =	sld [smem:$0x3FAB]  }
0x31: {  	[smem:$0x3FB4] =	sst s10  }
0x32: {  	s10 =	sld [smem:$0x3FB2];
	_ =	sdelay $0x3  }
0x33: {  	p0 =	seq.s32 s10, $0x1;
	s10 =	sld [smem:$0x3FB4];
	_ =	sdelay $0x3  }
0x34: {  	[smem:$0x3FB4] =	sst s10  }
0x35: {  	s10 =	sld [smem:$0x3FB3];
	_ =	sdelay $0x3  }
0x36: {  	p1 =	seq.s32 s10, $0x1;
	s10 =	sld [smem:$0x3FB4];
	_ =	sdelay $0x3  }
0x37: {  	[smem:$0x3FB4] =	sst s10  }
0x38: {  	s10 =	sld [smem:$0x3FB5]  }
0x39: {  	_ = 	snop;
	(pc) =	sbr.ind lr, $3  }
0x3a: {  	_ = 	snop  }
0x3b: {  	_ = 	snop  }
0x3c: {  	p2 =	seq.s32 s10, $0x1;
	s10 =	sld [smem:$0x3FB4]  }
0x3d: {  	_ =	shalt  }
0x3e: {  	_ =	shalt  }
0x3f: {  	_ =	shalt  }
0x40: {  	_ =	shalt  }
0x41: {  	_ =	shalt  }
0x42: {  	_ =	shalt  }
0x43: {  	_ =	shalt  }
0x44: {  	_ =	shalt  }
0x45: {  	_ =	shalt  }
0x46: {  	_ =	shalt  }
0x47: {  	_ =	shalt  }
0x48: {  	_ =	shalt  }
0x49: {  	_ =	shalt  }
0x4a: {  	_ =	shalt  }
0x4b: {  	_ =	shalt  }
0x4c: {  	_ =	shalt  }
0x4d: {  	_ =	shalt  }
0x4e: {  	_ =	shalt  }
0x4f: {  	_ =	shalt  }
0x50: {  	_ =	shalt  }
0x51: {  	_ =	shalt  }
0x52: {  	_ =	shalt  }
0x53: {  	_ =	shalt  }
0x54: {  	_ =	shalt  }
0x55: {  	_ =	shalt  }
0x56: {  	_ =	shalt  }
0x57: {  	_ =	shalt  }
0x58: {  	_ =	shalt  }
0x59: {  	_ =	shalt  }
0x5a: {  	_ =	shalt  }
0x5b: {  	_ =	shalt  }
0x5c: {  	_ =	shalt  }
0x5d: {  	_ =	shalt  }
0x5e: {  	_ =	shalt  }
0x5f: {  	_ =	shalt  }
0x60: {  	_ =	shalt  }
0x61: {  	_ =	shalt  }
0x62: {  	_ =	shalt  }
0x63: {  	_ =	shalt  }
0x64: {  	_ =	shalt  }
0x65: {  	_ =	shalt  }
0x66: {  	_ =	shalt  }
0x67: {  	_ =	shalt  }
0x68: {  	_ =	shalt  }
0x69: {  	_ =	shalt  }
0x6a: {  	_ =	shalt  }
0x6b: {  	_ =	shalt  }
0x6c: {  	_ =	shalt  }
0x6d: {  	_ =	shalt  }
0x6e: {  	_ =	shalt  }
0x6f: {  	_ =	shalt  }
0x70: {  	_ =	shalt  }
0x71: {  	_ =	shalt  }
0x72: {  	_ =	shalt  }
0x73: {  	_ =	shalt  }
0x74: {  	_ =	shalt  }
0x75: {  	_ =	shalt  }
0x76: {  	_ =	shalt  }
0x77: {  	_ =	shalt  }
0x78: {  	_ =	shalt  }
0x79: {  	_ =	shalt  }
0x7a: {  	_ =	shalt  }
0x7b: {  	_ =	shalt  }
0x7c: {  	_ =	shalt  }
0x7d: {  	_ =	shalt  }
0x7e: {  	_ =	shalt  }
0x7f: {  	_ =	shalt  }
0x80: {  	_ =	shalt  }
0x81: {  	_ =	shalt  }
0x82: {  	_ =	shalt  }
0x83: {  	_ =	shalt  }
0x84: {  	_ =	shalt  }
0x85: {  	_ =	shalt  }
0x86: {  	_ =	shalt  }
0x87: {  	_ =	shalt  }
.Lfunc_end0:
.L_simem_size_0:
called_computation_lowered:
.L_overlay_start_0:
0x88: {  	s2 =	sld [smem:$0x3FD9]  }
0x89: {  	s3 =	sld [smem:$0x3FFE];
	_ =	sdelay $0x1  }
0x8a: {  	s1 =	srdreg.scid  }
0x8b: {  	s0 =	sand.u32 $0x1, s1  }
0x8c: {  	s17 =	sshll.u32 s0, $0xA;
	s2 =	sadd.s32 s3, s2  }
0x8d: {  	s2 =	sadd.s32 s2, s17  }
0x8e: {  	[smem:$0x3FC0] =	sst s2  }
0x8f: {  	_ = 	snop  }
0x90: {  	s2 =	sld [smem:$0x3FD0];
	(tm) =	ssettm $0x1  }
0x91: {  	s18 =	sld [smem:$0x3FFB];
	_ =	sdelay $0x3  }
0x92: {  	_ =	strace s18  }
0x93: {  	s3 =	sld [smem:$0x3FFC];
	_ =	sdelay $0x3  }
0x94: {  	_ =	strace s3  }
0x95: {  	s3 =	sld [smem:$0x3FFD];
	_ =	sdelay $0x3  }
0x96: {  	_ =	strace s3  }
0x97: {  	_ =	strace $0x8FFFFFFF  }
0x98: {  	s19 =	sld [smem:$0x3FDB];
	_ =	sdelay $0x1  }
0x99: {  	s4 =	simm.s32 $_scs_section_size  }
0x9a: {  	s5 =	simm.s32 $_size__tile_overlayer_lowered;
	s6 =	simm.s32 $_tile_overlayer_lowered  }
0x9b: {  	s22 =	simm.s32 $0x1BFF;
	s21 =	sshll.u32 s6, $0x1;
	s3 =	sadd.s32 s4, s19  }
0x9c: {  	s7 =	simm.s32 $0x0;
	s20 =	sshll.u32 s5, $0x1;
	s5 =	sadd.s32 s21, s3  }
0x9d: {  	[timem:s7], [sflag:s22] =	dma.local [hbm:s5], s20  }
0x9e: {  	_ =	swait.ge [sflag:s22], s20  }
0x9f: {  	s4 =	ssub.s32 $0x0, s20;
	[sflag:s22] =	ssyncset.done $0x0  }
0xa0: {  	[sflag:s22] =	ssyncadd.s32 s4;
	_ =	sdelay $0x1  }
0xa1: {  	s23 =	simm.s32 $0x1B8B  }
0xa2: {  	_ =	swait.ge [sflag:s23], $0x1  }
0xa3: {  	[sflag:s23] =	ssyncset.done $0x0  }
0xa4: {  	s25 =	simm.s32 $0x1B8E;
	s24 =	sld [smem:$0x3FFE];
	[sflag:s23] =	ssyncadd.s32 $0xFFFFFFFF  }
0xa5: {  	s26 =	simm.s32 $execute0_lowered;
	[smem:$0x3FD2] =	sst s25  }
0xa6: {  	s5 =	sshll.u32 s26, $0x1;
	_ =	strace $0x80000046;
	[dreg:$0x1] =	wrdreg $0xFFFFFFFF  }
0xa7: {  	s28 =	simm.s32 $_size_execute0_lowered;
	s3 =	sadd.s32 s3, s5;
	[dreg:$0x0] =	wrdreg $0x0  }
0xa8: {  	s5 =	sshll.u32 s28, $0x1;
	[dreg:$0x2] =	wrdreg s3  }
0xa9: {  	[dreg:$0x3] =	wrdreg s5  }
0xaa: {  	[dreg:$0x4] =	wrdreg $0xC0  }
0xab: {  	_ =	task [dreg:s7], $0x5FFFF  }
0xac: {  	[dreg:$0x1] =	wrdreg $0xFFFFFFFF  }
0xad: {  	[dreg:$0x0] =	wrdreg $0x60  }
0xae: {  	[dreg:$0x2] =	wrdreg s2  }
0xaf: {  	[dreg:$0x3] =	wrdreg s24  }
0xb0: {  	[dreg:$0x4] =	wrdreg $0xA3000  }
0xb1: {  	[dreg:$0x5] =	wrdreg $0x9  }
0xb2: {  	_ =	task.clear_ibuf [dreg:s7], $0x6FFFF;
	_ =	strace $0x90000046  }
0xb3: {  	s29 =	simm.s32 $0x9;
	_ =	strace $0x80000048  }
0xb4: {  	_ =	swait.ge [sflag:s29], $0x1  }
0xb5: {  	[sflag:s29] =	ssyncadd.s32 $0xFFFFFFFF  }
0xb6: {  	_ =	strace $0x90000048  }
0xb7: {  	_ =	sfence  }
0xb8: {  	s30 =	sld [smem:$0x0];
	_ =	sdelay $0x2  }
0xb9: {  	s31 =	sshll.u32 s1, $0xD;
	s1 =	sshrl.u32 s1, $0x2  }
0xba: {  	s3 =	sand.u32 $0x4000, s31;
	s1 =	sadd.s32 s1, s30  }
0xbb: {  	s0 =	sor.u32 s3, s0;
	s1 =	sshll.u32 s1, $0x11  }
0xbc: {  	s0 =	sor.u32 s1, s0  }
0xbd: {  	s0 =	sadd.s32 $0x8F2B, s0  }
0xbe: {  	[sflag:s0] =	ssyncadd.remote.s32 $0x1  }
0xbf: {  	_ =	sfence.sel $0xFFFF  }
0xc0: {  	[dreg:$0x0] =	wrdreg $0xFFFFFFFF;
	(pc) =	sbr.abs _section_cstart, $3  }
0xc1: {  	[dreg:$0x1] =	wrdreg $0xFFFFFFFF  }
0xc2: {  	_ =	task.clear_ibuf [dreg:s7], $0x2FFFF;
	_ =	strace $0x9FFFFFFF  }
0xc3: {  	(tm) =	ssettm $0x7FFFFFFF  }
tec
execute0_lowered:
.L_overlay_start_1:
0x0: {  	(tag) =	ssettag $0x1  }
0x1: {  	s0 =	srdreg.scid;
	s4 =	rddreg [dreg:$0x0]  }
0x2: {  	s6 =	rddreg [dreg:$0x1];
	s7 =	sand.u32 $0x1, s0  }
0x3: {  	s0 =	stileid.u32;
	s5 =	smul.u32 $0x2800, s7  }
0x4: {  	s2 =	rddreg [dreg:$0x2];
	s8 =	smul.u32 $0x280, s0  }
0x5: {  	s1 =	rddreg [dreg:$0x3];
	s3 =	simm.s32 $0x0;
	s9 =	smul.u32 $0x50000, s7  }
0x6: {  	s15 =	simm.s32 $0x0;
	[smem:$0x7FF] =	sst s3;
	s10 =	smul.u32 $0x5000, s0  }
0x7: {  	_ =	strace $0x80000047;
	s28 =	ssub.s32 $0x2, s7;
	s12 =	smul.u32 $0x9E0, s0  }
0x8: {  	s31 =	smul.u32 $0x13C0, s7;
	s14 =	sor.u32 $0x13C0, s0;
	s11 =	sshrl.u32 s28, $0x1  }
0x9: {  	v1 =	vmov s14;
	s14 =	simm.s32 $0xA000;
	s5 =	sadd.s32 s8, s5;
	s24 =	sadd.s32 s10, s9  }
0xa: {  	s10 =	sshrl.u32 s10, $0x3;
	s11 =	ssub.s32 s28, s11;
	s30 =	sshrl.u32 s12, $0x2  }
0xb: {  	s12 =	simm.s32 $0xA080;
	s5 =	sshrl.u32 s5, $0x3;
	s26 =	sshrl.u32 s24, $0x3  }
0xc: {  	s29 =	sadd.s32 s4, s10;
	s9 =	smax.u32 s11, $0x1;
	s10 =	simm.s32 $0x1  }
0xd: {  	s11 =	simm.s32 $0x5000;
	s25 =	sadd.s32 s5, s6;
	s13 =	sadd.s32 s26, s6  }
0xe: {  	s4 =	sadd.s32 s4, s26;
	s5 =	sadd.s32 $0xA000, s29;
	s6 =	sadd.s32 s30, s2  }
0xf: {  	v2 =	vimm.f32 $1.000000000e+00;
	v3 =	vimm.f32 $0.0e+00;
	v0 =	vmov s31;
	s7 =	sadd.s32 $0x3A00, s13;
	s8 =	sadd.s32 $0x3000, s25;
	s13 =	simm.s32 $0x80  }
.LBB2_1:
0x10: {  	[tilespmem:s3], [sflag:$0x1] =	stream.linear.gather [hbm4b:s4+s3], $0x5000, $0x38;
	[tilespmem:$0xA578] =	vst v63  }
0x11: {  	_ =	swait.ge [sflag:s10], $0x5000  }
0x12: {  	[sflag:s10] =	ssyncset.done $0x0  }
0x13: {  	[sflag:s10] =	ssyncadd.s32 $0xFFFFB000  }
0x14: {  	[tilespmem:s11], [sflag:$0x1] =	stream.linear.gather [hbm4b:s5+s3], $0x5000, $0x38;
	[tilespmem:$0xA578] =	vst v63  }
0x15: {  	_ =	swait.ge [sflag:s10], $0x5000  }
0x16: {  	[sflag:s10] =	ssyncset.done $0x0  }
0x17: {  	[sflag:s10] =	ssyncadd.s32 $0xFFFFB000  }
0x18: {  	[tilespmem:$0xA000] =	vst v2  }
0x19: {  	[tilespmem:$0xA010] =	vst v2  }
0x1a: {  	[tilespmem:$0xA020] =	vst v2  }
0x1b: {  	[tilespmem:$0xA030] =	vst v2  }
0x1c: {  	[tilespmem:$0xA040] =	vst v2  }
0x1d: {  	[tilespmem:$0xA050] =	vst v2  }
0x1e: {  	[tilespmem:$0xA060] =	vst v2  }
0x1f: {  	[tilespmem:$0xA070] =	vst v2  }
0x20: {  	[tilespmem:$0xA080] =	vst v3  }
0x21: {  	[tilespmem:$0xA090] =	vst v3  }
0x22: {  	[tilespmem:$0xA0A0] =	vst v3  }
0x23: {  	[tilespmem:$0xA0B0] =	vst v3  }
0x24: {  	[tilespmem:$0xA0C0] =	vst v3  }
0x25: {  	[tilespmem:$0xA0D0] =	vst v3  }
0x26: {  	[tilespmem:$0xA0E0] =	vst v3  }
0x27: {  	[tilespmem:$0xA0F0] =	vst v3  }
0x28: {  	[tilespmem:$0xA100] =	vst v3  }
0x29: {  	[tilespmem:$0xA110] =	vst v3  }
0x2a: {  	[tilespmem:$0xA120] =	vst v3  }
0x2b: {  	[tilespmem:$0xA130] =	vst v3  }
0x2c: {  	[tilespmem:$0xA140] =	vst v3  }
0x2d: {  	[tilespmem:$0xA150] =	vst v3  }
0x2e: {  	[tilespmem:$0xA160] =	vst v3  }
0x2f: {  	[tilespmem:$0xA170] =	vst v3  }
0x30: {  	[tilespmem:$0xA180] =	vst v3  }
0x31: {  	[tilespmem:$0xA190] =	vst v3  }
0x32: {  	[tilespmem:$0xA1A0] =	vst v3  }
0x33: {  	[tilespmem:$0xA1B0] =	vst v3  }
0x34: {  	[tilespmem:$0xA1C0] =	vst v3  }
0x35: {  	[tilespmem:$0xA1D0] =	vst v3  }
0x36: {  	[tilespmem:$0xA1E0] =	vst v3  }
0x37: {  	[tilespmem:$0xA1F0] =	vst v3  }
0x38: {  	[tilespmem:$0xA200] =	vst v3  }
0x39: {  	[tilespmem:$0xA210] =	vst v3  }
0x3a: {  	[tilespmem:$0xA220] =	vst v3  }
0x3b: {  	[tilespmem:$0xA230] =	vst v3  }
0x3c: {  	[tilespmem:$0xA240] =	vst v3  }
0x3d: {  	[tilespmem:$0xA250] =	vst v3  }
0x3e: {  	[tilespmem:$0xA260] =	vst v3  }
0x3f: {  	[tilespmem:$0xA270] =	vst v3  }
0x40: {  	[tilespmem:$0xA280] =	vst v3  }
0x41: {  	[tilespmem:$0xA290] =	vst v3  }
0x42: {  	[tilespmem:$0xA2A0] =	vst v3  }
0x43: {  	[tilespmem:$0xA2B0] =	vst v3  }
0x44: {  	[tilespmem:$0xA2C0] =	vst v3  }
0x45: {  	[tilespmem:$0xA2D0] =	vst v3  }
0x46: {  	[tilespmem:$0xA2E0] =	vst v3  }
0x47: {  	[tilespmem:$0xA2F0] =	vst v3  }
0x48: {  	[spmem:s6] =	stream.linear.scatter [tilespmem:s12], [sflag:$0x1], $0x278, $0x38;
	[tilespmem:$0xA578] =	vst v63  }
0x49: {  	_ =	swait.ge [sflag:s10], $0x278  }
0x4a: {  	[sflag:s10] =	ssyncset.done $0x0  }
0x4b: {  	[sflag:s10] =	ssyncadd.s32 $0xFFFFFD88  }
0x4c: {  	s16 =	simm.s32 $0x0;
	[bflag:$0x0] =	sbarrier.arrive $0xFFFF  }
.LBB2_2:
0x4d: {  	p0 =	sne.s32 s16, $0x13E00  }
.Ltmp0:
0x4e: {  	s17 =	sshra.s32 s16, $0x2;
	(pc) =	sbr.rel @p0 .LBB2_2-.Ltmp0, $4  }
0x4f: {  	[spmem:s2] =	stream.indirect.scatter.add.f32 [tilespmem:s14], [sflag:$0x1], $0x1, s17, s13, $0xb8;
	[tilespmem:$0xA578] =	vst v63  }
0x50: {  	_ =	swait.ge [sflag:s10], $0x80  }
0x51: {  	[sflag:s10] =	ssyncset.done $0x0  }
0x52: {  	s16 =	sadd.s32 $0x200, s16;
	[sflag:s10] =	ssyncadd.s32 $0xFFFFFF80  }
0x53: {  	s16 =	simm.s32 $0x0  }
0x54: {  	v4 =	vld [tilespmem:s16+$0x5000]  }
0x55: {  	v9 =	vld [tilespmem:s16+$0x5010]  }
0x56: {  	v8 =	vld [tilespmem:s16+$0x5020]  }
0x57: {  	v7 =	vld [tilespmem:s16+$0x5030]  }
0x58: {  	v6 =	vld [tilespmem:s16+$0x5040]  }
0x59: {  	v5 =	vld [tilespmem:s16+$0x5050];
	v10 =	vsub.s32 v4, v0  }
0x5a: {  	s17 =	simm.s32 $0x200;
	v9 =	vsub.s32 v9, v0;
	v4 =	vld [tilespmem:s16+$0x5060];
	vm0 =	vlt.u32 v10, $0x13C0  }
.LBB2_4:
0x5b: {  	p0 =	sne.s32 s17, $0x13E00;
	v10 =	vsel vm0, v10, v1;
	vm0 =	vlt.u32 v9, $0x13C0;
	v8 =	vsub.s32 v8, v0;
	v11 =	vld [tilespmem:s16+$0x5070]  }
0x5c: {  	s18 =	sshra.s32 s17, $0x2;
	[tilespmem:s16+$0x5000] =	vst v10;
	v9 =	vsel vm0, v9, v1;
	vm0 =	vlt.u32 v8, $0x13C0;
	v7 =	vsub.s32 v7, v0  }
0x5d: {  	v10 =	vld [tilespmem:s18+$0x5000];
	[tilespmem:s16+$0x5010] =	vst v9;
	v8 =	vsel vm0, v8, v1;
	vm0 =	vlt.u32 v7, $0x13C0;
	v6 =	vsub.s32 v6, v0  }
0x5e: {  	v9 =	vld [tilespmem:s18+$0x5010];
	[tilespmem:s16+$0x5020] =	vst v8;
	v7 =	vsel vm0, v7, v1;
	vm0 =	vlt.u32 v6, $0x13C0;
	v5 =	vsub.s32 v5, v0  }
.Ltmp1:
0x5f: {  	v8 =	vld [tilespmem:s18+$0x5020];
	[tilespmem:s16+$0x5030] =	vst v7;
	v6 =	vsel vm0, v6, v1;
	vm0 =	vlt.u32 v5, $0x13C0;
	v4 =	vsub.s32 v4, v0;
	(pc) =	sbr.rel @p0 .LBB2_4-.Ltmp1, $4  }
0x60: {  	v7 =	vld [tilespmem:s18+$0x5030];
	[tilespmem:s16+$0x5040] =	vst v6;
	v5 =	vsel vm0, v5, v1;
	vm0 =	vlt.u32 v4, $0x13C0;
	v11 =	vsub.s32 v11, v0  }
0x61: {  	v6 =	vld [tilespmem:s18+$0x5040];
	[tilespmem:s16+$0x5050] =	vst v5;
	v4 =	vsel vm0, v4, v1;
	vm0 =	vlt.u32 v11, $0x13C0  }
0x62: {  	v10 =	vsub.s32 v10, v0;
	v5 =	vld [tilespmem:s18+$0x5050];
	[tilespmem:s16+$0x5060] =	vst v4;
	v11 =	vsel vm0, v11, v1  }
0x63: {  	s17 =	sadd.s32 $0x200, s17;
	vm0 =	vlt.u32 v10, $0x13C0;
	v9 =	vsub.s32 v9, v0;
	v4 =	vld [tilespmem:s18+$0x5060];
	[tilespmem:s16+$0x5070] =	vst v11;
	s16 =	smov.u32 s18  }
0x64: {  	v10 =	vsel vm0, v10, v1;
	vm9 =	vlt.u32 v9, $0x13C0;
	v8 =	vsub.s32 v8, v0;
	v11 =	vld [tilespmem:s16+$0x5070]  }
0x65: {  	[tilespmem:s16+$0x5000] =	vst v10;
	v9 =	vsel vm9, v9, v1;
	vm10 =	vlt.u32 v8, $0x13C0;
	v7 =	vsub.s32 v7, v0  }
0x66: {  	[tilespmem:s16+$0x5010] =	vst v9;
	v8 =	vsel vm10, v8, v1;
	vm11 =	vlt.u32 v7, $0x13C0;
	v6 =	vsub.s32 v6, v0  }
0x67: {  	[tilespmem:s16+$0x5020] =	vst v8;
	v7 =	vsel vm11, v7, v1;
	vm12 =	vlt.u32 v6, $0x13C0;
	v5 =	vsub.s32 v5, v0  }
0x68: {  	[tilespmem:s16+$0x5030] =	vst v7;
	v6 =	vsel vm12, v6, v1;
	vm13 =	vlt.u32 v5, $0x13C0;
	v4 =	vsub.s32 v4, v0  }
0x69: {  	[tilespmem:s16+$0x5040] =	vst v6;
	v5 =	vsel vm13, v5, v1;
	vm14 =	vlt.u32 v4, $0x13C0;
	v63 =	vsub.s32 v11, v0  }
0x6a: {  	[tilespmem:s16+$0x5050] =	vst v5;
	v4 =	vsel vm14, v4, v1;
	vm15 =	vlt.u32 v63, $0x13C0  }
0x6b: {  	[tilespmem:s16+$0x5060] =	vst v4;
	v4 =	vsel vm15, v63, v1  }
0x6c: {  	[tilespmem:s16+$0x5070] =	vst v4  }
0x6d: {  	[hbm4b:s7+s3] =	stream.linear.scatter [tilespmem:s11], [sflag:$0x1], $0x5000, $0x38;
	[tilespmem:$0xA578] =	vst v63  }
0x6e: {  	_ =	swait.ge [sflag:s10], $0x5000  }
0x6f: {  	[sflag:s10] =	ssyncset.done $0x0  }
0x70: {  	[sflag:s10] =	ssyncadd.s32 $0xFFFFB000  }
0x71: {  	[bflag:$0x0] =	sbarrier.arrive $0xFFFF  }
0x72: {  	[tilespmem:s12], [sflag:$0x1] =	stream.linear.gather [spmem:s6], $0x278, $0x38;
	[tilespmem:$0xA578] =	vst v63  }
0x73: {  	s15 =	sadd.s32 $0x1, s15;
	_ =	swait.ge [sflag:s10], $0x278  }
0x74: {  	p0 =	sne.s32 s15, s9;
	[sflag:s10] =	ssyncset.done $0x0  }
.Ltmp2:
0x75: {  	[sflag:s10] =	ssyncadd.s32 $0xFFFFFD88;
	(pc) =	sbr.rel @p0 .LBB2_1-.Ltmp2, $4  }
0x76: {  	[hbm4b:s8+s3] =	stream.linear.scatter [tilespmem:s12], [sflag:$0x1], $0x278, $0x38;
	[tilespmem:$0xA578] =	vst v63  }
0x77: {  	_ =	swait.ge [sflag:s10], $0x278  }
0x78: {  	[sflag:s10] =	ssyncset.done $0x0  }
0x79: {  	[sflag:s10] =	ssyncadd.s32 $0xFFFFFD88  }
0x7a: {  	_ =	sfence.sel $0x180000  }
0x7b: {  	[bflag:$0x0] =	sbarrier.arrive $0xFFFF  }
0x7c: {  	p0 =	sne.s32 s0, $0x0;
	_ =	strace $0x90000047  }
0x7d: {  	s0 =	sadd.s32 @!p0 $0x100000, s1;
	[bflag:$0x2] =	sbarrier.arrive $0xFFFF  }
0x7e: {  	[sflag:s0] =	ssyncadd.tile.s32 @!p0 $0x1;
	_ =	shalt  }
.Lfunc_end2:
_tile_overlayer_lowered:
.L_overlay_start_2:
0x7f: {  	(tag) =	ssettag $0x2  }
0x80: {  	s0 =	rddreg [dreg:$0x0];
	s2 =	stileid.u32  }
0x81: {  	s1 =	rddreg [dreg:$0x1];
	p0 =	sne.s32 s2, $0x0  }
0x82: {  	s3 =	rddreg [dreg:$0x2];
	[bflag:$0x3] =	sbarrier.arrive $0xFFFF;
	s2 =	simm.s32 @!p0 $0x1C01  }
0x83: {  	[timem:s3], [sflag:s2] =	dma.local @!p0 [hbm:s0], s1  }
0x84: {  	s0 =	simm.s32 @!p0 $0x1  }
0x85: {  	_ =	swait.ge @!p0 [sflag:s0], s1  }
0x86: {  	s1 =	ssub.s32 @!p0 $0x0, s1;
	[sflag:s0] =	ssyncset.done @!p0 $0x0  }
0x87: {  	[sflag:s0] =	ssyncadd.s32 @!p0 s1  }
0x88: {  	[bflag:$0x3] =	sbarrier.arrive $0xFFFF  }
0x89: {  	_ =	shalt  }

// kernel: kernel.13.cloned.1.call-start
scs
__scs_entry_jumppad:
0x0: {  	(pc) =	sbr.rel $0x88, $3  }
0x1: {  	(tag) =	ssettag $0x0;
	lr =	simm.s32 $0x1  }
0x2: {  	[smem:$0x3F99] =	sst lr;
	_ =	strace $0xD0000000  }
0x3: {  	_ = 	snop  }
0x4: {  	_ = 	snop  }
0x5: {  	_ = 	snop  }
0x6: {  	_ = 	snop  }
0x7: {  	_ = 	snop  }
__scs_overlays_trampoline_lowered:
0x8: {  	[smem:$0x3FA8] =	sst s0  }
0x9: {  	[smem:$0x3FA9] =	sst s1  }
0xa: {  	[smem:$0x3FAA] =	sst s2  }
0xb: {  	[smem:$0x3FAB] =	sst s3  }
0xc: {  	[smem:$0x3FAC] =	sst s4  }
0xd: {  	[smem:$0x3FAD] =	sst s5  }
0xe: {  	[smem:$0x3FAE] =	sst s6  }
0xf: {  	[smem:$0x3FAF] =	sst s7  }
0x10: {  	[smem:$0x3FB0] =	sst s8  }
0x11: {  	[smem:$0x3FB1] =	sst s9;
	s0 =	simm.s32 @!p0 $0x0  }
0x12: {  	s1 =	sld [smem:$0x3F97];
	s0 =	simm.s32 @p0 $0x1  }
0x13: {  	[smem:$0x3FB2] =	sst s0;
	s0 =	simm.s32 @!p1 $0x0  }
0x14: {  	s2 =	sld [smem:$0x3F96];
	s0 =	simm.s32 @p1 $0x1  }
0x15: {  	[smem:$0x3FB3] =	sst s0;
	s0 =	simm.s32 @!p2 $0x0  }
0x16: {  	s3 =	sld [smem:$0x3FDB];
	s0 =	simm.s32 @p2 $0x1  }
0x17: {  	s4 =	simm.s32 $0x1BF5;
	[smem:$0x3FB5] =	sst s0  }
0x18: {  	s0 =	sld [smem:$0x3F98];
	_ =	swait.ge [sflag:s4], $0x0  }
0x19: {  	s7 =	sld [smem:$0x3F99]  }
0x1a: {  	s8 =	sadd.s32 $0xFFFFE003, lr  }
0x1b: {  	s9 =	sadd.s32 $0xFFFFFEF7, lr;
	s5 =	simm.s32 $0xFFFFFFFF;
	p2 =	slt.u32 s8, $0xFFFFF086  }
0x1c: {  	p1 =	slt.u32 s9, $0xF7A;
	s5 =	simm.s32 @!p2 $0x0  }
0x1d: {  	s5 =	simm.s32 @p1 $0x1;
	p0 =	seq.s32 s7, s2  }
0x1e: {  	s7 =	smul.u32 @!p0 $0xF7A, s2;
	p2 =	seq.s32 @!p0 s5, $0x0  }
0x1f: {  	s9 =	smul.u32 $0xF7A, s1;
	s8 =	simm.s32 @!p0 $0x1BF5;
	p2 =	por !p2, p0  }
0x20: {  	[sflag:s8] =	ssyncset.s32 @!p0 $0xFFFFF086;
	s6 =	sadd.s32 @!p0 s3, s7;
	s7 =	simm.s32 @!p0 $0x108  }
0x21: {  	s3 =	sadd.s32 s3, s9;
	s6 =	sadd.s32 @!p0 $0x88, s6;
	s7 =	simm.s32 @p2 $0x1082  }
0x22: {  	[simem:s7], [sflag:s8] =	dma.local @!p0 [hbm:s6], $0xF7A  }
0x23: {  	s9 =	sor.u32 $0xD0000000, s2;
	s6 =	simm.s32 $0x108;
	_ =	swait.ge @!p0 [sflag:s8], $0x0  }
0x24: {  	s3 =	sadd.s32 $0x88, s3;
	s6 =	simm.s32 @!p1 $0x1082;
	[sflag:s4] =	ssyncset.s32 $0xFFFFF086  }
0x25: {  	[simem:s6], [sflag:s4] =	dma.local [hbm:s3], $0xF7A  }
0x26: {  	[smem:$0x3F99] =	sst s1;
	(tag) =	ssettag s2;
	_ =	strace s9  }
0x27: {  	s1 =	sld [smem:$0x3FA9]  }
0x28: {  	s2 =	sld [smem:$0x3FAA]  }
0x29: {  	s4 =	sld [smem:$0x3FAC]  }
0x2a: {  	p0 =	seq.s32 s5, $0x0;
	s5 =	sld [smem:$0x3FAD]  }
0x2b: {  	s6 =	sld [smem:$0x3FAE]  }
0x2c: {  	s7 =	sld [smem:$0x3FAF]  }
0x2d: {  	s3 =	simm.s32 $0x108;
	s8 =	sld [smem:$0x3FB0]  }
0x2e: {  	s3 =	simm.s32 @!p0 $0x1082;
	s9 =	sld [smem:$0x3FB1]  }
0x2f: {  	lr =	sadd.s32 s0, s3;
	s0 =	sld [smem:$0x3FA8]  }
0x30: {  	s3 =	sld [smem:$0x3FAB]  }
0x31: {  	[smem:$0x3FB4] =	sst s10  }
0x32: {  	s10 =	sld [smem:$0x3FB2];
	_ =	sdelay $0x3  }
0x33: {  	p0 =	seq.s32 s10, $0x1;
	s10 =	sld [smem:$0x3FB4];
	_ =	sdelay $0x3  }
0x34: {  	[smem:$0x3FB4] =	sst s10  }
0x35: {  	s10 =	sld [smem:$0x3FB3];
	_ =	sdelay $0x3  }
0x36: {  	p1 =	seq.s32 s10, $0x1;
	s10 =	sld [smem:$0x3FB4];
	_ =	sdelay $0x3  }
0x37: {  	[smem:$0x3FB4] =	sst s10  }
0x38: {  	s10 =	sld [smem:$0x3FB5]  }
0x39: {  	_ = 	snop;
	(pc) =	sbr.ind lr, $3  }
0x3a: {  	_ = 	snop  }
0x3b: {  	_ = 	snop  }
0x3c: {  	p2 =	seq.s32 s10, $0x1;
	s10 =	sld [smem:$0x3FB4]  }
0x3d: {  	_ =	shalt  }
0x3e: {  	_ =	shalt  }
0x3f: {  	_ =	shalt  }
0x40: {  	_ =	shalt  }
0x41: {  	_ =	shalt  }
0x42: {  	_ =	shalt  }
0x43: {  	_ =	shalt  }
0x44: {  	_ =	shalt  }
0x45: {  	_ =	shalt  }
0x46: {  	_ =	shalt  }
0x47: {  	_ =	shalt  }
0x48: {  	_ =	shalt  }
0x49: {  	_ =	shalt  }
0x4a: {  	_ =	shalt  }
0x4b: {  	_ =	shalt  }
0x4c: {  	_ =	shalt  }
0x4d: {  	_ =	shalt  }
0x4e: {  	_ =	shalt  }
0x4f: {  	_ =	shalt  }
0x50: {  	_ =	shalt  }
0x51: {  	_ =	shalt  }
0x52: {  	_ =	shalt  }
0x53: {  	_ =	shalt  }
0x54: {  	_ =	shalt  }
0x55: {  	_ =	shalt  }
0x56: {  	_ =	shalt  }
0x57: {  	_ =	shalt  }
0x58: {  	_ =	shalt  }
0x59: {  	_ =	shalt  }
0x5a: {  	_ =	shalt  }
0x5b: {  	_ =	shalt  }
0x5c: {  	_ =	shalt  }
0x5d: {  	_ =	shalt  }
0x5e: {  	_ =	shalt  }
0x5f: {  	_ =	shalt  }
0x60: {  	_ =	shalt  }
0x61: {  	_ =	shalt  }
0x62: {  	_ =	shalt  }
0x63: {  	_ =	shalt  }
0x64: {  	_ =	shalt  }
0x65: {  	_ =	shalt  }
0x66: {  	_ =	shalt  }
0x67: {  	_ =	shalt  }
0x68: {  	_ =	shalt  }
0x69: {  	_ =	shalt  }
0x6a: {  	_ =	shalt  }
0x6b: {  	_ =	shalt  }
0x6c: {  	_ =	shalt  }
0x6d: {  	_ =	shalt  }
0x6e: {  	_ =	shalt  }
0x6f: {  	_ =	shalt  }
0x70: {  	_ =	shalt  }
0x71: {  	_ =	shalt  }
0x72: {  	_ =	shalt  }
0x73: {  	_ =	shalt  }
0x74: {  	_ =	shalt  }
0x75: {  	_ =	shalt  }
0x76: {  	_ =	shalt  }
0x77: {  	_ =	shalt  }
0x78: {  	_ =	shalt  }
0x79: {  	_ =	shalt  }
0x7a: {  	_ =	shalt  }
0x7b: {  	_ =	shalt  }
0x7c: {  	_ =	shalt  }
0x7d: {  	_ =	shalt  }
0x7e: {  	_ =	shalt  }
0x7f: {  	_ =	shalt  }
0x80: {  	_ =	shalt  }
0x81: {  	_ =	shalt  }
0x82: {  	_ =	shalt  }
0x83: {  	_ =	shalt  }
0x84: {  	_ =	shalt  }
0x85: {  	_ =	shalt  }
0x86: {  	_ =	shalt  }
0x87: {  	_ =	shalt  }
.Lfunc_end0:
.L_simem_size_0:
called_computation.1_lowered:
.L_overlay_start_0:
0x88: {  	s2 =	sld [smem:$0x3FD9]  }
0x89: {  	s3 =	sld [smem:$0x3FFE];
	_ =	sdelay $0x1  }
0x8a: {  	s1 =	srdreg.scid  }
0x8b: {  	s0 =	sand.u32 $0x1, s1  }
0x8c: {  	s17 =	sshll.u32 s0, $0xA;
	s2 =	sadd.s32 s3, s2  }
0x8d: {  	s2 =	sadd.s32 s2, s17  }
0x8e: {  	[smem:$0x3FC0] =	sst s2  }
0x8f: {  	_ = 	snop  }
0x90: {  	s2 =	sld [smem:$0x3FD0];
	(tm) =	ssettm $0x1  }
0x91: {  	s18 =	sld [smem:$0x3FFB];
	_ =	sdelay $0x3  }
0x92: {  	_ =	strace s18  }
0x93: {  	s3 =	sld [smem:$0x3FFC];
	_ =	sdelay $0x3  }
0x94: {  	_ =	strace s3  }
0x95: {  	s3 =	sld [smem:$0x3FFD];
	_ =	sdelay $0x3  }
0x96: {  	_ =	strace s3  }
0x97: {  	_ =	strace $0x8FFFFFFF  }
0x98: {  	s19 =	sld [smem:$0x3FDB];
	_ =	sdelay $0x1  }
0x99: {  	s4 =	simm.s32 $_scs_section_size  }
0x9a: {  	s5 =	simm.s32 $_size__tile_overlayer_lowered;
	s6 =	simm.s32 $_tile_overlayer_lowered  }
0x9b: {  	s22 =	simm.s32 $0x1BFF;
	s21 =	sshll.u32 s6, $0x1;
	s3 =	sadd.s32 s4, s19  }
0x9c: {  	s7 =	simm.s32 $0x0;
	s20 =	sshll.u32 s5, $0x1;
	s5 =	sadd.s32 s21, s3  }
0x9d: {  	[timem:s7], [sflag:s22] =	dma.local [hbm:s5], s20  }
0x9e: {  	_ =	swait.ge [sflag:s22], s20  }
0x9f: {  	s4 =	ssub.s32 $0x0, s20;
	[sflag:s22] =	ssyncset.done $0x0  }
0xa0: {  	[sflag:s22] =	ssyncadd.s32 s4;
	_ =	sdelay $0x1  }
0xa1: {  	s23 =	simm.s32 $0x1B8B  }
0xa2: {  	_ =	swait.ge [sflag:s23], $0x1  }
0xa3: {  	[sflag:s23] =	ssyncset.done $0x0  }
0xa4: {  	s25 =	simm.s32 $0x1B8E;
	s24 =	sld [smem:$0x3FFE];
	[sflag:s23] =	ssyncadd.s32 $0xFFFFFFFF  }
0xa5: {  	s26 =	simm.s32 $execute0_lowered;
	[smem:$0x3FD2] =	sst s25  }
0xa6: {  	s5 =	sshll.u32 s26, $0x1;
	_ =	strace $0x80000049;
	[dreg:$0x1] =	wrdreg $0xFFFFFFFF  }
0xa7: {  	s28 =	simm.s32 $_size_execute0_lowered;
	s3 =	sadd.s32 s3, s5;
	[dreg:$0x0] =	wrdreg $0x0  }
0xa8: {  	s5 =	sshll.u32 s28, $0x1;
	[dreg:$0x2] =	wrdreg s3  }
0xa9: {  	[dreg:$0x3] =	wrdreg s5  }
0xaa: {  	[dreg:$0x4] =	wrdreg $0xC0  }
0xab: {  	_ =	task [dreg:s7], $0x5FFFF  }
0xac: {  	[dreg:$0x1] =	wrdreg $0xFFFFFFFF  }
0xad: {  	[dreg:$0x0] =	wrdreg $0x60  }
0xae: {  	[dreg:$0x2] =	wrdreg s24  }
0xaf: {  	[dreg:$0x3] =	wrdreg s2  }
0xb0: {  	[dreg:$0x4] =	wrdreg $0x160000  }
0xb1: {  	[dreg:$0x5] =	wrdreg $0x9  }
0xb2: {  	_ =	task.clear_ibuf [dreg:s7], $0x6FFFF;
	_ =	strace $0x90000049  }
0xb3: {  	s29 =	simm.s32 $0x9;
	_ =	strace $0x8000004B  }
0xb4: {  	_ =	swait.ge [sflag:s29], $0x1  }
0xb5: {  	[sflag:s29] =	ssyncadd.s32 $0xFFFFFFFF  }
0xb6: {  	_ =	strace $0x9000004B  }
0xb7: {  	_ =	sfence  }
0xb8: {  	s30 =	sld [smem:$0x0];
	_ =	sdelay $0x2  }
0xb9: {  	s31 =	sshll.u32 s1, $0xD;
	s1 =	sshrl.u32 s1, $0x2  }
0xba: {  	s3 =	sand.u32 $0x4000, s31;
	s1 =	sadd.s32 s1, s30  }
0xbb: {  	s0 =	sor.u32 s3, s0;
	s1 =	sshll.u32 s1, $0x11  }
0xbc: {  	s0 =	sor.u32 s1, s0  }
0xbd: {  	s0 =	sadd.s32 $0x8F2B, s0  }
0xbe: {  	[sflag:s0] =	ssyncadd.remote.s32 $0x1  }
0xbf: {  	_ =	sfence.sel $0xFFFF  }
0xc0: {  	[dreg:$0x0] =	wrdreg $0xFFFFFFFF;
	(pc) =	sbr.abs _section_cstart, $3  }
0xc1: {  	[dreg:$0x1] =	wrdreg $0xFFFFFFFF  }
0xc2: {  	_ =	task.clear_ibuf [dreg:s7], $0x2FFFF;
	_ =	strace $0x9FFFFFFF  }
0xc3: {  	(tm) =	ssettm $0x7FFFFFFF  }
tec
execute0_lowered:
.L_overlay_start_1:
0x0: {  	(tag) =	ssettag $0x1  }
0x1: {  	s11 =	rddreg [dreg:$0x0]  }
0x2: {  	s7 =	rddreg [dreg:$0x1];
	s1 =	srdreg.scid  }
0x3: {  	s0 =	stileid.u32;
	s2 =	rddreg [dreg:$0x2];
	s3 =	simm.s32 $0x0  }
0x4: {  	s15 =	simm.s32 $0x5000;
	s16 =	simm.s32 $0x12000;
	s17 =	simm.s32 $0x80  }
0x5: {  	s18 =	simm.s32 $0xA000;
	s19 =	simm.s32 $0xE000;
	s20 =	simm.s32 $0x1  }
0x6: {  	s21 =	simm.s32 $0x2;
	s22 =	simm.s32 $0x9F00;
	s9 =	smul.u32 $0x5000, s0  }
0x7: {  	s23 =	simm.s32 $0x9F80;
	s24 =	simm.s32 $0x14000;
	s12 =	smul.u32 $0x1400, s0  }
0x8: {  	s8 =	sand.u32 $0x1, s1;
	s1 =	rddreg [dreg:$0x3];
	s13 =	smul.u32 $0x28000, s0  }
0x9: {  	s25 =	simm.s32 $0x0;
	[smem:$0x7FF] =	sst s3;
	s4 =	smul.u32 $0x50000, s8  }
0xa: {  	s5 =	sadd.s32 $0x3F200, s11;
	s6 =	smul.u32 $0x13C00, s8;
	s8 =	ssub.s32 $0x2, s8  }
0xb: {  	p0 =	seq.s32 s0, $0xF;
	_ =	strace $0x8000004A;
	s31 =	sshrl.u32 s8, $0x1  }
0xc: {  	s13 =	sshrl.u32 s13, $0x2;
	s10 =	sadd.s32 s9, s4;
	s4 =	sadd.s32 $0x17A00, s11  }
0xd: {  	s6 =	sadd.s32 s12, s6;
	s9 =	sshrl.u32 s9, $0x3;
	s12 =	ssub.s32 s8, s31  }
0xe: {  	s8 =	simm.s32 $0x4;
	s10 =	sshrl.u32 s10, $0x3;
	s14 =	sadd.s32 s6, s11  }
0xf: {  	s7 =	sadd.s32 s7, s9;
	s8 =	simm.s32 @!p0 $0x5;
	s10 =	sadd.s32 s10, s11  }
0x10: {  	s12 =	smax.u32 s12, $0x1;
	s11 =	sadd.s32 $0x8E200, s11;
	s9 =	sadd.s32 $0x3A00, s10  }
0x11: {  	v0 =	vimm.f32 $0.0e+00;
	s10 =	sadd.s32 s13, s2;
	s13 =	sadd.s32 $0x66A00, s14;
	s14 =	simm.s32 $0x3  }
.LBB2_1:
0x12: {  	[tilespmem:s3], [sflag:$0x3] =	stream.linear.gather [hbm4b:s7+s3], $0x5000, $0x38;
	[tilespmem:$0x1FE80] =	vst v63  }
0x13: {  	_ =	swait.ge [sflag:s14], $0x5000  }
0x14: {  	[sflag:s14] =	ssyncset.done $0x0  }
0x15: {  	[sflag:s14] =	ssyncadd.s32 $0xFFFFB000  }
0x16: {  	[tilespmem:s15], [sflag:$0x3] =	stream.linear.gather [hbm4b:s9+s3], $0x5000, $0x38;
	[tilespmem:$0x1FE80] =	vst v63  }
0x17: {  	_ =	swait.ge [sflag:s14], $0x5000  }
0x18: {  	[sflag:s14] =	ssyncset.done $0x0  }
0x19: {  	s26 =	simm.s32 $0x0;
	s28 =	simm.s32 $0x200;
	[sflag:s14] =	ssyncadd.s32 $0xFFFFB000  }
.LBB2_2:
0x1a: {  	p0 =	sne.s32 s28, $0x7E00;
	[tilespmem:s26+$0x12070] =	vst v0  }
0x1b: {  	[tilespmem:s26+$0x12000] =	vst v0  }
0x1c: {  	[tilespmem:s26+$0x12010] =	vst v0  }
.Ltmp0:
0x1d: {  	[tilespmem:s26+$0x12020] =	vst v0;
	(pc) =	sbr.rel @p0 .LBB2_2-.Ltmp0, $4  }
0x1e: {  	[tilespmem:s26+$0x12030] =	vst v0  }
0x1f: {  	[tilespmem:s26+$0x12040] =	vst v0  }
0x20: {  	[tilespmem:s26+$0x12050] =	vst v0  }
0x21: {  	[tilespmem:s26+$0x12060] =	vst v0;
	s26 =	sshra.s32 s28, $0x2;
	s28 =	sadd.s32 $0x200, s28  }
0x22: {  	[tilespmem:s26+$0x12070] =	vst v0  }
0x23: {  	[tilespmem:s26+$0x12000] =	vst v0  }
0x24: {  	[tilespmem:s26+$0x12010] =	vst v0  }
0x25: {  	[tilespmem:s26+$0x12020] =	vst v0  }
0x26: {  	[tilespmem:s26+$0x12030] =	vst v0  }
0x27: {  	[tilespmem:s26+$0x12040] =	vst v0;
	p0 =	sne.s32 s8, $0x1  }
.Ltmp1:
0x28: {  	[tilespmem:s26+$0x12050] =	vst v0;
	(pc) =	sbr.rel @!p0 .LBB2_5-.Ltmp1, $4  }
0x29: {  	[tilespmem:s26+$0x12060] =	vst v0  }
0x2a: {  	[spmem:s10] =	stream.linear.scatter [tilespmem:s16], [sflag:$0x3], $0x2000, $0x38;
	[tilespmem:$0x1FE80] =	vst v63  }
0x2b: {  	_ =	swait.ge [sflag:s14], $0x2000  }
0x2c: {  	s26 =	sadd.s32 $0xFFFFFFFF, s8;
	s28 =	smov.u32 s10;
	[sflag:s14] =	ssyncset.done $0x0  }
.LBB2_4:
0x2d: {  	p1 =	sne.s32 s26, $0x1;
	[sflag:s14] =	ssyncadd.s32 $0xFFFFE000;
	s28 =	sadd.s32 $0x2000, s28  }
.Ltmp2:
0x2e: {  	s26 =	sadd.s32 $0xFFFFFFFF, s26;
	(pc) =	sbr.rel @p1 .LBB2_4-.Ltmp2, $4  }
0x2f: {  	_ = 	snop  }
0x30: {  	[spmem:s28] =	stream.linear.scatter [tilespmem:s16], [sflag:$0x3], $0x2000, $0x38;
	[tilespmem:$0x1FE80] =	vst v63  }
0x31: {  	_ =	swait.ge [sflag:s14], $0x2000  }
0x32: {  	[sflag:s14] =	ssyncset.done $0x0  }
.LBB2_5:
0x33: {  	[sflag:s14] =	ssyncadd.s32 $0xFFFFE000  }
0x34: {  	s26 =	simm.s32 $0x0;
	[bflag:$0x0] =	sbarrier.arrive $0xFFFF  }
0x35: {  	[tilespmem:s18], [sflag:$0x1] =	stream.indirect.gather [hbm4b:s4+s17], $0x80, s26, s17, $0xb8;
	[tilespmem:$0x1FE80] =	vst v63  }
0x36: {  	_ = 	snop  }
0x37: {  	[tilespmem:s19], [sflag:$0x2] =	stream.indirect.gather [hbm4b:s4+s17], $0x80, s17, s17, $0xb8;
	[tilespmem:$0x1FE80] =	vst v63  }
0x38: {  	_ =	swait.ge [sflag:s20], $0x4000  }
0x39: {  	[sflag:s20] =	ssyncset.done $0x0  }
0x3a: {  	s29 =	simm.s32 $0x5000;
	[sflag:s20] =	ssyncadd.s32 $0xFFFFC000  }
0x3b: {  	[spmem:s2] =	stream.indirect.scatter.add.f32 [tilespmem:s18], [sflag:$0x3], $0x80, s29, s17, $0xb8;
	[tilespmem:$0x1FE80] =	vst v63  }
0x3c: {  	_ =	swait.ge [sflag:s14], $0x4000  }
0x3d: {  	[sflag:s14] =	ssyncset.done $0x0  }
0x3e: {  	s30 =	simm.s32 $0x100;
	[sflag:s14] =	ssyncadd.s32 $0xFFFFC000  }
0x3f: {  	[tilespmem:s18], [sflag:$0x1] =	stream.indirect.gather [hbm4b:s4+s17], $0x80, s30, s17, $0xb8;
	[tilespmem:$0x1FE80] =	vst v63  }
0x40: {  	_ =	swait.ge [sflag:s21], $0x4000  }
0x41: {  	[sflag:s21] =	ssyncset.done $0x0  }
0x42: {  	s31 =	simm.s32 $0x5080;
	[sflag:s21] =	ssyncadd.s32 $0xFFFFC000  }
0x43: {  	[spmem:s2] =	stream.indirect.scatter.add.f32 [tilespmem:s19], [sflag:$0x3], $0x80, s31, s17, $0xb8;
	[tilespmem:$0x1FE80] =	vst v63  }
0x44: {  	_ =	swait.ge [sflag:s14], $0x4000  }
0x45: {  	[sflag:s14] =	ssyncset.done $0x0  }
0x46: {  	s28 =	simm.s32 $0x180;
	s26 =	simm.s32 $0x400;
	[sflag:s14] =	ssyncadd.s32 $0xFFFFC000  }
.LBB2_6:
0x47: {  	[tilespmem:s19], [sflag:$0x2] =	stream.indirect.gather [hbm4b:s4+s17], $0x80, s28, s17, $0xb8;
	[tilespmem:$0x1FE80] =	vst v63  }
0x48: {  	s28 =	smov.u32 s26  }
0x49: {  	p1 =	sne.s32 s26, $0x13800;
	s26 =	sadd.s32 $0x400, s26;
	_ =	swait.ge [sflag:s20], $0x4000  }
0x4a: {  	s28 =	sshra.s32 s28, $0x2;
	[sflag:s20] =	ssyncset.done $0x0  }
0x4b: {  	s29 =	sadd.s32 $0x5000, s28;
	[sflag:s20] =	ssyncadd.s32 $0xFFFFC000  }
0x4c: {  	[spmem:s2] =	stream.indirect.scatter.add.f32 [tilespmem:s18], [sflag:$0x3], $0x80, s29, s17, $0xb8;
	[tilespmem:$0x1FE80] =	vst v63  }
0x4d: {  	_ =	swait.ge [sflag:s14], $0x4000  }
0x4e: {  	[sflag:s14] =	ssyncset.done $0x0  }
0x4f: {  	s29 =	sadd.s32 $0x100, s28;
	[sflag:s14] =	ssyncadd.s32 $0xFFFFC000  }
0x50: {  	[tilespmem:s18], [sflag:$0x1] =	stream.indirect.gather [hbm4b:s4+s17], $0x80, s29, s17, $0xb8;
	[tilespmem:$0x1FE80] =	vst v63  }
0x51: {  	_ =	swait.ge [sflag:s21], $0x4000  }
0x52: {  	[sflag:s21] =	ssyncset.done $0x0  }
.Ltmp3:
0x53: {  	s29 =	sadd.s32 $0x5080, s28;
	[sflag:s21] =	ssyncadd.s32 $0xFFFFC000;
	(pc) =	sbr.rel @p1 .LBB2_6-.Ltmp3, $4  }
0x54: {  	[spmem:s2] =	stream.indirect.scatter.add.f32 [tilespmem:s19], [sflag:$0x3], $0x80, s29, s17, $0xb8;
	[tilespmem:$0x1FE80] =	vst v63  }
0x55: {  	_ =	swait.ge [sflag:s14], $0x4000  }
0x56: {  	[sflag:s14] =	ssyncset.done $0x0  }
0x57: {  	s28 =	sadd.s32 $0x180, s28;
	[sflag:s14] =	ssyncadd.s32 $0xFFFFC000  }
0x58: {  	[tilespmem:s19], [sflag:$0x2] =	stream.indirect.gather [hbm4b:s4+s17], $0x80, s28, s17, $0xb8;
	[tilespmem:$0x1FE80] =	vst v63  }
0x59: {  	_ =	swait.ge [sflag:s20], $0x4000  }
0x5a: {  	[sflag:s20] =	ssyncset.done $0x0  }
0x5b: {  	[sflag:s20] =	ssyncadd.s32 $0xFFFFC000  }
0x5c: {  	[spmem:s2] =	stream.indirect.scatter.add.f32 [tilespmem:s18], [sflag:$0x3], $0x80, s22, s17, $0xb8;
	[tilespmem:$0x1FE80] =	vst v63  }
0x5d: {  	_ =	swait.ge [sflag:s14], $0x4000  }
0x5e: {  	[sflag:s14] =	ssyncset.done $0x0  }
0x5f: {  	[sflag:s14] =	ssyncadd.s32 $0xFFFFC000  }
0x60: {  	_ =	swait.ge [sflag:s21], $0x4000  }
0x61: {  	[sflag:s21] =	ssyncset.done $0x0  }
0x62: {  	[sflag:s21] =	ssyncadd.s32 $0xFFFFC000  }
0x63: {  	[spmem:s2] =	stream.indirect.scatter.add.f32 [tilespmem:s19], [sflag:$0x3], $0x80, s23, s17, $0xb8;
	[tilespmem:$0x1FE80] =	vst v63  }
0x64: {  	_ =	swait.ge [sflag:s14], $0x4000  }
0x65: {  	[sflag:s14] =	ssyncset.done $0x0  }
0x66: {  	[sflag:s14] =	ssyncadd.s32 $0xFFFFC000  }
0x67: {  	[bflag:$0x0] =	sbarrier.arrive $0xFFFF  }
0x68: {  	[tilespmem:s24], [sflag:$0x3] =	stream.linear.gather [spmem:s10], $0x2000, $0x38;
	[tilespmem:$0x1FE80] =	vst v63  }
0x69: {  	_ =	swait.ge [sflag:s14], $0x2000  }
.Ltmp4:
0x6a: {  	[sflag:s14] =	ssyncset.done $0x0;
	(pc) =	sbr.rel @!p0 .LBB2_9-.Ltmp4, $4  }
0x6b: {  	[sflag:s14] =	ssyncadd.s32 $0xFFFFE000  }
0x6c: {  	[hbm4b:s13+s3] =	stream.linear.scatter [tilespmem:s24], [sflag:$0x3], $0x2000, $0x38;
	[tilespmem:$0x1FE80] =	vst v63  }
0x6d: {  	s26 =	sadd.s32 $0xFFFFFFFF, s8;
	_ =	swait.ge [sflag:s14], $0x2000  }
0x6e: {  	s28 =	smov.u32 s13;
	s29 =	smov.u32 s10;
	[sflag:s14] =	ssyncset.done $0x0  }
.LBB2_8:
0x6f: {  	[sflag:s14] =	ssyncadd.s32 $0xFFFFE000;
	s28 =	sadd.s32 $0x400, s28;
	s29 =	sadd.s32 $0x2000, s29  }
0x70: {  	[tilespmem:s24], [sflag:$0x3] =	stream.linear.gather [spmem:s29], $0x2000, $0x38;
	[tilespmem:$0x1FE80] =	vst v63  }
0x71: {  	p1 =	sne.s32 s26, $0x1;
	s26 =	sadd.s32 $0xFFFFFFFF, s26;
	_ =	swait.ge [sflag:s14], $0x2000  }
.Ltmp5:
0x72: {  	[sflag:s14] =	ssyncset.done $0x0;
	(pc) =	sbr.rel @p1 .LBB2_8-.Ltmp5, $4  }
0x73: {  	[sflag:s14] =	ssyncadd.s32 $0xFFFFE000  }
0x74: {  	[hbm4b:s28+s3] =	stream.linear.scatter [tilespmem:s24], [sflag:$0x3], $0x2000, $0x38;
	[tilespmem:$0x1FE80] =	vst v63  }
0x75: {  	_ =	swait.ge [sflag:s14], $0x2000  }
0x76: {  	[sflag:s14] =	ssyncset.done $0x0  }
.LBB2_9:
.Ltmp6:
0x77: {  	[sflag:s14] =	ssyncadd.s32 $0xFFFFE000;
	(pc) =	sbr.rel @!p0 .LBB2_11-.Ltmp6, $4  }
0x78: {  	[bflag:$0x0] =	sbarrier.arrive $0xFFFF  }
0x79: {  	[spmem:s10] =	stream.linear.scatter [tilespmem:s16], [sflag:$0x3], $0x2000, $0x38;
	[tilespmem:$0x1FE80] =	vst v63  }
0x7a: {  	_ =	swait.ge [sflag:s14], $0x2000  }
0x7b: {  	s26 =	sadd.s32 $0xFFFFFFFF, s8;
	s28 =	smov.u32 s10;
	[sflag:s14] =	ssyncset.done $0x0  }
.LBB2_10:
0x7c: {  	p1 =	sne.s32 s26, $0x1;
	[sflag:s14] =	ssyncadd.s32 $0xFFFFE000;
	s28 =	sadd.s32 $0x2000, s28  }
.Ltmp7:
0x7d: {  	s26 =	sadd.s32 $0xFFFFFFFF, s26;
	(pc) =	sbr.rel @p1 .LBB2_10-.Ltmp7, $4  }
0x7e: {  	_ = 	snop  }
0x7f: {  	[spmem:s28] =	stream.linear.scatter [tilespmem:s16], [sflag:$0x3], $0x2000, $0x38;
	[tilespmem:$0x1FE80] =	vst v63  }
0x80: {  	_ =	swait.ge [sflag:s14], $0x2000  }
0x81: {  	[sflag:s14] =	ssyncset.done $0x0  }
.LBB2_11:
0x82: {  	[sflag:s14] =	ssyncadd.s32 $0xFFFFE000  }
0x83: {  	s26 =	simm.s32 $0x0;
	[bflag:$0x0] =	sbarrier.arrive $0xFFFF  }
0x84: {  	[tilespmem:s18], [sflag:$0x1] =	stream.indirect.gather [hbm4b:s5+s17], $0x80, s26, s17, $0xb8;
	[tilespmem:$0x1FE80] =	vst v63  }
0x85: {  	_ = 	snop  }
0x86: {  	[tilespmem:s19], [sflag:$0x2] =	stream.indirect.gather [hbm4b:s5+s17], $0x80, s17, s17, $0xb8;
	[tilespmem:$0x1FE80] =	vst v63  }
0x87: {  	_ =	swait.ge [sflag:s20], $0x4000  }
0x88: {  	[sflag:s20] =	ssyncset.done $0x0  }
0x89: {  	s29 =	simm.s32 $0x5000;
	[sflag:s20] =	ssyncadd.s32 $0xFFFFC000  }
0x8a: {  	[spmem:s2] =	stream.indirect.scatter.add.f32 [tilespmem:s18], [sflag:$0x3], $0x80, s29, s17, $0xb8;
	[tilespmem:$0x1FE80] =	vst v63  }
0x8b: {  	_ =	swait.ge [sflag:s14], $0x4000  }
0x8c: {  	[sflag:s14] =	ssyncset.done $0x0  }
0x8d: {  	s30 =	simm.s32 $0x100;
	[sflag:s14] =	ssyncadd.s32 $0xFFFFC000  }
0x8e: {  	[tilespmem:s18], [sflag:$0x1] =	stream.indirect.gather [hbm4b:s5+s17], $0x80, s30, s17, $0xb8;
	[tilespmem:$0x1FE80] =	vst v63  }
0x8f: {  	_ =	swait.ge [sflag:s21], $0x4000  }
0x90: {  	[sflag:s21] =	ssyncset.done $0x0  }
0x91: {  	s31 =	simm.s32 $0x5080;
	[sflag:s21] =	ssyncadd.s32 $0xFFFFC000  }
0x92: {  	[spmem:s2] =	stream.indirect.scatter.add.f32 [tilespmem:s19], [sflag:$0x3], $0x80, s31, s17, $0xb8;
	[tilespmem:$0x1FE80] =	vst v63  }
0x93: {  	_ =	swait.ge [sflag:s14], $0x4000  }
0x94: {  	[sflag:s14] =	ssyncset.done $0x0  }
0x95: {  	s28 =	simm.s32 $0x180;
	s26 =	simm.s32 $0x400;
	[sflag:s14] =	ssyncadd.s32 $0xFFFFC000  }
.LBB2_12:
0x96: {  	[tilespmem:s19], [sflag:$0x2] =	stream.indirect.gather [hbm4b:s5+s17], $0x80, s28, s17, $0xb8;
	[tilespmem:$0x1FE80] =	vst v63  }
0x97: {  	s28 =	smov.u32 s26  }
0x98: {  	p1 =	sne.s32 s26, $0x13800;
	s26 =	sadd.s32 $0x400, s26;
	_ =	swait.ge [sflag:s20], $0x4000  }
0x99: {  	s28 =	sshra.s32 s28, $0x2;
	[sflag:s20] =	ssyncset.done $0x0  }
0x9a: {  	s29 =	sadd.s32 $0x5000, s28;
	[sflag:s20] =	ssyncadd.s32 $0xFFFFC000  }
0x9b: {  	[spmem:s2] =	stream.indirect.scatter.add.f32 [tilespmem:s18], [sflag:$0x3], $0x80, s29, s17, $0xb8;
	[tilespmem:$0x1FE80] =	vst v63  }
0x9c: {  	_ =	swait.ge [sflag:s14], $0x4000  }
0x9d: {  	[sflag:s14] =	ssyncset.done $0x0  }
0x9e: {  	s29 =	sadd.s32 $0x100, s28;
	[sflag:s14] =	ssyncadd.s32 $0xFFFFC000  }
0x9f: {  	[tilespmem:s18], [sflag:$0x1] =	stream.indirect.gather [hbm4b:s5+s17], $0x80, s29, s17, $0xb8;
	[tilespmem:$0x1FE80] =	vst v63  }
0xa0: {  	_ =	swait.ge [sflag:s21], $0x4000  }
0xa1: {  	[sflag:s21] =	ssyncset.done $0x0  }
.Ltmp8:
0xa2: {  	s29 =	sadd.s32 $0x5080, s28;
	[sflag:s21] =	ssyncadd.s32 $0xFFFFC000;
	(pc) =	sbr.rel @p1 .LBB2_12-.Ltmp8, $4  }
0xa3: {  	[spmem:s2] =	stream.indirect.scatter.add.f32 [tilespmem:s19], [sflag:$0x3], $0x80, s29, s17, $0xb8;
	[tilespmem:$0x1FE80] =	vst v63  }
0xa4: {  	_ =	swait.ge [sflag:s14], $0x4000  }
0xa5: {  	[sflag:s14] =	ssyncset.done $0x0  }
0xa6: {  	s28 =	sadd.s32 $0x180, s28;
	[sflag:s14] =	ssyncadd.s32 $0xFFFFC000  }
0xa7: {  	[tilespmem:s19], [sflag:$0x2] =	stream.indirect.gather [hbm4b:s5+s17], $0x80, s28, s17, $0xb8;
	[tilespmem:$0x1FE80] =	vst v63  }
0xa8: {  	_ =	swait.ge [sflag:s20], $0x4000  }
0xa9: {  	[sflag:s20] =	ssyncset.done $0x0  }
0xaa: {  	[sflag:s20] =	ssyncadd.s32 $0xFFFFC000  }
0xab: {  	[spmem:s2] =	stream.indirect.scatter.add.f32 [tilespmem:s18], [sflag:$0x3], $0x80, s22, s17, $0xb8;
	[tilespmem:$0x1FE80] =	vst v63  }
0xac: {  	_ =	swait.ge [sflag:s14], $0x4000  }
0xad: {  	[sflag:s14] =	ssyncset.done $0x0  }
0xae: {  	[sflag:s14] =	ssyncadd.s32 $0xFFFFC000  }
0xaf: {  	_ =	swait.ge [sflag:s21], $0x4000  }
0xb0: {  	[sflag:s21] =	ssyncset.done $0x0  }
0xb1: {  	[sflag:s21] =	ssyncadd.s32 $0xFFFFC000  }
0xb2: {  	[spmem:s2] =	stream.indirect.scatter.add.f32 [tilespmem:s19], [sflag:$0x3], $0x80, s23, s17, $0xb8;
	[tilespmem:$0x1FE80] =	vst v63  }
0xb3: {  	_ =	swait.ge [sflag:s14], $0x4000  }
0xb4: {  	[sflag:s14] =	ssyncset.done $0x0  }
0xb5: {  	[sflag:s14] =	ssyncadd.s32 $0xFFFFC000  }
0xb6: {  	[bflag:$0x0] =	sbarrier.arrive $0xFFFF  }
0xb7: {  	[tilespmem:s24], [sflag:$0x3] =	stream.linear.gather [spmem:s10], $0x2000, $0x38;
	[tilespmem:$0x1FE80] =	vst v63  }
0xb8: {  	_ =	swait.ge [sflag:s14], $0x2000  }
.Ltmp9:
0xb9: {  	[sflag:s14] =	ssyncset.done $0x0;
	(pc) =	sbr.rel @!p0 .LBB2_15-.Ltmp9, $4  }
0xba: {  	s26 =	sadd.s32 s6, s11;
	[sflag:s14] =	ssyncadd.s32 $0xFFFFE000  }
0xbb: {  	[hbm4b:s26+s3] =	stream.linear.scatter [tilespmem:s24], [sflag:$0x3], $0x2000, $0x38;
	[tilespmem:$0x1FE80] =	vst v63  }
0xbc: {  	s28 =	smov.u32 s6;
	_ =	swait.ge [sflag:s14], $0x2000  }
0xbd: {  	s29 =	smov.u32 s10;
	s26 =	sadd.s32 $0xFFFFFFFF, s8;
	[sflag:s14] =	ssyncset.done $0x0  }
.LBB2_14:
0xbe: {  	[sflag:s14] =	ssyncadd.s32 $0xFFFFE000;
	s28 =	sadd.s32 $0x400, s28;
	s29 =	sadd.s32 $0x2000, s29  }
0xbf: {  	[tilespmem:s24], [sflag:$0x3] =	stream.linear.gather [spmem:s29], $0x2000, $0x38;
	[tilespmem:$0x1FE80] =	vst v63  }
0xc0: {  	p0 =	sne.s32 s26, $0x1;
	s26 =	sadd.s32 $0xFFFFFFFF, s26;
	_ =	swait.ge [sflag:s14], $0x2000  }
.Ltmp10:
0xc1: {  	[sflag:s14] =	ssyncset.done $0x0;
	(pc) =	sbr.rel @p0 .LBB2_14-.Ltmp10, $4  }
0xc2: {  	s30 =	sadd.s32 s28, s11;
	[sflag:s14] =	ssyncadd.s32 $0xFFFFE000  }
0xc3: {  	[hbm4b:s30+s3] =	stream.linear.scatter [tilespmem:s24], [sflag:$0x3], $0x2000, $0x38;
	[tilespmem:$0x1FE80] =	vst v63  }
0xc4: {  	_ =	swait.ge [sflag:s14], $0x2000  }
0xc5: {  	[sflag:s14] =	ssyncset.done $0x0  }
.LBB2_15:
0xc6: {  	s25 =	sadd.s32 $0x1, s25  }
0xc7: {  	p0 =	sne.s32 s25, s12  }
.Ltmp11:
0xc8: {  	_ = 	snop;
	(pc) =	sbr.rel @p0 .LBB2_1-.Ltmp11, $3  }
0xc9: {  	_ = 	snop  }
0xca: {  	[sflag:s14] =	ssyncadd.s32 $0xFFFFE000  }
0xcb: {  	[bflag:$0x0] =	sbarrier.arrive $0xFFFF;
	_ =	sdelay $0x1  }
0xcc: {  	_ =	sfence.sel $0x180000  }
0xcd: {  	[bflag:$0x0] =	sbarrier.arrive $0xFFFF  }
0xce: {  	p0 =	sne.s32 s0, $0x0;
	_ =	strace $0x9000004A  }
0xcf: {  	s0 =	sadd.s32 @!p0 $0x100000, s1;
	[bflag:$0x2] =	sbarrier.arrive $0xFFFF  }
0xd0: {  	[sflag:s0] =	ssyncadd.tile.s32 @!p0 $0x1;
	_ =	shalt  }
.Lfunc_end2:
_tile_overlayer_lowered:
.L_overlay_start_2:
0xd1: {  	(tag) =	ssettag $0x2  }
0xd2: {  	s0 =	rddreg [dreg:$0x0];
	s2 =	stileid.u32  }
0xd3: {  	s1 =	rddreg [dreg:$0x1];
	p0 =	sne.s32 s2, $0x0  }
0xd4: {  	s3 =	rddreg [dreg:$0x2];
	[bflag:$0x3] =	sbarrier.arrive $0xFFFF;
	s2 =	simm.s32 @!p0 $0x1C03  }
0xd5: {  	[timem:s3], [sflag:s2] =	dma.local @!p0 [hbm:s0], s1  }
0xd6: {  	s0 =	simm.s32 @!p0 $0x3  }
0xd7: {  	_ =	swait.ge @!p0 [sflag:s0], s1  }
0xd8: {  	s1 =	ssub.s32 @!p0 $0x0, s1;
	[sflag:s0] =	ssyncset.done @!p0 $0x0  }
0xd9: {  	[sflag:s0] =	ssyncadd.s32 @!p0 s1  }
0xda: {  	[bflag:$0x3] =	sbarrier.arrive $0xFFFF  }
0xdb: {  	_ =	shalt  }

// kernel: kernel.16.cloned.1.call-start
scs
__scs_entry_jumppad:
0x0: {  	(pc) =	sbr.rel $0x88, $3  }
0x1: {  	(tag) =	ssettag $0x0;
	lr =	simm.s32 $0x1  }
0x2: {  	[smem:$0x3F99] =	sst lr;
	_ =	strace $0xD0000000  }
0x3: {  	_ = 	snop  }
0x4: {  	_ = 	snop  }
0x5: {  	_ = 	snop  }
0x6: {  	_ = 	snop  }
0x7: {  	_ = 	snop  }
__scs_overlays_trampoline_lowered:
0x8: {  	[smem:$0x3FA8] =	sst s0  }
0x9: {  	[smem:$0x3FA9] =	sst s1  }
0xa: {  	[smem:$0x3FAA] =	sst s2  }
0xb: {  	[smem:$0x3FAB] =	sst s3  }
0xc: {  	[smem:$0x3FAC] =	sst s4  }
0xd: {  	[smem:$0x3FAD] =	sst s5  }
0xe: {  	[smem:$0x3FAE] =	sst s6  }
0xf: {  	[smem:$0x3FAF] =	sst s7  }
0x10: {  	[smem:$0x3FB0] =	sst s8  }
0x11: {  	[smem:$0x3FB1] =	sst s9;
	s0 =	simm.s32 @!p0 $0x0  }
0x12: {  	s1 =	sld [smem:$0x3F97];
	s0 =	simm.s32 @p0 $0x1  }
0x13: {  	[smem:$0x3FB2] =	sst s0;
	s0 =	simm.s32 @!p1 $0x0  }
0x14: {  	s2 =	sld [smem:$0x3F96];
	s0 =	simm.s32 @p1 $0x1  }
0x15: {  	[smem:$0x3FB3] =	sst s0;
	s0 =	simm.s32 @!p2 $0x0  }
0x16: {  	s3 =	sld [smem:$0x3FDB];
	s0 =	simm.s32 @p2 $0x1  }
0x17: {  	s4 =	simm.s32 $0x1BF5;
	[smem:$0x3FB5] =	sst s0  }
0x18: {  	s0 =	sld [smem:$0x3F98];
	_ =	swait.ge [sflag:s4], $0x0  }
0x19: {  	s7 =	sld [smem:$0x3F99]  }
0x1a: {  	s8 =	sadd.s32 $0xFFFFE003, lr  }
0x1b: {  	s9 =	sadd.s32 $0xFFFFFEF7, lr;
	s5 =	simm.s32 $0xFFFFFFFF;
	p2 =	slt.u32 s8, $0xFFFFF086  }
0x1c: {  	p1 =	slt.u32 s9, $0xF7A;
	s5 =	simm.s32 @!p2 $0x0  }
0x1d: {  	s5 =	simm.s32 @p1 $0x1;
	p0 =	seq.s32 s7, s2  }
0x1e: {  	s7 =	smul.u32 @!p0 $0xF7A, s2;
	p2 =	seq.s32 @!p0 s5, $0x0  }
0x1f: {  	s9 =	smul.u32 $0xF7A, s1;
	s8 =	simm.s32 @!p0 $0x1BF5;
	p2 =	por !p2, p0  }
0x20: {  	[sflag:s8] =	ssyncset.s32 @!p0 $0xFFFFF086;
	s6 =	sadd.s32 @!p0 s3, s7;
	s7 =	simm.s32 @!p0 $0x108  }
0x21: {  	s3 =	sadd.s32 s3, s9;
	s6 =	sadd.s32 @!p0 $0x88, s6;
	s7 =	simm.s32 @p2 $0x1082  }
0x22: {  	[simem:s7], [sflag:s8] =	dma.local @!p0 [hbm:s6], $0xF7A  }
0x23: {  	s9 =	sor.u32 $0xD0000000, s2;
	s6 =	simm.s32 $0x108;
	_ =	swait.ge @!p0 [sflag:s8], $0x0  }
0x24: {  	s3 =	sadd.s32 $0x88, s3;
	s6 =	simm.s32 @!p1 $0x1082;
	[sflag:s4] =	ssyncset.s32 $0xFFFFF086  }
0x25: {  	[simem:s6], [sflag:s4] =	dma.local [hbm:s3], $0xF7A  }
0x26: {  	[smem:$0x3F99] =	sst s1;
	(tag) =	ssettag s2;
	_ =	strace s9  }
0x27: {  	s1 =	sld [smem:$0x3FA9]  }
0x28: {  	s2 =	sld [smem:$0x3FAA]  }
0x29: {  	s4 =	sld [smem:$0x3FAC]  }
0x2a: {  	p0 =	seq.s32 s5, $0x0;
	s5 =	sld [smem:$0x3FAD]  }
0x2b: {  	s6 =	sld [smem:$0x3FAE]  }
0x2c: {  	s7 =	sld [smem:$0x3FAF]  }
0x2d: {  	s3 =	simm.s32 $0x108;
	s8 =	sld [smem:$0x3FB0]  }
0x2e: {  	s3 =	simm.s32 @!p0 $0x1082;
	s9 =	sld [smem:$0x3FB1]  }
0x2f: {  	lr =	sadd.s32 s0, s3;
	s0 =	sld [smem:$0x3FA8]  }
0x30: {  	s3 =	sld [smem:$0x3FAB]  }
0x31: {  	[smem:$0x3FB4] =	sst s10  }
0x32: {  	s10 =	sld [smem:$0x3FB2];
	_ =	sdelay $0x3  }
0x33: {  	p0 =	seq.s32 s10, $0x1;
	s10 =	sld [smem:$0x3FB4];
	_ =	sdelay $0x3  }
0x34: {  	[smem:$0x3FB4] =	sst s10  }
0x35: {  	s10 =	sld [smem:$0x3FB3];
	_ =	sdelay $0x3  }
0x36: {  	p1 =	seq.s32 s10, $0x1;
	s10 =	sld [smem:$0x3FB4];
	_ =	sdelay $0x3  }
0x37: {  	[smem:$0x3FB4] =	sst s10  }
0x38: {  	s10 =	sld [smem:$0x3FB5]  }
0x39: {  	_ = 	snop;
	(pc) =	sbr.ind lr, $3  }
0x3a: {  	_ = 	snop  }
0x3b: {  	_ = 	snop  }
0x3c: {  	p2 =	seq.s32 s10, $0x1;
	s10 =	sld [smem:$0x3FB4]  }
0x3d: {  	_ =	shalt  }
0x3e: {  	_ =	shalt  }
0x3f: {  	_ =	shalt  }
0x40: {  	_ =	shalt  }
0x41: {  	_ =	shalt  }
0x42: {  	_ =	shalt  }
0x43: {  	_ =	shalt  }
0x44: {  	_ =	shalt  }
0x45: {  	_ =	shalt  }
0x46: {  	_ =	shalt  }
0x47: {  	_ =	shalt  }
0x48: {  	_ =	shalt  }
0x49: {  	_ =	shalt  }
0x4a: {  	_ =	shalt  }
0x4b: {  	_ =	shalt  }
0x4c: {  	_ =	shalt  }
0x4d: {  	_ =	shalt  }
0x4e: {  	_ =	shalt  }
0x4f: {  	_ =	shalt  }
0x50: {  	_ =	shalt  }
0x51: {  	_ =	shalt  }
0x52: {  	_ =	shalt  }
0x53: {  	_ =	shalt  }
0x54: {  	_ =	shalt  }
0x55: {  	_ =	shalt  }
0x56: {  	_ =	shalt  }
0x57: {  	_ =	shalt  }
0x58: {  	_ =	shalt  }
0x59: {  	_ =	shalt  }
0x5a: {  	_ =	shalt  }
0x5b: {  	_ =	shalt  }
0x5c: {  	_ =	shalt  }
0x5d: {  	_ =	shalt  }
0x5e: {  	_ =	shalt  }
0x5f: {  	_ =	shalt  }
0x60: {  	_ =	shalt  }
0x61: {  	_ =	shalt  }
0x62: {  	_ =	shalt  }
0x63: {  	_ =	shalt  }
0x64: {  	_ =	shalt  }
0x65: {  	_ =	shalt  }
0x66: {  	_ =	shalt  }
0x67: {  	_ =	shalt  }
0x68: {  	_ =	shalt  }
0x69: {  	_ =	shalt  }
0x6a: {  	_ =	shalt  }
0x6b: {  	_ =	shalt  }
0x6c: {  	_ =	shalt  }
0x6d: {  	_ =	shalt  }
0x6e: {  	_ =	shalt  }
0x6f: {  	_ =	shalt  }
0x70: {  	_ =	shalt  }
0x71: {  	_ =	shalt  }
0x72: {  	_ =	shalt  }
0x73: {  	_ =	shalt  }
0x74: {  	_ =	shalt  }
0x75: {  	_ =	shalt  }
0x76: {  	_ =	shalt  }
0x77: {  	_ =	shalt  }
0x78: {  	_ =	shalt  }
0x79: {  	_ =	shalt  }
0x7a: {  	_ =	shalt  }
0x7b: {  	_ =	shalt  }
0x7c: {  	_ =	shalt  }
0x7d: {  	_ =	shalt  }
0x7e: {  	_ =	shalt  }
0x7f: {  	_ =	shalt  }
0x80: {  	_ =	shalt  }
0x81: {  	_ =	shalt  }
0x82: {  	_ =	shalt  }
0x83: {  	_ =	shalt  }
0x84: {  	_ =	shalt  }
0x85: {  	_ =	shalt  }
0x86: {  	_ =	shalt  }
0x87: {  	_ =	shalt  }
.Lfunc_end0:
.L_simem_size_0:
called_computation.2_lowered:
.L_overlay_start_0:
0x88: {  	s2 =	sld [smem:$0x3FD9]  }
0x89: {  	s3 =	sld [smem:$0x3FFE];
	_ =	sdelay $0x1  }
0x8a: {  	s1 =	srdreg.scid  }
0x8b: {  	s0 =	sand.u32 $0x1, s1  }
0x8c: {  	s17 =	sshll.u32 s0, $0xA;
	s2 =	sadd.s32 s3, s2  }
0x8d: {  	s2 =	sadd.s32 s2, s17  }
0x8e: {  	[smem:$0x3FC0] =	sst s2  }
0x8f: {  	_ = 	snop  }
0x90: {  	s2 =	sld [smem:$0x3FD0];
	(tm) =	ssettm $0x1  }
0x91: {  	s18 =	sld [smem:$0x3FFB];
	_ =	sdelay $0x3  }
0x92: {  	_ =	strace s18  }
0x93: {  	s3 =	sld [smem:$0x3FFC];
	_ =	sdelay $0x3  }
0x94: {  	_ =	strace s3  }
0x95: {  	s3 =	sld [smem:$0x3FFD];
	_ =	sdelay $0x3  }
0x96: {  	_ =	strace s3  }
0x97: {  	_ =	strace $0x8FFFFFFF  }
0x98: {  	s19 =	sld [smem:$0x3FDB];
	_ =	sdelay $0x1  }
0x99: {  	s4 =	simm.s32 $_scs_section_size  }
0x9a: {  	s5 =	simm.s32 $_size__tile_overlayer_lowered;
	s6 =	simm.s32 $_tile_overlayer_lowered  }
0x9b: {  	s22 =	simm.s32 $0x1BFF;
	s21 =	sshll.u32 s6, $0x1;
	s3 =	sadd.s32 s4, s19  }
0x9c: {  	s7 =	simm.s32 $0x0;
	s20 =	sshll.u32 s5, $0x1;
	s5 =	sadd.s32 s21, s3  }
0x9d: {  	[timem:s7], [sflag:s22] =	dma.local [hbm:s5], s20  }
0x9e: {  	_ =	swait.ge [sflag:s22], s20  }
0x9f: {  	s4 =	ssub.s32 $0x0, s20;
	[sflag:s22] =	ssyncset.done $0x0  }
0xa0: {  	[sflag:s22] =	ssyncadd.s32 s4;
	_ =	sdelay $0x1  }
0xa1: {  	s23 =	simm.s32 $0x1B8B  }
0xa2: {  	_ =	swait.ge [sflag:s23], $0x1  }
0xa3: {  	[sflag:s23] =	ssyncset.done $0x0  }
0xa4: {  	s25 =	simm.s32 $0x1B8E;
	s24 =	sld [smem:$0x3FFE];
	[sflag:s23] =	ssyncadd.s32 $0xFFFFFFFF  }
0xa5: {  	s26 =	simm.s32 $execute0_lowered;
	[smem:$0x3FD2] =	sst s25  }
0xa6: {  	s5 =	sshll.u32 s26, $0x1;
	_ =	strace $0x8000004C;
	[dreg:$0x1] =	wrdreg $0xFFFFFFFF  }
0xa7: {  	s28 =	simm.s32 $_size_execute0_lowered;
	s3 =	sadd.s32 s3, s5;
	[dreg:$0x0] =	wrdreg $0x0  }
0xa8: {  	s5 =	sshll.u32 s28, $0x1;
	[dreg:$0x2] =	wrdreg s3  }
0xa9: {  	[dreg:$0x3] =	wrdreg s5  }
0xaa: {  	[dreg:$0x4] =	wrdreg $0xC0  }
0xab: {  	_ =	task [dreg:s7], $0x5FFFF  }
0xac: {  	[dreg:$0x1] =	wrdreg $0xFFFFFFFF  }
0xad: {  	[dreg:$0x0] =	wrdreg $0x60  }
0xae: {  	[dreg:$0x2] =	wrdreg s24  }
0xaf: {  	[dreg:$0x3] =	wrdreg s2  }
0xb0: {  	[dreg:$0x4] =	wrdreg $0x160000  }
0xb1: {  	[dreg:$0x5] =	wrdreg $0x9  }
0xb2: {  	_ =	task.clear_ibuf [dreg:s7], $0x6FFFF;
	_ =	strace $0x9000004C  }
0xb3: {  	s29 =	simm.s32 $0x9;
	_ =	strace $0x8000004E  }
0xb4: {  	_ =	swait.ge [sflag:s29], $0x1  }
0xb5: {  	[sflag:s29] =	ssyncadd.s32 $0xFFFFFFFF  }
0xb6: {  	_ =	strace $0x9000004E  }
0xb7: {  	_ =	sfence  }
0xb8: {  	s30 =	sld [smem:$0x0];
	_ =	sdelay $0x2  }
0xb9: {  	s31 =	sshll.u32 s1, $0xD;
	s1 =	sshrl.u32 s1, $0x2  }
0xba: {  	s3 =	sand.u32 $0x4000, s31;
	s1 =	sadd.s32 s1, s30  }
0xbb: {  	s0 =	sor.u32 s3, s0;
	s1 =	sshll.u32 s1, $0x11  }
0xbc: {  	s0 =	sor.u32 s1, s0  }
0xbd: {  	s0 =	sadd.s32 $0x8F2B, s0  }
0xbe: {  	[sflag:s0] =	ssyncadd.remote.s32 $0x1  }
0xbf: {  	_ =	sfence.sel $0xFFFF  }
0xc0: {  	[dreg:$0x0] =	wrdreg $0xFFFFFFFF;
	(pc) =	sbr.abs _section_cstart, $3  }
0xc1: {  	[dreg:$0x1] =	wrdreg $0xFFFFFFFF  }
0xc2: {  	_ =	task.clear_ibuf [dreg:s7], $0x2FFFF;
	_ =	strace $0x9FFFFFFF  }
0xc3: {  	(tm) =	ssettm $0x7FFFFFFF  }
tec
execute0_lowered:
.L_overlay_start_1:
0x0: {  	(tag) =	ssettag $0x1  }
0x1: {  	s11 =	rddreg [dreg:$0x0]  }
0x2: {  	s7 =	rddreg [dreg:$0x1];
	s1 =	srdreg.scid  }
0x3: {  	s0 =	stileid.u32;
	s2 =	rddreg [dreg:$0x2];
	s3 =	simm.s32 $0x0  }
0x4: {  	s15 =	simm.s32 $0x5000;
	s16 =	simm.s32 $0x12000;
	s17 =	simm.s32 $0x80  }
0x5: {  	s18 =	simm.s32 $0xA000;
	s19 =	simm.s32 $0xE000;
	s20 =	simm.s32 $0x1  }
0x6: {  	s21 =	simm.s32 $0x2;
	s22 =	simm.s32 $0x9F00;
	s9 =	smul.u32 $0x5000, s0  }
0x7: {  	s23 =	simm.s32 $0x9F80;
	s24 =	simm.s32 $0x14000;
	s12 =	smul.u32 $0x1400, s0  }
0x8: {  	s8 =	sand.u32 $0x1, s1;
	s1 =	rddreg [dreg:$0x3];
	s13 =	smul.u32 $0x28000, s0  }
0x9: {  	s25 =	simm.s32 $0x0;
	[smem:$0x7FF] =	sst s3;
	s4 =	smul.u32 $0x50000, s8  }
0xa: {  	s5 =	sadd.s32 $0x3F200, s11;
	s6 =	smul.u32 $0x13C00, s8;
	s8 =	ssub.s32 $0x2, s8  }
0xb: {  	p0 =	seq.s32 s0, $0xF;
	_ =	strace $0x8000004D;
	s31 =	sshrl.u32 s8, $0x1  }
0xc: {  	s13 =	sshrl.u32 s13, $0x2;
	s10 =	sadd.s32 s9, s4;
	s4 =	sadd.s32 $0x17A00, s11  }
0xd: {  	s6 =	sadd.s32 s12, s6;
	s9 =	sshrl.u32 s9, $0x3;
	s12 =	ssub.s32 s8, s31  }
0xe: {  	s8 =	simm.s32 $0x4;
	s10 =	sshrl.u32 s10, $0x3;
	s14 =	sadd.s32 s6, s11  }
0xf: {  	s7 =	sadd.s32 s7, s9;
	s8 =	simm.s32 @!p0 $0x5;
	s10 =	sadd.s32 s10, s11  }
0x10: {  	s12 =	smax.u32 s12, $0x1;
	s11 =	sadd.s32 $0x8E200, s11;
	s9 =	sadd.s32 $0x3A00, s10  }
0x11: {  	v0 =	vimm.f32 $0.0e+00;
	s10 =	sadd.s32 s13, s2;
	s13 =	sadd.s32 $0x66A00, s14;
	s14 =	simm.s32 $0x3  }
.LBB2_1:
0x12: {  	[tilespmem:s3], [sflag:$0x3] =	stream.linear.gather [hbm4b:s7+s3], $0x5000, $0x38;
	[tilespmem:$0x1FE80] =	vst v63  }
0x13: {  	_ =	swait.ge [sflag:s14], $0x5000  }
0x14: {  	[sflag:s14] =	ssyncset.done $0x0  }
0x15: {  	[sflag:s14] =	ssyncadd.s32 $0xFFFFB000  }
0x16: {  	[tilespmem:s15], [sflag:$0x3] =	stream.linear.gather [hbm4b:s9+s3], $0x5000, $0x38;
	[tilespmem:$0x1FE80] =	vst v63  }
0x17: {  	_ =	swait.ge [sflag:s14], $0x5000  }
0x18: {  	[sflag:s14] =	ssyncset.done $0x0  }
0x19: {  	s26 =	simm.s32 $0x0;
	s28 =	simm.s32 $0x200;
	[sflag:s14] =	ssyncadd.s32 $0xFFFFB000  }
.LBB2_2:
0x1a: {  	p0 =	sne.s32 s28, $0x7E00;
	[tilespmem:s26+$0x12070] =	vst v0  }
0x1b: {  	[tilespmem:s26+$0x12000] =	vst v0  }
0x1c: {  	[tilespmem:s26+$0x12010] =	vst v0  }
.Ltmp0:
0x1d: {  	[tilespmem:s26+$0x12020] =	vst v0;
	(pc) =	sbr.rel @p0 .LBB2_2-.Ltmp0, $4  }
0x1e: {  	[tilespmem:s26+$0x12030] =	vst v0  }
0x1f: {  	[tilespmem:s26+$0x12040] =	vst v0  }
0x20: {  	[tilespmem:s26+$0x12050] =	vst v0  }
0x21: {  	[tilespmem:s26+$0x12060] =	vst v0;
	s26 =	sshra.s32 s28, $0x2;
	s28 =	sadd.s32 $0x200, s28  }
0x22: {  	[tilespmem:s26+$0x12070] =	vst v0  }
0x23: {  	[tilespmem:s26+$0x12000] =	vst v0  }
0x24: {  	[tilespmem:s26+$0x12010] =	vst v0  }
0x25: {  	[tilespmem:s26+$0x12020] =	vst v0  }
0x26: {  	[tilespmem:s26+$0x12030] =	vst v0  }
0x27: {  	[tilespmem:s26+$0x12040] =	vst v0;
	p0 =	sne.s32 s8, $0x1  }
.Ltmp1:
0x28: {  	[tilespmem:s26+$0x12050] =	vst v0;
	(pc) =	sbr.rel @!p0 .LBB2_5-.Ltmp1, $4  }
0x29: {  	[tilespmem:s26+$0x12060] =	vst v0  }
0x2a: {  	[spmem:s10] =	stream.linear.scatter [tilespmem:s16], [sflag:$0x3], $0x2000, $0x38;
	[tilespmem:$0x1FE80] =	vst v63  }
0x2b: {  	_ =	swait.ge [sflag:s14], $0x2000  }
0x2c: {  	s26 =	sadd.s32 $0xFFFFFFFF, s8;
	s28 =	smov.u32 s10;
	[sflag:s14] =	ssyncset.done $0x0  }
.LBB2_4:
0x2d: {  	p1 =	sne.s32 s26, $0x1;
	[sflag:s14] =	ssyncadd.s32 $0xFFFFE000;
	s28 =	sadd.s32 $0x2000, s28  }
.Ltmp2:
0x2e: {  	s26 =	sadd.s32 $0xFFFFFFFF, s26;
	(pc) =	sbr.rel @p1 .LBB2_4-.Ltmp2, $4  }
0x2f: {  	_ = 	snop  }
0x30: {  	[spmem:s28] =	stream.linear.scatter [tilespmem:s16], [sflag:$0x3], $0x2000, $0x38;
	[tilespmem:$0x1FE80] =	vst v63  }
0x31: {  	_ =	swait.ge [sflag:s14], $0x2000  }
0x32: {  	[sflag:s14] =	ssyncset.done $0x0  }
.LBB2_5:
0x33: {  	[sflag:s14] =	ssyncadd.s32 $0xFFFFE000  }
0x34: {  	s26 =	simm.s32 $0x0;
	[bflag:$0x0] =	sbarrier.arrive $0xFFFF  }
0x35: {  	[tilespmem:s18], [sflag:$0x1] =	stream.indirect.gather [hbm4b:s4+s17], $0x80, s26, s17, $0xb8;
	[tilespmem:$0x1FE80] =	vst v63  }
0x36: {  	_ = 	snop  }
0x37: {  	[tilespmem:s19], [sflag:$0x2] =	stream.indirect.gather [hbm4b:s4+s17], $0x80, s17, s17, $0xb8;
	[tilespmem:$0x1FE80] =	vst v63  }
0x38: {  	_ =	swait.ge [sflag:s20], $0x4000  }
0x39: {  	[sflag:s20] =	ssyncset.done $0x0  }
0x3a: {  	s29 =	simm.s32 $0x5000;
	[sflag:s20] =	ssyncadd.s32 $0xFFFFC000  }
0x3b: {  	[spmem:s2] =	stream.indirect.scatter.add.f32 [tilespmem:s18], [sflag:$0x3], $0x80, s29, s17, $0xb8;
	[tilespmem:$0x1FE80] =	vst v63  }
0x3c: {  	_ =	swait.ge [sflag:s14], $0x4000  }
0x3d: {  	[sflag:s14] =	ssyncset.done $0x0  }
0x3e: {  	s30 =	simm.s32 $0x100;
	[sflag:s14] =	ssyncadd.s32 $0xFFFFC000  }
0x3f: {  	[tilespmem:s18], [sflag:$0x1] =	stream.indirect.gather [hbm4b:s4+s17], $0x80, s30, s17, $0xb8;
	[tilespmem:$0x1FE80] =	vst v63  }
0x40: {  	_ =	swait.ge [sflag:s21], $0x4000  }
0x41: {  	[sflag:s21] =	ssyncset.done $0x0  }
0x42: {  	s31 =	simm.s32 $0x5080;
	[sflag:s21] =	ssyncadd.s32 $0xFFFFC000  }
0x43: {  	[spmem:s2] =	stream.indirect.scatter.add.f32 [tilespmem:s19], [sflag:$0x3], $0x80, s31, s17, $0xb8;
	[tilespmem:$0x1FE80] =	vst v63  }
0x44: {  	_ =	swait.ge [sflag:s14], $0x4000  }
0x45: {  	[sflag:s14] =	ssyncset.done $0x0  }
0x46: {  	s28 =	simm.s32 $0x180;
	s26 =	simm.s32 $0x400;
	[sflag:s14] =	ssyncadd.s32 $0xFFFFC000  }
.LBB2_6:
0x47: {  	[tilespmem:s19], [sflag:$0x2] =	stream.indirect.gather [hbm4b:s4+s17], $0x80, s28, s17, $0xb8;
	[tilespmem:$0x1FE80] =	vst v63  }
0x48: {  	s28 =	smov.u32 s26  }
0x49: {  	p1 =	sne.s32 s26, $0x13800;
	s26 =	sadd.s32 $0x400, s26;
	_ =	swait.ge [sflag:s20], $0x4000  }
0x4a: {  	s28 =	sshra.s32 s28, $0x2;
	[sflag:s20] =	ssyncset.done $0x0  }
0x4b: {  	s29 =	sadd.s32 $0x5000, s28;
	[sflag:s20] =	ssyncadd.s32 $0xFFFFC000  }
0x4c: {  	[spmem:s2] =	stream.indirect.scatter.add.f32 [tilespmem:s18], [sflag:$0x3], $0x80, s29, s17, $0xb8;
	[tilespmem:$0x1FE80] =	vst v63  }
0x4d: {  	_ =	swait.ge [sflag:s14], $0x4000  }
0x4e: {  	[sflag:s14] =	ssyncset.done $0x0  }
0x4f: {  	s29 =	sadd.s32 $0x100, s28;
	[sflag:s14] =	ssyncadd.s32 $0xFFFFC000  }
0x50: {  	[tilespmem:s18], [sflag:$0x1] =	stream.indirect.gather [hbm4b:s4+s17], $0x80, s29, s17, $0xb8;
	[tilespmem:$0x1FE80] =	vst v63  }
0x51: {  	_ =	swait.ge [sflag:s21], $0x4000  }
0x52: {  	[sflag:s21] =	ssyncset.done $0x0  }
.Ltmp3:
0x53: {  	s29 =	sadd.s32 $0x5080, s28;
	[sflag:s21] =	ssyncadd.s32 $0xFFFFC000;
	(pc) =	sbr.rel @p1 .LBB2_6-.Ltmp3, $4  }
0x54: {  	[spmem:s2] =	stream.indirect.scatter.add.f32 [tilespmem:s19], [sflag:$0x3], $0x80, s29, s17, $0xb8;
	[tilespmem:$0x1FE80] =	vst v63  }
0x55: {  	_ =	swait.ge [sflag:s14], $0x4000  }
0x56: {  	[sflag:s14] =	ssyncset.done $0x0  }
0x57: {  	s28 =	sadd.s32 $0x180, s28;
	[sflag:s14] =	ssyncadd.s32 $0xFFFFC000  }
0x58: {  	[tilespmem:s19], [sflag:$0x2] =	stream.indirect.gather [hbm4b:s4+s17], $0x80, s28, s17, $0xb8;
	[tilespmem:$0x1FE80] =	vst v63  }
0x59: {  	_ =	swait.ge [sflag:s20], $0x4000  }
0x5a: {  	[sflag:s20] =	ssyncset.done $0x0  }
0x5b: {  	[sflag:s20] =	ssyncadd.s32 $0xFFFFC000  }
0x5c: {  	[spmem:s2] =	stream.indirect.scatter.add.f32 [tilespmem:s18], [sflag:$0x3], $0x80, s22, s17, $0xb8;
	[tilespmem:$0x1FE80] =	vst v63  }
0x5d: {  	_ =	swait.ge [sflag:s14], $0x4000  }
0x5e: {  	[sflag:s14] =	ssyncset.done $0x0  }
0x5f: {  	[sflag:s14] =	ssyncadd.s32 $0xFFFFC000  }
0x60: {  	_ =	swait.ge [sflag:s21], $0x4000  }
0x61: {  	[sflag:s21] =	ssyncset.done $0x0  }
0x62: {  	[sflag:s21] =	ssyncadd.s32 $0xFFFFC000  }
0x63: {  	[spmem:s2] =	stream.indirect.scatter.add.f32 [tilespmem:s19], [sflag:$0x3], $0x80, s23, s17, $0xb8;
	[tilespmem:$0x1FE80] =	vst v63  }
0x64: {  	_ =	swait.ge [sflag:s14], $0x4000  }
0x65: {  	[sflag:s14] =	ssyncset.done $0x0  }
0x66: {  	[sflag:s14] =	ssyncadd.s32 $0xFFFFC000  }
0x67: {  	[bflag:$0x0] =	sbarrier.arrive $0xFFFF  }
0x68: {  	[tilespmem:s24], [sflag:$0x3] =	stream.linear.gather [spmem:s10], $0x2000, $0x38;
	[tilespmem:$0x1FE80] =	vst v63  }
0x69: {  	_ =	swait.ge [sflag:s14], $0x2000  }
.Ltmp4:
0x6a: {  	[sflag:s14] =	ssyncset.done $0x0;
	(pc) =	sbr.rel @!p0 .LBB2_9-.Ltmp4, $4  }
0x6b: {  	[sflag:s14] =	ssyncadd.s32 $0xFFFFE000  }
0x6c: {  	[hbm4b:s13+s3] =	stream.linear.scatter [tilespmem:s24], [sflag:$0x3], $0x2000, $0x38;
	[tilespmem:$0x1FE80] =	vst v63  }
0x6d: {  	s26 =	sadd.s32 $0xFFFFFFFF, s8;
	_ =	swait.ge [sflag:s14], $0x2000  }
0x6e: {  	s28 =	smov.u32 s13;
	s29 =	smov.u32 s10;
	[sflag:s14] =	ssyncset.done $0x0  }
.LBB2_8:
0x6f: {  	[sflag:s14] =	ssyncadd.s32 $0xFFFFE000;
	s28 =	sadd.s32 $0x400, s28;
	s29 =	sadd.s32 $0x2000, s29  }
0x70: {  	[tilespmem:s24], [sflag:$0x3] =	stream.linear.gather [spmem:s29], $0x2000, $0x38;
	[tilespmem:$0x1FE80] =	vst v63  }
0x71: {  	p1 =	sne.s32 s26, $0x1;
	s26 =	sadd.s32 $0xFFFFFFFF, s26;
	_ =	swait.ge [sflag:s14], $0x2000  }
.Ltmp5:
0x72: {  	[sflag:s14] =	ssyncset.done $0x0;
	(pc) =	sbr.rel @p1 .LBB2_8-.Ltmp5, $4  }
0x73: {  	[sflag:s14] =	ssyncadd.s32 $0xFFFFE000  }
0x74: {  	[hbm4b:s28+s3] =	stream.linear.scatter [tilespmem:s24], [sflag:$0x3], $0x2000, $0x38;
	[tilespmem:$0x1FE80] =	vst v63  }
0x75: {  	_ =	swait.ge [sflag:s14], $0x2000  }
0x76: {  	[sflag:s14] =	ssyncset.done $0x0  }
.LBB2_9:
.Ltmp6:
0x77: {  	[sflag:s14] =	ssyncadd.s32 $0xFFFFE000;
	(pc) =	sbr.rel @!p0 .LBB2_11-.Ltmp6, $4  }
0x78: {  	[bflag:$0x0] =	sbarrier.arrive $0xFFFF  }
0x79: {  	[spmem:s10] =	stream.linear.scatter [tilespmem:s16], [sflag:$0x3], $0x2000, $0x38;
	[tilespmem:$0x1FE80] =	vst v63  }
0x7a: {  	_ =	swait.ge [sflag:s14], $0x2000  }
0x7b: {  	s26 =	sadd.s32 $0xFFFFFFFF, s8;
	s28 =	smov.u32 s10;
	[sflag:s14] =	ssyncset.done $0x0  }
.LBB2_10:
0x7c: {  	p1 =	sne.s32 s26, $0x1;
	[sflag:s14] =	ssyncadd.s32 $0xFFFFE000;
	s28 =	sadd.s32 $0x2000, s28  }
.Ltmp7:
0x7d: {  	s26 =	sadd.s32 $0xFFFFFFFF, s26;
	(pc) =	sbr.rel @p1 .LBB2_10-.Ltmp7, $4  }
0x7e: {  	_ = 	snop  }
0x7f: {  	[spmem:s28] =	stream.linear.scatter [tilespmem:s16], [sflag:$0x3], $0x2000, $0x38;
	[tilespmem:$0x1FE80] =	vst v63  }
0x80: {  	_ =	swait.ge [sflag:s14], $0x2000  }
0x81: {  	[sflag:s14] =	ssyncset.done $0x0  }
.LBB2_11:
0x82: {  	[sflag:s14] =	ssyncadd.s32 $0xFFFFE000  }
0x83: {  	s26 =	simm.s32 $0x0;
	[bflag:$0x0] =	sbarrier.arrive $0xFFFF  }
0x84: {  	[tilespmem:s18], [sflag:$0x1] =	stream.indirect.gather [hbm4b:s5+s17], $0x80, s26, s17, $0xb8;
	[tilespmem:$0x1FE80] =	vst v63  }
0x85: {  	_ = 	snop  }
0x86: {  	[tilespmem:s19], [sflag:$0x2] =	stream.indirect.gather [hbm4b:s5+s17], $0x80, s17, s17, $0xb8;
	[tilespmem:$0x1FE80] =	vst v63  }
0x87: {  	_ =	swait.ge [sflag:s20], $0x4000  }
0x88: {  	[sflag:s20] =	ssyncset.done $0x0  }
0x89: {  	s29 =	simm.s32 $0x5000;
	[sflag:s20] =	ssyncadd.s32 $0xFFFFC000  }
0x8a: {  	[spmem:s2] =	stream.indirect.scatter.add.f32 [tilespmem:s18], [sflag:$0x3], $0x80, s29, s17, $0xb8;
	[tilespmem:$0x1FE80] =	vst v63  }
0x8b: {  	_ =	swait.ge [sflag:s14], $0x4000  }
0x8c: {  	[sflag:s14] =	ssyncset.done $0x0  }
0x8d: {  	s30 =	simm.s32 $0x100;
	[sflag:s14] =	ssyncadd.s32 $0xFFFFC000  }
0x8e: {  	[tilespmem:s18], [sflag:$0x1] =	stream.indirect.gather [hbm4b:s5+s17], $0x80, s30, s17, $0xb8;
	[tilespmem:$0x1FE80] =	vst v63  }
0x8f: {  	_ =	swait.ge [sflag:s21], $0x4000  }
0x90: {  	[sflag:s21] =	ssyncset.done $0x0  }
0x91: {  	s31 =	simm.s32 $0x5080;
	[sflag:s21] =	ssyncadd.s32 $0xFFFFC000  }
0x92: {  	[spmem:s2] =	stream.indirect.scatter.add.f32 [tilespmem:s19], [sflag:$0x3], $0x80, s31, s17, $0xb8;
	[tilespmem:$0x1FE80] =	vst v63  }
0x93: {  	_ =	swait.ge [sflag:s14], $0x4000  }
0x94: {  	[sflag:s14] =	ssyncset.done $0x0  }
0x95: {  	s28 =	simm.s32 $0x180;
	s26 =	simm.s32 $0x400;
	[sflag:s14] =	ssyncadd.s32 $0xFFFFC000  }
.LBB2_12:
0x96: {  	[tilespmem:s19], [sflag:$0x2] =	stream.indirect.gather [hbm4b:s5+s17], $0x80, s28, s17, $0xb8;
	[tilespmem:$0x1FE80] =	vst v63  }
0x97: {  	s28 =	smov.u32 s26  }
0x98: {  	p1 =	sne.s32 s26, $0x13800;
	s26 =	sadd.s32 $0x400, s26;
	_ =	swait.ge [sflag:s20], $0x4000  }
0x99: {  	s28 =	sshra.s32 s28, $0x2;
	[sflag:s20] =	ssyncset.done $0x0  }
0x9a: {  	s29 =	sadd.s32 $0x5000, s28;
	[sflag:s20] =	ssyncadd.s32 $0xFFFFC000  }
0x9b: {  	[spmem:s2] =	stream.indirect.scatter.add.f32 [tilespmem:s18], [sflag:$0x3], $0x80, s29, s17, $0xb8;
	[tilespmem:$0x1FE80] =	vst v63  }
0x9c: {  	_ =	swait.ge [sflag:s14], $0x4000  }
0x9d: {  	[sflag:s14] =	ssyncset.done $0x0  }
0x9e: {  	s29 =	sadd.s32 $0x100, s28;
	[sflag:s14] =	ssyncadd.s32 $0xFFFFC000  }
0x9f: {  	[tilespmem:s18], [sflag:$0x1] =	stream.indirect.gather [hbm4b:s5+s17], $0x80, s29, s17, $0xb8;
	[tilespmem:$0x1FE80] =	vst v63  }
0xa0: {  	_ =	swait.ge [sflag:s21], $0x4000  }
0xa1: {  	[sflag:s21] =	ssyncset.done $0x0  }
.Ltmp8:
0xa2: {  	s29 =	sadd.s32 $0x5080, s28;
	[sflag:s21] =	ssyncadd.s32 $0xFFFFC000;
	(pc) =	sbr.rel @p1 .LBB2_12-.Ltmp8, $4  }
0xa3: {  	[spmem:s2] =	stream.indirect.scatter.add.f32 [tilespmem:s19], [sflag:$0x3], $0x80, s29, s17, $0xb8;
	[tilespmem:$0x1FE80] =	vst v63  }
0xa4: {  	_ =	swait.ge [sflag:s14], $0x4000  }
0xa5: {  	[sflag:s14] =	ssyncset.done $0x0  }
0xa6: {  	s28 =	sadd.s32 $0x180, s28;
	[sflag:s14] =	ssyncadd.s32 $0xFFFFC000  }
0xa7: {  	[tilespmem:s19], [sflag:$0x2] =	stream.indirect.gather [hbm4b:s5+s17], $0x80, s28, s17, $0xb8;
	[tilespmem:$0x1FE80] =	vst v63  }
0xa8: {  	_ =	swait.ge [sflag:s20], $0x4000  }
0xa9: {  	[sflag:s20] =	ssyncset.done $0x0  }
0xaa: {  	[sflag:s20] =	ssyncadd.s32 $0xFFFFC000  }
0xab: {  	[spmem:s2] =	stream.indirect.scatter.add.f32 [tilespmem:s18], [sflag:$0x3], $0x80, s22, s17, $0xb8;
	[tilespmem:$0x1FE80] =	vst v63  }
0xac: {  	_ =	swait.ge [sflag:s14], $0x4000  }
0xad: {  	[sflag:s14] =	ssyncset.done $0x0  }
0xae: {  	[sflag:s14] =	ssyncadd.s32 $0xFFFFC000  }
0xaf: {  	_ =	swait.ge [sflag:s21], $0x4000  }
0xb0: {  	[sflag:s21] =	ssyncset.done $0x0  }
0xb1: {  	[sflag:s21] =	ssyncadd.s32 $0xFFFFC000  }
0xb2: {  	[spmem:s2] =	stream.indirect.scatter.add.f32 [tilespmem:s19], [sflag:$0x3], $0x80, s23, s17, $0xb8;
	[tilespmem:$0x1FE80] =	vst v63  }
0xb3: {  	_ =	swait.ge [sflag:s14], $0x4000  }
0xb4: {  	[sflag:s14] =	ssyncset.done $0x0  }
0xb5: {  	[sflag:s14] =	ssyncadd.s32 $0xFFFFC000  }
0xb6: {  	[bflag:$0x0] =	sbarrier.arrive $0xFFFF  }
0xb7: {  	[tilespmem:s24], [sflag:$0x3] =	stream.linear.gather [spmem:s10], $0x2000, $0x38;
	[tilespmem:$0x1FE80] =	vst v63  }
0xb8: {  	_ =	swait.ge [sflag:s14], $0x2000  }
.Ltmp9:
0xb9: {  	[sflag:s14] =	ssyncset.done $0x0;
	(pc) =	sbr.rel @!p0 .LBB2_15-.Ltmp9, $4  }
0xba: {  	s26 =	sadd.s32 s6, s11;
	[sflag:s14] =	ssyncadd.s32 $0xFFFFE000  }
0xbb: {  	[hbm4b:s26+s3] =	stream.linear.scatter [tilespmem:s24], [sflag:$0x3], $0x2000, $0x38;
	[tilespmem:$0x1FE80] =	vst v63  }
0xbc: {  	s28 =	smov.u32 s6;
	_ =	swait.ge [sflag:s14], $0x2000  }
0xbd: {  	s29 =	smov.u32 s10;
	s26 =	sadd.s32 $0xFFFFFFFF, s8;
	[sflag:s14] =	ssyncset.done $0x0  }
.LBB2_14:
0xbe: {  	[sflag:s14] =	ssyncadd.s32 $0xFFFFE000;
	s28 =	sadd.s32 $0x400, s28;
	s29 =	sadd.s32 $0x2000, s29  }
0xbf: {  	[tilespmem:s24], [sflag:$0x3] =	stream.linear.gather [spmem:s29], $0x2000, $0x38;
	[tilespmem:$0x1FE80] =	vst v63  }
0xc0: {  	p0 =	sne.s32 s26, $0x1;
	s26 =	sadd.s32 $0xFFFFFFFF, s26;
	_ =	swait.ge [sflag:s14], $0x2000  }
.Ltmp10:
0xc1: {  	[sflag:s14] =	ssyncset.done $0x0;
	(pc) =	sbr.rel @p0 .LBB2_14-.Ltmp10, $4  }
0xc2: {  	s30 =	sadd.s32 s28, s11;
	[sflag:s14] =	ssyncadd.s32 $0xFFFFE000  }
0xc3: {  	[hbm4b:s30+s3] =	stream.linear.scatter [tilespmem:s24], [sflag:$0x3], $0x2000, $0x38;
	[tilespmem:$0x1FE80] =	vst v63  }
0xc4: {  	_ =	swait.ge [sflag:s14], $0x2000  }
0xc5: {  	[sflag:s14] =	ssyncset.done $0x0  }
.LBB2_15:
0xc6: {  	s25 =	sadd.s32 $0x1, s25  }
0xc7: {  	p0 =	sne.s32 s25, s12  }
.Ltmp11:
0xc8: {  	_ = 	snop;
	(pc) =	sbr.rel @p0 .LBB2_1-.Ltmp11, $3  }
0xc9: {  	_ = 	snop  }
0xca: {  	[sflag:s14] =	ssyncadd.s32 $0xFFFFE000  }
0xcb: {  	[bflag:$0x0] =	sbarrier.arrive $0xFFFF;
	_ =	sdelay $0x1  }
0xcc: {  	_ =	sfence.sel $0x180000  }
0xcd: {  	[bflag:$0x0] =	sbarrier.arrive $0xFFFF  }
0xce: {  	p0 =	sne.s32 s0, $0x0;
	_ =	strace $0x9000004D  }
0xcf: {  	s0 =	sadd.s32 @!p0 $0x100000, s1;
	[bflag:$0x2] =	sbarrier.arrive $0xFFFF  }
0xd0: {  	[sflag:s0] =	ssyncadd.tile.s32 @!p0 $0x1;
	_ =	shalt  }
.Lfunc_end2:
_tile_overlayer_lowered:
.L_overlay_start_2:
0xd1: {  	(tag) =	ssettag $0x2  }
0xd2: {  	s0 =	rddreg [dreg:$0x0];
	s2 =	stileid.u32  }
0xd3: {  	s1 =	rddreg [dreg:$0x1];
	p0 =	sne.s32 s2, $0x0  }
0xd4: {  	s3 =	rddreg [dreg:$0x2];
	[bflag:$0x3] =	sbarrier.arrive $0xFFFF;
	s2 =	simm.s32 @!p0 $0x1C03  }
0xd5: {  	[timem:s3], [sflag:s2] =	dma.local @!p0 [hbm:s0], s1  }
0xd6: {  	s0 =	simm.s32 @!p0 $0x3  }
0xd7: {  	_ =	swait.ge @!p0 [sflag:s0], s1  }
0xd8: {  	s1 =	ssub.s32 @!p0 $0x0, s1;
	[sflag:s0] =	ssyncset.done @!p0 $0x0  }
0xd9: {  	[sflag:s0] =	ssyncadd.s32 @!p0 s1  }
0xda: {  	[bflag:$0x3] =	sbarrier.arrive $0xFFFF  }
0xdb: {  	_ =	shalt  }

// kernel: kernel.19.cloned.1.call-start
scs
__scs_entry_jumppad:
0x0: {  	(pc) =	sbr.rel $0x88, $3  }
0x1: {  	(tag) =	ssettag $0x0;
	lr =	simm.s32 $0x1  }
0x2: {  	[smem:$0x3F99] =	sst lr;
	_ =	strace $0xD0000000  }
0x3: {  	_ = 	snop  }
0x4: {  	_ = 	snop  }
0x5: {  	_ = 	snop  }
0x6: {  	_ = 	snop  }
0x7: {  	_ = 	snop  }
__scs_overlays_trampoline_lowered:
0x8: {  	[smem:$0x3FA8] =	sst s0  }
0x9: {  	[smem:$0x3FA9] =	sst s1  }
0xa: {  	[smem:$0x3FAA] =	sst s2  }
0xb: {  	[smem:$0x3FAB] =	sst s3  }
0xc: {  	[smem:$0x3FAC] =	sst s4  }
0xd: {  	[smem:$0x3FAD] =	sst s5  }
0xe: {  	[smem:$0x3FAE] =	sst s6  }
0xf: {  	[smem:$0x3FAF] =	sst s7  }
0x10: {  	[smem:$0x3FB0] =	sst s8  }
0x11: {  	[smem:$0x3FB1] =	sst s9;
	s0 =	simm.s32 @!p0 $0x0  }
0x12: {  	s1 =	sld [smem:$0x3F97];
	s0 =	simm.s32 @p0 $0x1  }
0x13: {  	[smem:$0x3FB2] =	sst s0;
	s0 =	simm.s32 @!p1 $0x0  }
0x14: {  	s2 =	sld [smem:$0x3F96];
	s0 =	simm.s32 @p1 $0x1  }
0x15: {  	[smem:$0x3FB3] =	sst s0;
	s0 =	simm.s32 @!p2 $0x0  }
0x16: {  	s3 =	sld [smem:$0x3FDB];
	s0 =	simm.s32 @p2 $0x1  }
0x17: {  	s4 =	simm.s32 $0x1BF5;
	[smem:$0x3FB5] =	sst s0  }
0x18: {  	s0 =	sld [smem:$0x3F98];
	_ =	swait.ge [sflag:s4], $0x0  }
0x19: {  	s7 =	sld [smem:$0x3F99]  }
0x1a: {  	s8 =	sadd.s32 $0xFFFFE003, lr  }
0x1b: {  	s9 =	sadd.s32 $0xFFFFFEF7, lr;
	s5 =	simm.s32 $0xFFFFFFFF;
	p2 =	slt.u32 s8, $0xFFFFF086  }
0x1c: {  	p1 =	slt.u32 s9, $0xF7A;
	s5 =	simm.s32 @!p2 $0x0  }
0x1d: {  	s5 =	simm.s32 @p1 $0x1;
	p0 =	seq.s32 s7, s2  }
0x1e: {  	s7 =	smul.u32 @!p0 $0xF7A, s2;
	p2 =	seq.s32 @!p0 s5, $0x0  }
0x1f: {  	s9 =	smul.u32 $0xF7A, s1;
	s8 =	simm.s32 @!p0 $0x1BF5;
	p2 =	por !p2, p0  }
0x20: {  	[sflag:s8] =	ssyncset.s32 @!p0 $0xFFFFF086;
	s6 =	sadd.s32 @!p0 s3, s7;
	s7 =	simm.s32 @!p0 $0x108  }
0x21: {  	s3 =	sadd.s32 s3, s9;
	s6 =	sadd.s32 @!p0 $0x88, s6;
	s7 =	simm.s32 @p2 $0x1082  }
0x22: {  	[simem:s7], [sflag:s8] =	dma.local @!p0 [hbm:s6], $0xF7A  }
0x23: {  	s9 =	sor.u32 $0xD0000000, s2;
	s6 =	simm.s32 $0x108;
	_ =	swait.ge @!p0 [sflag:s8], $0x0  }
0x24: {  	s3 =	sadd.s32 $0x88, s3;
	s6 =	simm.s32 @!p1 $0x1082;
	[sflag:s4] =	ssyncset.s32 $0xFFFFF086  }
0x25: {  	[simem:s6], [sflag:s4] =	dma.local [hbm:s3], $0xF7A  }
0x26: {  	[smem:$0x3F99] =	sst s1;
	(tag) =	ssettag s2;
	_ =	strace s9  }
0x27: {  	s1 =	sld [smem:$0x3FA9]  }
0x28: {  	s2 =	sld [smem:$0x3FAA]  }
0x29: {  	s4 =	sld [smem:$0x3FAC]  }
0x2a: {  	p0 =	seq.s32 s5, $0x0;
	s5 =	sld [smem:$0x3FAD]  }
0x2b: {  	s6 =	sld [smem:$0x3FAE]  }
0x2c: {  	s7 =	sld [smem:$0x3FAF]  }
0x2d: {  	s3 =	simm.s32 $0x108;
	s8 =	sld [smem:$0x3FB0]  }
0x2e: {  	s3 =	simm.s32 @!p0 $0x1082;
	s9 =	sld [smem:$0x3FB1]  }
0x2f: {  	lr =	sadd.s32 s0, s3;
	s0 =	sld [smem:$0x3FA8]  }
0x30: {  	s3 =	sld [smem:$0x3FAB]  }
0x31: {  	[smem:$0x3FB4] =	sst s10  }
0x32: {  	s10 =	sld [smem:$0x3FB2];
	_ =	sdelay $0x3  }
0x33: {  	p0 =	seq.s32 s10, $0x1;
	s10 =	sld [smem:$0x3FB4];
	_ =	sdelay $0x3  }
0x34: {  	[smem:$0x3FB4] =	sst s10  }
0x35: {  	s10 =	sld [smem:$0x3FB3];
	_ =	sdelay $0x3  }
0x36: {  	p1 =	seq.s32 s10, $0x1;
	s10 =	sld [smem:$0x3FB4];
	_ =	sdelay $0x3  }
0x37: {  	[smem:$0x3FB4] =	sst s10  }
0x38: {  	s10 =	sld [smem:$0x3FB5]  }
0x39: {  	_ = 	snop;
	(pc) =	sbr.ind lr, $3  }
0x3a: {  	_ = 	snop  }
0x3b: {  	_ = 	snop  }
0x3c: {  	p2 =	seq.s32 s10, $0x1;
	s10 =	sld [smem:$0x3FB4]  }
0x3d: {  	_ =	shalt  }
0x3e: {  	_ =	shalt  }
0x3f: {  	_ =	shalt  }
0x40: {  	_ =	shalt  }
0x41: {  	_ =	shalt  }
0x42: {  	_ =	shalt  }
0x43: {  	_ =	shalt  }
0x44: {  	_ =	shalt  }
0x45: {  	_ =	shalt  }
0x46: {  	_ =	shalt  }
0x47: {  	_ =	shalt  }
0x48: {  	_ =	shalt  }
0x49: {  	_ =	shalt  }
0x4a: {  	_ =	shalt  }
0x4b: {  	_ =	shalt  }
0x4c: {  	_ =	shalt  }
0x4d: {  	_ =	shalt  }
0x4e: {  	_ =	shalt  }
0x4f: {  	_ =	shalt  }
0x50: {  	_ =	shalt  }
0x51: {  	_ =	shalt  }
0x52: {  	_ =	shalt  }
0x53: {  	_ =	shalt  }
0x54: {  	_ =	shalt  }
0x55: {  	_ =	shalt  }
0x56: {  	_ =	shalt  }
0x57: {  	_ =	shalt  }
0x58: {  	_ =	shalt  }
0x59: {  	_ =	shalt  }
0x5a: {  	_ =	shalt  }
0x5b: {  	_ =	shalt  }
0x5c: {  	_ =	shalt  }
0x5d: {  	_ =	shalt  }
0x5e: {  	_ =	shalt  }
0x5f: {  	_ =	shalt  }
0x60: {  	_ =	shalt  }
0x61: {  	_ =	shalt  }
0x62: {  	_ =	shalt  }
0x63: {  	_ =	shalt  }
0x64: {  	_ =	shalt  }
0x65: {  	_ =	shalt  }
0x66: {  	_ =	shalt  }
0x67: {  	_ =	shalt  }
0x68: {  	_ =	shalt  }
0x69: {  	_ =	shalt  }
0x6a: {  	_ =	shalt  }
0x6b: {  	_ =	shalt  }
0x6c: {  	_ =	shalt  }
0x6d: {  	_ =	shalt  }
0x6e: {  	_ =	shalt  }
0x6f: {  	_ =	shalt  }
0x70: {  	_ =	shalt  }
0x71: {  	_ =	shalt  }
0x72: {  	_ =	shalt  }
0x73: {  	_ =	shalt  }
0x74: {  	_ =	shalt  }
0x75: {  	_ =	shalt  }
0x76: {  	_ =	shalt  }
0x77: {  	_ =	shalt  }
0x78: {  	_ =	shalt  }
0x79: {  	_ =	shalt  }
0x7a: {  	_ =	shalt  }
0x7b: {  	_ =	shalt  }
0x7c: {  	_ =	shalt  }
0x7d: {  	_ =	shalt  }
0x7e: {  	_ =	shalt  }
0x7f: {  	_ =	shalt  }
0x80: {  	_ =	shalt  }
0x81: {  	_ =	shalt  }
0x82: {  	_ =	shalt  }
0x83: {  	_ =	shalt  }
0x84: {  	_ =	shalt  }
0x85: {  	_ =	shalt  }
0x86: {  	_ =	shalt  }
0x87: {  	_ =	shalt  }
.Lfunc_end0:
.L_simem_size_0:
called_computation.3_lowered:
.L_overlay_start_0:
0x88: {  	s2 =	sld [smem:$0x3FD9]  }
0x89: {  	s3 =	sld [smem:$0x3FFE];
	_ =	sdelay $0x1  }
0x8a: {  	s1 =	srdreg.scid  }
0x8b: {  	s0 =	sand.u32 $0x1, s1  }
0x8c: {  	s17 =	sshll.u32 s0, $0xA;
	s2 =	sadd.s32 s3, s2  }
0x8d: {  	s2 =	sadd.s32 s2, s17  }
0x8e: {  	[smem:$0x3FC0] =	sst s2  }
0x8f: {  	_ = 	snop  }
0x90: {  	s2 =	sld [smem:$0x3FD0];
	(tm) =	ssettm $0x1  }
0x91: {  	s18 =	sld [smem:$0x3FFB];
	_ =	sdelay $0x3  }
0x92: {  	_ =	strace s18  }
0x93: {  	s3 =	sld [smem:$0x3FFC];
	_ =	sdelay $0x3  }
0x94: {  	_ =	strace s3  }
0x95: {  	s3 =	sld [smem:$0x3FFD];
	_ =	sdelay $0x3  }
0x96: {  	_ =	strace s3  }
0x97: {  	_ =	strace $0x8FFFFFFF  }
0x98: {  	s19 =	sld [smem:$0x3FDB];
	_ =	sdelay $0x1  }
0x99: {  	s4 =	simm.s32 $_scs_section_size  }
0x9a: {  	s5 =	simm.s32 $_size__tile_overlayer_lowered;
	s6 =	simm.s32 $_tile_overlayer_lowered  }
0x9b: {  	s22 =	simm.s32 $0x1BFF;
	s21 =	sshll.u32 s6, $0x1;
	s3 =	sadd.s32 s4, s19  }
0x9c: {  	s7 =	simm.s32 $0x0;
	s20 =	sshll.u32 s5, $0x1;
	s5 =	sadd.s32 s21, s3  }
0x9d: {  	[timem:s7], [sflag:s22] =	dma.local [hbm:s5], s20  }
0x9e: {  	_ =	swait.ge [sflag:s22], s20  }
0x9f: {  	s4 =	ssub.s32 $0x0, s20;
	[sflag:s22] =	ssyncset.done $0x0  }
0xa0: {  	[sflag:s22] =	ssyncadd.s32 s4;
	_ =	sdelay $0x1  }
0xa1: {  	s23 =	simm.s32 $0x1B8B  }
0xa2: {  	_ =	swait.ge [sflag:s23], $0x1  }
0xa3: {  	[sflag:s23] =	ssyncset.done $0x0  }
0xa4: {  	s25 =	simm.s32 $0x1B8E;
	s24 =	sld [smem:$0x3FFE];
	[sflag:s23] =	ssyncadd.s32 $0xFFFFFFFF  }
0xa5: {  	s26 =	simm.s32 $execute0_lowered;
	[smem:$0x3FD2] =	sst s25  }
0xa6: {  	s5 =	sshll.u32 s26, $0x1;
	_ =	strace $0x8000004F;
	[dreg:$0x1] =	wrdreg $0xFFFFFFFF  }
0xa7: {  	s28 =	simm.s32 $_size_execute0_lowered;
	s3 =	sadd.s32 s3, s5;
	[dreg:$0x0] =	wrdreg $0x0  }
0xa8: {  	s5 =	sshll.u32 s28, $0x1;
	[dreg:$0x2] =	wrdreg s3  }
0xa9: {  	[dreg:$0x3] =	wrdreg s5  }
0xaa: {  	[dreg:$0x4] =	wrdreg $0xC0  }
0xab: {  	_ =	task [dreg:s7], $0x5FFFF  }
0xac: {  	[dreg:$0x1] =	wrdreg $0xFFFFFFFF  }
0xad: {  	[dreg:$0x0] =	wrdreg $0x60  }
0xae: {  	[dreg:$0x2] =	wrdreg s24  }
0xaf: {  	[dreg:$0x3] =	wrdreg s2  }
0xb0: {  	[dreg:$0x4] =	wrdreg $0x160000  }
0xb1: {  	[dreg:$0x5] =	wrdreg $0x9  }
0xb2: {  	_ =	task.clear_ibuf [dreg:s7], $0x6FFFF;
	_ =	strace $0x9000004F  }
0xb3: {  	s29 =	simm.s32 $0x9;
	_ =	strace $0x80000051  }
0xb4: {  	_ =	swait.ge [sflag:s29], $0x1  }
0xb5: {  	[sflag:s29] =	ssyncadd.s32 $0xFFFFFFFF  }
0xb6: {  	_ =	strace $0x90000051  }
0xb7: {  	_ =	sfence  }
0xb8: {  	s30 =	sld [smem:$0x0];
	_ =	sdelay $0x2  }
0xb9: {  	s31 =	sshll.u32 s1, $0xD;
	s1 =	sshrl.u32 s1, $0x2  }
0xba: {  	s3 =	sand.u32 $0x4000, s31;
	s1 =	sadd.s32 s1, s30  }
0xbb: {  	s0 =	sor.u32 s3, s0;
	s1 =	sshll.u32 s1, $0x11  }
0xbc: {  	s0 =	sor.u32 s1, s0  }
0xbd: {  	s0 =	sadd.s32 $0x8F2B, s0  }
0xbe: {  	[sflag:s0] =	ssyncadd.remote.s32 $0x1  }
0xbf: {  	_ =	sfence.sel $0xFFFF  }
0xc0: {  	[dreg:$0x0] =	wrdreg $0xFFFFFFFF;
	(pc) =	sbr.abs _section_cstart, $3  }
0xc1: {  	[dreg:$0x1] =	wrdreg $0xFFFFFFFF  }
0xc2: {  	_ =	task.clear_ibuf [dreg:s7], $0x2FFFF;
	_ =	strace $0x9FFFFFFF  }
0xc3: {  	(tm) =	ssettm $0x7FFFFFFF  }
tec
execute0_lowered:
.L_overlay_start_1:
0x0: {  	(tag) =	ssettag $0x1  }
0x1: {  	s5 =	rddreg [dreg:$0x0];
	s1 =	srdreg.scid  }
0x2: {  	s0 =	stileid.u32;
	s6 =	rddreg [dreg:$0x1]  }
0x3: {  	s2 =	rddreg [dreg:$0x2];
	s3 =	simm.s32 $0x0;
	s13 =	simm.s32 $0x12000  }
0x4: {  	s14 =	simm.s32 $0x80;
	s15 =	simm.s32 $0xA000;
	s16 =	simm.s32 $0xE000  }
0x5: {  	s17 =	simm.s32 $0x1;
	s18 =	simm.s32 $0x2;
	s19 =	simm.s32 $0x9F00  }
0x6: {  	s20 =	simm.s32 $0x9F80;
	s21 =	simm.s32 $0x14000;
	s8 =	smul.u32 $0x5000, s0  }
0x7: {  	s7 =	sand.u32 $0x1, s1;
	s1 =	rddreg [dreg:$0x3];
	s11 =	smul.u32 $0x28000, s0  }
0x8: {  	s22 =	simm.s32 $0x0;
	[smem:$0x7FF] =	sst s3;
	s30 =	smul.u32 $0x1400, s0  }
0x9: {  	p0 =	seq.s32 s0, $0xF;
	s4 =	smul.u32 $0x50000, s7;
	s29 =	ssub.s32 $0x2, s7  }
0xa: {  	s10 =	smul.u32 $0x13C00, s7;
	_ =	strace $0x80000050;
	s7 =	sshrl.u32 s29, $0x1  }
0xb: {  	s31 =	sshrl.u32 s11, $0x2;
	s11 =	simm.s32 $0x3;
	s9 =	sadd.s32 s8, s4  }
0xc: {  	s4 =	sadd.s32 $0x17A00, s5;
	s10 =	sadd.s32 s10, s5;
	s8 =	sshrl.u32 s8, $0x3  }
0xd: {  	s12 =	ssub.s32 s29, s7;
	s7 =	simm.s32 $0x4;
	s9 =	sshrl.u32 s9, $0x3  }
0xe: {  	s7 =	simm.s32 @!p0 $0x5;
	s10 =	sadd.s32 s30, s10;
	s9 =	sadd.s32 s9, s5  }
0xf: {  	s5 =	sadd.s32 s6, s8;
	s8 =	sadd.s32 s31, s2;
	s10 =	sadd.s32 $0x3F200, s10  }
0x10: {  	v0 =	vimm.f32 $0.0e+00;
	s6 =	sadd.s32 $0x3A00, s9;
	s9 =	smax.u32 s12, $0x1;
	s12 =	simm.s32 $0x5000  }
.LBB2_1:
0x11: {  	[tilespmem:s3], [sflag:$0x3] =	stream.linear.gather [hbm4b:s5+s3], $0x5000, $0x38;
	[tilespmem:$0x1FE80] =	vst v63  }
0x12: {  	_ =	swait.ge [sflag:s11], $0x5000  }
0x13: {  	[sflag:s11] =	ssyncset.done $0x0  }
0x14: {  	[sflag:s11] =	ssyncadd.s32 $0xFFFFB000  }
0x15: {  	[tilespmem:s12], [sflag:$0x3] =	stream.linear.gather [hbm4b:s6+s3], $0x5000, $0x38;
	[tilespmem:$0x1FE80] =	vst v63  }
0x16: {  	_ =	swait.ge [sflag:s11], $0x5000  }
0x17: {  	[sflag:s11] =	ssyncset.done $0x0  }
0x18: {  	s23 =	simm.s32 $0x0;
	s24 =	simm.s32 $0x200;
	[sflag:s11] =	ssyncadd.s32 $0xFFFFB000  }
.LBB2_2:
0x19: {  	p0 =	sne.s32 s24, $0x7E00;
	[tilespmem:s23+$0x12070] =	vst v0  }
0x1a: {  	[tilespmem:s23+$0x12000] =	vst v0  }
0x1b: {  	[tilespmem:s23+$0x12010] =	vst v0  }
.Ltmp0:
0x1c: {  	[tilespmem:s23+$0x12020] =	vst v0;
	(pc) =	sbr.rel @p0 .LBB2_2-.Ltmp0, $4  }
0x1d: {  	[tilespmem:s23+$0x12030] =	vst v0  }
0x1e: {  	[tilespmem:s23+$0x12040] =	vst v0  }
0x1f: {  	[tilespmem:s23+$0x12050] =	vst v0  }
0x20: {  	[tilespmem:s23+$0x12060] =	vst v0;
	s23 =	sshra.s32 s24, $0x2;
	s24 =	sadd.s32 $0x200, s24  }
0x21: {  	[tilespmem:s23+$0x12070] =	vst v0  }
0x22: {  	[tilespmem:s23+$0x12000] =	vst v0  }
0x23: {  	[tilespmem:s23+$0x12010] =	vst v0  }
0x24: {  	[tilespmem:s23+$0x12020] =	vst v0  }
0x25: {  	[tilespmem:s23+$0x12030] =	vst v0  }
0x26: {  	[tilespmem:s23+$0x12040] =	vst v0;
	p0 =	sne.s32 s7, $0x1  }
.Ltmp1:
0x27: {  	[tilespmem:s23+$0x12050] =	vst v0;
	(pc) =	sbr.rel @!p0 .LBB2_5-.Ltmp1, $4  }
0x28: {  	[tilespmem:s23+$0x12060] =	vst v0  }
0x29: {  	[spmem:s8] =	stream.linear.scatter [tilespmem:s13], [sflag:$0x3], $0x2000, $0x38;
	[tilespmem:$0x1FE80] =	vst v63  }
0x2a: {  	_ =	swait.ge [sflag:s11], $0x2000  }
0x2b: {  	s23 =	sadd.s32 $0xFFFFFFFF, s7;
	s24 =	smov.u32 s8;
	[sflag:s11] =	ssyncset.done $0x0  }
.LBB2_4:
0x2c: {  	p1 =	sne.s32 s23, $0x1;
	[sflag:s11] =	ssyncadd.s32 $0xFFFFE000;
	s24 =	sadd.s32 $0x2000, s24  }
.Ltmp2:
0x2d: {  	s23 =	sadd.s32 $0xFFFFFFFF, s23;
	(pc) =	sbr.rel @p1 .LBB2_4-.Ltmp2, $4  }
0x2e: {  	_ = 	snop  }
0x2f: {  	[spmem:s24] =	stream.linear.scatter [tilespmem:s13], [sflag:$0x3], $0x2000, $0x38;
	[tilespmem:$0x1FE80] =	vst v63  }
0x30: {  	_ =	swait.ge [sflag:s11], $0x2000  }
0x31: {  	[sflag:s11] =	ssyncset.done $0x0  }
.LBB2_5:
0x32: {  	[sflag:s11] =	ssyncadd.s32 $0xFFFFE000  }
0x33: {  	s23 =	simm.s32 $0x0;
	[bflag:$0x0] =	sbarrier.arrive $0xFFFF  }
0x34: {  	[tilespmem:s15], [sflag:$0x1] =	stream.indirect.gather [hbm4b:s4+s14], $0x80, s23, s14, $0xb8;
	[tilespmem:$0x1FE80] =	vst v63  }
0x35: {  	_ = 	snop  }
0x36: {  	[tilespmem:s16], [sflag:$0x2] =	stream.indirect.gather [hbm4b:s4+s14], $0x80, s14, s14, $0xb8;
	[tilespmem:$0x1FE80] =	vst v63  }
0x37: {  	_ =	swait.ge [sflag:s17], $0x4000  }
0x38: {  	[sflag:s17] =	ssyncset.done $0x0  }
0x39: {  	s29 =	simm.s32 $0x5000;
	[sflag:s17] =	ssyncadd.s32 $0xFFFFC000  }
0x3a: {  	[spmem:s2] =	stream.indirect.scatter.add.f32 [tilespmem:s15], [sflag:$0x3], $0x80, s29, s14, $0xb8;
	[tilespmem:$0x1FE80] =	vst v63  }
0x3b: {  	_ =	swait.ge [sflag:s11], $0x4000  }
0x3c: {  	[sflag:s11] =	ssyncset.done $0x0  }
0x3d: {  	s30 =	simm.s32 $0x100;
	[sflag:s11] =	ssyncadd.s32 $0xFFFFC000  }
0x3e: {  	[tilespmem:s15], [sflag:$0x1] =	stream.indirect.gather [hbm4b:s4+s14], $0x80, s30, s14, $0xb8;
	[tilespmem:$0x1FE80] =	vst v63  }
0x3f: {  	_ =	swait.ge [sflag:s18], $0x4000  }
0x40: {  	[sflag:s18] =	ssyncset.done $0x0  }
0x41: {  	s31 =	simm.s32 $0x5080;
	[sflag:s18] =	ssyncadd.s32 $0xFFFFC000  }
0x42: {  	[spmem:s2] =	stream.indirect.scatter.add.f32 [tilespmem:s16], [sflag:$0x3], $0x80, s31, s14, $0xb8;
	[tilespmem:$0x1FE80] =	vst v63  }
0x43: {  	_ =	swait.ge [sflag:s11], $0x4000  }
0x44: {  	[sflag:s11] =	ssyncset.done $0x0  }
0x45: {  	s24 =	simm.s32 $0x180;
	s23 =	simm.s32 $0x400;
	[sflag:s11] =	ssyncadd.s32 $0xFFFFC000  }
.LBB2_6:
0x46: {  	[tilespmem:s16], [sflag:$0x2] =	stream.indirect.gather [hbm4b:s4+s14], $0x80, s24, s14, $0xb8;
	[tilespmem:$0x1FE80] =	vst v63  }
0x47: {  	s24 =	smov.u32 s23  }
0x48: {  	p1 =	sne.s32 s23, $0x13800;
	s23 =	sadd.s32 $0x400, s23;
	_ =	swait.ge [sflag:s17], $0x4000  }
0x49: {  	s24 =	sshra.s32 s24, $0x2;
	[sflag:s17] =	ssyncset.done $0x0  }
0x4a: {  	s25 =	sadd.s32 $0x5000, s24;
	[sflag:s17] =	ssyncadd.s32 $0xFFFFC000  }
0x4b: {  	[spmem:s2] =	stream.indirect.scatter.add.f32 [tilespmem:s15], [sflag:$0x3], $0x80, s25, s14, $0xb8;
	[tilespmem:$0x1FE80] =	vst v63  }
0x4c: {  	_ =	swait.ge [sflag:s11], $0x4000  }
0x4d: {  	[sflag:s11] =	ssyncset.done $0x0  }
0x4e: {  	s25 =	sadd.s32 $0x100, s24;
	[sflag:s11] =	ssyncadd.s32 $0xFFFFC000  }
0x4f: {  	[tilespmem:s15], [sflag:$0x1] =	stream.indirect.gather [hbm4b:s4+s14], $0x80, s25, s14, $0xb8;
	[tilespmem:$0x1FE80] =	vst v63  }
0x50: {  	_ =	swait.ge [sflag:s18], $0x4000  }
0x51: {  	[sflag:s18] =	ssyncset.done $0x0  }
.Ltmp3:
0x52: {  	s25 =	sadd.s32 $0x5080, s24;
	[sflag:s18] =	ssyncadd.s32 $0xFFFFC000;
	(pc) =	sbr.rel @p1 .LBB2_6-.Ltmp3, $4  }
0x53: {  	[spmem:s2] =	stream.indirect.scatter.add.f32 [tilespmem:s16], [sflag:$0x3], $0x80, s25, s14, $0xb8;
	[tilespmem:$0x1FE80] =	vst v63  }
0x54: {  	_ =	swait.ge [sflag:s11], $0x4000  }
0x55: {  	[sflag:s11] =	ssyncset.done $0x0  }
0x56: {  	s24 =	sadd.s32 $0x180, s24;
	[sflag:s11] =	ssyncadd.s32 $0xFFFFC000  }
0x57: {  	[tilespmem:s16], [sflag:$0x2] =	stream.indirect.gather [hbm4b:s4+s14], $0x80, s24, s14, $0xb8;
	[tilespmem:$0x1FE80] =	vst v63  }
0x58: {  	_ =	swait.ge [sflag:s17], $0x4000  }
0x59: {  	[sflag:s17] =	ssyncset.done $0x0  }
0x5a: {  	[sflag:s17] =	ssyncadd.s32 $0xFFFFC000  }
0x5b: {  	[spmem:s2] =	stream.indirect.scatter.add.f32 [tilespmem:s15], [sflag:$0x3], $0x80, s19, s14, $0xb8;
	[tilespmem:$0x1FE80] =	vst v63  }
0x5c: {  	_ =	swait.ge [sflag:s11], $0x4000  }
0x5d: {  	[sflag:s11] =	ssyncset.done $0x0  }
0x5e: {  	[sflag:s11] =	ssyncadd.s32 $0xFFFFC000  }
0x5f: {  	_ =	swait.ge [sflag:s18], $0x4000  }
0x60: {  	[sflag:s18] =	ssyncset.done $0x0  }
0x61: {  	[sflag:s18] =	ssyncadd.s32 $0xFFFFC000  }
0x62: {  	[spmem:s2] =	stream.indirect.scatter.add.f32 [tilespmem:s16], [sflag:$0x3], $0x80, s20, s14, $0xb8;
	[tilespmem:$0x1FE80] =	vst v63  }
0x63: {  	_ =	swait.ge [sflag:s11], $0x4000  }
0x64: {  	[sflag:s11] =	ssyncset.done $0x0  }
0x65: {  	[sflag:s11] =	ssyncadd.s32 $0xFFFFC000  }
0x66: {  	[bflag:$0x0] =	sbarrier.arrive $0xFFFF  }
0x67: {  	[tilespmem:s21], [sflag:$0x3] =	stream.linear.gather [spmem:s8], $0x2000, $0x38;
	[tilespmem:$0x1FE80] =	vst v63  }
0x68: {  	_ =	swait.ge [sflag:s11], $0x2000  }
.Ltmp4:
0x69: {  	[sflag:s11] =	ssyncset.done $0x0;
	(pc) =	sbr.rel @!p0 .LBB2_9-.Ltmp4, $4  }
0x6a: {  	[sflag:s11] =	ssyncadd.s32 $0xFFFFE000  }
0x6b: {  	[hbm4b:s10+s3] =	stream.linear.scatter [tilespmem:s21], [sflag:$0x3], $0x2000, $0x38;
	[tilespmem:$0x1FE80] =	vst v63  }
0x6c: {  	s23 =	sadd.s32 $0xFFFFFFFF, s7;
	_ =	swait.ge [sflag:s11], $0x2000  }
0x6d: {  	s24 =	smov.u32 s10;
	s25 =	smov.u32 s8;
	[sflag:s11] =	ssyncset.done $0x0  }
.LBB2_8:
0x6e: {  	[sflag:s11] =	ssyncadd.s32 $0xFFFFE000;
	s24 =	sadd.s32 $0x400, s24;
	s25 =	sadd.s32 $0x2000, s25  }
0x6f: {  	[tilespmem:s21], [sflag:$0x3] =	stream.linear.gather [spmem:s25], $0x2000, $0x38;
	[tilespmem:$0x1FE80] =	vst v63  }
0x70: {  	p0 =	sne.s32 s23, $0x1;
	s23 =	sadd.s32 $0xFFFFFFFF, s23;
	_ =	swait.ge [sflag:s11], $0x2000  }
.Ltmp5:
0x71: {  	[sflag:s11] =	ssyncset.done $0x0;
	(pc) =	sbr.rel @p0 .LBB2_8-.Ltmp5, $4  }
0x72: {  	[sflag:s11] =	ssyncadd.s32 $0xFFFFE000  }
0x73: {  	[hbm4b:s24+s3] =	stream.linear.scatter [tilespmem:s21], [sflag:$0x3], $0x2000, $0x38;
	[tilespmem:$0x1FE80] =	vst v63  }
0x74: {  	_ =	swait.ge [sflag:s11], $0x2000  }
0x75: {  	[sflag:s11] =	ssyncset.done $0x0  }
.LBB2_9:
0x76: {  	s22 =	sadd.s32 $0x1, s22  }
0x77: {  	p0 =	sne.s32 s22, s9  }
.Ltmp6:
0x78: {  	_ = 	snop;
	(pc) =	sbr.rel @p0 .LBB2_1-.Ltmp6, $3  }
0x79: {  	_ = 	snop  }
0x7a: {  	[sflag:s11] =	ssyncadd.s32 $0xFFFFE000  }
0x7b: {  	[bflag:$0x0] =	sbarrier.arrive $0xFFFF;
	_ =	sdelay $0x1  }
0x7c: {  	_ =	sfence.sel $0x180000  }
0x7d: {  	[bflag:$0x0] =	sbarrier.arrive $0xFFFF  }
0x7e: {  	p0 =	sne.s32 s0, $0x0;
	_ =	strace $0x90000050  }
0x7f: {  	s0 =	sadd.s32 @!p0 $0x100000, s1;
	[bflag:$0x2] =	sbarrier.arrive $0xFFFF  }
0x80: {  	[sflag:s0] =	ssyncadd.tile.s32 @!p0 $0x1;
	_ =	shalt  }
.Lfunc_end2:
_tile_overlayer_lowered:
.L_overlay_start_2:
0x81: {  	(tag) =	ssettag $0x2  }
0x82: {  	s0 =	rddreg [dreg:$0x0];
	s2 =	stileid.u32  }
0x83: {  	s1 =	rddreg [dreg:$0x1];
	p0 =	sne.s32 s2, $0x0  }
0x84: {  	s3 =	rddreg [dreg:$0x2];
	[bflag:$0x3] =	sbarrier.arrive $0xFFFF;
	s2 =	simm.s32 @!p0 $0x1C03  }
0x85: {  	[timem:s3], [sflag:s2] =	dma.local @!p0 [hbm:s0], s1  }
0x86: {  	s0 =	simm.s32 @!p0 $0x3  }
0x87: {  	_ =	swait.ge @!p0 [sflag:s0], s1  }
0x88: {  	s1 =	ssub.s32 @!p0 $0x0, s1;
	[sflag:s0] =	ssyncset.done @!p0 $0x0  }
0x89: {  	[sflag:s0] =	ssyncadd.s32 @!p0 s1  }
0x8a: {  	[bflag:$0x3] =	sbarrier.arrive $0xFFFF  }
0x8b: {  	_ =	shalt  }

</sc_bundles>
